<compile_context>
chip_gen: v7x
topology: tpu7x:2x2x1
jax: 0.10.2.dev20260603
libtpu: 0.0.44.dev20260713+nightly
codegen_flags: <defaults>
</compile_context>

<pallas_src>
import functools

import jax
import jax.numpy as jnp
from jax import lax
from jax.experimental import pallas as pl
from jax.experimental.pallas import tpu as pltpu
from jax.experimental.pallas import tpu_sc as plsc

N_NODES = 10000
N_EDGES = 320000
IN_DIM = 128
H1 = 256
H2 = 64

BN = 1000

NC = 2
NS = 16
NW = NC * NS
CK = 64
NCHUNK = 160
E_PAD = NW * NCHUNK * CK
N_PAD = 10112
RPS = N_PAD // NS

_SC_MESH = plsc.VectorSubcoreMesh(core_axis_name="c", subcore_axis_name="s")


NB_D = 80
CK_D = 128
DN_PAD = 10240
RPS_D = DN_PAD // NS


@functools.partial(
    pl.kernel,
    out_type=jax.ShapeDtypeStruct((NC * DN_PAD,), jnp.float32),
    mesh=_SC_MESH,
    scratch_types=[
        pltpu.VMEM((2, 1, CK_D), jnp.int32),
        pltpu.VMEM((2, 1, CK_D), jnp.float32),
        pltpu.VMEM((640,), jnp.float32),
        pltpu.VMEM_SHARED((DN_PAD,), jnp.float32),
        pltpu.SemaphoreType.DMA,
    ],
)
def _sc_deg(dst_hbm, ew_hbm, out_hbm,
            dst_v, ew_v, zbuf, deg_sh, lsem):
    c = lax.axis_index("c")
    s = lax.axis_index("s")
    wid = s * NC + c

    def zrow(i, carry):
        zbuf[pl.ds(i * 16, 16)] = jnp.zeros((16,), jnp.float32)
        return carry

    lax.fori_loop(0, 640 // 16, zrow, 0)
    pltpu.sync_copy(zbuf, deg_sh.at[pl.ds(s * RPS_D, RPS_D)])
    pltpu.async_copy(dst_hbm.at[wid, 0], dst_v.at[0], lsem)
    pltpu.async_copy(ew_hbm.at[wid, 0], ew_v.at[0], lsem)
    plsc.subcore_barrier()

    def body(b, carry):
        bb = b % 2
        pltpu.make_async_copy(dst_hbm.at[wid, b], dst_v.at[bb], lsem).wait()
        pltpu.make_async_copy(ew_hbm.at[wid, b], ew_v.at[bb], lsem).wait()

        @pl.when(b + 1 < NB_D)
        def _():
            pltpu.async_copy(dst_hbm.at[wid, b + 1], dst_v.at[(b + 1) % 2],
                             lsem)
            pltpu.async_copy(ew_hbm.at[wid, b + 1], ew_v.at[(b + 1) % 2],
                             lsem)

        pltpu.sync_copy(ew_v.at[bb, 0], deg_sh.at[dst_v.at[bb, 0]], add=True)
        return carry

    lax.fori_loop(0, NB_D, body, 0)
    plsc.subcore_barrier()
    pltpu.sync_copy(deg_sh.at[pl.ds(s * RPS_D, RPS_D)],
                    out_hbm.at[pl.ds(c * DN_PAD + s * RPS_D, RPS_D)])




@functools.partial(
    pl.kernel,
    out_type=jax.ShapeDtypeStruct((NC, N_PAD, IN_DIM), jnp.float32),
    mesh=_SC_MESH,
    scratch_types=[
        pltpu.VMEM((4, 1, CK), jnp.int32),
        pltpu.VMEM((4, 1, CK), jnp.int32),
        pltpu.VMEM((3, CK, 16), jnp.float32),
        pltpu.VMEM((3, CK, IN_DIM), jnp.float32),
        pltpu.VMEM_SHARED((N_PAD, IN_DIM), jnp.float32),
        pltpu.SemaphoreType.DMA,
        pltpu.SemaphoreType.DMA,
        pltpu.SemaphoreType.DMA,
    ],
)
def _sc_pass(y_hbm, src_hbm, dstl_hbm, w_hbm, out_hbm,
             es_v, ed_v, w_v, rows_v, acc_sh, esem, gsem, ssem):
    c = lax.axis_index("c")
    s = lax.axis_index("s")
    wid = s * NC + c
    sr_hbm = src_hbm.at[wid]
    dl_hbm = dstl_hbm.at[wid]
    wf_hbm = w_hbm.at[wid]

    def zrow(i, carry):
        for f in range(IN_DIM // 16):
            rows_v[0, i, pl.ds(f * 16, 16)] = jnp.zeros((16,), jnp.float32)
        return carry

    lax.fori_loop(0, CK, zrow, 0)

    def zcp(t, carry):
        pltpu.sync_copy(rows_v.at[0], acc_sh.at[pl.ds(s * RPS + t * CK, CK)])
        return carry

    lax.fori_loop(0, RPS // CK, zcp, 0)

    def zcp_tail(t, carry):
        pltpu.sync_copy(
            rows_v.at[0, pl.ds(0, 8)],
            acc_sh.at[pl.ds(s * RPS + (RPS // CK) * CK + t * 8, 8)])
        return carry

    lax.fori_loop(0, (RPS % CK) // 8, zcp_tail, 0)
    plsc.subcore_barrier()

    pltpu.sync_copy(sr_hbm.at[0], es_v.at[0])
    pltpu.sync_copy(dl_hbm.at[0], ed_v.at[0])
    pltpu.sync_copy(wf_hbm.at[0], w_v.at[0])
    pltpu.async_copy(y_hbm.at[es_v.at[0, 0]], rows_v.at[0], gsem)
    pltpu.async_copy(sr_hbm.at[1], es_v.at[1], esem)
    pltpu.async_copy(dl_hbm.at[1], ed_v.at[1], esem)
    pltpu.async_copy(wf_hbm.at[1], w_v.at[1], esem)

    def body(k, carry):
        eb = k % 4
        wb = k % 3
        rb = k % 3

        @pl.when(k + 1 < NCHUNK)
        def _():
            @pl.when(k >= 2)
            def _():
                kk = k - 2
                pltpu.make_async_copy(
                    rows_v.at[kk % 3], acc_sh.at[ed_v.at[kk % 4, 0]],
                    ssem).wait()

            pltpu.make_async_copy(sr_hbm.at[k + 1], es_v.at[(k + 1) % 4],
                                  esem).wait()
            pltpu.make_async_copy(dl_hbm.at[k + 1], ed_v.at[(k + 1) % 4],
                                  esem).wait()
            pltpu.make_async_copy(wf_hbm.at[k + 1], w_v.at[(k + 1) % 3],
                                  esem).wait()
            pltpu.async_copy(y_hbm.at[es_v.at[(k + 1) % 4, 0]],
                             rows_v.at[(k + 1) % 3], gsem)

        @pl.when(k + 2 < NCHUNK)
        def _():
            pltpu.async_copy(sr_hbm.at[k + 2], es_v.at[(k + 2) % 4], esem)
            pltpu.async_copy(dl_hbm.at[k + 2], ed_v.at[(k + 2) % 4], esem)
            pltpu.async_copy(wf_hbm.at[k + 2], w_v.at[(k + 2) % 3], esem)

        pltpu.make_async_copy(y_hbm.at[es_v.at[eb, 0]], rows_v.at[rb],
                              gsem).wait()

        @plsc.parallel_loop(0, CK, unroll=16)
        def _scale(r):
            wrow = w_v[wb, r]
            for f in range(IN_DIM // 16):
                sl = pl.ds(f * 16, 16)
                rows_v[rb, r, sl] = rows_v[rb, r, sl] * wrow
        pltpu.async_copy(rows_v.at[rb], acc_sh.at[ed_v.at[eb, 0]], ssem,
                         add=True)
        return carry

    lax.fori_loop(0, NCHUNK, body, 0)

    def drain(t, carry):
        pltpu.make_async_copy(rows_v.at[t % 3], acc_sh.at[ed_v.at[t % 4, 0]],
                              ssem).wait()
        return carry

    lax.fori_loop(NCHUNK - 3, NCHUNK, drain, 0)
    plsc.subcore_barrier()
    pltpu.sync_copy(acc_sh.at[pl.ds(s * RPS, RPS)],
                    out_hbm.at[c, pl.ds(s * RPS, RPS)])


def _t1_body(d0_ref, d1_ref, x_ref, dinv_ref, y1_ref):
    deg = d0_ref[...] + d1_ref[...] + 1.0
    dinv = jax.lax.rsqrt(deg)
    dinv_ref[...] = dinv
    y1_ref[...] = x_ref[...] * dinv


def _t1(d0, d1, x):
    return pl.pallas_call(
        _t1_body,
        grid=(N_NODES // BN,),
        in_specs=[
            pl.BlockSpec((BN, 1), lambda i: (i, 0)),
            pl.BlockSpec((BN, 1), lambda i: (i, 0)),
            pl.BlockSpec((BN, IN_DIM), lambda i: (i, 0)),
        ],
        out_specs=[
            pl.BlockSpec((BN, 1), lambda i: (i, 0)),
            pl.BlockSpec((BN, IN_DIM), lambda i: (i, 0)),
        ],
        out_shape=[
            jax.ShapeDtypeStruct((N_NODES, 1), jnp.float32),
            jax.ShapeDtypeStruct((N_NODES, IN_DIM), jnp.float32),
        ],
    )(d0, d1, x)


def _t2_body(a0_ref, a1_ref, y1_ref, dinv_ref, w1_ref, b1_ref, w23_ref,
             y2_ref):
    dinv = dinv_ref[...]
    ax = dinv * (a0_ref[...] + a1_ref[...] + y1_ref[...])
    h = jax.nn.relu(
        jnp.dot(ax, w1_ref[...], preferred_element_type=jnp.float32)
        + b1_ref[...]
    )
    hc = jnp.dot(h, w23_ref[...], preferred_element_type=jnp.float32)
    y2_ref[...] = hc * dinv


def _t2(a0, a1, y1, dinv, W1, b1, W23):
    return pl.pallas_call(
        _t2_body,
        grid=(N_NODES // BN,),
        in_specs=[
            pl.BlockSpec((BN, IN_DIM), lambda i: (i, 0)),
            pl.BlockSpec((BN, IN_DIM), lambda i: (i, 0)),
            pl.BlockSpec((BN, IN_DIM), lambda i: (i, 0)),
            pl.BlockSpec((BN, 1), lambda i: (i, 0)),
            pl.BlockSpec((IN_DIM, H1), lambda i: (0, 0)),
            pl.BlockSpec((1, H1), lambda i: (0, 0)),
            pl.BlockSpec((H1, 2 * H2), lambda i: (0, 0)),
        ],
        out_specs=pl.BlockSpec((BN, 2 * H2), lambda i: (i, 0)),
        out_shape=jax.ShapeDtypeStruct((N_NODES, 2 * H2), jnp.float32),
    )(a0, a1, y1, dinv, W1, b1, W23)


def _t3_body(c0_ref, c1_ref, y2_ref, dinv_ref, b23_ref, noise_ref,
             z_ref, mean_ref, ls_ref):
    out2 = (dinv_ref[...] * (c0_ref[...] + c1_ref[...] + y2_ref[...])
            + b23_ref[...])
    mean = out2[:, :H2]
    log_std = out2[:, H2:]
    mean_ref[...] = mean
    ls_ref[...] = log_std
    z_ref[...] = mean + noise_ref[...] * jnp.exp(log_std)


def _t3(c0, c1, y2, dinv, b23, noise):
    return pl.pallas_call(
        _t3_body,
        grid=(N_NODES // BN,),
        in_specs=[
            pl.BlockSpec((BN, 2 * H2), lambda i: (i, 0)),
            pl.BlockSpec((BN, 2 * H2), lambda i: (i, 0)),
            pl.BlockSpec((BN, 2 * H2), lambda i: (i, 0)),
            pl.BlockSpec((BN, 1), lambda i: (i, 0)),
            pl.BlockSpec((1, 2 * H2), lambda i: (0, 0)),
            pl.BlockSpec((BN, H2), lambda i: (i, 0)),
        ],
        out_specs=[
            pl.BlockSpec((BN, H2), lambda i: (i, 0)),
            pl.BlockSpec((BN, H2), lambda i: (i, 0)),
            pl.BlockSpec((BN, H2), lambda i: (i, 0)),
        ],
        out_shape=[
            jax.ShapeDtypeStruct((N_NODES, H2), jnp.float32),
            jax.ShapeDtypeStruct((N_NODES, H2), jnp.float32),
            jax.ShapeDtypeStruct((N_NODES, H2), jnp.float32),
        ],
    )(c0, c1, y2, dinv, b23, noise)


def kernel(x, edge_index, edge_weight, noise, W1, b1, W2, b2, W3, b3):
    n_pad = E_PAD - N_EDGES
    pad_idx = jnp.arange(n_pad, dtype=jnp.int32) % N_NODES
    src = jnp.concatenate([edge_index[0].astype(jnp.int32), pad_idx])
    dst = jnp.concatenate([edge_index[1].astype(jnp.int32), pad_idx])
    ew = jnp.concatenate([edge_weight, jnp.zeros((n_pad,), jnp.float32)])
    src3 = src.reshape(NW, NCHUNK, 1, CK)
    dst3 = dst.reshape(NW, NCHUNK, 1, CK)
    w3 = ew.reshape(NW, NCHUNK, CK)
    w3r = jnp.broadcast_to(w3[..., None], (NW, NCHUNK, CK, 16))

    deg = _sc_deg(dst.reshape(NW, NB_D, 1, CK_D),
                  ew.reshape(NW, NB_D, 1, CK_D)).reshape(NC, DN_PAD)

    dinv, y1 = _t1(deg[0].reshape(DN_PAD, 1), deg[1].reshape(DN_PAD, 1), x)

    a = _sc_pass(y1, src3, dst3, w3r)
    a0, a1 = a[0], a[1]

    W23 = jnp.concatenate([W2, W3], axis=1)
    y2 = _t2(a0, a1, y1, dinv, W1, b1.reshape(1, H1), W23)

    cc = _sc_pass(y2, src3, dst3, w3r)
    c0, c1 = cc[0], cc[1]

    b23 = jnp.concatenate([b2, b3]).reshape(1, 2 * H2)
    z, mean, log_std = _t3(c0, c1, y2, dinv, b23, noise)
    return (z, mean, log_std)

# --- scband reference (transcript-rebuilt; emitter-appended) ---
"""Pipeline reference for scband-vgaemodel-68874095558957 (READ-ONLY COPY).

The authoritative reference and input builder live on the scoring server;
editing this copy changes nothing except your own understanding.
"""

import jax, jax.numpy as jnp
import numpy as np

N_NODES = 10000
N_EDGES = 320000
IN_DIM = 128
H1 = 256
H2 = 64


def _gcn_conv(x, src, dst, ew, W, b):
    N = x.shape[0]
    loop = jnp.arange(N, dtype=src.dtype)
    src2 = jnp.concatenate([src, loop])
    dst2 = jnp.concatenate([dst, loop])
    ew2 = jnp.concatenate([ew, jnp.ones((N,), dtype=ew.dtype)])
    deg = jnp.zeros((N,), dtype=x.dtype).at[dst2].add(ew2)
    dinv = jnp.where(deg > 0, jax.lax.rsqrt(jnp.maximum(deg, 1e-12)), 0.0)
    norm = dinv[src2] * ew2 * dinv[dst2]
    h = x @ W
    out = jnp.zeros((N, W.shape[1]), dtype=x.dtype).at[dst2].add(norm[:, None] * h[src2])
    return out + b


def setup_inputs(seed: int = 0) -> dict:
    key = jax.random.key(seed)
    ks = jax.random.split(key, 12)
    x = jax.random.normal(ks[0], (N_NODES, IN_DIM), dtype=jnp.float32)
    edge_index = jax.random.randint(ks[1], (2, N_EDGES), 0, N_NODES, dtype=jnp.int64)
    edge_weight = jax.random.uniform(ks[2], (N_EDGES,), dtype=jnp.float32)
    noise = jax.random.normal(ks[3], (N_NODES, H2), dtype=jnp.float32)
    W1 = jax.random.normal(ks[4], (IN_DIM, H1), dtype=jnp.float32) / np.sqrt(IN_DIM)
    b1 = jnp.zeros((H1,), dtype=jnp.float32)
    W2 = jax.random.normal(ks[5], (H1, H2), dtype=jnp.float32) / np.sqrt(H1)
    b2 = jnp.zeros((H2,), dtype=jnp.float32)
    W3 = jax.random.normal(ks[6], (H1, H2), dtype=jnp.float32) / np.sqrt(H1)
    b3 = jnp.zeros((H2,), dtype=jnp.float32)
    return {"x": x, "edge_index": edge_index, "edge_weight": edge_weight,
            "noise": noise, "W1": W1, "b1": b1, "W2": W2, "b2": b2,
            "W3": W3, "b3": b3}


def reference(x, edge_index, edge_weight, noise, W1, b1, W2, b2, W3, b3):
    src, dst = edge_index[0], edge_index[1]
    h = _gcn_conv(x, src, dst, edge_weight, W1, b1)
    h = jax.nn.relu(h)
    mean = _gcn_conv(h, src, dst, edge_weight, W2, b2)
    log_std = _gcn_conv(h, src, dst, edge_weight, W3, b3)
    sampled_z = mean + noise * jnp.exp(log_std)
    return (sampled_z, mean, log_std)

if __name__ == "__main__":
    import jax
    _d = setup_inputs()
    print(jax.jit(kernel)(*tuple(_d.values())))

</pallas_src>

<mosaic_0001>
#map = affine_map<(d0, d1) -> (0, 0, 0, 0)>
#map1 = affine_map<(d0, d1) -> (0)>
module attributes {stable_mosaic.version = 14 : i64} {
  func.func @_sc_deg(%arg0: i32, %arg1: i32, %arg2: memref<32x80x1x128xi32, #tpu.memory_space<hbm>>, %arg3: memref<32x80x1x128xf32, #tpu.memory_space<hbm>>, %arg4: memref<20480xf32, #tpu.memory_space<hbm>>, %arg5: memref<2x1x128xi32, #tpu.memory_space<vmem>>, %arg6: memref<2x1x128xf32, #tpu.memory_space<vmem>>, %arg7: memref<640xf32, #tpu.memory_space<vmem>>, %arg8: memref<10240xf32, #tpu.memory_space<vmem_shared>>, %arg9: memref<!tpu.dma_semaphore, #tpu.memory_space<semaphore_mem>>) attributes {dimension_semantics = [#tpu.dimension_semantics<core_parallel>, #tpu.dimension_semantics<subcore_parallel>], iteration_bounds = array<i64: 2, 16>, scalar_prefetch = 0 : i64, scratch_operands = 5 : i64, tpu.core_type = #tpu.core_type<sc_vector_subcore>, window_params = [{transform_indices = #map}, {transform_indices = #map}, {transform_indices = #map1}]} {
    %mul3A = arith.constant 2 : i32
    %mul3A_0 = arith.muli %arg1, %mul3A : i32
    %add3A = arith.addi %mul3A_0, %arg0 : i32
    %scan3A = arith.constant 0 : i32
    %scan3A_1 = arith.constant 0 : i32
    %scan3A_2 = arith.constant 40 : i32
    %scan3A_3 = arith.addi %scan3A_1, %scan3A_2 : i32
    %scan3A_4 = arith.constant 1 : i32
    scf.for %scan3A_57 = %scan3A_1 to %scan3A_3 step %scan3A_4  : i32 {
      %broadcast_in_dim3A = arith.constant 0.000000e+00 : f32
      %broadcast_in_dim3A_58 = vector.broadcast %broadcast_in_dim3A : f32 to vector<16xf32>
      %mul3A_59 = arith.constant 16 : i32
      %mul3A_60 = arith.muli %scan3A_57, %mul3A_59 : i32
      %swap3A = arith.index_cast %mul3A_60 : i32 to index
      %swap3A_61 = tpu.vector_load %arg7[%swap3A] {strides = array<i32>} : memref<640xf32, #tpu.memory_space<vmem>>, vector<16xf32>,
      %swap3A_62 = vector.shape_cast %swap3A_61 : vector<16xf32> to vector<16xf32>
      %swap3A_63 = vector.shape_cast %broadcast_in_dim3A_58 : vector<16xf32> to vector<16xf32>
      tpu.vector_store %arg7[%swap3A], %swap3A_63 {strides = array<i32>} : memref<640xf32, #tpu.memory_space<vmem>>, vector<16xf32>,
    }
    %scan3A_5 = arith.constant 40 : i32
    %mul3A_6 = arith.constant 640 : i32
    %mul3A_7 = arith.muli %arg1, %mul3A_6 : i32
    "tpu.region"() ({
      %run_scoped3A = tpu.sem_alloc : memref<!tpu.dma_semaphore, #tpu.memory_space<semaphore_mem>>
      %dma_start3A_57 = tpu.memref_slice %arg8[%mul3A_7] : memref<10240xf32, #tpu.memory_space<vmem_shared>> -> memref<640xf32, #tpu.memory_space<vmem_shared>>
      %dma_start3A_58 = tpu.memref_slice %arg8[%mul3A_7] : memref<10240xf32, #tpu.memory_space<vmem_shared>> -> memref<640xf32, #tpu.memory_space<vmem_shared>>
      tpu.enqueue_dma source(%arg7 : memref<640xf32, #tpu.memory_space<vmem>>) target(%dma_start3A_58 : memref<640xf32, #tpu.memory_space<vmem_shared>>) target_semaphore(%run_scoped3A : memref<!tpu.dma_semaphore, #tpu.memory_space<semaphore_mem>>)
      %dma_wait3A = tpu.memref_slice %arg8[%mul3A_7] : memref<10240xf32, #tpu.memory_space<vmem_shared>> -> memref<640xf32, #tpu.memory_space<vmem_shared>>
      %dma_wait3A_59 = tpu.memref_slice %arg8[%mul3A_7] : memref<10240xf32, #tpu.memory_space<vmem_shared>> -> memref<640xf32, #tpu.memory_space<vmem_shared>>
      tpu.wait_dma2 semaphore(%run_scoped3A : memref<!tpu.dma_semaphore, #tpu.memory_space<semaphore_mem>>) src(%arg7 : memref<640xf32, #tpu.memory_space<vmem>>) dst(%dma_wait3A_59 : memref<640xf32, #tpu.memory_space<vmem_shared>>)
      tpu.yield
    }) : () -> ()
    %dma_start3A = arith.constant 0 : i32
    %dma_start3A_8 = arith.constant 0 : i32
    %dma_start3A_9 = arith.constant 0 : i32
    %dma_start3A_10 = arith.constant 0 : i32
    %dma_start3A_11 = tpu.memref_slice %arg5[%dma_start3A_8, %dma_start3A_9, %dma_start3A_10] : memref<2x1x128xi32, #tpu.memory_space<vmem>> -> memref<1x1x128xi32, #tpu.memory_space<vmem>>
    %dma_start3A_12 = tpu.memref_squeeze %dma_start3A_11 : memref<1x1x128xi32, #tpu.memory_space<vmem>> -> memref<1x128xi32, #tpu.memory_space<vmem>>
    %dma_start3A_13 = arith.constant 0 : i32
    %dma_start3A_14 = arith.constant 0 : i32
    %dma_start3A_15 = tpu.memref_slice %arg2[%add3A, %dma_start3A, %dma_start3A_13, %dma_start3A_14] : memref<32x80x1x128xi32, #tpu.memory_space<hbm>> -> memref<1x1x1x128xi32, #tpu.memory_space<hbm>>
    %dma_start3A_16 = tpu.memref_squeeze %dma_start3A_15 : memref<1x1x1x128xi32, #tpu.memory_space<hbm>> -> memref<1x128xi32, #tpu.memory_space<hbm>>
    %dma_start3A_17 = arith.constant 0 : i32
    %dma_start3A_18 = arith.constant 0 : i32
    %dma_start3A_19 = tpu.memref_slice %arg5[%dma_start3A_8, %dma_start3A_17, %dma_start3A_18] : memref<2x1x128xi32, #tpu.memory_space<vmem>> -> memref<1x1x128xi32, #tpu.memory_space<vmem>>
    %dma_start3A_20 = tpu.memref_squeeze %dma_start3A_19 : memref<1x1x128xi32, #tpu.memory_space<vmem>> -> memref<1x128xi32, #tpu.memory_space<vmem>>
    %dma_start3A_21 = arith.constant 0 : i32
    %dma_start3A_22 = arith.constant 0 : i32
    %dma_start3A_23 = tpu.memref_slice %arg2[%add3A, %dma_start3A, %dma_start3A_21, %dma_start3A_22] : memref<32x80x1x128xi32, #tpu.memory_space<hbm>> -> memref<1x1x1x128xi32, #tpu.memory_space<hbm>>
    %dma_start3A_24 = tpu.memref_squeeze %dma_start3A_23 : memref<1x1x1x128xi32, #tpu.memory_space<hbm>> -> memref<1x128xi32, #tpu.memory_space<hbm>>
    tpu.enqueue_dma source(%dma_start3A_24 : memref<1x128xi32, #tpu.memory_space<hbm>>) target(%dma_start3A_20 : memref<1x128xi32, #tpu.memory_space<vmem>>) target_semaphore(%arg9 : memref<!tpu.dma_semaphore, #tpu.memory_space<semaphore_mem>>)
    %dma_start3A_25 = arith.constant 0 : i32
    %dma_start3A_26 = arith.constant 0 : i32
    %dma_start3A_27 = arith.constant 0 : i32
    %dma_start3A_28 = arith.constant 0 : i32
    %dma_start3A_29 = tpu.memref_slice %arg6[%dma_start3A_26, %dma_start3A_27, %dma_start3A_28] : memref<2x1x128xf32, #tpu.memory_space<vmem>> -> memref<1x1x128xf32, #tpu.memory_space<vmem>>
    %dma_start3A_30 = tpu.memref_squeeze %dma_start3A_29 : memref<1x1x128xf32, #tpu.memory_space<vmem>> -> memref<1x128xf32, #tpu.memory_space<vmem>>
    %dma_start3A_31 = arith.constant 0 : i32
    %dma_start3A_32 = arith.constant 0 : i32
    %dma_start3A_33 = tpu.memref_slice %arg3[%add3A, %dma_start3A_25, %dma_start3A_31, %dma_start3A_32] : memref<32x80x1x128xf32, #tpu.memory_space<hbm>> -> memref<1x1x1x128xf32, #tpu.memory_space<hbm>>
    %dma_start3A_34 = tpu.memref_squeeze %dma_start3A_33 : memref<1x1x1x128xf32, #tpu.memory_space<hbm>> -> memref<1x128xf32, #tpu.memory_space<hbm>>
    %dma_start3A_35 = arith.constant 0 : i32
    %dma_start3A_36 = arith.constant 0 : i32
    %dma_start3A_37 = tpu.memref_slice %arg6[%dma_start3A_26, %dma_start3A_35, %dma_start3A_36] : memref<2x1x128xf32, #tpu.memory_space<vmem>> -> memref<1x1x128xf32, #tpu.memory_space<vmem>>
    %dma_start3A_38 = tpu.memref_squeeze %dma_start3A_37 : memref<1x1x128xf32, #tpu.memory_space<vmem>> -> memref<1x128xf32, #tpu.memory_space<vmem>>
    %dma_start3A_39 = arith.constant 0 : i32
    %dma_start3A_40 = arith.constant 0 : i32
    %dma_start3A_41 = tpu.memref_slice %arg3[%add3A, %dma_start3A_25, %dma_start3A_39, %dma_start3A_40] : memref<32x80x1x128xf32, #tpu.memory_space<hbm>> -> memref<1x1x1x128xf32, #tpu.memory_space<hbm>>
    %dma_start3A_42 = tpu.memref_squeeze %dma_start3A_41 : memref<1x1x1x128xf32, #tpu.memory_space<hbm>> -> memref<1x128xf32, #tpu.memory_space<hbm>>
    tpu.enqueue_dma source(%dma_start3A_42 : memref<1x128xf32, #tpu.memory_space<hbm>>) target(%dma_start3A_38 : memref<1x128xf32, #tpu.memory_space<vmem>>) target_semaphore(%arg9 : memref<!tpu.dma_semaphore, #tpu.memory_space<semaphore_mem>>)
    %barrier3A = arith.constant 0 : index
    tpu.barrier barrier_id(%barrier3A)
    %scan3A_43 = arith.constant 0 : i32
    %scan3A_44 = arith.constant 0 : i32
    %scan3A_45 = arith.constant 80 : i32
    %scan3A_46 = arith.addi %scan3A_44, %scan3A_45 : i32
    %scan3A_47 = arith.constant 1 : i32
    scf.for %scan3A_57 = %scan3A_44 to %scan3A_46 step %scan3A_47  : i32 {
      %jit3A = arith.constant 2 : i32
      %eq3A = arith.constant 0 : i32
      %eq3A_58 = arith.cmpi eq, %jit3A, %eq3A : i32
      %jit3A_59 = arith.constant 1 : i32
      %select_n3A = arith.select %eq3A_58, %jit3A_59, %jit3A : i32
      %rem3A = arith.remsi %scan3A_57, %select_n3A : i32
      %ne3A = arith.constant 0 : i32
      %ne3A_60 = arith.cmpi ne, %rem3A, %ne3A : i32
      %lt3A = arith.constant 0 : i32
      %lt3A_61 = arith.cmpi slt, %rem3A, %lt3A : i32
      %lt3A_62 = arith.constant 0 : i32
      %lt3A_63 = arith.cmpi slt, %select_n3A, %lt3A_62 : i32
      %ne3A_64 = arith.xori %lt3A_61, %lt3A_63 : i1
      %and3A = arith.andi %ne3A_64, %ne3A_60 : i1
      %add3A_65 = arith.addi %rem3A, %select_n3A : i32
      %select_n3A_66 = arith.select %and3A, %add3A_65, %rem3A : i32
      %dma_wait3A = arith.constant 0 : i32
      %dma_wait3A_67 = arith.constant 0 : i32
      %dma_wait3A_68 = tpu.memref_slice %arg5[%select_n3A_66, %dma_wait3A, %dma_wait3A_67] : memref<2x1x128xi32, #tpu.memory_space<vmem>> -> memref<1x1x128xi32, #tpu.memory_space<vmem>>
      %dma_wait3A_69 = tpu.memref_squeeze %dma_wait3A_68 : memref<1x1x128xi32, #tpu.memory_space<vmem>> -> memref<1x128xi32, #tpu.memory_space<vmem>>
      %dma_wait3A_70 = arith.constant 0 : i32
      %dma_wait3A_71 = arith.constant 0 : i32
      %dma_wait3A_72 = tpu.memref_slice %arg2[%add3A, %scan3A_57, %dma_wait3A_70, %dma_wait3A_71] : memref<32x80x1x128xi32, #tpu.memory_space<hbm>> -> memref<1x1x1x128xi32, #tpu.memory_space<hbm>>
      %dma_wait3A_73 = tpu.memref_squeeze %dma_wait3A_72 : memref<1x1x1x128xi32, #tpu.memory_space<hbm>> -> memref<1x128xi32, #tpu.memory_space<hbm>>
      %dma_wait3A_74 = arith.constant 0 : i32
      %dma_wait3A_75 = arith.constant 0 : i32
      %dma_wait3A_76 = tpu.memref_slice %arg5[%select_n3A_66, %dma_wait3A_74, %dma_wait3A_75] : memref<2x1x128xi32, #tpu.memory_space<vmem>> -> memref<1x1x128xi32, #tpu.memory_space<vmem>>
      %dma_wait3A_77 = tpu.memref_squeeze %dma_wait3A_76 : memref<1x1x128xi32, #tpu.memory_space<vmem>> -> memref<1x128xi32, #tpu.memory_space<vmem>>
      %dma_wait3A_78 = arith.constant 0 : i32
      %dma_wait3A_79 = arith.constant 0 : i32
      %dma_wait3A_80 = tpu.memref_slice %arg2[%add3A, %scan3A_57, %dma_wait3A_78, %dma_wait3A_79] : memref<32x80x1x128xi32, #tpu.memory_space<hbm>> -> memref<1x1x1x128xi32, #tpu.memory_space<hbm>>
      %dma_wait3A_81 = tpu.memref_squeeze %dma_wait3A_80 : memref<1x1x1x128xi32, #tpu.memory_space<hbm>> -> memref<1x128xi32, #tpu.memory_space<hbm>>
      tpu.wait_dma2 semaphore(%arg9 : memref<!tpu.dma_semaphore, #tpu.memory_space<semaphore_mem>>) src(%dma_wait3A_81 : memref<1x128xi32, #tpu.memory_space<hbm>>) dst(%dma_wait3A_77 : memref<1x128xi32, #tpu.memory_space<vmem>>)
      %dma_wait3A_82 = arith.constant 0 : i32
      %dma_wait3A_83 = arith.constant 0 : i32
      %dma_wait3A_84 = tpu.memref_slice %arg6[%select_n3A_66, %dma_wait3A_82, %dma_wait3A_83] : memref<2x1x128xf32, #tpu.memory_space<vmem>> -> memref<1x1x128xf32, #tpu.memory_space<vmem>>
      %dma_wait3A_85 = tpu.memref_squeeze %dma_wait3A_84 : memref<1x1x128xf32, #tpu.memory_space<vmem>> -> memref<1x128xf32, #tpu.memory_space<vmem>>
      %dma_wait3A_86 = arith.constant 0 : i32
      %dma_wait3A_87 = arith.constant 0 : i32
      %dma_wait3A_88 = tpu.memref_slice %arg3[%add3A, %scan3A_57, %dma_wait3A_86, %dma_wait3A_87] : memref<32x80x1x128xf32, #tpu.memory_space<hbm>> -> memref<1x1x1x128xf32, #tpu.memory_space<hbm>>
      %dma_wait3A_89 = tpu.memref_squeeze %dma_wait3A_88 : memref<1x1x1x128xf32, #tpu.memory_space<hbm>> -> memref<1x128xf32, #tpu.memory_space<hbm>>
      %dma_wait3A_90 = arith.constant 0 : i32
      %dma_wait3A_91 = arith.constant 0 : i32
      %dma_wait3A_92 = tpu.memref_slice %arg6[%select_n3A_66, %dma_wait3A_90, %dma_wait3A_91] : memref<2x1x128xf32, #tpu.memory_space<vmem>> -> memref<1x1x128xf32, #tpu.memory_space<vmem>>
      %dma_wait3A_93 = tpu.memref_squeeze %dma_wait3A_92 : memref<1x1x128xf32, #tpu.memory_space<vmem>> -> memref<1x128xf32, #tpu.memory_space<vmem>>
      %dma_wait3A_94 = arith.constant 0 : i32
      %dma_wait3A_95 = arith.constant 0 : i32
      %dma_wait3A_96 = tpu.memref_slice %arg3[%add3A, %scan3A_57, %dma_wait3A_94, %dma_wait3A_95] : memref<32x80x1x128xf32, #tpu.memory_space<hbm>> -> memref<1x1x1x128xf32, #tpu.memory_space<hbm>>
      %dma_wait3A_97 = tpu.memref_squeeze %dma_wait3A_96 : memref<1x1x1x128xf32, #tpu.memory_space<hbm>> -> memref<1x128xf32, #tpu.memory_space<hbm>>
      tpu.wait_dma2 semaphore(%arg9 : memref<!tpu.dma_semaphore, #tpu.memory_space<semaphore_mem>>) src(%dma_wait3A_97 : memref<1x128xf32, #tpu.memory_space<hbm>>) dst(%dma_wait3A_93 : memref<1x128xf32, #tpu.memory_space<vmem>>)
      %add3A_98 = arith.constant 1 : i32
      %add3A_99 = arith.addi %scan3A_57, %add3A_98 : i32
      %lt3A_100 = arith.constant 80 : i32
      %lt3A_101 = arith.cmpi slt, %add3A_99, %lt3A_100 : i32
      %convert_element_type3A = arith.extui %lt3A_101 : i1 to i32
      %cond3A = arith.constant 0 : i32
      %cond3A_102 = arith.cmpi ne, %convert_element_type3A, %cond3A : i32
      scf.if %cond3A_102 {
        %add3A_104 = arith.constant 1 : i32
        %add3A_105 = arith.addi %scan3A_57, %add3A_104 : i32
        %add3A_106 = arith.constant 1 : i32
        %add3A_107 = arith.addi %scan3A_57, %add3A_106 : i32
        %jit3A_108 = arith.constant 2 : i32
        %eq3A_109 = arith.constant 0 : i32
        %eq3A_110 = arith.cmpi eq, %jit3A_108, %eq3A_109 : i32
        %jit3A_111 = arith.constant 1 : i32
        %select_n3A_112 = arith.select %eq3A_110, %jit3A_111, %jit3A_108 : i32
        %rem3A_113 = arith.remsi %add3A_107, %select_n3A_112 : i32
        %ne3A_114 = arith.constant 0 : i32
        %ne3A_115 = arith.cmpi ne, %rem3A_113, %ne3A_114 : i32
        %lt3A_116 = arith.constant 0 : i32
        %lt3A_117 = arith.cmpi slt, %rem3A_113, %lt3A_116 : i32
        %lt3A_118 = arith.constant 0 : i32
        %lt3A_119 = arith.cmpi slt, %select_n3A_112, %lt3A_118 : i32
        %ne3A_120 = arith.xori %lt3A_117, %lt3A_119 : i1
        %and3A_121 = arith.andi %ne3A_120, %ne3A_115 : i1
        %add3A_122 = arith.addi %rem3A_113, %select_n3A_112 : i32
        %select_n3A_123 = arith.select %and3A_121, %add3A_122, %rem3A_113 : i32
        %dma_start3A_124 = arith.constant 0 : i32
        %dma_start3A_125 = arith.constant 0 : i32
        %dma_start3A_126 = tpu.memref_slice %arg5[%select_n3A_123, %dma_start3A_124, %dma_start3A_125] : memref<2x1x128xi32, #tpu.memory_space<vmem>> -> memref<1x1x128xi32, #tpu.memory_space<vmem>>
        %dma_start3A_127 = tpu.memref_squeeze %dma_start3A_126 : memref<1x1x128xi32, #tpu.memory_space<vmem>> -> memref<1x128xi32, #tpu.memory_space<vmem>>
        %dma_start3A_128 = arith.constant 0 : i32
        %dma_start3A_129 = arith.constant 0 : i32
        %dma_start3A_130 = tpu.memref_slice %arg2[%add3A, %add3A_105, %dma_start3A_128, %dma_start3A_129] : memref<32x80x1x128xi32, #tpu.memory_space<hbm>> -> memref<1x1x1x128xi32, #tpu.memory_space<hbm>>
        %dma_start3A_131 = tpu.memref_squeeze %dma_start3A_130 : memref<1x1x1x128xi32, #tpu.memory_space<hbm>> -> memref<1x128xi32, #tpu.memory_space<hbm>>
        %dma_start3A_132 = arith.constant 0 : i32
        %dma_start3A_133 = arith.constant 0 : i32
        %dma_start3A_134 = tpu.memref_slice %arg5[%select_n3A_123, %dma_start3A_132, %dma_start3A_133] : memref<2x1x128xi32, #tpu.memory_space<vmem>> -> memref<1x1x128xi32, #tpu.memory_space<vmem>>
        %dma_start3A_135 = tpu.memref_squeeze %dma_start3A_134 : memref<1x1x128xi32, #tpu.memory_space<vmem>> -> memref<1x128xi32, #tpu.memory_space<vmem>>
        %dma_start3A_136 = arith.constant 0 : i32
        %dma_start3A_137 = arith.constant 0 : i32
        %dma_start3A_138 = tpu.memref_slice %arg2[%add3A, %add3A_105, %dma_start3A_136, %dma_start3A_137] : memref<32x80x1x128xi32, #tpu.memory_space<hbm>> -> memref<1x1x1x128xi32, #tpu.memory_space<hbm>>
        %dma_start3A_139 = tpu.memref_squeeze %dma_start3A_138 : memref<1x1x1x128xi32, #tpu.memory_space<hbm>> -> memref<1x128xi32, #tpu.memory_space<hbm>>
        tpu.enqueue_dma source(%dma_start3A_139 : memref<1x128xi32, #tpu.memory_space<hbm>>) target(%dma_start3A_135 : memref<1x128xi32, #tpu.memory_space<vmem>>) target_semaphore(%arg9 : memref<!tpu.dma_semaphore, #tpu.memory_space<semaphore_mem>>)
        %add3A_140 = arith.constant 1 : i32
        %add3A_141 = arith.addi %scan3A_57, %add3A_140 : i32
        %add3A_142 = arith.constant 1 : i32
        %add3A_143 = arith.addi %scan3A_57, %add3A_142 : i32
        %jit3A_144 = arith.constant 2 : i32
        %eq3A_145 = arith.constant 0 : i32
        %eq3A_146 = arith.cmpi eq, %jit3A_144, %eq3A_145 : i32
        %jit3A_147 = arith.constant 1 : i32
        %select_n3A_148 = arith.select %eq3A_146, %jit3A_147, %jit3A_144 : i32
        %rem3A_149 = arith.remsi %add3A_143, %select_n3A_148 : i32
        %ne3A_150 = arith.constant 0 : i32
        %ne3A_151 = arith.cmpi ne, %rem3A_149, %ne3A_150 : i32
        %lt3A_152 = arith.constant 0 : i32
        %lt3A_153 = arith.cmpi slt, %rem3A_149, %lt3A_152 : i32
        %lt3A_154 = arith.constant 0 : i32
        %lt3A_155 = arith.cmpi slt, %select_n3A_148, %lt3A_154 : i32
        %ne3A_156 = arith.xori %lt3A_153, %lt3A_155 : i1
        %and3A_157 = arith.andi %ne3A_156, %ne3A_151 : i1
        %add3A_158 = arith.addi %rem3A_149, %select_n3A_148 : i32
        %select_n3A_159 = arith.select %and3A_157, %add3A_158, %rem3A_149 : i32
        %dma_start3A_160 = arith.constant 0 : i32
        %dma_start3A_161 = arith.constant 0 : i32
        %dma_start3A_162 = tpu.memref_slice %arg6[%select_n3A_159, %dma_start3A_160, %dma_start3A_161] : memref<2x1x128xf32, #tpu.memory_space<vmem>> -> memref<1x1x128xf32, #tpu.memory_space<vmem>>
        %dma_start3A_163 = tpu.memref_squeeze %dma_start3A_162 : memref<1x1x128xf32, #tpu.memory_space<vmem>> -> memref<1x128xf32, #tpu.memory_space<vmem>>
        %dma_start3A_164 = arith.constant 0 : i32
        %dma_start3A_165 = arith.constant 0 : i32
        %dma_start3A_166 = tpu.memref_slice %arg3[%add3A, %add3A_141, %dma_start3A_164, %dma_start3A_165] : memref<32x80x1x128xf32, #tpu.memory_space<hbm>> -> memref<1x1x1x128xf32, #tpu.memory_space<hbm>>
        %dma_start3A_167 = tpu.memref_squeeze %dma_start3A_166 : memref<1x1x1x128xf32, #tpu.memory_space<hbm>> -> memref<1x128xf32, #tpu.memory_space<hbm>>
        %dma_start3A_168 = arith.constant 0 : i32
        %dma_start3A_169 = arith.constant 0 : i32
        %dma_start3A_170 = tpu.memref_slice %arg6[%select_n3A_159, %dma_start3A_168, %dma_start3A_169] : memref<2x1x128xf32, #tpu.memory_space<vmem>> -> memref<1x1x128xf32, #tpu.memory_space<vmem>>
        %dma_start3A_171 = tpu.memref_squeeze %dma_start3A_170 : memref<1x1x128xf32, #tpu.memory_space<vmem>> -> memref<1x128xf32, #tpu.memory_space<vmem>>
        %dma_start3A_172 = arith.constant 0 : i32
        %dma_start3A_173 = arith.constant 0 : i32
        %dma_start3A_174 = tpu.memref_slice %arg3[%add3A, %add3A_141, %dma_start3A_172, %dma_start3A_173] : memref<32x80x1x128xf32, #tpu.memory_space<hbm>> -> memref<1x1x1x128xf32, #tpu.memory_space<hbm>>
        %dma_start3A_175 = tpu.memref_squeeze %dma_start3A_174 : memref<1x1x1x128xf32, #tpu.memory_space<hbm>> -> memref<1x128xf32, #tpu.memory_space<hbm>>
        tpu.enqueue_dma source(%dma_start3A_175 : memref<1x128xf32, #tpu.memory_space<hbm>>) target(%dma_start3A_171 : memref<1x128xf32, #tpu.memory_space<vmem>>) target_semaphore(%arg9 : memref<!tpu.dma_semaphore, #tpu.memory_space<semaphore_mem>>)
      } else {
      }
      %run_scoped3A = arith.constant 0 : i32
      %run_scoped3A_103 = arith.constant 0 : i32
      "tpu.region"() ({
        %run_scoped3A_104 = tpu.sem_alloc : memref<!tpu.dma_semaphore, #tpu.memory_space<semaphore_mem>>
        %dma_start3A_105 = arith.constant 0 : i32
        %dma_start3A_106 = tpu.memref_slice %arg6[%select_n3A_66, %run_scoped3A, %dma_start3A_105] : memref<2x1x128xf32, #tpu.memory_space<vmem>> -> memref<1x1x128xf32, #tpu.memory_space<vmem>>
        %dma_start3A_107 = tpu.memref_squeeze %dma_start3A_106 : memref<1x1x128xf32, #tpu.memory_space<vmem>> -> memref<128xf32, #tpu.memory_space<vmem>>
        %dma_start3A_108 = arith.constant 0 : i32
        %dma_start3A_109 = tpu.memref_slice %arg5[%select_n3A_66, %run_scoped3A_103, %dma_start3A_108] : memref<2x1x128xi32, #tpu.memory_space<vmem>> -> memref<1x1x128xi32, #tpu.memory_space<vmem>>
        %dma_start3A_110 = tpu.memref_squeeze %dma_start3A_109 : memref<1x1x128xi32, #tpu.memory_space<vmem>> -> memref<128xi32, #tpu.memory_space<vmem>>
        %dma_start3A_111 = arith.constant 0 : i32
        %dma_start3A_112 = tpu.memref_slice %arg8[%dma_start3A_111] : memref<10240xf32, #tpu.memory_space<vmem_shared>> -> memref<10240xf32, #tpu.memory_space<vmem_shared>>
        tpu.enqueue_indirect_dma source(%dma_start3A_107 : memref<128xf32, #tpu.memory_space<vmem>>) target(%dma_start3A_112 : memref<10240xf32, #tpu.memory_space<vmem_shared>>) offsets(%dma_start3A_110 : memref<128xi32, #tpu.memory_space<vmem>>) semaphore(%run_scoped3A_104 : memref<!tpu.dma_semaphore, #tpu.memory_space<semaphore_mem>>) {add = true}
        %dma_wait3A_113 = arith.constant 0 : i32
        %dma_wait3A_114 = tpu.memref_slice %arg6[%select_n3A_66, %run_scoped3A, %dma_wait3A_113] : memref<2x1x128xf32, #tpu.memory_space<vmem>> -> memref<1x1x128xf32, #tpu.memory_space<vmem>>
        %dma_wait3A_115 = tpu.memref_squeeze %dma_wait3A_114 : memref<1x1x128xf32, #tpu.memory_space<vmem>> -> memref<128xf32, #tpu.memory_space<vmem>>
        %dma_wait3A_116 = arith.constant 0 : i32
        %dma_wait3A_117 = tpu.memref_slice %arg5[%select_n3A_66, %run_scoped3A_103, %dma_wait3A_116] : memref<2x1x128xi32, #tpu.memory_space<vmem>> -> memref<1x1x128xi32, #tpu.memory_space<vmem>>
        %dma_wait3A_118 = tpu.memref_squeeze %dma_wait3A_117 : memref<1x1x128xi32, #tpu.memory_space<vmem>> -> memref<128xi32, #tpu.memory_space<vmem>>
        %dma_wait3A_119 = arith.constant 0 : i32
        %dma_wait3A_120 = tpu.memref_slice %arg8[%dma_wait3A_119] : memref<10240xf32, #tpu.memory_space<vmem_shared>> -> memref<10240xf32, #tpu.memory_space<vmem_shared>>
        tpu.wait_indirect_dma semaphore(%run_scoped3A_104 : memref<!tpu.dma_semaphore, #tpu.memory_space<semaphore_mem>>) src(%dma_wait3A_115 : memref<128xf32, #tpu.memory_space<vmem>>) dst(%dma_wait3A_120 : memref<10240xf32, #tpu.memory_space<vmem_shared>>)
        tpu.yield
      }) : () -> ()
    }
    %scan3A_48 = arith.constant 80 : i32
    %barrier3A_49 = arith.constant 0 : index
    tpu.barrier barrier_id(%barrier3A_49)
    %mul3A_50 = arith.constant 640 : i32
    %mul3A_51 = arith.muli %arg1, %mul3A_50 : i32
    %mul3A_52 = arith.constant 10240 : i32
    %mul3A_53 = arith.muli %arg0, %mul3A_52 : i32
    %mul3A_54 = arith.constant 640 : i32
    %mul3A_55 = arith.muli %arg1, %mul3A_54 : i32
    %add3A_56 = arith.addi %mul3A_53, %mul3A_55 : i32
    "tpu.region"() ({
      %run_scoped3A = tpu.sem_alloc : memref<!tpu.dma_semaphore, #tpu.memory_space<semaphore_mem>>
      %dma_start3A_57 = tpu.memref_slice %arg4[%add3A_56] : memref<20480xf32, #tpu.memory_space<hbm>> -> memref<640xf32, #tpu.memory_space<hbm>>
      %dma_start3A_58 = tpu.memref_slice %arg8[%mul3A_51] : memref<10240xf32, #tpu.memory_space<vmem_shared>> -> memref<640xf32, #tpu.memory_space<vmem_shared>>
      tpu.enqueue_dma source(%dma_start3A_58 : memref<640xf32, #tpu.memory_space<vmem_shared>>) target(%dma_start3A_57 : memref<640xf32, #tpu.memory_space<hbm>>) target_semaphore(%run_scoped3A : memref<!tpu.dma_semaphore, #tpu.memory_space<semaphore_mem>>)
      %dma_wait3A = tpu.memref_slice %arg4[%add3A_56] : memref<20480xf32, #tpu.memory_space<hbm>> -> memref<640xf32, #tpu.memory_space<hbm>>
      %dma_wait3A_59 = tpu.memref_slice %arg8[%mul3A_51] : memref<10240xf32, #tpu.memory_space<vmem_shared>> -> memref<640xf32, #tpu.memory_space<vmem_shared>>
      tpu.wait_dma2 semaphore(%run_scoped3A : memref<!tpu.dma_semaphore, #tpu.memory_space<semaphore_mem>>) src(%dma_wait3A_59 : memref<640xf32, #tpu.memory_space<vmem_shared>>) dst(%dma_wait3A : memref<640xf32, #tpu.memory_space<hbm>>)
      tpu.yield
    }) : () -> ()
    return
  }
}

#map = affine_map<(d0, d1) -> (0, 0)>
#map1 = affine_map<(d0, d1) -> (0, 0, 0, 0)>
#map2 = affine_map<(d0, d1) -> (0, 0, 0)>
module attributes {stable_mosaic.version = 14 : i64} {
  func.func @_sc_pass(%arg0: i32, %arg1: i32, %arg2: memref<10000x128xf32, #tpu.memory_space<hbm>>, %arg3: memref<32x160x1x64xi32, #tpu.memory_space<hbm>>, %arg4: memref<32x160x1x64xi32, #tpu.memory_space<hbm>>, %arg5: memref<32x160x64x16xf32, #tpu.memory_space<hbm>>, %arg6: memref<2x10112x128xf32, #tpu.memory_space<hbm>>, %arg7: memref<4x1x64xi32, #tpu.memory_space<vmem>>, %arg8: memref<4x1x64xi32, #tpu.memory_space<vmem>>, %arg9: memref<3x64x16xf32, #tpu.memory_space<vmem>>, %arg10: memref<3x64x128xf32, #tpu.memory_space<vmem>>, %arg11: memref<10112x128xf32, #tpu.memory_space<vmem_shared>>, %arg12: memref<!tpu.dma_semaphore, #tpu.memory_space<semaphore_mem>>, %arg13: memref<!tpu.dma_semaphore, #tpu.memory_space<semaphore_mem>>, %arg14: memref<!tpu.dma_semaphore, #tpu.memory_space<semaphore_mem>>) attributes {dimension_semantics = [#tpu.dimension_semantics<core_parallel>, #tpu.dimension_semantics<subcore_parallel>], iteration_bounds = array<i64: 2, 16>, scalar_prefetch = 0 : i64, scratch_operands = 8 : i64, tpu.core_type = #tpu.core_type<sc_vector_subcore>, window_params = [{transform_indices = #map}, {transform_indices = #map1}, {transform_indices = #map1}, {transform_indices = #map1}, {transform_indices = #map2}]} {
    %mul3A = arith.constant 2 : i32
    %mul3A_0 = arith.muli %arg1, %mul3A : i32
    %add3A = arith.addi %mul3A_0, %arg0 : i32
    %scan3A = arith.constant 0 : i32
    %scan3A_1 = arith.constant 0 : i32
    %scan3A_2 = arith.constant 64 : i32
    %scan3A_3 = arith.addi %scan3A_1, %scan3A_2 : i32
    %scan3A_4 = arith.constant 1 : i32
    scf.for %scan3A_136 = %scan3A_1 to %scan3A_3 step %scan3A_4  : i32 {
      %broadcast_in_dim3A = arith.constant 0.000000e+00 : f32
      %broadcast_in_dim3A_137 = vector.broadcast %broadcast_in_dim3A : f32 to vector<16xf32>
      %swap3A = arith.constant 0 : i32
      %swap3A_138 = arith.index_cast %swap3A : i32 to index
      %swap3A_139 = arith.index_cast %scan3A_136 : i32 to index
      %swap3A_140 = arith.constant 0 : index
      %swap3A_141 = tpu.vector_load %arg10[%swap3A_138, %swap3A_139, %swap3A_140] {strides = array<i32>} : memref<3x64x128xf32, #tpu.memory_space<vmem>>, vector<1x1x16xf32>,
      %swap3A_142 = vector.shape_cast %swap3A_141 : vector<1x1x16xf32> to vector<16xf32>
      %swap3A_143 = vector.shape_cast %broadcast_in_dim3A_137 : vector<16xf32> to vector<1x1x16xf32>
      tpu.vector_store %arg10[%swap3A_138, %swap3A_139, %swap3A_140], %swap3A_143 {strides = array<i32>} : memref<3x64x128xf32, #tpu.memory_space<vmem>>, vector<1x1x16xf32>,
      %broadcast_in_dim3A_144 = arith.constant 0.000000e+00 : f32
      %broadcast_in_dim3A_145 = vector.broadcast %broadcast_in_dim3A_144 : f32 to vector<16xf32>
      %swap3A_146 = arith.constant 0 : i32
      %swap3A_147 = arith.index_cast %swap3A_146 : i32 to index
      %swap3A_148 = arith.index_cast %scan3A_136 : i32 to index
      %swap3A_149 = arith.constant 16 : index
      %swap3A_150 = tpu.vector_load %arg10[%swap3A_147, %swap3A_148, %swap3A_149] {strides = array<i32>} : memref<3x64x128xf32, #tpu.memory_space<vmem>>, vector<1x1x16xf32>,
      %swap3A_151 = vector.shape_cast %swap3A_150 : vector<1x1x16xf32> to vector<16xf32>
      %swap3A_152 = vector.shape_cast %broadcast_in_dim3A_145 : vector<16xf32> to vector<1x1x16xf32>
      tpu.vector_store %arg10[%swap3A_147, %swap3A_148, %swap3A_149], %swap3A_152 {strides = array<i32>} : memref<3x64x128xf32, #tpu.memory_space<vmem>>, vector<1x1x16xf32>,
      %broadcast_in_dim3A_153 = arith.constant 0.000000e+00 : f32
      %broadcast_in_dim3A_154 = vector.broadcast %broadcast_in_dim3A_153 : f32 to vector<16xf32>
      %swap3A_155 = arith.constant 0 : i32
      %swap3A_156 = arith.index_cast %swap3A_155 : i32 to index
      %swap3A_157 = arith.index_cast %scan3A_136 : i32 to index
      %swap3A_158 = arith.constant 32 : index
      %swap3A_159 = tpu.vector_load %arg10[%swap3A_156, %swap3A_157, %swap3A_158] {strides = array<i32>} : memref<3x64x128xf32, #tpu.memory_space<vmem>>, vector<1x1x16xf32>,
      %swap3A_160 = vector.shape_cast %swap3A_159 : vector<1x1x16xf32> to vector<16xf32>
      %swap3A_161 = vector.shape_cast %broadcast_in_dim3A_154 : vector<16xf32> to vector<1x1x16xf32>
      tpu.vector_store %arg10[%swap3A_156, %swap3A_157, %swap3A_158], %swap3A_161 {strides = array<i32>} : memref<3x64x128xf32, #tpu.memory_space<vmem>>, vector<1x1x16xf32>,
      %broadcast_in_dim3A_162 = arith.constant 0.000000e+00 : f32
      %broadcast_in_dim3A_163 = vector.broadcast %broadcast_in_dim3A_162 : f32 to vector<16xf32>
      %swap3A_164 = arith.constant 0 : i32
      %swap3A_165 = arith.index_cast %swap3A_164 : i32 to index
      %swap3A_166 = arith.index_cast %scan3A_136 : i32 to index
      %swap3A_167 = arith.constant 48 : index
      %swap3A_168 = tpu.vector_load %arg10[%swap3A_165, %swap3A_166, %swap3A_167] {strides = array<i32>} : memref<3x64x128xf32, #tpu.memory_space<vmem>>, vector<1x1x16xf32>,
      %swap3A_169 = vector.shape_cast %swap3A_168 : vector<1x1x16xf32> to vector<16xf32>
      %swap3A_170 = vector.shape_cast %broadcast_in_dim3A_163 : vector<16xf32> to vector<1x1x16xf32>
      tpu.vector_store %arg10[%swap3A_165, %swap3A_166, %swap3A_167], %swap3A_170 {strides = array<i32>} : memref<3x64x128xf32, #tpu.memory_space<vmem>>, vector<1x1x16xf32>,
      %broadcast_in_dim3A_171 = arith.constant 0.000000e+00 : f32
      %broadcast_in_dim3A_172 = vector.broadcast %broadcast_in_dim3A_171 : f32 to vector<16xf32>
      %swap3A_173 = arith.constant 0 : i32
      %swap3A_174 = arith.index_cast %swap3A_173 : i32 to index
      %swap3A_175 = arith.index_cast %scan3A_136 : i32 to index
      %swap3A_176 = arith.constant 64 : index
      %swap3A_177 = tpu.vector_load %arg10[%swap3A_174, %swap3A_175, %swap3A_176] {strides = array<i32>} : memref<3x64x128xf32, #tpu.memory_space<vmem>>, vector<1x1x16xf32>,
      %swap3A_178 = vector.shape_cast %swap3A_177 : vector<1x1x16xf32> to vector<16xf32>
      %swap3A_179 = vector.shape_cast %broadcast_in_dim3A_172 : vector<16xf32> to vector<1x1x16xf32>
      tpu.vector_store %arg10[%swap3A_174, %swap3A_175, %swap3A_176], %swap3A_179 {strides = array<i32>} : memref<3x64x128xf32, #tpu.memory_space<vmem>>, vector<1x1x16xf32>,
      %broadcast_in_dim3A_180 = arith.constant 0.000000e+00 : f32
      %broadcast_in_dim3A_181 = vector.broadcast %broadcast_in_dim3A_180 : f32 to vector<16xf32>
      %swap3A_182 = arith.constant 0 : i32
      %swap3A_183 = arith.index_cast %swap3A_182 : i32 to index
      %swap3A_184 = arith.index_cast %scan3A_136 : i32 to index
      %swap3A_185 = arith.constant 80 : index
      %swap3A_186 = tpu.vector_load %arg10[%swap3A_183, %swap3A_184, %swap3A_185] {strides = array<i32>} : memref<3x64x128xf32, #tpu.memory_space<vmem>>, vector<1x1x16xf32>,
      %swap3A_187 = vector.shape_cast %swap3A_186 : vector<1x1x16xf32> to vector<16xf32>
      %swap3A_188 = vector.shape_cast %broadcast_in_dim3A_181 : vector<16xf32> to vector<1x1x16xf32>
      tpu.vector_store %arg10[%swap3A_183, %swap3A_184, %swap3A_185], %swap3A_188 {strides = array<i32>} : memref<3x64x128xf32, #tpu.memory_space<vmem>>, vector<1x1x16xf32>,
      %broadcast_in_dim3A_189 = arith.constant 0.000000e+00 : f32
      %broadcast_in_dim3A_190 = vector.broadcast %broadcast_in_dim3A_189 : f32 to vector<16xf32>
      %swap3A_191 = arith.constant 0 : i32
      %swap3A_192 = arith.index_cast %swap3A_191 : i32 to index
      %swap3A_193 = arith.index_cast %scan3A_136 : i32 to index
      %swap3A_194 = arith.constant 96 : index
      %swap3A_195 = tpu.vector_load %arg10[%swap3A_192, %swap3A_193, %swap3A_194] {strides = array<i32>} : memref<3x64x128xf32, #tpu.memory_space<vmem>>, vector<1x1x16xf32>,
      %swap3A_196 = vector.shape_cast %swap3A_195 : vector<1x1x16xf32> to vector<16xf32>
      %swap3A_197 = vector.shape_cast %broadcast_in_dim3A_190 : vector<16xf32> to vector<1x1x16xf32>
      tpu.vector_store %arg10[%swap3A_192, %swap3A_193, %swap3A_194], %swap3A_197 {strides = array<i32>} : memref<3x64x128xf32, #tpu.memory_space<vmem>>, vector<1x1x16xf32>,
      %broadcast_in_dim3A_198 = arith.constant 0.000000e+00 : f32
      %broadcast_in_dim3A_199 = vector.broadcast %broadcast_in_dim3A_198 : f32 to vector<16xf32>
      %swap3A_200 = arith.constant 0 : i32
      %swap3A_201 = arith.index_cast %swap3A_200 : i32 to index
      %swap3A_202 = arith.index_cast %scan3A_136 : i32 to index
      %swap3A_203 = arith.constant 112 : index
      %swap3A_204 = tpu.vector_load %arg10[%swap3A_201, %swap3A_202, %swap3A_203] {strides = array<i32>} : memref<3x64x128xf32, #tpu.memory_space<vmem>>, vector<1x1x16xf32>,
      %swap3A_205 = vector.shape_cast %swap3A_204 : vector<1x1x16xf32> to vector<16xf32>
      %swap3A_206 = vector.shape_cast %broadcast_in_dim3A_199 : vector<16xf32> to vector<1x1x16xf32>
      tpu.vector_store %arg10[%swap3A_201, %swap3A_202, %swap3A_203], %swap3A_206 {strides = array<i32>} : memref<3x64x128xf32, #tpu.memory_space<vmem>>, vector<1x1x16xf32>,
    }
    %scan3A_5 = arith.constant 64 : i32
    %scan3A_6 = arith.constant 0 : i32
    %scan3A_7 = arith.constant 0 : i32
    %scan3A_8 = arith.constant 9 : i32
    %scan3A_9 = arith.addi %scan3A_7, %scan3A_8 : i32
    %scan3A_10 = arith.constant 1 : i32
    scf.for %scan3A_136 = %scan3A_7 to %scan3A_9 step %scan3A_10  : i32 {
      %mul3A_137 = arith.constant 632 : i32
      %mul3A_138 = arith.muli %arg1, %mul3A_137 : i32
      %mul3A_139 = arith.constant 64 : i32
      %mul3A_140 = arith.muli %scan3A_136, %mul3A_139 : i32
      %add3A_141 = arith.addi %mul3A_138, %mul3A_140 : i32
      %run_scoped3A_142 = arith.constant 0 : i32
      "tpu.region"() ({
        %run_scoped3A_143 = tpu.sem_alloc : memref<!tpu.dma_semaphore, #tpu.memory_space<semaphore_mem>>
        %dma_start3A_144 = arith.constant 0 : i32
        %dma_start3A_145 = arith.constant 0 : i32
        %dma_start3A_146 = tpu.memref_slice %arg10[%run_scoped3A_142, %dma_start3A_144, %dma_start3A_145] : memref<3x64x128xf32, #tpu.memory_space<vmem>> -> memref<1x64x128xf32, #tpu.memory_space<vmem>>
        %dma_start3A_147 = tpu.memref_squeeze %dma_start3A_146 : memref<1x64x128xf32, #tpu.memory_space<vmem>> -> memref<64x128xf32, #tpu.memory_space<vmem>>
        %dma_start3A_148 = arith.constant 0 : i32
        %dma_start3A_149 = tpu.memref_slice %arg11[%add3A_141, %dma_start3A_148] : memref<10112x128xf32, #tpu.memory_space<vmem_shared>> -> memref<64x128xf32, #tpu.memory_space<vmem_shared>>
        %dma_start3A_150 = arith.constant 0 : i32
        %dma_start3A_151 = tpu.memref_slice %arg11[%add3A_141, %dma_start3A_150] : memref<10112x128xf32, #tpu.memory_space<vmem_shared>> -> memref<64x128xf32, #tpu.memory_space<vmem_shared>>
        %dma_start3A_152 = arith.constant 0 : i32
        %dma_start3A_153 = arith.constant 0 : i32
        %dma_start3A_154 = tpu.memref_slice %arg10[%run_scoped3A_142, %dma_start3A_152, %dma_start3A_153] : memref<3x64x128xf32, #tpu.memory_space<vmem>> -> memref<1x64x128xf32, #tpu.memory_space<vmem>>
        %dma_start3A_155 = tpu.memref_squeeze %dma_start3A_154 : memref<1x64x128xf32, #tpu.memory_space<vmem>> -> memref<64x128xf32, #tpu.memory_space<vmem>>
        tpu.enqueue_dma source(%dma_start3A_155 : memref<64x128xf32, #tpu.memory_space<vmem>>) target(%dma_start3A_151 : memref<64x128xf32, #tpu.memory_space<vmem_shared>>) target_semaphore(%run_scoped3A_143 : memref<!tpu.dma_semaphore, #tpu.memory_space<semaphore_mem>>)
        %dma_wait3A = arith.constant 0 : i32
        %dma_wait3A_156 = arith.constant 0 : i32
        %dma_wait3A_157 = tpu.memref_slice %arg10[%run_scoped3A_142, %dma_wait3A, %dma_wait3A_156] : memref<3x64x128xf32, #tpu.memory_space<vmem>> -> memref<1x64x128xf32, #tpu.memory_space<vmem>>
        %dma_wait3A_158 = tpu.memref_squeeze %dma_wait3A_157 : memref<1x64x128xf32, #tpu.memory_space<vmem>> -> memref<64x128xf32, #tpu.memory_space<vmem>>
        %dma_wait3A_159 = arith.constant 0 : i32
        %dma_wait3A_160 = tpu.memref_slice %arg11[%add3A_141, %dma_wait3A_159] : memref<10112x128xf32, #tpu.memory_space<vmem_shared>> -> memref<64x128xf32, #tpu.memory_space<vmem_shared>>
        %dma_wait3A_161 = arith.constant 0 : i32
        %dma_wait3A_162 = tpu.memref_slice %arg11[%add3A_141, %dma_wait3A_161] : memref<10112x128xf32, #tpu.memory_space<vmem_shared>> -> memref<64x128xf32, #tpu.memory_space<vmem_shared>>
        %dma_wait3A_163 = arith.constant 0 : i32
        %dma_wait3A_164 = arith.constant 0 : i32
        %dma_wait3A_165 = tpu.memref_slice %arg10[%run_scoped3A_142, %dma_wait3A_163, %dma_wait3A_164] : memref<3x64x128xf32, #tpu.memory_space<vmem>> -> memref<1x64x128xf32, #tpu.memory_space<vmem>>
        %dma_wait3A_166 = tpu.memref_squeeze %dma_wait3A_165 : memref<1x64x128xf32, #tpu.memory_space<vmem>> -> memref<64x128xf32, #tpu.memory_space<vmem>>
        tpu.wait_dma2 semaphore(%run_scoped3A_143 : memref<!tpu.dma_semaphore, #tpu.memory_space<semaphore_mem>>) src(%dma_wait3A_166 : memref<64x128xf32, #tpu.memory_space<vmem>>) dst(%dma_wait3A_162 : memref<64x128xf32, #tpu.memory_space<vmem_shared>>)
        tpu.yield
      }) : () -> ()
    }
    %scan3A_11 = arith.constant 9 : i32
    %scan3A_12 = arith.constant 0 : i32
    %scan3A_13 = arith.constant 0 : i32
    %scan3A_14 = arith.constant 7 : i32
    %scan3A_15 = arith.addi %scan3A_13, %scan3A_14 : i32
    %scan3A_16 = arith.constant 1 : i32
    scf.for %scan3A_136 = %scan3A_13 to %scan3A_15 step %scan3A_16  : i32 {
      %mul3A_137 = arith.constant 632 : i32
      %mul3A_138 = arith.muli %arg1, %mul3A_137 : i32
      %add3A_139 = arith.constant 576 : i32
      %add3A_140 = arith.addi %mul3A_138, %add3A_139 : i32
      %mul3A_141 = arith.constant 8 : i32
      %mul3A_142 = arith.muli %scan3A_136, %mul3A_141 : i32
      %add3A_143 = arith.addi %add3A_140, %mul3A_142 : i32
      %run_scoped3A_144 = arith.constant 0 : i32
      "tpu.region"() ({
        %run_scoped3A_145 = tpu.sem_alloc : memref<!tpu.dma_semaphore, #tpu.memory_space<semaphore_mem>>
        %dma_start3A_146 = arith.constant 0 : i32
        %dma_start3A_147 = arith.constant 0 : i32
        %dma_start3A_148 = tpu.memref_slice %arg10[%run_scoped3A_144, %dma_start3A_146, %dma_start3A_147] : memref<3x64x128xf32, #tpu.memory_space<vmem>> -> memref<1x8x128xf32, #tpu.memory_space<vmem>>
        %dma_start3A_149 = tpu.memref_squeeze %dma_start3A_148 : memref<1x8x128xf32, #tpu.memory_space<vmem>> -> memref<8x128xf32, #tpu.memory_space<vmem>>
        %dma_start3A_150 = arith.constant 0 : i32
        %dma_start3A_151 = tpu.memref_slice %arg11[%add3A_143, %dma_start3A_150] : memref<10112x128xf32, #tpu.memory_space<vmem_shared>> -> memref<8x128xf32, #tpu.memory_space<vmem_shared>>
        %dma_start3A_152 = arith.constant 0 : i32
        %dma_start3A_153 = tpu.memref_slice %arg11[%add3A_143, %dma_start3A_152] : memref<10112x128xf32, #tpu.memory_space<vmem_shared>> -> memref<8x128xf32, #tpu.memory_space<vmem_shared>>
        %dma_start3A_154 = arith.constant 0 : i32
        %dma_start3A_155 = arith.constant 0 : i32
        %dma_start3A_156 = tpu.memref_slice %arg10[%run_scoped3A_144, %dma_start3A_154, %dma_start3A_155] : memref<3x64x128xf32, #tpu.memory_space<vmem>> -> memref<1x8x128xf32, #tpu.memory_space<vmem>>
        %dma_start3A_157 = tpu.memref_squeeze %dma_start3A_156 : memref<1x8x128xf32, #tpu.memory_space<vmem>> -> memref<8x128xf32, #tpu.memory_space<vmem>>
        tpu.enqueue_dma source(%dma_start3A_157 : memref<8x128xf32, #tpu.memory_space<vmem>>) target(%dma_start3A_153 : memref<8x128xf32, #tpu.memory_space<vmem_shared>>) target_semaphore(%run_scoped3A_145 : memref<!tpu.dma_semaphore, #tpu.memory_space<semaphore_mem>>)
        %dma_wait3A = arith.constant 0 : i32
        %dma_wait3A_158 = arith.constant 0 : i32
        %dma_wait3A_159 = tpu.memref_slice %arg10[%run_scoped3A_144, %dma_wait3A, %dma_wait3A_158] : memref<3x64x128xf32, #tpu.memory_space<vmem>> -> memref<1x8x128xf32, #tpu.memory_space<vmem>>
        %dma_wait3A_160 = tpu.memref_squeeze %dma_wait3A_159 : memref<1x8x128xf32, #tpu.memory_space<vmem>> -> memref<8x128xf32, #tpu.memory_space<vmem>>
        %dma_wait3A_161 = arith.constant 0 : i32
        %dma_wait3A_162 = tpu.memref_slice %arg11[%add3A_143, %dma_wait3A_161] : memref<10112x128xf32, #tpu.memory_space<vmem_shared>> -> memref<8x128xf32, #tpu.memory_space<vmem_shared>>
        %dma_wait3A_163 = arith.constant 0 : i32
        %dma_wait3A_164 = tpu.memref_slice %arg11[%add3A_143, %dma_wait3A_163] : memref<10112x128xf32, #tpu.memory_space<vmem_shared>> -> memref<8x128xf32, #tpu.memory_space<vmem_shared>>
        %dma_wait3A_165 = arith.constant 0 : i32
        %dma_wait3A_166 = arith.constant 0 : i32
        %dma_wait3A_167 = tpu.memref_slice %arg10[%run_scoped3A_144, %dma_wait3A_165, %dma_wait3A_166] : memref<3x64x128xf32, #tpu.memory_space<vmem>> -> memref<1x8x128xf32, #tpu.memory_space<vmem>>
        %dma_wait3A_168 = tpu.memref_squeeze %dma_wait3A_167 : memref<1x8x128xf32, #tpu.memory_space<vmem>> -> memref<8x128xf32, #tpu.memory_space<vmem>>
        tpu.wait_dma2 semaphore(%run_scoped3A_145 : memref<!tpu.dma_semaphore, #tpu.memory_space<semaphore_mem>>) src(%dma_wait3A_168 : memref<8x128xf32, #tpu.memory_space<vmem>>) dst(%dma_wait3A_164 : memref<8x128xf32, #tpu.memory_space<vmem_shared>>)
        tpu.yield
      }) : () -> ()
    }
    %scan3A_17 = arith.constant 7 : i32
    %barrier3A = arith.constant 0 : index
    tpu.barrier barrier_id(%barrier3A)
    %run_scoped3A = arith.constant 0 : i32
    %run_scoped3A_18 = arith.constant 0 : i32
    "tpu.region"() ({
      %run_scoped3A_136 = tpu.sem_alloc : memref<!tpu.dma_semaphore, #tpu.memory_space<semaphore_mem>>
      %dma_start3A_137 = arith.constant 0 : i32
      %dma_start3A_138 = arith.constant 0 : i32
      %dma_start3A_139 = tpu.memref_slice %arg7[%run_scoped3A_18, %dma_start3A_137, %dma_start3A_138] : memref<4x1x64xi32, #tpu.memory_space<vmem>> -> memref<1x1x64xi32, #tpu.memory_space<vmem>>
      %dma_start3A_140 = tpu.memref_squeeze %dma_start3A_139 : memref<1x1x64xi32, #tpu.memory_space<vmem>> -> memref<1x64xi32, #tpu.memory_space<vmem>>
      %dma_start3A_141 = arith.constant 0 : i32
      %dma_start3A_142 = arith.constant 0 : i32
      %dma_start3A_143 = arith.constant 0 : i32
      %dma_start3A_144 = tpu.memref_slice %arg3[%add3A, %dma_start3A_141, %dma_start3A_142, %dma_start3A_143] : memref<32x160x1x64xi32, #tpu.memory_space<hbm>> -> memref<1x160x1x64xi32, #tpu.memory_space<hbm>>
      %dma_start3A_145 = tpu.memref_squeeze %dma_start3A_144 : memref<1x160x1x64xi32, #tpu.memory_space<hbm>> -> memref<160x1x64xi32, #tpu.memory_space<hbm>>
      %dma_start3A_146 = arith.constant 0 : i32
      %dma_start3A_147 = arith.constant 0 : i32
      %dma_start3A_148 = tpu.memref_slice %dma_start3A_145[%run_scoped3A, %dma_start3A_146, %dma_start3A_147] : memref<160x1x64xi32, #tpu.memory_space<hbm>> -> memref<1x1x64xi32, #tpu.memory_space<hbm>>
      %dma_start3A_149 = tpu.memref_squeeze %dma_start3A_148 : memref<1x1x64xi32, #tpu.memory_space<hbm>> -> memref<1x64xi32, #tpu.memory_space<hbm>>
      %dma_start3A_150 = arith.constant 0 : i32
      %dma_start3A_151 = arith.constant 0 : i32
      %dma_start3A_152 = tpu.memref_slice %arg7[%run_scoped3A_18, %dma_start3A_150, %dma_start3A_151] : memref<4x1x64xi32, #tpu.memory_space<vmem>> -> memref<1x1x64xi32, #tpu.memory_space<vmem>>
      %dma_start3A_153 = tpu.memref_squeeze %dma_start3A_152 : memref<1x1x64xi32, #tpu.memory_space<vmem>> -> memref<1x64xi32, #tpu.memory_space<vmem>>
      %dma_start3A_154 = arith.constant 0 : i32
      %dma_start3A_155 = arith.constant 0 : i32
      %dma_start3A_156 = arith.constant 0 : i32
      %dma_start3A_157 = tpu.memref_slice %arg3[%add3A, %dma_start3A_154, %dma_start3A_155, %dma_start3A_156] : memref<32x160x1x64xi32, #tpu.memory_space<hbm>> -> memref<1x160x1x64xi32, #tpu.memory_space<hbm>>
      %dma_start3A_158 = tpu.memref_squeeze %dma_start3A_157 : memref<1x160x1x64xi32, #tpu.memory_space<hbm>> -> memref<160x1x64xi32, #tpu.memory_space<hbm>>
      %dma_start3A_159 = arith.constant 0 : i32
      %dma_start3A_160 = arith.constant 0 : i32
      %dma_start3A_161 = tpu.memref_slice %dma_start3A_158[%run_scoped3A, %dma_start3A_159, %dma_start3A_160] : memref<160x1x64xi32, #tpu.memory_space<hbm>> -> memref<1x1x64xi32, #tpu.memory_space<hbm>>
      %dma_start3A_162 = tpu.memref_squeeze %dma_start3A_161 : memref<1x1x64xi32, #tpu.memory_space<hbm>> -> memref<1x64xi32, #tpu.memory_space<hbm>>
      tpu.enqueue_dma source(%dma_start3A_162 : memref<1x64xi32, #tpu.memory_space<hbm>>) target(%dma_start3A_153 : memref<1x64xi32, #tpu.memory_space<vmem>>) target_semaphore(%run_scoped3A_136 : memref<!tpu.dma_semaphore, #tpu.memory_space<semaphore_mem>>)
      %dma_wait3A = arith.constant 0 : i32
      %dma_wait3A_163 = arith.constant 0 : i32
      %dma_wait3A_164 = tpu.memref_slice %arg7[%run_scoped3A_18, %dma_wait3A, %dma_wait3A_163] : memref<4x1x64xi32, #tpu.memory_space<vmem>> -> memref<1x1x64xi32, #tpu.memory_space<vmem>>
      %dma_wait3A_165 = tpu.memref_squeeze %dma_wait3A_164 : memref<1x1x64xi32, #tpu.memory_space<vmem>> -> memref<1x64xi32, #tpu.memory_space<vmem>>
      %dma_wait3A_166 = arith.constant 0 : i32
      %dma_wait3A_167 = arith.constant 0 : i32
      %dma_wait3A_168 = arith.constant 0 : i32
      %dma_wait3A_169 = tpu.memref_slice %arg3[%add3A, %dma_wait3A_166, %dma_wait3A_167, %dma_wait3A_168] : memref<32x160x1x64xi32, #tpu.memory_space<hbm>> -> memref<1x160x1x64xi32, #tpu.memory_space<hbm>>
      %dma_wait3A_170 = tpu.memref_squeeze %dma_wait3A_169 : memref<1x160x1x64xi32, #tpu.memory_space<hbm>> -> memref<160x1x64xi32, #tpu.memory_space<hbm>>
      %dma_wait3A_171 = arith.constant 0 : i32
      %dma_wait3A_172 = arith.constant 0 : i32
      %dma_wait3A_173 = tpu.memref_slice %dma_wait3A_170[%run_scoped3A, %dma_wait3A_171, %dma_wait3A_172] : memref<160x1x64xi32, #tpu.memory_space<hbm>> -> memref<1x1x64xi32, #tpu.memory_space<hbm>>
      %dma_wait3A_174 = tpu.memref_squeeze %dma_wait3A_173 : memref<1x1x64xi32, #tpu.memory_space<hbm>> -> memref<1x64xi32, #tpu.memory_space<hbm>>
      %dma_wait3A_175 = arith.constant 0 : i32
      %dma_wait3A_176 = arith.constant 0 : i32
      %dma_wait3A_177 = tpu.memref_slice %arg7[%run_scoped3A_18, %dma_wait3A_175, %dma_wait3A_176] : memref<4x1x64xi32, #tpu.memory_space<vmem>> -> memref<1x1x64xi32, #tpu.memory_space<vmem>>
      %dma_wait3A_178 = tpu.memref_squeeze %dma_wait3A_177 : memref<1x1x64xi32, #tpu.memory_space<vmem>> -> memref<1x64xi32, #tpu.memory_space<vmem>>
      %dma_wait3A_179 = arith.constant 0 : i32
      %dma_wait3A_180 = arith.constant 0 : i32
      %dma_wait3A_181 = arith.constant 0 : i32
      %dma_wait3A_182 = tpu.memref_slice %arg3[%add3A, %dma_wait3A_179, %dma_wait3A_180, %dma_wait3A_181] : memref<32x160x1x64xi32, #tpu.memory_space<hbm>> -> memref<1x160x1x64xi32, #tpu.memory_space<hbm>>
      %dma_wait3A_183 = tpu.memref_squeeze %dma_wait3A_182 : memref<1x160x1x64xi32, #tpu.memory_space<hbm>> -> memref<160x1x64xi32, #tpu.memory_space<hbm>>
      %dma_wait3A_184 = arith.constant 0 : i32
      %dma_wait3A_185 = arith.constant 0 : i32
      %dma_wait3A_186 = tpu.memref_slice %dma_wait3A_183[%run_scoped3A, %dma_wait3A_184, %dma_wait3A_185] : memref<160x1x64xi32, #tpu.memory_space<hbm>> -> memref<1x1x64xi32, #tpu.memory_space<hbm>>
      %dma_wait3A_187 = tpu.memref_squeeze %dma_wait3A_186 : memref<1x1x64xi32, #tpu.memory_space<hbm>> -> memref<1x64xi32, #tpu.memory_space<hbm>>
      tpu.wait_dma2 semaphore(%run_scoped3A_136 : memref<!tpu.dma_semaphore, #tpu.memory_space<semaphore_mem>>) src(%dma_wait3A_187 : memref<1x64xi32, #tpu.memory_space<hbm>>) dst(%dma_wait3A_178 : memref<1x64xi32, #tpu.memory_space<vmem>>)
      tpu.yield
    }) : () -> ()
    %run_scoped3A_19 = arith.constant 0 : i32
    %run_scoped3A_20 = arith.constant 0 : i32
    "tpu.region"() ({
      %run_scoped3A_136 = tpu.sem_alloc : memref<!tpu.dma_semaphore, #tpu.memory_space<semaphore_mem>>
      %dma_start3A_137 = arith.constant 0 : i32
      %dma_start3A_138 = arith.constant 0 : i32
      %dma_start3A_139 = tpu.memref_slice %arg8[%run_scoped3A_20, %dma_start3A_137, %dma_start3A_138] : memref<4x1x64xi32, #tpu.memory_space<vmem>> -> memref<1x1x64xi32, #tpu.memory_space<vmem>>
      %dma_start3A_140 = tpu.memref_squeeze %dma_start3A_139 : memref<1x1x64xi32, #tpu.memory_space<vmem>> -> memref<1x64xi32, #tpu.memory_space<vmem>>
      %dma_start3A_141 = arith.constant 0 : i32
      %dma_start3A_142 = arith.constant 0 : i32
      %dma_start3A_143 = arith.constant 0 : i32
      %dma_start3A_144 = tpu.memref_slice %arg4[%add3A, %dma_start3A_141, %dma_start3A_142, %dma_start3A_143] : memref<32x160x1x64xi32, #tpu.memory_space<hbm>> -> memref<1x160x1x64xi32, #tpu.memory_space<hbm>>
      %dma_start3A_145 = tpu.memref_squeeze %dma_start3A_144 : memref<1x160x1x64xi32, #tpu.memory_space<hbm>> -> memref<160x1x64xi32, #tpu.memory_space<hbm>>
      %dma_start3A_146 = arith.constant 0 : i32
      %dma_start3A_147 = arith.constant 0 : i32
      %dma_start3A_148 = tpu.memref_slice %dma_start3A_145[%run_scoped3A_19, %dma_start3A_146, %dma_start3A_147] : memref<160x1x64xi32, #tpu.memory_space<hbm>> -> memref<1x1x64xi32, #tpu.memory_space<hbm>>
      %dma_start3A_149 = tpu.memref_squeeze %dma_start3A_148 : memref<1x1x64xi32, #tpu.memory_space<hbm>> -> memref<1x64xi32, #tpu.memory_space<hbm>>
      %dma_start3A_150 = arith.constant 0 : i32
      %dma_start3A_151 = arith.constant 0 : i32
      %dma_start3A_152 = tpu.memref_slice %arg8[%run_scoped3A_20, %dma_start3A_150, %dma_start3A_151] : memref<4x1x64xi32, #tpu.memory_space<vmem>> -> memref<1x1x64xi32, #tpu.memory_space<vmem>>
      %dma_start3A_153 = tpu.memref_squeeze %dma_start3A_152 : memref<1x1x64xi32, #tpu.memory_space<vmem>> -> memref<1x64xi32, #tpu.memory_space<vmem>>
      %dma_start3A_154 = arith.constant 0 : i32
      %dma_start3A_155 = arith.constant 0 : i32
      %dma_start3A_156 = arith.constant 0 : i32
      %dma_start3A_157 = tpu.memref_slice %arg4[%add3A, %dma_start3A_154, %dma_start3A_155, %dma_start3A_156] : memref<32x160x1x64xi32, #tpu.memory_space<hbm>> -> memref<1x160x1x64xi32, #tpu.memory_space<hbm>>
      %dma_start3A_158 = tpu.memref_squeeze %dma_start3A_157 : memref<1x160x1x64xi32, #tpu.memory_space<hbm>> -> memref<160x1x64xi32, #tpu.memory_space<hbm>>
      %dma_start3A_159 = arith.constant 0 : i32
      %dma_start3A_160 = arith.constant 0 : i32
      %dma_start3A_161 = tpu.memref_slice %dma_start3A_158[%run_scoped3A_19, %dma_start3A_159, %dma_start3A_160] : memref<160x1x64xi32, #tpu.memory_space<hbm>> -> memref<1x1x64xi32, #tpu.memory_space<hbm>>
      %dma_start3A_162 = tpu.memref_squeeze %dma_start3A_161 : memref<1x1x64xi32, #tpu.memory_space<hbm>> -> memref<1x64xi32, #tpu.memory_space<hbm>>
      tpu.enqueue_dma source(%dma_start3A_162 : memref<1x64xi32, #tpu.memory_space<hbm>>) target(%dma_start3A_153 : memref<1x64xi32, #tpu.memory_space<vmem>>) target_semaphore(%run_scoped3A_136 : memref<!tpu.dma_semaphore, #tpu.memory_space<semaphore_mem>>)
      %dma_wait3A = arith.constant 0 : i32
      %dma_wait3A_163 = arith.constant 0 : i32
      %dma_wait3A_164 = tpu.memref_slice %arg8[%run_scoped3A_20, %dma_wait3A, %dma_wait3A_163] : memref<4x1x64xi32, #tpu.memory_space<vmem>> -> memref<1x1x64xi32, #tpu.memory_space<vmem>>
      %dma_wait3A_165 = tpu.memref_squeeze %dma_wait3A_164 : memref<1x1x64xi32, #tpu.memory_space<vmem>> -> memref<1x64xi32, #tpu.memory_space<vmem>>
      %dma_wait3A_166 = arith.constant 0 : i32
      %dma_wait3A_167 = arith.constant 0 : i32
      %dma_wait3A_168 = arith.constant 0 : i32
      %dma_wait3A_169 = tpu.memref_slice %arg4[%add3A, %dma_wait3A_166, %dma_wait3A_167, %dma_wait3A_168] : memref<32x160x1x64xi32, #tpu.memory_space<hbm>> -> memref<1x160x1x64xi32, #tpu.memory_space<hbm>>
      %dma_wait3A_170 = tpu.memref_squeeze %dma_wait3A_169 : memref<1x160x1x64xi32, #tpu.memory_space<hbm>> -> memref<160x1x64xi32, #tpu.memory_space<hbm>>
      %dma_wait3A_171 = arith.constant 0 : i32
      %dma_wait3A_172 = arith.constant 0 : i32
      %dma_wait3A_173 = tpu.memref_slice %dma_wait3A_170[%run_scoped3A_19, %dma_wait3A_171, %dma_wait3A_172] : memref<160x1x64xi32, #tpu.memory_space<hbm>> -> memref<1x1x64xi32, #tpu.memory_space<hbm>>
      %dma_wait3A_174 = tpu.memref_squeeze %dma_wait3A_173 : memref<1x1x64xi32, #tpu.memory_space<hbm>> -> memref<1x64xi32, #tpu.memory_space<hbm>>
      %dma_wait3A_175 = arith.constant 0 : i32
      %dma_wait3A_176 = arith.constant 0 : i32
      %dma_wait3A_177 = tpu.memref_slice %arg8[%run_scoped3A_20, %dma_wait3A_175, %dma_wait3A_176] : memref<4x1x64xi32, #tpu.memory_space<vmem>> -> memref<1x1x64xi32, #tpu.memory_space<vmem>>
      %dma_wait3A_178 = tpu.memref_squeeze %dma_wait3A_177 : memref<1x1x64xi32, #tpu.memory_space<vmem>> -> memref<1x64xi32, #tpu.memory_space<vmem>>
      %dma_wait3A_179 = arith.constant 0 : i32
      %dma_wait3A_180 = arith.constant 0 : i32
      %dma_wait3A_181 = arith.constant 0 : i32
      %dma_wait3A_182 = tpu.memref_slice %arg4[%add3A, %dma_wait3A_179, %dma_wait3A_180, %dma_wait3A_181] : memref<32x160x1x64xi32, #tpu.memory_space<hbm>> -> memref<1x160x1x64xi32, #tpu.memory_space<hbm>>
      %dma_wait3A_183 = tpu.memref_squeeze %dma_wait3A_182 : memref<1x160x1x64xi32, #tpu.memory_space<hbm>> -> memref<160x1x64xi32, #tpu.memory_space<hbm>>
      %dma_wait3A_184 = arith.constant 0 : i32
      %dma_wait3A_185 = arith.constant 0 : i32
      %dma_wait3A_186 = tpu.memref_slice %dma_wait3A_183[%run_scoped3A_19, %dma_wait3A_184, %dma_wait3A_185] : memref<160x1x64xi32, #tpu.memory_space<hbm>> -> memref<1x1x64xi32, #tpu.memory_space<hbm>>
      %dma_wait3A_187 = tpu.memref_squeeze %dma_wait3A_186 : memref<1x1x64xi32, #tpu.memory_space<hbm>> -> memref<1x64xi32, #tpu.memory_space<hbm>>
      tpu.wait_dma2 semaphore(%run_scoped3A_136 : memref<!tpu.dma_semaphore, #tpu.memory_space<semaphore_mem>>) src(%dma_wait3A_187 : memref<1x64xi32, #tpu.memory_space<hbm>>) dst(%dma_wait3A_178 : memref<1x64xi32, #tpu.memory_space<vmem>>)
      tpu.yield
    }) : () -> ()
    %run_scoped3A_21 = arith.constant 0 : i32
    %run_scoped3A_22 = arith.constant 0 : i32
    "tpu.region"() ({
      %run_scoped3A_136 = tpu.sem_alloc : memref<!tpu.dma_semaphore, #tpu.memory_space<semaphore_mem>>
      %dma_start3A_137 = arith.constant 0 : i32
      %dma_start3A_138 = arith.constant 0 : i32
      %dma_start3A_139 = tpu.memref_slice %arg9[%run_scoped3A_22, %dma_start3A_137, %dma_start3A_138] : memref<3x64x16xf32, #tpu.memory_space<vmem>> -> memref<1x64x16xf32, #tpu.memory_space<vmem>>
      %dma_start3A_140 = tpu.memref_squeeze %dma_start3A_139 : memref<1x64x16xf32, #tpu.memory_space<vmem>> -> memref<64x16xf32, #tpu.memory_space<vmem>>
      %dma_start3A_141 = arith.constant 0 : i32
      %dma_start3A_142 = arith.constant 0 : i32
      %dma_start3A_143 = arith.constant 0 : i32
      %dma_start3A_144 = tpu.memref_slice %arg5[%add3A, %dma_start3A_141, %dma_start3A_142, %dma_start3A_143] : memref<32x160x64x16xf32, #tpu.memory_space<hbm>> -> memref<1x160x64x16xf32, #tpu.memory_space<hbm>>
      %dma_start3A_145 = tpu.memref_squeeze %dma_start3A_144 : memref<1x160x64x16xf32, #tpu.memory_space<hbm>> -> memref<160x64x16xf32, #tpu.memory_space<hbm>>
      %dma_start3A_146 = arith.constant 0 : i32
      %dma_start3A_147 = arith.constant 0 : i32
      %dma_start3A_148 = tpu.memref_slice %dma_start3A_145[%run_scoped3A_21, %dma_start3A_146, %dma_start3A_147] : memref<160x64x16xf32, #tpu.memory_space<hbm>> -> memref<1x64x16xf32, #tpu.memory_space<hbm>>
      %dma_start3A_149 = tpu.memref_squeeze %dma_start3A_148 : memref<1x64x16xf32, #tpu.memory_space<hbm>> -> memref<64x16xf32, #tpu.memory_space<hbm>>
      %dma_start3A_150 = arith.constant 0 : i32
      %dma_start3A_151 = arith.constant 0 : i32
      %dma_start3A_152 = tpu.memref_slice %arg9[%run_scoped3A_22, %dma_start3A_150, %dma_start3A_151] : memref<3x64x16xf32, #tpu.memory_space<vmem>> -> memref<1x64x16xf32, #tpu.memory_space<vmem>>
      %dma_start3A_153 = tpu.memref_squeeze %dma_start3A_152 : memref<1x64x16xf32, #tpu.memory_space<vmem>> -> memref<64x16xf32, #tpu.memory_space<vmem>>
      %dma_start3A_154 = arith.constant 0 : i32
      %dma_start3A_155 = arith.constant 0 : i32
      %dma_start3A_156 = arith.constant 0 : i32
      %dma_start3A_157 = tpu.memref_slice %arg5[%add3A, %dma_start3A_154, %dma_start3A_155, %dma_start3A_156] : memref<32x160x64x16xf32, #tpu.memory_space<hbm>> -> memref<1x160x64x16xf32, #tpu.memory_space<hbm>>
      %dma_start3A_158 = tpu.memref_squeeze %dma_start3A_157 : memref<1x160x64x16xf32, #tpu.memory_space<hbm>> -> memref<160x64x16xf32, #tpu.memory_space<hbm>>
      %dma_start3A_159 = arith.constant 0 : i32
      %dma_start3A_160 = arith.constant 0 : i32
      %dma_start3A_161 = tpu.memref_slice %dma_start3A_158[%run_scoped3A_21, %dma_start3A_159, %dma_start3A_160] : memref<160x64x16xf32, #tpu.memory_space<hbm>> -> memref<1x64x16xf32, #tpu.memory_space<hbm>>
      %dma_start3A_162 = tpu.memref_squeeze %dma_start3A_161 : memref<1x64x16xf32, #tpu.memory_space<hbm>> -> memref<64x16xf32, #tpu.memory_space<hbm>>
      tpu.enqueue_dma source(%dma_start3A_162 : memref<64x16xf32, #tpu.memory_space<hbm>>) target(%dma_start3A_153 : memref<64x16xf32, #tpu.memory_space<vmem>>) target_semaphore(%run_scoped3A_136 : memref<!tpu.dma_semaphore, #tpu.memory_space<semaphore_mem>>)
      %dma_wait3A = arith.constant 0 : i32
      %dma_wait3A_163 = arith.constant 0 : i32
      %dma_wait3A_164 = tpu.memref_slice %arg9[%run_scoped3A_22, %dma_wait3A, %dma_wait3A_163] : memref<3x64x16xf32, #tpu.memory_space<vmem>> -> memref<1x64x16xf32, #tpu.memory_space<vmem>>
      %dma_wait3A_165 = tpu.memref_squeeze %dma_wait3A_164 : memref<1x64x16xf32, #tpu.memory_space<vmem>> -> memref<64x16xf32, #tpu.memory_space<vmem>>
      %dma_wait3A_166 = arith.constant 0 : i32
      %dma_wait3A_167 = arith.constant 0 : i32
      %dma_wait3A_168 = arith.constant 0 : i32
      %dma_wait3A_169 = tpu.memref_slice %arg5[%add3A, %dma_wait3A_166, %dma_wait3A_167, %dma_wait3A_168] : memref<32x160x64x16xf32, #tpu.memory_space<hbm>> -> memref<1x160x64x16xf32, #tpu.memory_space<hbm>>
      %dma_wait3A_170 = tpu.memref_squeeze %dma_wait3A_169 : memref<1x160x64x16xf32, #tpu.memory_space<hbm>> -> memref<160x64x16xf32, #tpu.memory_space<hbm>>
      %dma_wait3A_171 = arith.constant 0 : i32
      %dma_wait3A_172 = arith.constant 0 : i32
      %dma_wait3A_173 = tpu.memref_slice %dma_wait3A_170[%run_scoped3A_21, %dma_wait3A_171, %dma_wait3A_172] : memref<160x64x16xf32, #tpu.memory_space<hbm>> -> memref<1x64x16xf32, #tpu.memory_space<hbm>>
      %dma_wait3A_174 = tpu.memref_squeeze %dma_wait3A_173 : memref<1x64x16xf32, #tpu.memory_space<hbm>> -> memref<64x16xf32, #tpu.memory_space<hbm>>
      %dma_wait3A_175 = arith.constant 0 : i32
      %dma_wait3A_176 = arith.constant 0 : i32
      %dma_wait3A_177 = tpu.memref_slice %arg9[%run_scoped3A_22, %dma_wait3A_175, %dma_wait3A_176] : memref<3x64x16xf32, #tpu.memory_space<vmem>> -> memref<1x64x16xf32, #tpu.memory_space<vmem>>
      %dma_wait3A_178 = tpu.memref_squeeze %dma_wait3A_177 : memref<1x64x16xf32, #tpu.memory_space<vmem>> -> memref<64x16xf32, #tpu.memory_space<vmem>>
      %dma_wait3A_179 = arith.constant 0 : i32
      %dma_wait3A_180 = arith.constant 0 : i32
      %dma_wait3A_181 = arith.constant 0 : i32
      %dma_wait3A_182 = tpu.memref_slice %arg5[%add3A, %dma_wait3A_179, %dma_wait3A_180, %dma_wait3A_181] : memref<32x160x64x16xf32, #tpu.memory_space<hbm>> -> memref<1x160x64x16xf32, #tpu.memory_space<hbm>>
      %dma_wait3A_183 = tpu.memref_squeeze %dma_wait3A_182 : memref<1x160x64x16xf32, #tpu.memory_space<hbm>> -> memref<160x64x16xf32, #tpu.memory_space<hbm>>
      %dma_wait3A_184 = arith.constant 0 : i32
      %dma_wait3A_185 = arith.constant 0 : i32
      %dma_wait3A_186 = tpu.memref_slice %dma_wait3A_183[%run_scoped3A_21, %dma_wait3A_184, %dma_wait3A_185] : memref<160x64x16xf32, #tpu.memory_space<hbm>> -> memref<1x64x16xf32, #tpu.memory_space<hbm>>
      %dma_wait3A_187 = tpu.memref_squeeze %dma_wait3A_186 : memref<1x64x16xf32, #tpu.memory_space<hbm>> -> memref<64x16xf32, #tpu.memory_space<hbm>>
      tpu.wait_dma2 semaphore(%run_scoped3A_136 : memref<!tpu.dma_semaphore, #tpu.memory_space<semaphore_mem>>) src(%dma_wait3A_187 : memref<64x16xf32, #tpu.memory_space<hbm>>) dst(%dma_wait3A_178 : memref<64x16xf32, #tpu.memory_space<vmem>>)
      tpu.yield
    }) : () -> ()
    %dma_start3A = arith.constant 0 : i32
    %dma_start3A_23 = arith.constant 0 : i32
    %dma_start3A_24 = arith.constant 0 : i32
    %dma_start3A_25 = arith.constant 0 : i32
    %dma_start3A_26 = arith.constant 0 : i32
    %dma_start3A_27 = tpu.memref_slice %arg10[%dma_start3A_24, %dma_start3A_25, %dma_start3A_26] : memref<3x64x128xf32, #tpu.memory_space<vmem>> -> memref<1x64x128xf32, #tpu.memory_space<vmem>>
    %dma_start3A_28 = tpu.memref_squeeze %dma_start3A_27 : memref<1x64x128xf32, #tpu.memory_space<vmem>> -> memref<64x128xf32, #tpu.memory_space<vmem>>
    %dma_start3A_29 = arith.constant 0 : i32
    %dma_start3A_30 = tpu.memref_slice %arg7[%dma_start3A, %dma_start3A_23, %dma_start3A_29] : memref<4x1x64xi32, #tpu.memory_space<vmem>> -> memref<1x1x64xi32, #tpu.memory_space<vmem>>
    %dma_start3A_31 = tpu.memref_squeeze %dma_start3A_30 : memref<1x1x64xi32, #tpu.memory_space<vmem>> -> memref<64xi32, #tpu.memory_space<vmem>>
    %dma_start3A_32 = arith.constant 0 : i32
    %dma_start3A_33 = arith.constant 0 : i32
    %dma_start3A_34 = tpu.memref_slice %arg2[%dma_start3A_32, %dma_start3A_33] : memref<10000x128xf32, #tpu.memory_space<hbm>> -> memref<10000x128xf32, #tpu.memory_space<hbm>>
    tpu.enqueue_indirect_dma source(%dma_start3A_34 : memref<10000x128xf32, #tpu.memory_space<hbm>>) target(%dma_start3A_28 : memref<64x128xf32, #tpu.memory_space<vmem>>) offsets(%dma_start3A_31 : memref<64xi32, #tpu.memory_space<vmem>>) semaphore(%arg13 : memref<!tpu.dma_semaphore, #tpu.memory_space<semaphore_mem>>)
    %dma_start3A_35 = arith.constant 1 : i32
    %dma_start3A_36 = arith.constant 1 : i32
    %dma_start3A_37 = arith.constant 0 : i32
    %dma_start3A_38 = arith.constant 0 : i32
    %dma_start3A_39 = tpu.memref_slice %arg7[%dma_start3A_36, %dma_start3A_37, %dma_start3A_38] : memref<4x1x64xi32, #tpu.memory_space<vmem>> -> memref<1x1x64xi32, #tpu.memory_space<vmem>>
    %dma_start3A_40 = tpu.memref_squeeze %dma_start3A_39 : memref<1x1x64xi32, #tpu.memory_space<vmem>> -> memref<1x64xi32, #tpu.memory_space<vmem>>
    %dma_start3A_41 = arith.constant 0 : i32
    %dma_start3A_42 = arith.constant 0 : i32
    %dma_start3A_43 = arith.constant 0 : i32
    %dma_start3A_44 = tpu.memref_slice %arg3[%add3A, %dma_start3A_41, %dma_start3A_42, %dma_start3A_43] : memref<32x160x1x64xi32, #tpu.memory_space<hbm>> -> memref<1x160x1x64xi32, #tpu.memory_space<hbm>>
    %dma_start3A_45 = tpu.memref_squeeze %dma_start3A_44 : memref<1x160x1x64xi32, #tpu.memory_space<hbm>> -> memref<160x1x64xi32, #tpu.memory_space<hbm>>
    %dma_start3A_46 = arith.constant 0 : i32
    %dma_start3A_47 = arith.constant 0 : i32
    %dma_start3A_48 = tpu.memref_slice %dma_start3A_45[%dma_start3A_35, %dma_start3A_46, %dma_start3A_47] : memref<160x1x64xi32, #tpu.memory_space<hbm>> -> memref<1x1x64xi32, #tpu.memory_space<hbm>>
    %dma_start3A_49 = tpu.memref_squeeze %dma_start3A_48 : memref<1x1x64xi32, #tpu.memory_space<hbm>> -> memref<1x64xi32, #tpu.memory_space<hbm>>
    %dma_start3A_50 = arith.constant 0 : i32
    %dma_start3A_51 = arith.constant 0 : i32
    %dma_start3A_52 = tpu.memref_slice %arg7[%dma_start3A_36, %dma_start3A_50, %dma_start3A_51] : memref<4x1x64xi32, #tpu.memory_space<vmem>> -> memref<1x1x64xi32, #tpu.memory_space<vmem>>
    %dma_start3A_53 = tpu.memref_squeeze %dma_start3A_52 : memref<1x1x64xi32, #tpu.memory_space<vmem>> -> memref<1x64xi32, #tpu.memory_space<vmem>>
    %dma_start3A_54 = arith.constant 0 : i32
    %dma_start3A_55 = arith.constant 0 : i32
    %dma_start3A_56 = arith.constant 0 : i32
    %dma_start3A_57 = tpu.memref_slice %arg3[%add3A, %dma_start3A_54, %dma_start3A_55, %dma_start3A_56] : memref<32x160x1x64xi32, #tpu.memory_space<hbm>> -> memref<1x160x1x64xi32, #tpu.memory_space<hbm>>
    %dma_start3A_58 = tpu.memref_squeeze %dma_start3A_57 : memref<1x160x1x64xi32, #tpu.memory_space<hbm>> -> memref<160x1x64xi32, #tpu.memory_space<hbm>>
    %dma_start3A_59 = arith.constant 0 : i32
    %dma_start3A_60 = arith.constant 0 : i32
    %dma_start3A_61 = tpu.memref_slice %dma_start3A_58[%dma_start3A_35, %dma_start3A_59, %dma_start3A_60] : memref<160x1x64xi32, #tpu.memory_space<hbm>> -> memref<1x1x64xi32, #tpu.memory_space<hbm>>
    %dma_start3A_62 = tpu.memref_squeeze %dma_start3A_61 : memref<1x1x64xi32, #tpu.memory_space<hbm>> -> memref<1x64xi32, #tpu.memory_space<hbm>>
    tpu.enqueue_dma source(%dma_start3A_62 : memref<1x64xi32, #tpu.memory_space<hbm>>) target(%dma_start3A_53 : memref<1x64xi32, #tpu.memory_space<vmem>>) target_semaphore(%arg12 : memref<!tpu.dma_semaphore, #tpu.memory_space<semaphore_mem>>)
    %dma_start3A_63 = arith.constant 1 : i32
    %dma_start3A_64 = arith.constant 1 : i32
    %dma_start3A_65 = arith.constant 0 : i32
    %dma_start3A_66 = arith.constant 0 : i32
    %dma_start3A_67 = tpu.memref_slice %arg8[%dma_start3A_64, %dma_start3A_65, %dma_start3A_66] : memref<4x1x64xi32, #tpu.memory_space<vmem>> -> memref<1x1x64xi32, #tpu.memory_space<vmem>>
    %dma_start3A_68 = tpu.memref_squeeze %dma_start3A_67 : memref<1x1x64xi32, #tpu.memory_space<vmem>> -> memref<1x64xi32, #tpu.memory_space<vmem>>
    %dma_start3A_69 = arith.constant 0 : i32
    %dma_start3A_70 = arith.constant 0 : i32
    %dma_start3A_71 = arith.constant 0 : i32
    %dma_start3A_72 = tpu.memref_slice %arg4[%add3A, %dma_start3A_69, %dma_start3A_70, %dma_start3A_71] : memref<32x160x1x64xi32, #tpu.memory_space<hbm>> -> memref<1x160x1x64xi32, #tpu.memory_space<hbm>>
    %dma_start3A_73 = tpu.memref_squeeze %dma_start3A_72 : memref<1x160x1x64xi32, #tpu.memory_space<hbm>> -> memref<160x1x64xi32, #tpu.memory_space<hbm>>
    %dma_start3A_74 = arith.constant 0 : i32
    %dma_start3A_75 = arith.constant 0 : i32
    %dma_start3A_76 = tpu.memref_slice %dma_start3A_73[%dma_start3A_63, %dma_start3A_74, %dma_start3A_75] : memref<160x1x64xi32, #tpu.memory_space<hbm>> -> memref<1x1x64xi32, #tpu.memory_space<hbm>>
    %dma_start3A_77 = tpu.memref_squeeze %dma_start3A_76 : memref<1x1x64xi32, #tpu.memory_space<hbm>> -> memref<1x64xi32, #tpu.memory_space<hbm>>
    %dma_start3A_78 = arith.constant 0 : i32
    %dma_start3A_79 = arith.constant 0 : i32
    %dma_start3A_80 = tpu.memref_slice %arg8[%dma_start3A_64, %dma_start3A_78, %dma_start3A_79] : memref<4x1x64xi32, #tpu.memory_space<vmem>> -> memref<1x1x64xi32, #tpu.memory_space<vmem>>
    %dma_start3A_81 = tpu.memref_squeeze %dma_start3A_80 : memref<1x1x64xi32, #tpu.memory_space<vmem>> -> memref<1x64xi32, #tpu.memory_space<vmem>>
    %dma_start3A_82 = arith.constant 0 : i32
    %dma_start3A_83 = arith.constant 0 : i32
    %dma_start3A_84 = arith.constant 0 : i32
    %dma_start3A_85 = tpu.memref_slice %arg4[%add3A, %dma_start3A_82, %dma_start3A_83, %dma_start3A_84] : memref<32x160x1x64xi32, #tpu.memory_space<hbm>> -> memref<1x160x1x64xi32, #tpu.memory_space<hbm>>
    %dma_start3A_86 = tpu.memref_squeeze %dma_start3A_85 : memref<1x160x1x64xi32, #tpu.memory_space<hbm>> -> memref<160x1x64xi32, #tpu.memory_space<hbm>>
    %dma_start3A_87 = arith.constant 0 : i32
    %dma_start3A_88 = arith.constant 0 : i32
    %dma_start3A_89 = tpu.memref_slice %dma_start3A_86[%dma_start3A_63, %dma_start3A_87, %dma_start3A_88] : memref<160x1x64xi32, #tpu.memory_space<hbm>> -> memref<1x1x64xi32, #tpu.memory_space<hbm>>
    %dma_start3A_90 = tpu.memref_squeeze %dma_start3A_89 : memref<1x1x64xi32, #tpu.memory_space<hbm>> -> memref<1x64xi32, #tpu.memory_space<hbm>>
    tpu.enqueue_dma source(%dma_start3A_90 : memref<1x64xi32, #tpu.memory_space<hbm>>) target(%dma_start3A_81 : memref<1x64xi32, #tpu.memory_space<vmem>>) target_semaphore(%arg12 : memref<!tpu.dma_semaphore, #tpu.memory_space<semaphore_mem>>)
    %dma_start3A_91 = arith.constant 1 : i32
    %dma_start3A_92 = arith.constant 1 : i32
    %dma_start3A_93 = arith.constant 0 : i32
    %dma_start3A_94 = arith.constant 0 : i32
    %dma_start3A_95 = tpu.memref_slice %arg9[%dma_start3A_92, %dma_start3A_93, %dma_start3A_94] : memref<3x64x16xf32, #tpu.memory_space<vmem>> -> memref<1x64x16xf32, #tpu.memory_space<vmem>>
    %dma_start3A_96 = tpu.memref_squeeze %dma_start3A_95 : memref<1x64x16xf32, #tpu.memory_space<vmem>> -> memref<64x16xf32, #tpu.memory_space<vmem>>
    %dma_start3A_97 = arith.constant 0 : i32
    %dma_start3A_98 = arith.constant 0 : i32
    %dma_start3A_99 = arith.constant 0 : i32
    %dma_start3A_100 = tpu.memref_slice %arg5[%add3A, %dma_start3A_97, %dma_start3A_98, %dma_start3A_99] : memref<32x160x64x16xf32, #tpu.memory_space<hbm>> -> memref<1x160x64x16xf32, #tpu.memory_space<hbm>>
    %dma_start3A_101 = tpu.memref_squeeze %dma_start3A_100 : memref<1x160x64x16xf32, #tpu.memory_space<hbm>> -> memref<160x64x16xf32, #tpu.memory_space<hbm>>
    %dma_start3A_102 = arith.constant 0 : i32
    %dma_start3A_103 = arith.constant 0 : i32
    %dma_start3A_104 = tpu.memref_slice %dma_start3A_101[%dma_start3A_91, %dma_start3A_102, %dma_start3A_103] : memref<160x64x16xf32, #tpu.memory_space<hbm>> -> memref<1x64x16xf32, #tpu.memory_space<hbm>>
    %dma_start3A_105 = tpu.memref_squeeze %dma_start3A_104 : memref<1x64x16xf32, #tpu.memory_space<hbm>> -> memref<64x16xf32, #tpu.memory_space<hbm>>
    %dma_start3A_106 = arith.constant 0 : i32
    %dma_start3A_107 = arith.constant 0 : i32
    %dma_start3A_108 = tpu.memref_slice %arg9[%dma_start3A_92, %dma_start3A_106, %dma_start3A_107] : memref<3x64x16xf32, #tpu.memory_space<vmem>> -> memref<1x64x16xf32, #tpu.memory_space<vmem>>
    %dma_start3A_109 = tpu.memref_squeeze %dma_start3A_108 : memref<1x64x16xf32, #tpu.memory_space<vmem>> -> memref<64x16xf32, #tpu.memory_space<vmem>>
    %dma_start3A_110 = arith.constant 0 : i32
    %dma_start3A_111 = arith.constant 0 : i32
    %dma_start3A_112 = arith.constant 0 : i32
    %dma_start3A_113 = tpu.memref_slice %arg5[%add3A, %dma_start3A_110, %dma_start3A_111, %dma_start3A_112] : memref<32x160x64x16xf32, #tpu.memory_space<hbm>> -> memref<1x160x64x16xf32, #tpu.memory_space<hbm>>
    %dma_start3A_114 = tpu.memref_squeeze %dma_start3A_113 : memref<1x160x64x16xf32, #tpu.memory_space<hbm>> -> memref<160x64x16xf32, #tpu.memory_space<hbm>>
    %dma_start3A_115 = arith.constant 0 : i32
    %dma_start3A_116 = arith.constant 0 : i32
    %dma_start3A_117 = tpu.memref_slice %dma_start3A_114[%dma_start3A_91, %dma_start3A_115, %dma_start3A_116] : memref<160x64x16xf32, #tpu.memory_space<hbm>> -> memref<1x64x16xf32, #tpu.memory_space<hbm>>
    %dma_start3A_118 = tpu.memref_squeeze %dma_start3A_117 : memref<1x64x16xf32, #tpu.memory_space<hbm>> -> memref<64x16xf32, #tpu.memory_space<hbm>>
    tpu.enqueue_dma source(%dma_start3A_118 : memref<64x16xf32, #tpu.memory_space<hbm>>) target(%dma_start3A_109 : memref<64x16xf32, #tpu.memory_space<vmem>>) target_semaphore(%arg12 : memref<!tpu.dma_semaphore, #tpu.memory_space<semaphore_mem>>)
    %scan3A_119 = arith.constant 0 : i32
    %scan3A_120 = arith.constant 0 : i32
    %scan3A_121 = arith.constant 160 : i32
    %scan3A_122 = arith.addi %scan3A_120, %scan3A_121 : i32
    %scan3A_123 = arith.constant 1 : i32
    scf.for %scan3A_136 = %scan3A_120 to %scan3A_122 step %scan3A_123  : i32 {
      %jit3A = arith.constant 4 : i32
      %eq3A = arith.constant 0 : i32
      %eq3A_137 = arith.cmpi eq, %jit3A, %eq3A : i32
      %jit3A_138 = arith.constant 1 : i32
      %select_n3A = arith.select %eq3A_137, %jit3A_138, %jit3A : i32
      %rem3A = arith.remsi %scan3A_136, %select_n3A : i32
      %ne3A = arith.constant 0 : i32
      %ne3A_139 = arith.cmpi ne, %rem3A, %ne3A : i32
      %lt3A = arith.constant 0 : i32
      %lt3A_140 = arith.cmpi slt, %rem3A, %lt3A : i32
      %lt3A_141 = arith.constant 0 : i32
      %lt3A_142 = arith.cmpi slt, %select_n3A, %lt3A_141 : i32
      %ne3A_143 = arith.xori %lt3A_140, %lt3A_142 : i1
      %and3A = arith.andi %ne3A_143, %ne3A_139 : i1
      %add3A_144 = arith.addi %rem3A, %select_n3A : i32
      %select_n3A_145 = arith.select %and3A, %add3A_144, %rem3A : i32
      %jit3A_146 = arith.constant 3 : i32
      %eq3A_147 = arith.constant 0 : i32
      %eq3A_148 = arith.cmpi eq, %jit3A_146, %eq3A_147 : i32
      %jit3A_149 = arith.constant 1 : i32
      %select_n3A_150 = arith.select %eq3A_148, %jit3A_149, %jit3A_146 : i32
      %rem3A_151 = arith.remsi %scan3A_136, %select_n3A_150 : i32
      %ne3A_152 = arith.constant 0 : i32
      %ne3A_153 = arith.cmpi ne, %rem3A_151, %ne3A_152 : i32
      %lt3A_154 = arith.constant 0 : i32
      %lt3A_155 = arith.cmpi slt, %rem3A_151, %lt3A_154 : i32
      %lt3A_156 = arith.constant 0 : i32
      %lt3A_157 = arith.cmpi slt, %select_n3A_150, %lt3A_156 : i32
      %ne3A_158 = arith.xori %lt3A_155, %lt3A_157 : i1
      %and3A_159 = arith.andi %ne3A_158, %ne3A_153 : i1
      %add3A_160 = arith.addi %rem3A_151, %select_n3A_150 : i32
      %select_n3A_161 = arith.select %and3A_159, %add3A_160, %rem3A_151 : i32
      %jit3A_162 = arith.constant 3 : i32
      %eq3A_163 = arith.constant 0 : i32
      %eq3A_164 = arith.cmpi eq, %jit3A_162, %eq3A_163 : i32
      %jit3A_165 = arith.constant 1 : i32
      %select_n3A_166 = arith.select %eq3A_164, %jit3A_165, %jit3A_162 : i32
      %rem3A_167 = arith.remsi %scan3A_136, %select_n3A_166 : i32
      %ne3A_168 = arith.constant 0 : i32
      %ne3A_169 = arith.cmpi ne, %rem3A_167, %ne3A_168 : i32
      %lt3A_170 = arith.constant 0 : i32
      %lt3A_171 = arith.cmpi slt, %rem3A_167, %lt3A_170 : i32
      %lt3A_172 = arith.constant 0 : i32
      %lt3A_173 = arith.cmpi slt, %select_n3A_166, %lt3A_172 : i32
      %ne3A_174 = arith.xori %lt3A_171, %lt3A_173 : i1
      %and3A_175 = arith.andi %ne3A_174, %ne3A_169 : i1
      %add3A_176 = arith.addi %rem3A_167, %select_n3A_166 : i32
      %select_n3A_177 = arith.select %and3A_175, %add3A_176, %rem3A_167 : i32
      %add3A_178 = arith.constant 1 : i32
      %add3A_179 = arith.addi %scan3A_136, %add3A_178 : i32
      %lt3A_180 = arith.constant 160 : i32
      %lt3A_181 = arith.cmpi slt, %add3A_179, %lt3A_180 : i32
      %convert_element_type3A = arith.extui %lt3A_181 : i1 to i32
      %cond3A = arith.constant 0 : i32
      %cond3A_182 = arith.cmpi ne, %convert_element_type3A, %cond3A : i32
      scf.if %cond3A_182 {
        %ge3A = arith.constant 2 : i32
        %ge3A_213 = arith.cmpi sge, %scan3A_136, %ge3A : i32
        %convert_element_type3A_214 = arith.extui %ge3A_213 : i1 to i32
        %cond3A_215 = arith.constant 0 : i32
        %cond3A_216 = arith.cmpi ne, %convert_element_type3A_214, %cond3A_215 : i32
        scf.if %cond3A_216 {
          %sub3A = arith.constant 2 : i32
          %sub3A_402 = arith.subi %scan3A_136, %sub3A : i32
          %jit3A_403 = arith.constant 3 : i32
          %eq3A_404 = arith.constant 0 : i32
          %eq3A_405 = arith.cmpi eq, %jit3A_403, %eq3A_404 : i32
          %jit3A_406 = arith.constant 1 : i32
          %select_n3A_407 = arith.select %eq3A_405, %jit3A_406, %jit3A_403 : i32
          %rem3A_408 = arith.remsi %sub3A_402, %select_n3A_407 : i32
          %ne3A_409 = arith.constant 0 : i32
          %ne3A_410 = arith.cmpi ne, %rem3A_408, %ne3A_409 : i32
          %lt3A_411 = arith.constant 0 : i32
          %lt3A_412 = arith.cmpi slt, %rem3A_408, %lt3A_411 : i32
          %lt3A_413 = arith.constant 0 : i32
          %lt3A_414 = arith.cmpi slt, %select_n3A_407, %lt3A_413 : i32
          %ne3A_415 = arith.xori %lt3A_412, %lt3A_414 : i1
          %and3A_416 = arith.andi %ne3A_415, %ne3A_410 : i1
          %add3A_417 = arith.addi %rem3A_408, %select_n3A_407 : i32
          %select_n3A_418 = arith.select %and3A_416, %add3A_417, %rem3A_408 : i32
          %jit3A_419 = arith.constant 4 : i32
          %eq3A_420 = arith.constant 0 : i32
          %eq3A_421 = arith.cmpi eq, %jit3A_419, %eq3A_420 : i32
          %jit3A_422 = arith.constant 1 : i32
          %select_n3A_423 = arith.select %eq3A_421, %jit3A_422, %jit3A_419 : i32
          %rem3A_424 = arith.remsi %sub3A_402, %select_n3A_423 : i32
          %ne3A_425 = arith.constant 0 : i32
          %ne3A_426 = arith.cmpi ne, %rem3A_424, %ne3A_425 : i32
          %lt3A_427 = arith.constant 0 : i32
          %lt3A_428 = arith.cmpi slt, %rem3A_424, %lt3A_427 : i32
          %lt3A_429 = arith.constant 0 : i32
          %lt3A_430 = arith.cmpi slt, %select_n3A_423, %lt3A_429 : i32
          %ne3A_431 = arith.xori %lt3A_428, %lt3A_430 : i1
          %and3A_432 = arith.andi %ne3A_431, %ne3A_426 : i1
          %add3A_433 = arith.addi %rem3A_424, %select_n3A_423 : i32
          %select_n3A_434 = arith.select %and3A_432, %add3A_433, %rem3A_424 : i32
          %dma_wait3A_435 = arith.constant 0 : i32
          %dma_wait3A_436 = arith.constant 0 : i32
          %dma_wait3A_437 = arith.constant 0 : i32
          %dma_wait3A_438 = tpu.memref_slice %arg10[%select_n3A_418, %dma_wait3A_436, %dma_wait3A_437] : memref<3x64x128xf32, #tpu.memory_space<vmem>> -> memref<1x64x128xf32, #tpu.memory_space<vmem>>
          %dma_wait3A_439 = tpu.memref_squeeze %dma_wait3A_438 : memref<1x64x128xf32, #tpu.memory_space<vmem>> -> memref<64x128xf32, #tpu.memory_space<vmem>>
          %dma_wait3A_440 = arith.constant 0 : i32
          %dma_wait3A_441 = tpu.memref_slice %arg8[%select_n3A_434, %dma_wait3A_435, %dma_wait3A_440] : memref<4x1x64xi32, #tpu.memory_space<vmem>> -> memref<1x1x64xi32, #tpu.memory_space<vmem>>
          %dma_wait3A_442 = tpu.memref_squeeze %dma_wait3A_441 : memref<1x1x64xi32, #tpu.memory_space<vmem>> -> memref<64xi32, #tpu.memory_space<vmem>>
          %dma_wait3A_443 = arith.constant 0 : i32
          %dma_wait3A_444 = arith.constant 0 : i32
          %dma_wait3A_445 = tpu.memref_slice %arg11[%dma_wait3A_443, %dma_wait3A_444] : memref<10112x128xf32, #tpu.memory_space<vmem_shared>> -> memref<10112x128xf32, #tpu.memory_space<vmem_shared>>
          tpu.wait_indirect_dma semaphore(%arg14 : memref<!tpu.dma_semaphore, #tpu.memory_space<semaphore_mem>>) src(%dma_wait3A_439 : memref<64x128xf32, #tpu.memory_space<vmem>>) dst(%dma_wait3A_445 : memref<10112x128xf32, #tpu.memory_space<vmem_shared>>)
        } else {
        }
        %add3A_217 = arith.constant 1 : i32
        %add3A_218 = arith.addi %scan3A_136, %add3A_217 : i32
        %add3A_219 = arith.constant 1 : i32
        %add3A_220 = arith.addi %scan3A_136, %add3A_219 : i32
        %jit3A_221 = arith.constant 4 : i32
        %eq3A_222 = arith.constant 0 : i32
        %eq3A_223 = arith.cmpi eq, %jit3A_221, %eq3A_222 : i32
        %jit3A_224 = arith.constant 1 : i32
        %select_n3A_225 = arith.select %eq3A_223, %jit3A_224, %jit3A_221 : i32
        %rem3A_226 = arith.remsi %add3A_220, %select_n3A_225 : i32
        %ne3A_227 = arith.constant 0 : i32
        %ne3A_228 = arith.cmpi ne, %rem3A_226, %ne3A_227 : i32
        %lt3A_229 = arith.constant 0 : i32
        %lt3A_230 = arith.cmpi slt, %rem3A_226, %lt3A_229 : i32
        %lt3A_231 = arith.constant 0 : i32
        %lt3A_232 = arith.cmpi slt, %select_n3A_225, %lt3A_231 : i32
        %ne3A_233 = arith.xori %lt3A_230, %lt3A_232 : i1
        %and3A_234 = arith.andi %ne3A_233, %ne3A_228 : i1
        %add3A_235 = arith.addi %rem3A_226, %select_n3A_225 : i32
        %select_n3A_236 = arith.select %and3A_234, %add3A_235, %rem3A_226 : i32
        %dma_wait3A_237 = arith.constant 0 : i32
        %dma_wait3A_238 = arith.constant 0 : i32
        %dma_wait3A_239 = tpu.memref_slice %arg7[%select_n3A_236, %dma_wait3A_237, %dma_wait3A_238] : memref<4x1x64xi32, #tpu.memory_space<vmem>> -> memref<1x1x64xi32, #tpu.memory_space<vmem>>
        %dma_wait3A_240 = tpu.memref_squeeze %dma_wait3A_239 : memref<1x1x64xi32, #tpu.memory_space<vmem>> -> memref<1x64xi32, #tpu.memory_space<vmem>>
        %dma_wait3A_241 = arith.constant 0 : i32
        %dma_wait3A_242 = arith.constant 0 : i32
        %dma_wait3A_243 = arith.constant 0 : i32
        %dma_wait3A_244 = tpu.memref_slice %arg3[%add3A, %dma_wait3A_241, %dma_wait3A_242, %dma_wait3A_243] : memref<32x160x1x64xi32, #tpu.memory_space<hbm>> -> memref<1x160x1x64xi32, #tpu.memory_space<hbm>>
        %dma_wait3A_245 = tpu.memref_squeeze %dma_wait3A_244 : memref<1x160x1x64xi32, #tpu.memory_space<hbm>> -> memref<160x1x64xi32, #tpu.memory_space<hbm>>
        %dma_wait3A_246 = arith.constant 0 : i32
        %dma_wait3A_247 = arith.constant 0 : i32
        %dma_wait3A_248 = tpu.memref_slice %dma_wait3A_245[%add3A_218, %dma_wait3A_246, %dma_wait3A_247] : memref<160x1x64xi32, #tpu.memory_space<hbm>> -> memref<1x1x64xi32, #tpu.memory_space<hbm>>
        %dma_wait3A_249 = tpu.memref_squeeze %dma_wait3A_248 : memref<1x1x64xi32, #tpu.memory_space<hbm>> -> memref<1x64xi32, #tpu.memory_space<hbm>>
        %dma_wait3A_250 = arith.constant 0 : i32
        %dma_wait3A_251 = arith.constant 0 : i32
        %dma_wait3A_252 = tpu.memref_slice %arg7[%select_n3A_236, %dma_wait3A_250, %dma_wait3A_251] : memref<4x1x64xi32, #tpu.memory_space<vmem>> -> memref<1x1x64xi32, #tpu.memory_space<vmem>>
        %dma_wait3A_253 = tpu.memref_squeeze %dma_wait3A_252 : memref<1x1x64xi32, #tpu.memory_space<vmem>> -> memref<1x64xi32, #tpu.memory_space<vmem>>
        %dma_wait3A_254 = arith.constant 0 : i32
        %dma_wait3A_255 = arith.constant 0 : i32
        %dma_wait3A_256 = arith.constant 0 : i32
        %dma_wait3A_257 = tpu.memref_slice %arg3[%add3A, %dma_wait3A_254, %dma_wait3A_255, %dma_wait3A_256] : memref<32x160x1x64xi32, #tpu.memory_space<hbm>> -> memref<1x160x1x64xi32, #tpu.memory_space<hbm>>
        %dma_wait3A_258 = tpu.memref_squeeze %dma_wait3A_257 : memref<1x160x1x64xi32, #tpu.memory_space<hbm>> -> memref<160x1x64xi32, #tpu.memory_space<hbm>>
        %dma_wait3A_259 = arith.constant 0 : i32
        %dma_wait3A_260 = arith.constant 0 : i32
        %dma_wait3A_261 = tpu.memref_slice %dma_wait3A_258[%add3A_218, %dma_wait3A_259, %dma_wait3A_260] : memref<160x1x64xi32, #tpu.memory_space<hbm>> -> memref<1x1x64xi32, #tpu.memory_space<hbm>>
        %dma_wait3A_262 = tpu.memref_squeeze %dma_wait3A_261 : memref<1x1x64xi32, #tpu.memory_space<hbm>> -> memref<1x64xi32, #tpu.memory_space<hbm>>
        tpu.wait_dma2 semaphore(%arg12 : memref<!tpu.dma_semaphore, #tpu.memory_space<semaphore_mem>>) src(%dma_wait3A_262 : memref<1x64xi32, #tpu.memory_space<hbm>>) dst(%dma_wait3A_253 : memref<1x64xi32, #tpu.memory_space<vmem>>)
        %add3A_263 = arith.constant 1 : i32
        %add3A_264 = arith.addi %scan3A_136, %add3A_263 : i32
        %add3A_265 = arith.constant 1 : i32
        %add3A_266 = arith.addi %scan3A_136, %add3A_265 : i32
        %jit3A_267 = arith.constant 4 : i32
        %eq3A_268 = arith.constant 0 : i32
        %eq3A_269 = arith.cmpi eq, %jit3A_267, %eq3A_268 : i32
        %jit3A_270 = arith.constant 1 : i32
        %select_n3A_271 = arith.select %eq3A_269, %jit3A_270, %jit3A_267 : i32
        %rem3A_272 = arith.remsi %add3A_266, %select_n3A_271 : i32
        %ne3A_273 = arith.constant 0 : i32
        %ne3A_274 = arith.cmpi ne, %rem3A_272, %ne3A_273 : i32
        %lt3A_275 = arith.constant 0 : i32
        %lt3A_276 = arith.cmpi slt, %rem3A_272, %lt3A_275 : i32
        %lt3A_277 = arith.constant 0 : i32
        %lt3A_278 = arith.cmpi slt, %select_n3A_271, %lt3A_277 : i32
        %ne3A_279 = arith.xori %lt3A_276, %lt3A_278 : i1
        %and3A_280 = arith.andi %ne3A_279, %ne3A_274 : i1
        %add3A_281 = arith.addi %rem3A_272, %select_n3A_271 : i32
        %select_n3A_282 = arith.select %and3A_280, %add3A_281, %rem3A_272 : i32
        %dma_wait3A_283 = arith.constant 0 : i32
        %dma_wait3A_284 = arith.constant 0 : i32
        %dma_wait3A_285 = tpu.memref_slice %arg8[%select_n3A_282, %dma_wait3A_283, %dma_wait3A_284] : memref<4x1x64xi32, #tpu.memory_space<vmem>> -> memref<1x1x64xi32, #tpu.memory_space<vmem>>
        %dma_wait3A_286 = tpu.memref_squeeze %dma_wait3A_285 : memref<1x1x64xi32, #tpu.memory_space<vmem>> -> memref<1x64xi32, #tpu.memory_space<vmem>>
        %dma_wait3A_287 = arith.constant 0 : i32
        %dma_wait3A_288 = arith.constant 0 : i32
        %dma_wait3A_289 = arith.constant 0 : i32
        %dma_wait3A_290 = tpu.memref_slice %arg4[%add3A, %dma_wait3A_287, %dma_wait3A_288, %dma_wait3A_289] : memref<32x160x1x64xi32, #tpu.memory_space<hbm>> -> memref<1x160x1x64xi32, #tpu.memory_space<hbm>>
        %dma_wait3A_291 = tpu.memref_squeeze %dma_wait3A_290 : memref<1x160x1x64xi32, #tpu.memory_space<hbm>> -> memref<160x1x64xi32, #tpu.memory_space<hbm>>
        %dma_wait3A_292 = arith.constant 0 : i32
        %dma_wait3A_293 = arith.constant 0 : i32
        %dma_wait3A_294 = tpu.memref_slice %dma_wait3A_291[%add3A_264, %dma_wait3A_292, %dma_wait3A_293] : memref<160x1x64xi32, #tpu.memory_space<hbm>> -> memref<1x1x64xi32, #tpu.memory_space<hbm>>
        %dma_wait3A_295 = tpu.memref_squeeze %dma_wait3A_294 : memref<1x1x64xi32, #tpu.memory_space<hbm>> -> memref<1x64xi32, #tpu.memory_space<hbm>>
        %dma_wait3A_296 = arith.constant 0 : i32
        %dma_wait3A_297 = arith.constant 0 : i32
        %dma_wait3A_298 = tpu.memref_slice %arg8[%select_n3A_282, %dma_wait3A_296, %dma_wait3A_297] : memref<4x1x64xi32, #tpu.memory_space<vmem>> -> memref<1x1x64xi32, #tpu.memory_space<vmem>>
        %dma_wait3A_299 = tpu.memref_squeeze %dma_wait3A_298 : memref<1x1x64xi32, #tpu.memory_space<vmem>> -> memref<1x64xi32, #tpu.memory_space<vmem>>
        %dma_wait3A_300 = arith.constant 0 : i32
        %dma_wait3A_301 = arith.constant 0 : i32
        %dma_wait3A_302 = arith.constant 0 : i32
        %dma_wait3A_303 = tpu.memref_slice %arg4[%add3A, %dma_wait3A_300, %dma_wait3A_301, %dma_wait3A_302] : memref<32x160x1x64xi32, #tpu.memory_space<hbm>> -> memref<1x160x1x64xi32, #tpu.memory_space<hbm>>
        %dma_wait3A_304 = tpu.memref_squeeze %dma_wait3A_303 : memref<1x160x1x64xi32, #tpu.memory_space<hbm>> -> memref<160x1x64xi32, #tpu.memory_space<hbm>>
        %dma_wait3A_305 = arith.constant 0 : i32
        %dma_wait3A_306 = arith.constant 0 : i32
        %dma_wait3A_307 = tpu.memref_slice %dma_wait3A_304[%add3A_264, %dma_wait3A_305, %dma_wait3A_306] : memref<160x1x64xi32, #tpu.memory_space<hbm>> -> memref<1x1x64xi32, #tpu.memory_space<hbm>>
        %dma_wait3A_308 = tpu.memref_squeeze %dma_wait3A_307 : memref<1x1x64xi32, #tpu.memory_space<hbm>> -> memref<1x64xi32, #tpu.memory_space<hbm>>
        tpu.wait_dma2 semaphore(%arg12 : memref<!tpu.dma_semaphore, #tpu.memory_space<semaphore_mem>>) src(%dma_wait3A_308 : memref<1x64xi32, #tpu.memory_space<hbm>>) dst(%dma_wait3A_299 : memref<1x64xi32, #tpu.memory_space<vmem>>)
        %add3A_309 = arith.constant 1 : i32
        %add3A_310 = arith.addi %scan3A_136, %add3A_309 : i32
        %add3A_311 = arith.constant 1 : i32
        %add3A_312 = arith.addi %scan3A_136, %add3A_311 : i32
        %jit3A_313 = arith.constant 3 : i32
        %eq3A_314 = arith.constant 0 : i32
        %eq3A_315 = arith.cmpi eq, %jit3A_313, %eq3A_314 : i32
        %jit3A_316 = arith.constant 1 : i32
        %select_n3A_317 = arith.select %eq3A_315, %jit3A_316, %jit3A_313 : i32
        %rem3A_318 = arith.remsi %add3A_312, %select_n3A_317 : i32
        %ne3A_319 = arith.constant 0 : i32
        %ne3A_320 = arith.cmpi ne, %rem3A_318, %ne3A_319 : i32
        %lt3A_321 = arith.constant 0 : i32
        %lt3A_322 = arith.cmpi slt, %rem3A_318, %lt3A_321 : i32
        %lt3A_323 = arith.constant 0 : i32
        %lt3A_324 = arith.cmpi slt, %select_n3A_317, %lt3A_323 : i32
        %ne3A_325 = arith.xori %lt3A_322, %lt3A_324 : i1
        %and3A_326 = arith.andi %ne3A_325, %ne3A_320 : i1
        %add3A_327 = arith.addi %rem3A_318, %select_n3A_317 : i32
        %select_n3A_328 = arith.select %and3A_326, %add3A_327, %rem3A_318 : i32
        %dma_wait3A_329 = arith.constant 0 : i32
        %dma_wait3A_330 = arith.constant 0 : i32
        %dma_wait3A_331 = tpu.memref_slice %arg9[%select_n3A_328, %dma_wait3A_329, %dma_wait3A_330] : memref<3x64x16xf32, #tpu.memory_space<vmem>> -> memref<1x64x16xf32, #tpu.memory_space<vmem>>
        %dma_wait3A_332 = tpu.memref_squeeze %dma_wait3A_331 : memref<1x64x16xf32, #tpu.memory_space<vmem>> -> memref<64x16xf32, #tpu.memory_space<vmem>>
        %dma_wait3A_333 = arith.constant 0 : i32
        %dma_wait3A_334 = arith.constant 0 : i32
        %dma_wait3A_335 = arith.constant 0 : i32
        %dma_wait3A_336 = tpu.memref_slice %arg5[%add3A, %dma_wait3A_333, %dma_wait3A_334, %dma_wait3A_335] : memref<32x160x64x16xf32, #tpu.memory_space<hbm>> -> memref<1x160x64x16xf32, #tpu.memory_space<hbm>>
        %dma_wait3A_337 = tpu.memref_squeeze %dma_wait3A_336 : memref<1x160x64x16xf32, #tpu.memory_space<hbm>> -> memref<160x64x16xf32, #tpu.memory_space<hbm>>
        %dma_wait3A_338 = arith.constant 0 : i32
        %dma_wait3A_339 = arith.constant 0 : i32
        %dma_wait3A_340 = tpu.memref_slice %dma_wait3A_337[%add3A_310, %dma_wait3A_338, %dma_wait3A_339] : memref<160x64x16xf32, #tpu.memory_space<hbm>> -> memref<1x64x16xf32, #tpu.memory_space<hbm>>
        %dma_wait3A_341 = tpu.memref_squeeze %dma_wait3A_340 : memref<1x64x16xf32, #tpu.memory_space<hbm>> -> memref<64x16xf32, #tpu.memory_space<hbm>>
        %dma_wait3A_342 = arith.constant 0 : i32
        %dma_wait3A_343 = arith.constant 0 : i32
        %dma_wait3A_344 = tpu.memref_slice %arg9[%select_n3A_328, %dma_wait3A_342, %dma_wait3A_343] : memref<3x64x16xf32, #tpu.memory_space<vmem>> -> memref<1x64x16xf32, #tpu.memory_space<vmem>>
        %dma_wait3A_345 = tpu.memref_squeeze %dma_wait3A_344 : memref<1x64x16xf32, #tpu.memory_space<vmem>> -> memref<64x16xf32, #tpu.memory_space<vmem>>
        %dma_wait3A_346 = arith.constant 0 : i32
        %dma_wait3A_347 = arith.constant 0 : i32
        %dma_wait3A_348 = arith.constant 0 : i32
        %dma_wait3A_349 = tpu.memref_slice %arg5[%add3A, %dma_wait3A_346, %dma_wait3A_347, %dma_wait3A_348] : memref<32x160x64x16xf32, #tpu.memory_space<hbm>> -> memref<1x160x64x16xf32, #tpu.memory_space<hbm>>
        %dma_wait3A_350 = tpu.memref_squeeze %dma_wait3A_349 : memref<1x160x64x16xf32, #tpu.memory_space<hbm>> -> memref<160x64x16xf32, #tpu.memory_space<hbm>>
        %dma_wait3A_351 = arith.constant 0 : i32
        %dma_wait3A_352 = arith.constant 0 : i32
        %dma_wait3A_353 = tpu.memref_slice %dma_wait3A_350[%add3A_310, %dma_wait3A_351, %dma_wait3A_352] : memref<160x64x16xf32, #tpu.memory_space<hbm>> -> memref<1x64x16xf32, #tpu.memory_space<hbm>>
        %dma_wait3A_354 = tpu.memref_squeeze %dma_wait3A_353 : memref<1x64x16xf32, #tpu.memory_space<hbm>> -> memref<64x16xf32, #tpu.memory_space<hbm>>
        tpu.wait_dma2 semaphore(%arg12 : memref<!tpu.dma_semaphore, #tpu.memory_space<semaphore_mem>>) src(%dma_wait3A_354 : memref<64x16xf32, #tpu.memory_space<hbm>>) dst(%dma_wait3A_345 : memref<64x16xf32, #tpu.memory_space<vmem>>)
        %add3A_355 = arith.constant 1 : i32
        %add3A_356 = arith.addi %scan3A_136, %add3A_355 : i32
        %jit3A_357 = arith.constant 4 : i32
        %eq3A_358 = arith.constant 0 : i32
        %eq3A_359 = arith.cmpi eq, %jit3A_357, %eq3A_358 : i32
        %jit3A_360 = arith.constant 1 : i32
        %select_n3A_361 = arith.select %eq3A_359, %jit3A_360, %jit3A_357 : i32
        %rem3A_362 = arith.remsi %add3A_356, %select_n3A_361 : i32
        %ne3A_363 = arith.constant 0 : i32
        %ne3A_364 = arith.cmpi ne, %rem3A_362, %ne3A_363 : i32
        %lt3A_365 = arith.constant 0 : i32
        %lt3A_366 = arith.cmpi slt, %rem3A_362, %lt3A_365 : i32
        %lt3A_367 = arith.constant 0 : i32
        %lt3A_368 = arith.cmpi slt, %select_n3A_361, %lt3A_367 : i32
        %ne3A_369 = arith.xori %lt3A_366, %lt3A_368 : i1
        %and3A_370 = arith.andi %ne3A_369, %ne3A_364 : i1
        %add3A_371 = arith.addi %rem3A_362, %select_n3A_361 : i32
        %select_n3A_372 = arith.select %and3A_370, %add3A_371, %rem3A_362 : i32
        %add3A_373 = arith.constant 1 : i32
        %add3A_374 = arith.addi %scan3A_136, %add3A_373 : i32
        %jit3A_375 = arith.constant 3 : i32
        %eq3A_376 = arith.constant 0 : i32
        %eq3A_377 = arith.cmpi eq, %jit3A_375, %eq3A_376 : i32
        %jit3A_378 = arith.constant 1 : i32
        %select_n3A_379 = arith.select %eq3A_377, %jit3A_378, %jit3A_375 : i32
        %rem3A_380 = arith.remsi %add3A_374, %select_n3A_379 : i32
        %ne3A_381 = arith.constant 0 : i32
        %ne3A_382 = arith.cmpi ne, %rem3A_380, %ne3A_381 : i32
        %lt3A_383 = arith.constant 0 : i32
        %lt3A_384 = arith.cmpi slt, %rem3A_380, %lt3A_383 : i32
        %lt3A_385 = arith.constant 0 : i32
        %lt3A_386 = arith.cmpi slt, %select_n3A_379, %lt3A_385 : i32
        %ne3A_387 = arith.xori %lt3A_384, %lt3A_386 : i1
        %and3A_388 = arith.andi %ne3A_387, %ne3A_382 : i1
        %add3A_389 = arith.addi %rem3A_380, %select_n3A_379 : i32
        %select_n3A_390 = arith.select %and3A_388, %add3A_389, %rem3A_380 : i32
        %dma_start3A_391 = arith.constant 0 : i32
        %dma_start3A_392 = arith.constant 0 : i32
        %dma_start3A_393 = arith.constant 0 : i32
        %dma_start3A_394 = tpu.memref_slice %arg10[%select_n3A_390, %dma_start3A_392, %dma_start3A_393] : memref<3x64x128xf32, #tpu.memory_space<vmem>> -> memref<1x64x128xf32, #tpu.memory_space<vmem>>
        %dma_start3A_395 = tpu.memref_squeeze %dma_start3A_394 : memref<1x64x128xf32, #tpu.memory_space<vmem>> -> memref<64x128xf32, #tpu.memory_space<vmem>>
        %dma_start3A_396 = arith.constant 0 : i32
        %dma_start3A_397 = tpu.memref_slice %arg7[%select_n3A_372, %dma_start3A_391, %dma_start3A_396] : memref<4x1x64xi32, #tpu.memory_space<vmem>> -> memref<1x1x64xi32, #tpu.memory_space<vmem>>
        %dma_start3A_398 = tpu.memref_squeeze %dma_start3A_397 : memref<1x1x64xi32, #tpu.memory_space<vmem>> -> memref<64xi32, #tpu.memory_space<vmem>>
        %dma_start3A_399 = arith.constant 0 : i32
        %dma_start3A_400 = arith.constant 0 : i32
        %dma_start3A_401 = tpu.memref_slice %arg2[%dma_start3A_399, %dma_start3A_400] : memref<10000x128xf32, #tpu.memory_space<hbm>> -> memref<10000x128xf32, #tpu.memory_space<hbm>>
        tpu.enqueue_indirect_dma source(%dma_start3A_401 : memref<10000x128xf32, #tpu.memory_space<hbm>>) target(%dma_start3A_395 : memref<64x128xf32, #tpu.memory_space<vmem>>) offsets(%dma_start3A_398 : memref<64xi32, #tpu.memory_space<vmem>>) semaphore(%arg13 : memref<!tpu.dma_semaphore, #tpu.memory_space<semaphore_mem>>)
      } else {
      }
      %add3A_183 = arith.constant 2 : i32
      %add3A_184 = arith.addi %scan3A_136, %add3A_183 : i32
      %lt3A_185 = arith.constant 160 : i32
      %lt3A_186 = arith.cmpi slt, %add3A_184, %lt3A_185 : i32
      %convert_element_type3A_187 = arith.extui %lt3A_186 : i1 to i32
      %cond3A_188 = arith.constant 0 : i32
      %cond3A_189 = arith.cmpi ne, %convert_element_type3A_187, %cond3A_188 : i32
      scf.if %cond3A_189 {
        %add3A_213 = arith.constant 2 : i32
        %add3A_214 = arith.addi %scan3A_136, %add3A_213 : i32
        %add3A_215 = arith.constant 2 : i32
        %add3A_216 = arith.addi %scan3A_136, %add3A_215 : i32
        %jit3A_217 = arith.constant 4 : i32
        %eq3A_218 = arith.constant 0 : i32
        %eq3A_219 = arith.cmpi eq, %jit3A_217, %eq3A_218 : i32
        %jit3A_220 = arith.constant 1 : i32
        %select_n3A_221 = arith.select %eq3A_219, %jit3A_220, %jit3A_217 : i32
        %rem3A_222 = arith.remsi %add3A_216, %select_n3A_221 : i32
        %ne3A_223 = arith.constant 0 : i32
        %ne3A_224 = arith.cmpi ne, %rem3A_222, %ne3A_223 : i32
        %lt3A_225 = arith.constant 0 : i32
        %lt3A_226 = arith.cmpi slt, %rem3A_222, %lt3A_225 : i32
        %lt3A_227 = arith.constant 0 : i32
        %lt3A_228 = arith.cmpi slt, %select_n3A_221, %lt3A_227 : i32
        %ne3A_229 = arith.xori %lt3A_226, %lt3A_228 : i1
        %and3A_230 = arith.andi %ne3A_229, %ne3A_224 : i1
        %add3A_231 = arith.addi %rem3A_222, %select_n3A_221 : i32
        %select_n3A_232 = arith.select %and3A_230, %add3A_231, %rem3A_222 : i32
        %dma_start3A_233 = arith.constant 0 : i32
        %dma_start3A_234 = arith.constant 0 : i32
        %dma_start3A_235 = tpu.memref_slice %arg7[%select_n3A_232, %dma_start3A_233, %dma_start3A_234] : memref<4x1x64xi32, #tpu.memory_space<vmem>> -> memref<1x1x64xi32, #tpu.memory_space<vmem>>
        %dma_start3A_236 = tpu.memref_squeeze %dma_start3A_235 : memref<1x1x64xi32, #tpu.memory_space<vmem>> -> memref<1x64xi32, #tpu.memory_space<vmem>>
        %dma_start3A_237 = arith.constant 0 : i32
        %dma_start3A_238 = arith.constant 0 : i32
        %dma_start3A_239 = arith.constant 0 : i32
        %dma_start3A_240 = tpu.memref_slice %arg3[%add3A, %dma_start3A_237, %dma_start3A_238, %dma_start3A_239] : memref<32x160x1x64xi32, #tpu.memory_space<hbm>> -> memref<1x160x1x64xi32, #tpu.memory_space<hbm>>
        %dma_start3A_241 = tpu.memref_squeeze %dma_start3A_240 : memref<1x160x1x64xi32, #tpu.memory_space<hbm>> -> memref<160x1x64xi32, #tpu.memory_space<hbm>>
        %dma_start3A_242 = arith.constant 0 : i32
        %dma_start3A_243 = arith.constant 0 : i32
        %dma_start3A_244 = tpu.memref_slice %dma_start3A_241[%add3A_214, %dma_start3A_242, %dma_start3A_243] : memref<160x1x64xi32, #tpu.memory_space<hbm>> -> memref<1x1x64xi32, #tpu.memory_space<hbm>>
        %dma_start3A_245 = tpu.memref_squeeze %dma_start3A_244 : memref<1x1x64xi32, #tpu.memory_space<hbm>> -> memref<1x64xi32, #tpu.memory_space<hbm>>
        %dma_start3A_246 = arith.constant 0 : i32
        %dma_start3A_247 = arith.constant 0 : i32
        %dma_start3A_248 = tpu.memref_slice %arg7[%select_n3A_232, %dma_start3A_246, %dma_start3A_247] : memref<4x1x64xi32, #tpu.memory_space<vmem>> -> memref<1x1x64xi32, #tpu.memory_space<vmem>>
        %dma_start3A_249 = tpu.memref_squeeze %dma_start3A_248 : memref<1x1x64xi32, #tpu.memory_space<vmem>> -> memref<1x64xi32, #tpu.memory_space<vmem>>
        %dma_start3A_250 = arith.constant 0 : i32
        %dma_start3A_251 = arith.constant 0 : i32
        %dma_start3A_252 = arith.constant 0 : i32
        %dma_start3A_253 = tpu.memref_slice %arg3[%add3A, %dma_start3A_250, %dma_start3A_251, %dma_start3A_252] : memref<32x160x1x64xi32, #tpu.memory_space<hbm>> -> memref<1x160x1x64xi32, #tpu.memory_space<hbm>>
        %dma_start3A_254 = tpu.memref_squeeze %dma_start3A_253 : memref<1x160x1x64xi32, #tpu.memory_space<hbm>> -> memref<160x1x64xi32, #tpu.memory_space<hbm>>
        %dma_start3A_255 = arith.constant 0 : i32
        %dma_start3A_256 = arith.constant 0 : i32
        %dma_start3A_257 = tpu.memref_slice %dma_start3A_254[%add3A_214, %dma_start3A_255, %dma_start3A_256] : memref<160x1x64xi32, #tpu.memory_space<hbm>> -> memref<1x1x64xi32, #tpu.memory_space<hbm>>
        %dma_start3A_258 = tpu.memref_squeeze %dma_start3A_257 : memref<1x1x64xi32, #tpu.memory_space<hbm>> -> memref<1x64xi32, #tpu.memory_space<hbm>>
        tpu.enqueue_dma source(%dma_start3A_258 : memref<1x64xi32, #tpu.memory_space<hbm>>) target(%dma_start3A_249 : memref<1x64xi32, #tpu.memory_space<vmem>>) target_semaphore(%arg12 : memref<!tpu.dma_semaphore, #tpu.memory_space<semaphore_mem>>)
        %add3A_259 = arith.constant 2 : i32
        %add3A_260 = arith.addi %scan3A_136, %add3A_259 : i32
        %add3A_261 = arith.constant 2 : i32
        %add3A_262 = arith.addi %scan3A_136, %add3A_261 : i32
        %jit3A_263 = arith.constant 4 : i32
        %eq3A_264 = arith.constant 0 : i32
        %eq3A_265 = arith.cmpi eq, %jit3A_263, %eq3A_264 : i32
        %jit3A_266 = arith.constant 1 : i32
        %select_n3A_267 = arith.select %eq3A_265, %jit3A_266, %jit3A_263 : i32
        %rem3A_268 = arith.remsi %add3A_262, %select_n3A_267 : i32
        %ne3A_269 = arith.constant 0 : i32
        %ne3A_270 = arith.cmpi ne, %rem3A_268, %ne3A_269 : i32
        %lt3A_271 = arith.constant 0 : i32
        %lt3A_272 = arith.cmpi slt, %rem3A_268, %lt3A_271 : i32
        %lt3A_273 = arith.constant 0 : i32
        %lt3A_274 = arith.cmpi slt, %select_n3A_267, %lt3A_273 : i32
        %ne3A_275 = arith.xori %lt3A_272, %lt3A_274 : i1
        %and3A_276 = arith.andi %ne3A_275, %ne3A_270 : i1
        %add3A_277 = arith.addi %rem3A_268, %select_n3A_267 : i32
        %select_n3A_278 = arith.select %and3A_276, %add3A_277, %rem3A_268 : i32
        %dma_start3A_279 = arith.constant 0 : i32
        %dma_start3A_280 = arith.constant 0 : i32
        %dma_start3A_281 = tpu.memref_slice %arg8[%select_n3A_278, %dma_start3A_279, %dma_start3A_280] : memref<4x1x64xi32, #tpu.memory_space<vmem>> -> memref<1x1x64xi32, #tpu.memory_space<vmem>>
        %dma_start3A_282 = tpu.memref_squeeze %dma_start3A_281 : memref<1x1x64xi32, #tpu.memory_space<vmem>> -> memref<1x64xi32, #tpu.memory_space<vmem>>
        %dma_start3A_283 = arith.constant 0 : i32
        %dma_start3A_284 = arith.constant 0 : i32
        %dma_start3A_285 = arith.constant 0 : i32
        %dma_start3A_286 = tpu.memref_slice %arg4[%add3A, %dma_start3A_283, %dma_start3A_284, %dma_start3A_285] : memref<32x160x1x64xi32, #tpu.memory_space<hbm>> -> memref<1x160x1x64xi32, #tpu.memory_space<hbm>>
        %dma_start3A_287 = tpu.memref_squeeze %dma_start3A_286 : memref<1x160x1x64xi32, #tpu.memory_space<hbm>> -> memref<160x1x64xi32, #tpu.memory_space<hbm>>
        %dma_start3A_288 = arith.constant 0 : i32
        %dma_start3A_289 = arith.constant 0 : i32
        %dma_start3A_290 = tpu.memref_slice %dma_start3A_287[%add3A_260, %dma_start3A_288, %dma_start3A_289] : memref<160x1x64xi32, #tpu.memory_space<hbm>> -> memref<1x1x64xi32, #tpu.memory_space<hbm>>
        %dma_start3A_291 = tpu.memref_squeeze %dma_start3A_290 : memref<1x1x64xi32, #tpu.memory_space<hbm>> -> memref<1x64xi32, #tpu.memory_space<hbm>>
        %dma_start3A_292 = arith.constant 0 : i32
        %dma_start3A_293 = arith.constant 0 : i32
        %dma_start3A_294 = tpu.memref_slice %arg8[%select_n3A_278, %dma_start3A_292, %dma_start3A_293] : memref<4x1x64xi32, #tpu.memory_space<vmem>> -> memref<1x1x64xi32, #tpu.memory_space<vmem>>
        %dma_start3A_295 = tpu.memref_squeeze %dma_start3A_294 : memref<1x1x64xi32, #tpu.memory_space<vmem>> -> memref<1x64xi32, #tpu.memory_space<vmem>>
        %dma_start3A_296 = arith.constant 0 : i32
        %dma_start3A_297 = arith.constant 0 : i32
        %dma_start3A_298 = arith.constant 0 : i32
        %dma_start3A_299 = tpu.memref_slice %arg4[%add3A, %dma_start3A_296, %dma_start3A_297, %dma_start3A_298] : memref<32x160x1x64xi32, #tpu.memory_space<hbm>> -> memref<1x160x1x64xi32, #tpu.memory_space<hbm>>
        %dma_start3A_300 = tpu.memref_squeeze %dma_start3A_299 : memref<1x160x1x64xi32, #tpu.memory_space<hbm>> -> memref<160x1x64xi32, #tpu.memory_space<hbm>>
        %dma_start3A_301 = arith.constant 0 : i32
        %dma_start3A_302 = arith.constant 0 : i32
        %dma_start3A_303 = tpu.memref_slice %dma_start3A_300[%add3A_260, %dma_start3A_301, %dma_start3A_302] : memref<160x1x64xi32, #tpu.memory_space<hbm>> -> memref<1x1x64xi32, #tpu.memory_space<hbm>>
        %dma_start3A_304 = tpu.memref_squeeze %dma_start3A_303 : memref<1x1x64xi32, #tpu.memory_space<hbm>> -> memref<1x64xi32, #tpu.memory_space<hbm>>
        tpu.enqueue_dma source(%dma_start3A_304 : memref<1x64xi32, #tpu.memory_space<hbm>>) target(%dma_start3A_295 : memref<1x64xi32, #tpu.memory_space<vmem>>) target_semaphore(%arg12 : memref<!tpu.dma_semaphore, #tpu.memory_space<semaphore_mem>>)
        %add3A_305 = arith.constant 2 : i32
        %add3A_306 = arith.addi %scan3A_136, %add3A_305 : i32
        %add3A_307 = arith.constant 2 : i32
        %add3A_308 = arith.addi %scan3A_136, %add3A_307 : i32
        %jit3A_309 = arith.constant 3 : i32
        %eq3A_310 = arith.constant 0 : i32
        %eq3A_311 = arith.cmpi eq, %jit3A_309, %eq3A_310 : i32
        %jit3A_312 = arith.constant 1 : i32
        %select_n3A_313 = arith.select %eq3A_311, %jit3A_312, %jit3A_309 : i32
        %rem3A_314 = arith.remsi %add3A_308, %select_n3A_313 : i32
        %ne3A_315 = arith.constant 0 : i32
        %ne3A_316 = arith.cmpi ne, %rem3A_314, %ne3A_315 : i32
        %lt3A_317 = arith.constant 0 : i32
        %lt3A_318 = arith.cmpi slt, %rem3A_314, %lt3A_317 : i32
        %lt3A_319 = arith.constant 0 : i32
        %lt3A_320 = arith.cmpi slt, %select_n3A_313, %lt3A_319 : i32
        %ne3A_321 = arith.xori %lt3A_318, %lt3A_320 : i1
        %and3A_322 = arith.andi %ne3A_321, %ne3A_316 : i1
        %add3A_323 = arith.addi %rem3A_314, %select_n3A_313 : i32
        %select_n3A_324 = arith.select %and3A_322, %add3A_323, %rem3A_314 : i32
        %dma_start3A_325 = arith.constant 0 : i32
        %dma_start3A_326 = arith.constant 0 : i32
        %dma_start3A_327 = tpu.memref_slice %arg9[%select_n3A_324, %dma_start3A_325, %dma_start3A_326] : memref<3x64x16xf32, #tpu.memory_space<vmem>> -> memref<1x64x16xf32, #tpu.memory_space<vmem>>
        %dma_start3A_328 = tpu.memref_squeeze %dma_start3A_327 : memref<1x64x16xf32, #tpu.memory_space<vmem>> -> memref<64x16xf32, #tpu.memory_space<vmem>>
        %dma_start3A_329 = arith.constant 0 : i32
        %dma_start3A_330 = arith.constant 0 : i32
        %dma_start3A_331 = arith.constant 0 : i32
        %dma_start3A_332 = tpu.memref_slice %arg5[%add3A, %dma_start3A_329, %dma_start3A_330, %dma_start3A_331] : memref<32x160x64x16xf32, #tpu.memory_space<hbm>> -> memref<1x160x64x16xf32, #tpu.memory_space<hbm>>
        %dma_start3A_333 = tpu.memref_squeeze %dma_start3A_332 : memref<1x160x64x16xf32, #tpu.memory_space<hbm>> -> memref<160x64x16xf32, #tpu.memory_space<hbm>>
        %dma_start3A_334 = arith.constant 0 : i32
        %dma_start3A_335 = arith.constant 0 : i32
        %dma_start3A_336 = tpu.memref_slice %dma_start3A_333[%add3A_306, %dma_start3A_334, %dma_start3A_335] : memref<160x64x16xf32, #tpu.memory_space<hbm>> -> memref<1x64x16xf32, #tpu.memory_space<hbm>>
        %dma_start3A_337 = tpu.memref_squeeze %dma_start3A_336 : memref<1x64x16xf32, #tpu.memory_space<hbm>> -> memref<64x16xf32, #tpu.memory_space<hbm>>
        %dma_start3A_338 = arith.constant 0 : i32
        %dma_start3A_339 = arith.constant 0 : i32
        %dma_start3A_340 = tpu.memref_slice %arg9[%select_n3A_324, %dma_start3A_338, %dma_start3A_339] : memref<3x64x16xf32, #tpu.memory_space<vmem>> -> memref<1x64x16xf32, #tpu.memory_space<vmem>>
        %dma_start3A_341 = tpu.memref_squeeze %dma_start3A_340 : memref<1x64x16xf32, #tpu.memory_space<vmem>> -> memref<64x16xf32, #tpu.memory_space<vmem>>
        %dma_start3A_342 = arith.constant 0 : i32
        %dma_start3A_343 = arith.constant 0 : i32
        %dma_start3A_344 = arith.constant 0 : i32
        %dma_start3A_345 = tpu.memref_slice %arg5[%add3A, %dma_start3A_342, %dma_start3A_343, %dma_start3A_344] : memref<32x160x64x16xf32, #tpu.memory_space<hbm>> -> memref<1x160x64x16xf32, #tpu.memory_space<hbm>>
        %dma_start3A_346 = tpu.memref_squeeze %dma_start3A_345 : memref<1x160x64x16xf32, #tpu.memory_space<hbm>> -> memref<160x64x16xf32, #tpu.memory_space<hbm>>
        %dma_start3A_347 = arith.constant 0 : i32
        %dma_start3A_348 = arith.constant 0 : i32
        %dma_start3A_349 = tpu.memref_slice %dma_start3A_346[%add3A_306, %dma_start3A_347, %dma_start3A_348] : memref<160x64x16xf32, #tpu.memory_space<hbm>> -> memref<1x64x16xf32, #tpu.memory_space<hbm>>
        %dma_start3A_350 = tpu.memref_squeeze %dma_start3A_349 : memref<1x64x16xf32, #tpu.memory_space<hbm>> -> memref<64x16xf32, #tpu.memory_space<hbm>>
        tpu.enqueue_dma source(%dma_start3A_350 : memref<64x16xf32, #tpu.memory_space<hbm>>) target(%dma_start3A_341 : memref<64x16xf32, #tpu.memory_space<vmem>>) target_semaphore(%arg12 : memref<!tpu.dma_semaphore, #tpu.memory_space<semaphore_mem>>)
      } else {
      }
      %dma_wait3A = arith.constant 0 : i32
      %dma_wait3A_190 = arith.constant 0 : i32
      %dma_wait3A_191 = arith.constant 0 : i32
      %dma_wait3A_192 = tpu.memref_slice %arg10[%select_n3A_177, %dma_wait3A_190, %dma_wait3A_191] : memref<3x64x128xf32, #tpu.memory_space<vmem>> -> memref<1x64x128xf32, #tpu.memory_space<vmem>>
      %dma_wait3A_193 = tpu.memref_squeeze %dma_wait3A_192 : memref<1x64x128xf32, #tpu.memory_space<vmem>> -> memref<64x128xf32, #tpu.memory_space<vmem>>
      %dma_wait3A_194 = arith.constant 0 : i32
      %dma_wait3A_195 = tpu.memref_slice %arg7[%select_n3A_145, %dma_wait3A, %dma_wait3A_194] : memref<4x1x64xi32, #tpu.memory_space<vmem>> -> memref<1x1x64xi32, #tpu.memory_space<vmem>>
      %dma_wait3A_196 = tpu.memref_squeeze %dma_wait3A_195 : memref<1x1x64xi32, #tpu.memory_space<vmem>> -> memref<64xi32, #tpu.memory_space<vmem>>
      %dma_wait3A_197 = arith.constant 0 : i32
      %dma_wait3A_198 = arith.constant 0 : i32
      %dma_wait3A_199 = tpu.memref_slice %arg2[%dma_wait3A_197, %dma_wait3A_198] : memref<10000x128xf32, #tpu.memory_space<hbm>> -> memref<10000x128xf32, #tpu.memory_space<hbm>>
      tpu.wait_indirect_dma semaphore(%arg13 : memref<!tpu.dma_semaphore, #tpu.memory_space<semaphore_mem>>) src(%dma_wait3A_199 : memref<10000x128xf32, #tpu.memory_space<hbm>>) dst(%dma_wait3A_193 : memref<64x128xf32, #tpu.memory_space<vmem>>)
      %parallel_loop3A = arith.constant 0 : i32
      %parallel_loop3A_200 = arith.constant 64 : i32
      %parallel_loop3A_201 = arith.constant 1 : i32
      scf.for %parallel_loop3A_213 = %parallel_loop3A to %parallel_loop3A_200 step %parallel_loop3A_201  : i32 {
        %parallel_loop3A_214 = arith.index_cast %select_n3A_161 : i32 to index
        %parallel_loop3A_215 = arith.index_cast %parallel_loop3A_213 : i32 to index
        %parallel_loop3A_216 = arith.constant 0 : index
        %parallel_loop3A_217 = tpu.vector_load %arg9[%parallel_loop3A_214, %parallel_loop3A_215, %parallel_loop3A_216] {strides = array<i32>} : memref<3x64x16xf32, #tpu.memory_space<vmem>>, vector<1x1x16xf32>,
        %parallel_loop3A_218 = vector.shape_cast %parallel_loop3A_217 : vector<1x1x16xf32> to vector<16xf32>
        %parallel_loop3A_219 = arith.index_cast %select_n3A_177 : i32 to index
        %parallel_loop3A_220 = arith.index_cast %parallel_loop3A_213 : i32 to index
        %parallel_loop3A_221 = arith.constant 0 : index
        %parallel_loop3A_222 = tpu.vector_load %arg10[%parallel_loop3A_219, %parallel_loop3A_220, %parallel_loop3A_221] {strides = array<i32>} : memref<3x64x128xf32, #tpu.memory_space<vmem>>, vector<1x1x16xf32>,
        %parallel_loop3A_223 = vector.shape_cast %parallel_loop3A_222 : vector<1x1x16xf32> to vector<16xf32>
        %parallel_loop3A_224 = arith.mulf %parallel_loop3A_223, %parallel_loop3A_218 : vector<16xf32>
        %parallel_loop3A_225 = arith.index_cast %select_n3A_177 : i32 to index
        %parallel_loop3A_226 = arith.index_cast %parallel_loop3A_213 : i32 to index
        %parallel_loop3A_227 = arith.constant 0 : index
        %parallel_loop3A_228 = tpu.vector_load %arg10[%parallel_loop3A_225, %parallel_loop3A_226, %parallel_loop3A_227] {strides = array<i32>} : memref<3x64x128xf32, #tpu.memory_space<vmem>>, vector<1x1x16xf32>,
        %parallel_loop3A_229 = vector.shape_cast %parallel_loop3A_228 : vector<1x1x16xf32> to vector<16xf32>
        %parallel_loop3A_230 = vector.shape_cast %parallel_loop3A_224 : vector<16xf32> to vector<1x1x16xf32>
        tpu.vector_store %arg10[%parallel_loop3A_225, %parallel_loop3A_226, %parallel_loop3A_227], %parallel_loop3A_230 {strides = array<i32>} : memref<3x64x128xf32, #tpu.memory_space<vmem>>, vector<1x1x16xf32>,
        %parallel_loop3A_231 = arith.index_cast %select_n3A_177 : i32 to index
        %parallel_loop3A_232 = arith.index_cast %parallel_loop3A_213 : i32 to index
        %parallel_loop3A_233 = arith.constant 16 : index
        %parallel_loop3A_234 = tpu.vector_load %arg10[%parallel_loop3A_231, %parallel_loop3A_232, %parallel_loop3A_233] {strides = array<i32>} : memref<3x64x128xf32, #tpu.memory_space<vmem>>, vector<1x1x16xf32>,
        %parallel_loop3A_235 = vector.shape_cast %parallel_loop3A_234 : vector<1x1x16xf32> to vector<16xf32>
        %parallel_loop3A_236 = arith.mulf %parallel_loop3A_235, %parallel_loop3A_218 : vector<16xf32>
        %parallel_loop3A_237 = arith.index_cast %select_n3A_177 : i32 to index
        %parallel_loop3A_238 = arith.index_cast %parallel_loop3A_213 : i32 to index
        %parallel_loop3A_239 = arith.constant 16 : index
        %parallel_loop3A_240 = tpu.vector_load %arg10[%parallel_loop3A_237, %parallel_loop3A_238, %parallel_loop3A_239] {strides = array<i32>} : memref<3x64x128xf32, #tpu.memory_space<vmem>>, vector<1x1x16xf32>,
        %parallel_loop3A_241 = vector.shape_cast %parallel_loop3A_240 : vector<1x1x16xf32> to vector<16xf32>
        %parallel_loop3A_242 = vector.shape_cast %parallel_loop3A_236 : vector<16xf32> to vector<1x1x16xf32>
        tpu.vector_store %arg10[%parallel_loop3A_237, %parallel_loop3A_238, %parallel_loop3A_239], %parallel_loop3A_242 {strides = array<i32>} : memref<3x64x128xf32, #tpu.memory_space<vmem>>, vector<1x1x16xf32>,
        %parallel_loop3A_243 = arith.index_cast %select_n3A_177 : i32 to index
        %parallel_loop3A_244 = arith.index_cast %parallel_loop3A_213 : i32 to index
        %parallel_loop3A_245 = arith.constant 32 : index
        %parallel_loop3A_246 = tpu.vector_load %arg10[%parallel_loop3A_243, %parallel_loop3A_244, %parallel_loop3A_245] {strides = array<i32>} : memref<3x64x128xf32, #tpu.memory_space<vmem>>, vector<1x1x16xf32>,
        %parallel_loop3A_247 = vector.shape_cast %parallel_loop3A_246 : vector<1x1x16xf32> to vector<16xf32>
        %parallel_loop3A_248 = arith.mulf %parallel_loop3A_247, %parallel_loop3A_218 : vector<16xf32>
        %parallel_loop3A_249 = arith.index_cast %select_n3A_177 : i32 to index
        %parallel_loop3A_250 = arith.index_cast %parallel_loop3A_213 : i32 to index
        %parallel_loop3A_251 = arith.constant 32 : index
        %parallel_loop3A_252 = tpu.vector_load %arg10[%parallel_loop3A_249, %parallel_loop3A_250, %parallel_loop3A_251] {strides = array<i32>} : memref<3x64x128xf32, #tpu.memory_space<vmem>>, vector<1x1x16xf32>,
        %parallel_loop3A_253 = vector.shape_cast %parallel_loop3A_252 : vector<1x1x16xf32> to vector<16xf32>
        %parallel_loop3A_254 = vector.shape_cast %parallel_loop3A_248 : vector<16xf32> to vector<1x1x16xf32>
        tpu.vector_store %arg10[%parallel_loop3A_249, %parallel_loop3A_250, %parallel_loop3A_251], %parallel_loop3A_254 {strides = array<i32>} : memref<3x64x128xf32, #tpu.memory_space<vmem>>, vector<1x1x16xf32>,
        %parallel_loop3A_255 = arith.index_cast %select_n3A_177 : i32 to index
        %parallel_loop3A_256 = arith.index_cast %parallel_loop3A_213 : i32 to index
        %parallel_loop3A_257 = arith.constant 48 : index
        %parallel_loop3A_258 = tpu.vector_load %arg10[%parallel_loop3A_255, %parallel_loop3A_256, %parallel_loop3A_257] {strides = array<i32>} : memref<3x64x128xf32, #tpu.memory_space<vmem>>, vector<1x1x16xf32>,
        %parallel_loop3A_259 = vector.shape_cast %parallel_loop3A_258 : vector<1x1x16xf32> to vector<16xf32>
        %parallel_loop3A_260 = arith.mulf %parallel_loop3A_259, %parallel_loop3A_218 : vector<16xf32>
        %parallel_loop3A_261 = arith.index_cast %select_n3A_177 : i32 to index
        %parallel_loop3A_262 = arith.index_cast %parallel_loop3A_213 : i32 to index
        %parallel_loop3A_263 = arith.constant 48 : index
        %parallel_loop3A_264 = tpu.vector_load %arg10[%parallel_loop3A_261, %parallel_loop3A_262, %parallel_loop3A_263] {strides = array<i32>} : memref<3x64x128xf32, #tpu.memory_space<vmem>>, vector<1x1x16xf32>,
        %parallel_loop3A_265 = vector.shape_cast %parallel_loop3A_264 : vector<1x1x16xf32> to vector<16xf32>
        %parallel_loop3A_266 = vector.shape_cast %parallel_loop3A_260 : vector<16xf32> to vector<1x1x16xf32>
        tpu.vector_store %arg10[%parallel_loop3A_261, %parallel_loop3A_262, %parallel_loop3A_263], %parallel_loop3A_266 {strides = array<i32>} : memref<3x64x128xf32, #tpu.memory_space<vmem>>, vector<1x1x16xf32>,
        %parallel_loop3A_267 = arith.index_cast %select_n3A_177 : i32 to index
        %parallel_loop3A_268 = arith.index_cast %parallel_loop3A_213 : i32 to index
        %parallel_loop3A_269 = arith.constant 64 : index
        %parallel_loop3A_270 = tpu.vector_load %arg10[%parallel_loop3A_267, %parallel_loop3A_268, %parallel_loop3A_269] {strides = array<i32>} : memref<3x64x128xf32, #tpu.memory_space<vmem>>, vector<1x1x16xf32>,
        %parallel_loop3A_271 = vector.shape_cast %parallel_loop3A_270 : vector<1x1x16xf32> to vector<16xf32>
        %parallel_loop3A_272 = arith.mulf %parallel_loop3A_271, %parallel_loop3A_218 : vector<16xf32>
        %parallel_loop3A_273 = arith.index_cast %select_n3A_177 : i32 to index
        %parallel_loop3A_274 = arith.index_cast %parallel_loop3A_213 : i32 to index
        %parallel_loop3A_275 = arith.constant 64 : index
        %parallel_loop3A_276 = tpu.vector_load %arg10[%parallel_loop3A_273, %parallel_loop3A_274, %parallel_loop3A_275] {strides = array<i32>} : memref<3x64x128xf32, #tpu.memory_space<vmem>>, vector<1x1x16xf32>,
        %parallel_loop3A_277 = vector.shape_cast %parallel_loop3A_276 : vector<1x1x16xf32> to vector<16xf32>
        %parallel_loop3A_278 = vector.shape_cast %parallel_loop3A_272 : vector<16xf32> to vector<1x1x16xf32>
        tpu.vector_store %arg10[%parallel_loop3A_273, %parallel_loop3A_274, %parallel_loop3A_275], %parallel_loop3A_278 {strides = array<i32>} : memref<3x64x128xf32, #tpu.memory_space<vmem>>, vector<1x1x16xf32>,
        %parallel_loop3A_279 = arith.index_cast %select_n3A_177 : i32 to index
        %parallel_loop3A_280 = arith.index_cast %parallel_loop3A_213 : i32 to index
        %parallel_loop3A_281 = arith.constant 80 : index
        %parallel_loop3A_282 = tpu.vector_load %arg10[%parallel_loop3A_279, %parallel_loop3A_280, %parallel_loop3A_281] {strides = array<i32>} : memref<3x64x128xf32, #tpu.memory_space<vmem>>, vector<1x1x16xf32>,
        %parallel_loop3A_283 = vector.shape_cast %parallel_loop3A_282 : vector<1x1x16xf32> to vector<16xf32>
        %parallel_loop3A_284 = arith.mulf %parallel_loop3A_283, %parallel_loop3A_218 : vector<16xf32>
        %parallel_loop3A_285 = arith.index_cast %select_n3A_177 : i32 to index
        %parallel_loop3A_286 = arith.index_cast %parallel_loop3A_213 : i32 to index
        %parallel_loop3A_287 = arith.constant 80 : index
        %parallel_loop3A_288 = tpu.vector_load %arg10[%parallel_loop3A_285, %parallel_loop3A_286, %parallel_loop3A_287] {strides = array<i32>} : memref<3x64x128xf32, #tpu.memory_space<vmem>>, vector<1x1x16xf32>,
        %parallel_loop3A_289 = vector.shape_cast %parallel_loop3A_288 : vector<1x1x16xf32> to vector<16xf32>
        %parallel_loop3A_290 = vector.shape_cast %parallel_loop3A_284 : vector<16xf32> to vector<1x1x16xf32>
        tpu.vector_store %arg10[%parallel_loop3A_285, %parallel_loop3A_286, %parallel_loop3A_287], %parallel_loop3A_290 {strides = array<i32>} : memref<3x64x128xf32, #tpu.memory_space<vmem>>, vector<1x1x16xf32>,
        %parallel_loop3A_291 = arith.index_cast %select_n3A_177 : i32 to index
        %parallel_loop3A_292 = arith.index_cast %parallel_loop3A_213 : i32 to index
        %parallel_loop3A_293 = arith.constant 96 : index
        %parallel_loop3A_294 = tpu.vector_load %arg10[%parallel_loop3A_291, %parallel_loop3A_292, %parallel_loop3A_293] {strides = array<i32>} : memref<3x64x128xf32, #tpu.memory_space<vmem>>, vector<1x1x16xf32>,
        %parallel_loop3A_295 = vector.shape_cast %parallel_loop3A_294 : vector<1x1x16xf32> to vector<16xf32>
        %parallel_loop3A_296 = arith.mulf %parallel_loop3A_295, %parallel_loop3A_218 : vector<16xf32>
        %parallel_loop3A_297 = arith.index_cast %select_n3A_177 : i32 to index
        %parallel_loop3A_298 = arith.index_cast %parallel_loop3A_213 : i32 to index
        %parallel_loop3A_299 = arith.constant 96 : index
        %parallel_loop3A_300 = tpu.vector_load %arg10[%parallel_loop3A_297, %parallel_loop3A_298, %parallel_loop3A_299] {strides = array<i32>} : memref<3x64x128xf32, #tpu.memory_space<vmem>>, vector<1x1x16xf32>,
        %parallel_loop3A_301 = vector.shape_cast %parallel_loop3A_300 : vector<1x1x16xf32> to vector<16xf32>
        %parallel_loop3A_302 = vector.shape_cast %parallel_loop3A_296 : vector<16xf32> to vector<1x1x16xf32>
        tpu.vector_store %arg10[%parallel_loop3A_297, %parallel_loop3A_298, %parallel_loop3A_299], %parallel_loop3A_302 {strides = array<i32>} : memref<3x64x128xf32, #tpu.memory_space<vmem>>, vector<1x1x16xf32>,
        %parallel_loop3A_303 = arith.index_cast %select_n3A_177 : i32 to index
        %parallel_loop3A_304 = arith.index_cast %parallel_loop3A_213 : i32 to index
        %parallel_loop3A_305 = arith.constant 112 : index
        %parallel_loop3A_306 = tpu.vector_load %arg10[%parallel_loop3A_303, %parallel_loop3A_304, %parallel_loop3A_305] {strides = array<i32>} : memref<3x64x128xf32, #tpu.memory_space<vmem>>, vector<1x1x16xf32>,
        %parallel_loop3A_307 = vector.shape_cast %parallel_loop3A_306 : vector<1x1x16xf32> to vector<16xf32>
        %parallel_loop3A_308 = arith.mulf %parallel_loop3A_307, %parallel_loop3A_218 : vector<16xf32>
        %parallel_loop3A_309 = arith.index_cast %select_n3A_177 : i32 to index
        %parallel_loop3A_310 = arith.index_cast %parallel_loop3A_213 : i32 to index
        %parallel_loop3A_311 = arith.constant 112 : index
        %parallel_loop3A_312 = tpu.vector_load %arg10[%parallel_loop3A_309, %parallel_loop3A_310, %parallel_loop3A_311] {strides = array<i32>} : memref<3x64x128xf32, #tpu.memory_space<vmem>>, vector<1x1x16xf32>,
        %parallel_loop3A_313 = vector.shape_cast %parallel_loop3A_312 : vector<1x1x16xf32> to vector<16xf32>
        %parallel_loop3A_314 = vector.shape_cast %parallel_loop3A_308 : vector<16xf32> to vector<1x1x16xf32>
        tpu.vector_store %arg10[%parallel_loop3A_309, %parallel_loop3A_310, %parallel_loop3A_311], %parallel_loop3A_314 {strides = array<i32>} : memref<3x64x128xf32, #tpu.memory_space<vmem>>, vector<1x1x16xf32>,
      } {sc.loop_unroll_factor = 16 : i64, sc.parallel_access}
      %dma_start3A_202 = arith.constant 0 : i32
      %dma_start3A_203 = arith.constant 0 : i32
      %dma_start3A_204 = arith.constant 0 : i32
      %dma_start3A_205 = tpu.memref_slice %arg10[%select_n3A_177, %dma_start3A_203, %dma_start3A_204] : memref<3x64x128xf32, #tpu.memory_space<vmem>> -> memref<1x64x128xf32, #tpu.memory_space<vmem>>
      %dma_start3A_206 = tpu.memref_squeeze %dma_start3A_205 : memref<1x64x128xf32, #tpu.memory_space<vmem>> -> memref<64x128xf32, #tpu.memory_space<vmem>>
      %dma_start3A_207 = arith.constant 0 : i32
      %dma_start3A_208 = tpu.memref_slice %arg8[%select_n3A_145, %dma_start3A_202, %dma_start3A_207] : memref<4x1x64xi32, #tpu.memory_space<vmem>> -> memref<1x1x64xi32, #tpu.memory_space<vmem>>
      %dma_start3A_209 = tpu.memref_squeeze %dma_start3A_208 : memref<1x1x64xi32, #tpu.memory_space<vmem>> -> memref<64xi32, #tpu.memory_space<vmem>>
      %dma_start3A_210 = arith.constant 0 : i32
      %dma_start3A_211 = arith.constant 0 : i32
      %dma_start3A_212 = tpu.memref_slice %arg11[%dma_start3A_210, %dma_start3A_211] : memref<10112x128xf32, #tpu.memory_space<vmem_shared>> -> memref<10112x128xf32, #tpu.memory_space<vmem_shared>>
      tpu.enqueue_indirect_dma source(%dma_start3A_206 : memref<64x128xf32, #tpu.memory_space<vmem>>) target(%dma_start3A_212 : memref<10112x128xf32, #tpu.memory_space<vmem_shared>>) offsets(%dma_start3A_209 : memref<64xi32, #tpu.memory_space<vmem>>) semaphore(%arg14 : memref<!tpu.dma_semaphore, #tpu.memory_space<semaphore_mem>>) {add = true}
    }
    %scan3A_124 = arith.constant 160 : i32
    %scan3A_125 = arith.constant 0 : i32
    %scan3A_126 = arith.constant 157 : i32
    %scan3A_127 = arith.constant 3 : i32
    %scan3A_128 = arith.addi %scan3A_126, %scan3A_127 : i32
    %scan3A_129 = arith.constant 1 : i32
    scf.for %scan3A_136 = %scan3A_126 to %scan3A_128 step %scan3A_129  : i32 {
      %jit3A = arith.constant 3 : i32
      %eq3A = arith.constant 0 : i32
      %eq3A_137 = arith.cmpi eq, %jit3A, %eq3A : i32
      %jit3A_138 = arith.constant 1 : i32
      %select_n3A = arith.select %eq3A_137, %jit3A_138, %jit3A : i32
      %rem3A = arith.remsi %scan3A_136, %select_n3A : i32
      %ne3A = arith.constant 0 : i32
      %ne3A_139 = arith.cmpi ne, %rem3A, %ne3A : i32
      %lt3A = arith.constant 0 : i32
      %lt3A_140 = arith.cmpi slt, %rem3A, %lt3A : i32
      %lt3A_141 = arith.constant 0 : i32
      %lt3A_142 = arith.cmpi slt, %select_n3A, %lt3A_141 : i32
      %ne3A_143 = arith.xori %lt3A_140, %lt3A_142 : i1
      %and3A = arith.andi %ne3A_143, %ne3A_139 : i1
      %add3A_144 = arith.addi %rem3A, %select_n3A : i32
      %select_n3A_145 = arith.select %and3A, %add3A_144, %rem3A : i32
      %jit3A_146 = arith.constant 4 : i32
      %eq3A_147 = arith.constant 0 : i32
      %eq3A_148 = arith.cmpi eq, %jit3A_146, %eq3A_147 : i32
      %jit3A_149 = arith.constant 1 : i32
      %select_n3A_150 = arith.select %eq3A_148, %jit3A_149, %jit3A_146 : i32
      %rem3A_151 = arith.remsi %scan3A_136, %select_n3A_150 : i32
      %ne3A_152 = arith.constant 0 : i32
      %ne3A_153 = arith.cmpi ne, %rem3A_151, %ne3A_152 : i32
      %lt3A_154 = arith.constant 0 : i32
      %lt3A_155 = arith.cmpi slt, %rem3A_151, %lt3A_154 : i32
      %lt3A_156 = arith.constant 0 : i32
      %lt3A_157 = arith.cmpi slt, %select_n3A_150, %lt3A_156 : i32
      %ne3A_158 = arith.xori %lt3A_155, %lt3A_157 : i1
      %and3A_159 = arith.andi %ne3A_158, %ne3A_153 : i1
      %add3A_160 = arith.addi %rem3A_151, %select_n3A_150 : i32
      %select_n3A_161 = arith.select %and3A_159, %add3A_160, %rem3A_151 : i32
      %dma_wait3A = arith.constant 0 : i32
      %dma_wait3A_162 = arith.constant 0 : i32
      %dma_wait3A_163 = arith.constant 0 : i32
      %dma_wait3A_164 = tpu.memref_slice %arg10[%select_n3A_145, %dma_wait3A_162, %dma_wait3A_163] : memref<3x64x128xf32, #tpu.memory_space<vmem>> -> memref<1x64x128xf32, #tpu.memory_space<vmem>>
      %dma_wait3A_165 = tpu.memref_squeeze %dma_wait3A_164 : memref<1x64x128xf32, #tpu.memory_space<vmem>> -> memref<64x128xf32, #tpu.memory_space<vmem>>
      %dma_wait3A_166 = arith.constant 0 : i32
      %dma_wait3A_167 = tpu.memref_slice %arg8[%select_n3A_161, %dma_wait3A, %dma_wait3A_166] : memref<4x1x64xi32, #tpu.memory_space<vmem>> -> memref<1x1x64xi32, #tpu.memory_space<vmem>>
      %dma_wait3A_168 = tpu.memref_squeeze %dma_wait3A_167 : memref<1x1x64xi32, #tpu.memory_space<vmem>> -> memref<64xi32, #tpu.memory_space<vmem>>
      %dma_wait3A_169 = arith.constant 0 : i32
      %dma_wait3A_170 = arith.constant 0 : i32
      %dma_wait3A_171 = tpu.memref_slice %arg11[%dma_wait3A_169, %dma_wait3A_170] : memref<10112x128xf32, #tpu.memory_space<vmem_shared>> -> memref<10112x128xf32, #tpu.memory_space<vmem_shared>>
      tpu.wait_indirect_dma semaphore(%arg14 : memref<!tpu.dma_semaphore, #tpu.memory_space<semaphore_mem>>) src(%dma_wait3A_165 : memref<64x128xf32, #tpu.memory_space<vmem>>) dst(%dma_wait3A_171 : memref<10112x128xf32, #tpu.memory_space<vmem_shared>>)
    }
    %scan3A_130 = arith.constant 3 : i32
    %barrier3A_131 = arith.constant 0 : index
    tpu.barrier barrier_id(%barrier3A_131)
    %mul3A_132 = arith.constant 632 : i32
    %mul3A_133 = arith.muli %arg1, %mul3A_132 : i32
    %mul3A_134 = arith.constant 632 : i32
    %mul3A_135 = arith.muli %arg1, %mul3A_134 : i32
    "tpu.region"() ({
      %run_scoped3A_136 = tpu.sem_alloc : memref<!tpu.dma_semaphore, #tpu.memory_space<semaphore_mem>>
      %dma_start3A_137 = arith.constant 0 : i32
      %dma_start3A_138 = tpu.memref_slice %arg6[%arg0, %mul3A_135, %dma_start3A_137] : memref<2x10112x128xf32, #tpu.memory_space<hbm>> -> memref<1x632x128xf32, #tpu.memory_space<hbm>>
      %dma_start3A_139 = tpu.memref_squeeze %dma_start3A_138 : memref<1x632x128xf32, #tpu.memory_space<hbm>> -> memref<632x128xf32, #tpu.memory_space<hbm>>
      %dma_start3A_140 = arith.constant 0 : i32
      %dma_start3A_141 = tpu.memref_slice %arg11[%mul3A_133, %dma_start3A_140] : memref<10112x128xf32, #tpu.memory_space<vmem_shared>> -> memref<632x128xf32, #tpu.memory_space<vmem_shared>>
      tpu.enqueue_dma source(%dma_start3A_141 : memref<632x128xf32, #tpu.memory_space<vmem_shared>>) target(%dma_start3A_139 : memref<632x128xf32, #tpu.memory_space<hbm>>) target_semaphore(%run_scoped3A_136 : memref<!tpu.dma_semaphore, #tpu.memory_space<semaphore_mem>>)
      %dma_wait3A = arith.constant 0 : i32
      %dma_wait3A_142 = tpu.memref_slice %arg6[%arg0, %mul3A_135, %dma_wait3A] : memref<2x10112x128xf32, #tpu.memory_space<hbm>> -> memref<1x632x128xf32, #tpu.memory_space<hbm>>
      %dma_wait3A_143 = tpu.memref_squeeze %dma_wait3A_142 : memref<1x632x128xf32, #tpu.memory_space<hbm>> -> memref<632x128xf32, #tpu.memory_space<hbm>>
      %dma_wait3A_144 = arith.constant 0 : i32
      %dma_wait3A_145 = tpu.memref_slice %arg11[%mul3A_133, %dma_wait3A_144] : memref<10112x128xf32, #tpu.memory_space<vmem_shared>> -> memref<632x128xf32, #tpu.memory_space<vmem_shared>>
      tpu.wait_dma2 semaphore(%run_scoped3A_136 : memref<!tpu.dma_semaphore, #tpu.memory_space<semaphore_mem>>) src(%dma_wait3A_145 : memref<632x128xf32, #tpu.memory_space<vmem_shared>>) dst(%dma_wait3A_143 : memref<632x128xf32, #tpu.memory_space<hbm>>)
      tpu.yield
    }) : () -> ()
    return
  }
}

#map = affine_map<(d0, d1) -> (0, 0)>
#map1 = affine_map<(d0, d1) -> (0, 0, 0, 0)>
#map2 = affine_map<(d0, d1) -> (0, 0, 0)>
module attributes {stable_mosaic.version = 14 : i64} {
  func.func @_sc_pass(%arg0: i32, %arg1: i32, %arg2: memref<10000x128xf32, #tpu.memory_space<hbm>>, %arg3: memref<32x160x1x64xi32, #tpu.memory_space<hbm>>, %arg4: memref<32x160x1x64xi32, #tpu.memory_space<hbm>>, %arg5: memref<32x160x64x16xf32, #tpu.memory_space<hbm>>, %arg6: memref<2x10112x128xf32, #tpu.memory_space<hbm>>, %arg7: memref<4x1x64xi32, #tpu.memory_space<vmem>>, %arg8: memref<4x1x64xi32, #tpu.memory_space<vmem>>, %arg9: memref<3x64x16xf32, #tpu.memory_space<vmem>>, %arg10: memref<3x64x128xf32, #tpu.memory_space<vmem>>, %arg11: memref<10112x128xf32, #tpu.memory_space<vmem_shared>>, %arg12: memref<!tpu.dma_semaphore, #tpu.memory_space<semaphore_mem>>, %arg13: memref<!tpu.dma_semaphore, #tpu.memory_space<semaphore_mem>>, %arg14: memref<!tpu.dma_semaphore, #tpu.memory_space<semaphore_mem>>) attributes {dimension_semantics = [#tpu.dimension_semantics<core_parallel>, #tpu.dimension_semantics<subcore_parallel>], iteration_bounds = array<i64: 2, 16>, scalar_prefetch = 0 : i64, scratch_operands = 8 : i64, tpu.core_type = #tpu.core_type<sc_vector_subcore>, window_params = [{transform_indices = #map}, {transform_indices = #map1}, {transform_indices = #map1}, {transform_indices = #map1}, {transform_indices = #map2}]} {
    %mul3A = arith.constant 2 : i32
    %mul3A_0 = arith.muli %arg1, %mul3A : i32
    %add3A = arith.addi %mul3A_0, %arg0 : i32
    %scan3A = arith.constant 0 : i32
    %scan3A_1 = arith.constant 0 : i32
    %scan3A_2 = arith.constant 64 : i32
    %scan3A_3 = arith.addi %scan3A_1, %scan3A_2 : i32
    %scan3A_4 = arith.constant 1 : i32
    scf.for %scan3A_136 = %scan3A_1 to %scan3A_3 step %scan3A_4  : i32 {
      %broadcast_in_dim3A = arith.constant 0.000000e+00 : f32
      %broadcast_in_dim3A_137 = vector.broadcast %broadcast_in_dim3A : f32 to vector<16xf32>
      %swap3A = arith.constant 0 : i32
      %swap3A_138 = arith.index_cast %swap3A : i32 to index
      %swap3A_139 = arith.index_cast %scan3A_136 : i32 to index
      %swap3A_140 = arith.constant 0 : index
      %swap3A_141 = tpu.vector_load %arg10[%swap3A_138, %swap3A_139, %swap3A_140] {strides = array<i32>} : memref<3x64x128xf32, #tpu.memory_space<vmem>>, vector<1x1x16xf32>,
      %swap3A_142 = vector.shape_cast %swap3A_141 : vector<1x1x16xf32> to vector<16xf32>
      %swap3A_143 = vector.shape_cast %broadcast_in_dim3A_137 : vector<16xf32> to vector<1x1x16xf32>
      tpu.vector_store %arg10[%swap3A_138, %swap3A_139, %swap3A_140], %swap3A_143 {strides = array<i32>} : memref<3x64x128xf32, #tpu.memory_space<vmem>>, vector<1x1x16xf32>,
      %broadcast_in_dim3A_144 = arith.constant 0.000000e+00 : f32
      %broadcast_in_dim3A_145 = vector.broadcast %broadcast_in_dim3A_144 : f32 to vector<16xf32>
      %swap3A_146 = arith.constant 0 : i32
      %swap3A_147 = arith.index_cast %swap3A_146 : i32 to index
      %swap3A_148 = arith.index_cast %scan3A_136 : i32 to index
      %swap3A_149 = arith.constant 16 : index
      %swap3A_150 = tpu.vector_load %arg10[%swap3A_147, %swap3A_148, %swap3A_149] {strides = array<i32>} : memref<3x64x128xf32, #tpu.memory_space<vmem>>, vector<1x1x16xf32>,
      %swap3A_151 = vector.shape_cast %swap3A_150 : vector<1x1x16xf32> to vector<16xf32>
      %swap3A_152 = vector.shape_cast %broadcast_in_dim3A_145 : vector<16xf32> to vector<1x1x16xf32>
      tpu.vector_store %arg10[%swap3A_147, %swap3A_148, %swap3A_149], %swap3A_152 {strides = array<i32>} : memref<3x64x128xf32, #tpu.memory_space<vmem>>, vector<1x1x16xf32>,
      %broadcast_in_dim3A_153 = arith.constant 0.000000e+00 : f32
      %broadcast_in_dim3A_154 = vector.broadcast %broadcast_in_dim3A_153 : f32 to vector<16xf32>
      %swap3A_155 = arith.constant 0 : i32
      %swap3A_156 = arith.index_cast %swap3A_155 : i32 to index
      %swap3A_157 = arith.index_cast %scan3A_136 : i32 to index
      %swap3A_158 = arith.constant 32 : index
      %swap3A_159 = tpu.vector_load %arg10[%swap3A_156, %swap3A_157, %swap3A_158] {strides = array<i32>} : memref<3x64x128xf32, #tpu.memory_space<vmem>>, vector<1x1x16xf32>,
      %swap3A_160 = vector.shape_cast %swap3A_159 : vector<1x1x16xf32> to vector<16xf32>
      %swap3A_161 = vector.shape_cast %broadcast_in_dim3A_154 : vector<16xf32> to vector<1x1x16xf32>
      tpu.vector_store %arg10[%swap3A_156, %swap3A_157, %swap3A_158], %swap3A_161 {strides = array<i32>} : memref<3x64x128xf32, #tpu.memory_space<vmem>>, vector<1x1x16xf32>,
      %broadcast_in_dim3A_162 = arith.constant 0.000000e+00 : f32
      %broadcast_in_dim3A_163 = vector.broadcast %broadcast_in_dim3A_162 : f32 to vector<16xf32>
      %swap3A_164 = arith.constant 0 : i32
      %swap3A_165 = arith.index_cast %swap3A_164 : i32 to index
      %swap3A_166 = arith.index_cast %scan3A_136 : i32 to index
      %swap3A_167 = arith.constant 48 : index
      %swap3A_168 = tpu.vector_load %arg10[%swap3A_165, %swap3A_166, %swap3A_167] {strides = array<i32>} : memref<3x64x128xf32, #tpu.memory_space<vmem>>, vector<1x1x16xf32>,
      %swap3A_169 = vector.shape_cast %swap3A_168 : vector<1x1x16xf32> to vector<16xf32>
      %swap3A_170 = vector.shape_cast %broadcast_in_dim3A_163 : vector<16xf32> to vector<1x1x16xf32>
      tpu.vector_store %arg10[%swap3A_165, %swap3A_166, %swap3A_167], %swap3A_170 {strides = array<i32>} : memref<3x64x128xf32, #tpu.memory_space<vmem>>, vector<1x1x16xf32>,
      %broadcast_in_dim3A_171 = arith.constant 0.000000e+00 : f32
      %broadcast_in_dim3A_172 = vector.broadcast %broadcast_in_dim3A_171 : f32 to vector<16xf32>
      %swap3A_173 = arith.constant 0 : i32
      %swap3A_174 = arith.index_cast %swap3A_173 : i32 to index
      %swap3A_175 = arith.index_cast %scan3A_136 : i32 to index
      %swap3A_176 = arith.constant 64 : index
      %swap3A_177 = tpu.vector_load %arg10[%swap3A_174, %swap3A_175, %swap3A_176] {strides = array<i32>} : memref<3x64x128xf32, #tpu.memory_space<vmem>>, vector<1x1x16xf32>,
      %swap3A_178 = vector.shape_cast %swap3A_177 : vector<1x1x16xf32> to vector<16xf32>
      %swap3A_179 = vector.shape_cast %broadcast_in_dim3A_172 : vector<16xf32> to vector<1x1x16xf32>
      tpu.vector_store %arg10[%swap3A_174, %swap3A_175, %swap3A_176], %swap3A_179 {strides = array<i32>} : memref<3x64x128xf32, #tpu.memory_space<vmem>>, vector<1x1x16xf32>,
      %broadcast_in_dim3A_180 = arith.constant 0.000000e+00 : f32
      %broadcast_in_dim3A_181 = vector.broadcast %broadcast_in_dim3A_180 : f32 to vector<16xf32>
      %swap3A_182 = arith.constant 0 : i32
      %swap3A_183 = arith.index_cast %swap3A_182 : i32 to index
      %swap3A_184 = arith.index_cast %scan3A_136 : i32 to index
      %swap3A_185 = arith.constant 80 : index
      %swap3A_186 = tpu.vector_load %arg10[%swap3A_183, %swap3A_184, %swap3A_185] {strides = array<i32>} : memref<3x64x128xf32, #tpu.memory_space<vmem>>, vector<1x1x16xf32>,
      %swap3A_187 = vector.shape_cast %swap3A_186 : vector<1x1x16xf32> to vector<16xf32>
      %swap3A_188 = vector.shape_cast %broadcast_in_dim3A_181 : vector<16xf32> to vector<1x1x16xf32>
      tpu.vector_store %arg10[%swap3A_183, %swap3A_184, %swap3A_185], %swap3A_188 {strides = array<i32>} : memref<3x64x128xf32, #tpu.memory_space<vmem>>, vector<1x1x16xf32>,
      %broadcast_in_dim3A_189 = arith.constant 0.000000e+00 : f32
      %broadcast_in_dim3A_190 = vector.broadcast %broadcast_in_dim3A_189 : f32 to vector<16xf32>
      %swap3A_191 = arith.constant 0 : i32
      %swap3A_192 = arith.index_cast %swap3A_191 : i32 to index
      %swap3A_193 = arith.index_cast %scan3A_136 : i32 to index
      %swap3A_194 = arith.constant 96 : index
      %swap3A_195 = tpu.vector_load %arg10[%swap3A_192, %swap3A_193, %swap3A_194] {strides = array<i32>} : memref<3x64x128xf32, #tpu.memory_space<vmem>>, vector<1x1x16xf32>,
      %swap3A_196 = vector.shape_cast %swap3A_195 : vector<1x1x16xf32> to vector<16xf32>
      %swap3A_197 = vector.shape_cast %broadcast_in_dim3A_190 : vector<16xf32> to vector<1x1x16xf32>
      tpu.vector_store %arg10[%swap3A_192, %swap3A_193, %swap3A_194], %swap3A_197 {strides = array<i32>} : memref<3x64x128xf32, #tpu.memory_space<vmem>>, vector<1x1x16xf32>,
      %broadcast_in_dim3A_198 = arith.constant 0.000000e+00 : f32
      %broadcast_in_dim3A_199 = vector.broadcast %broadcast_in_dim3A_198 : f32 to vector<16xf32>
      %swap3A_200 = arith.constant 0 : i32
      %swap3A_201 = arith.index_cast %swap3A_200 : i32 to index
      %swap3A_202 = arith.index_cast %scan3A_136 : i32 to index
      %swap3A_203 = arith.constant 112 : index
      %swap3A_204 = tpu.vector_load %arg10[%swap3A_201, %swap3A_202, %swap3A_203] {strides = array<i32>} : memref<3x64x128xf32, #tpu.memory_space<vmem>>, vector<1x1x16xf32>,
      %swap3A_205 = vector.shape_cast %swap3A_204 : vector<1x1x16xf32> to vector<16xf32>
      %swap3A_206 = vector.shape_cast %broadcast_in_dim3A_199 : vector<16xf32> to vector<1x1x16xf32>
      tpu.vector_store %arg10[%swap3A_201, %swap3A_202, %swap3A_203], %swap3A_206 {strides = array<i32>} : memref<3x64x128xf32, #tpu.memory_space<vmem>>, vector<1x1x16xf32>,
    }
    %scan3A_5 = arith.constant 64 : i32
    %scan3A_6 = arith.constant 0 : i32
    %scan3A_7 = arith.constant 0 : i32
    %scan3A_8 = arith.constant 9 : i32
    %scan3A_9 = arith.addi %scan3A_7, %scan3A_8 : i32
    %scan3A_10 = arith.constant 1 : i32
    scf.for %scan3A_136 = %scan3A_7 to %scan3A_9 step %scan3A_10  : i32 {
      %mul3A_137 = arith.constant 632 : i32
      %mul3A_138 = arith.muli %arg1, %mul3A_137 : i32
      %mul3A_139 = arith.constant 64 : i32
      %mul3A_140 = arith.muli %scan3A_136, %mul3A_139 : i32
      %add3A_141 = arith.addi %mul3A_138, %mul3A_140 : i32
      %run_scoped3A_142 = arith.constant 0 : i32
      "tpu.region"() ({
        %run_scoped3A_143 = tpu.sem_alloc : memref<!tpu.dma_semaphore, #tpu.memory_space<semaphore_mem>>
        %dma_start3A_144 = arith.constant 0 : i32
        %dma_start3A_145 = arith.constant 0 : i32
        %dma_start3A_146 = tpu.memref_slice %arg10[%run_scoped3A_142, %dma_start3A_144, %dma_start3A_145] : memref<3x64x128xf32, #tpu.memory_space<vmem>> -> memref<1x64x128xf32, #tpu.memory_space<vmem>>
        %dma_start3A_147 = tpu.memref_squeeze %dma_start3A_146 : memref<1x64x128xf32, #tpu.memory_space<vmem>> -> memref<64x128xf32, #tpu.memory_space<vmem>>
        %dma_start3A_148 = arith.constant 0 : i32
        %dma_start3A_149 = tpu.memref_slice %arg11[%add3A_141, %dma_start3A_148] : memref<10112x128xf32, #tpu.memory_space<vmem_shared>> -> memref<64x128xf32, #tpu.memory_space<vmem_shared>>
        %dma_start3A_150 = arith.constant 0 : i32
        %dma_start3A_151 = tpu.memref_slice %arg11[%add3A_141, %dma_start3A_150] : memref<10112x128xf32, #tpu.memory_space<vmem_shared>> -> memref<64x128xf32, #tpu.memory_space<vmem_shared>>
        %dma_start3A_152 = arith.constant 0 : i32
        %dma_start3A_153 = arith.constant 0 : i32
        %dma_start3A_154 = tpu.memref_slice %arg10[%run_scoped3A_142, %dma_start3A_152, %dma_start3A_153] : memref<3x64x128xf32, #tpu.memory_space<vmem>> -> memref<1x64x128xf32, #tpu.memory_space<vmem>>
        %dma_start3A_155 = tpu.memref_squeeze %dma_start3A_154 : memref<1x64x128xf32, #tpu.memory_space<vmem>> -> memref<64x128xf32, #tpu.memory_space<vmem>>
        tpu.enqueue_dma source(%dma_start3A_155 : memref<64x128xf32, #tpu.memory_space<vmem>>) target(%dma_start3A_151 : memref<64x128xf32, #tpu.memory_space<vmem_shared>>) target_semaphore(%run_scoped3A_143 : memref<!tpu.dma_semaphore, #tpu.memory_space<semaphore_mem>>)
        %dma_wait3A = arith.constant 0 : i32
        %dma_wait3A_156 = arith.constant 0 : i32
        %dma_wait3A_157 = tpu.memref_slice %arg10[%run_scoped3A_142, %dma_wait3A, %dma_wait3A_156] : memref<3x64x128xf32, #tpu.memory_space<vmem>> -> memref<1x64x128xf32, #tpu.memory_space<vmem>>
        %dma_wait3A_158 = tpu.memref_squeeze %dma_wait3A_157 : memref<1x64x128xf32, #tpu.memory_space<vmem>> -> memref<64x128xf32, #tpu.memory_space<vmem>>
        %dma_wait3A_159 = arith.constant 0 : i32
        %dma_wait3A_160 = tpu.memref_slice %arg11[%add3A_141, %dma_wait3A_159] : memref<10112x128xf32, #tpu.memory_space<vmem_shared>> -> memref<64x128xf32, #tpu.memory_space<vmem_shared>>
        %dma_wait3A_161 = arith.constant 0 : i32
        %dma_wait3A_162 = tpu.memref_slice %arg11[%add3A_141, %dma_wait3A_161] : memref<10112x128xf32, #tpu.memory_space<vmem_shared>> -> memref<64x128xf32, #tpu.memory_space<vmem_shared>>
        %dma_wait3A_163 = arith.constant 0 : i32
        %dma_wait3A_164 = arith.constant 0 : i32
        %dma_wait3A_165 = tpu.memref_slice %arg10[%run_scoped3A_142, %dma_wait3A_163, %dma_wait3A_164] : memref<3x64x128xf32, #tpu.memory_space<vmem>> -> memref<1x64x128xf32, #tpu.memory_space<vmem>>
        %dma_wait3A_166 = tpu.memref_squeeze %dma_wait3A_165 : memref<1x64x128xf32, #tpu.memory_space<vmem>> -> memref<64x128xf32, #tpu.memory_space<vmem>>
        tpu.wait_dma2 semaphore(%run_scoped3A_143 : memref<!tpu.dma_semaphore, #tpu.memory_space<semaphore_mem>>) src(%dma_wait3A_166 : memref<64x128xf32, #tpu.memory_space<vmem>>) dst(%dma_wait3A_162 : memref<64x128xf32, #tpu.memory_space<vmem_shared>>)
        tpu.yield
      }) : () -> ()
    }
    %scan3A_11 = arith.constant 9 : i32
    %scan3A_12 = arith.constant 0 : i32
    %scan3A_13 = arith.constant 0 : i32
    %scan3A_14 = arith.constant 7 : i32
    %scan3A_15 = arith.addi %scan3A_13, %scan3A_14 : i32
    %scan3A_16 = arith.constant 1 : i32
    scf.for %scan3A_136 = %scan3A_13 to %scan3A_15 step %scan3A_16  : i32 {
      %mul3A_137 = arith.constant 632 : i32
      %mul3A_138 = arith.muli %arg1, %mul3A_137 : i32
      %add3A_139 = arith.constant 576 : i32
      %add3A_140 = arith.addi %mul3A_138, %add3A_139 : i32
      %mul3A_141 = arith.constant 8 : i32
      %mul3A_142 = arith.muli %scan3A_136, %mul3A_141 : i32
      %add3A_143 = arith.addi %add3A_140, %mul3A_142 : i32
      %run_scoped3A_144 = arith.constant 0 : i32
      "tpu.region"() ({
        %run_scoped3A_145 = tpu.sem_alloc : memref<!tpu.dma_semaphore, #tpu.memory_space<semaphore_mem>>
        %dma_start3A_146 = arith.constant 0 : i32
        %dma_start3A_147 = arith.constant 0 : i32
        %dma_start3A_148 = tpu.memref_slice %arg10[%run_scoped3A_144, %dma_start3A_146, %dma_start3A_147] : memref<3x64x128xf32, #tpu.memory_space<vmem>> -> memref<1x8x128xf32, #tpu.memory_space<vmem>>
        %dma_start3A_149 = tpu.memref_squeeze %dma_start3A_148 : memref<1x8x128xf32, #tpu.memory_space<vmem>> -> memref<8x128xf32, #tpu.memory_space<vmem>>
        %dma_start3A_150 = arith.constant 0 : i32
        %dma_start3A_151 = tpu.memref_slice %arg11[%add3A_143, %dma_start3A_150] : memref<10112x128xf32, #tpu.memory_space<vmem_shared>> -> memref<8x128xf32, #tpu.memory_space<vmem_shared>>
        %dma_start3A_152 = arith.constant 0 : i32
        %dma_start3A_153 = tpu.memref_slice %arg11[%add3A_143, %dma_start3A_152] : memref<10112x128xf32, #tpu.memory_space<vmem_shared>> -> memref<8x128xf32, #tpu.memory_space<vmem_shared>>
        %dma_start3A_154 = arith.constant 0 : i32
        %dma_start3A_155 = arith.constant 0 : i32
        %dma_start3A_156 = tpu.memref_slice %arg10[%run_scoped3A_144, %dma_start3A_154, %dma_start3A_155] : memref<3x64x128xf32, #tpu.memory_space<vmem>> -> memref<1x8x128xf32, #tpu.memory_space<vmem>>
        %dma_start3A_157 = tpu.memref_squeeze %dma_start3A_156 : memref<1x8x128xf32, #tpu.memory_space<vmem>> -> memref<8x128xf32, #tpu.memory_space<vmem>>
        tpu.enqueue_dma source(%dma_start3A_157 : memref<8x128xf32, #tpu.memory_space<vmem>>) target(%dma_start3A_153 : memref<8x128xf32, #tpu.memory_space<vmem_shared>>) target_semaphore(%run_scoped3A_145 : memref<!tpu.dma_semaphore, #tpu.memory_space<semaphore_mem>>)
        %dma_wait3A = arith.constant 0 : i32
        %dma_wait3A_158 = arith.constant 0 : i32
        %dma_wait3A_159 = tpu.memref_slice %arg10[%run_scoped3A_144, %dma_wait3A, %dma_wait3A_158] : memref<3x64x128xf32, #tpu.memory_space<vmem>> -> memref<1x8x128xf32, #tpu.memory_space<vmem>>
        %dma_wait3A_160 = tpu.memref_squeeze %dma_wait3A_159 : memref<1x8x128xf32, #tpu.memory_space<vmem>> -> memref<8x128xf32, #tpu.memory_space<vmem>>
        %dma_wait3A_161 = arith.constant 0 : i32
        %dma_wait3A_162 = tpu.memref_slice %arg11[%add3A_143, %dma_wait3A_161] : memref<10112x128xf32, #tpu.memory_space<vmem_shared>> -> memref<8x128xf32, #tpu.memory_space<vmem_shared>>
        %dma_wait3A_163 = arith.constant 0 : i32
        %dma_wait3A_164 = tpu.memref_slice %arg11[%add3A_143, %dma_wait3A_163] : memref<10112x128xf32, #tpu.memory_space<vmem_shared>> -> memref<8x128xf32, #tpu.memory_space<vmem_shared>>
        %dma_wait3A_165 = arith.constant 0 : i32
        %dma_wait3A_166 = arith.constant 0 : i32
        %dma_wait3A_167 = tpu.memref_slice %arg10[%run_scoped3A_144, %dma_wait3A_165, %dma_wait3A_166] : memref<3x64x128xf32, #tpu.memory_space<vmem>> -> memref<1x8x128xf32, #tpu.memory_space<vmem>>
        %dma_wait3A_168 = tpu.memref_squeeze %dma_wait3A_167 : memref<1x8x128xf32, #tpu.memory_space<vmem>> -> memref<8x128xf32, #tpu.memory_space<vmem>>
        tpu.wait_dma2 semaphore(%run_scoped3A_145 : memref<!tpu.dma_semaphore, #tpu.memory_space<semaphore_mem>>) src(%dma_wait3A_168 : memref<8x128xf32, #tpu.memory_space<vmem>>) dst(%dma_wait3A_164 : memref<8x128xf32, #tpu.memory_space<vmem_shared>>)
        tpu.yield
      }) : () -> ()
    }
    %scan3A_17 = arith.constant 7 : i32
    %barrier3A = arith.constant 0 : index
    tpu.barrier barrier_id(%barrier3A)
    %run_scoped3A = arith.constant 0 : i32
    %run_scoped3A_18 = arith.constant 0 : i32
    "tpu.region"() ({
      %run_scoped3A_136 = tpu.sem_alloc : memref<!tpu.dma_semaphore, #tpu.memory_space<semaphore_mem>>
      %dma_start3A_137 = arith.constant 0 : i32
      %dma_start3A_138 = arith.constant 0 : i32
      %dma_start3A_139 = tpu.memref_slice %arg7[%run_scoped3A_18, %dma_start3A_137, %dma_start3A_138] : memref<4x1x64xi32, #tpu.memory_space<vmem>> -> memref<1x1x64xi32, #tpu.memory_space<vmem>>
      %dma_start3A_140 = tpu.memref_squeeze %dma_start3A_139 : memref<1x1x64xi32, #tpu.memory_space<vmem>> -> memref<1x64xi32, #tpu.memory_space<vmem>>
      %dma_start3A_141 = arith.constant 0 : i32
      %dma_start3A_142 = arith.constant 0 : i32
      %dma_start3A_143 = arith.constant 0 : i32
      %dma_start3A_144 = tpu.memref_slice %arg3[%add3A, %dma_start3A_141, %dma_start3A_142, %dma_start3A_143] : memref<32x160x1x64xi32, #tpu.memory_space<hbm>> -> memref<1x160x1x64xi32, #tpu.memory_space<hbm>>
      %dma_start3A_145 = tpu.memref_squeeze %dma_start3A_144 : memref<1x160x1x64xi32, #tpu.memory_space<hbm>> -> memref<160x1x64xi32, #tpu.memory_space<hbm>>
      %dma_start3A_146 = arith.constant 0 : i32
      %dma_start3A_147 = arith.constant 0 : i32
      %dma_start3A_148 = tpu.memref_slice %dma_start3A_145[%run_scoped3A, %dma_start3A_146, %dma_start3A_147] : memref<160x1x64xi32, #tpu.memory_space<hbm>> -> memref<1x1x64xi32, #tpu.memory_space<hbm>>
      %dma_start3A_149 = tpu.memref_squeeze %dma_start3A_148 : memref<1x1x64xi32, #tpu.memory_space<hbm>> -> memref<1x64xi32, #tpu.memory_space<hbm>>
      %dma_start3A_150 = arith.constant 0 : i32
      %dma_start3A_151 = arith.constant 0 : i32
      %dma_start3A_152 = tpu.memref_slice %arg7[%run_scoped3A_18, %dma_start3A_150, %dma_start3A_151] : memref<4x1x64xi32, #tpu.memory_space<vmem>> -> memref<1x1x64xi32, #tpu.memory_space<vmem>>
      %dma_start3A_153 = tpu.memref_squeeze %dma_start3A_152 : memref<1x1x64xi32, #tpu.memory_space<vmem>> -> memref<1x64xi32, #tpu.memory_space<vmem>>
      %dma_start3A_154 = arith.constant 0 : i32
      %dma_start3A_155 = arith.constant 0 : i32
      %dma_start3A_156 = arith.constant 0 : i32
      %dma_start3A_157 = tpu.memref_slice %arg3[%add3A, %dma_start3A_154, %dma_start3A_155, %dma_start3A_156] : memref<32x160x1x64xi32, #tpu.memory_space<hbm>> -> memref<1x160x1x64xi32, #tpu.memory_space<hbm>>
      %dma_start3A_158 = tpu.memref_squeeze %dma_start3A_157 : memref<1x160x1x64xi32, #tpu.memory_space<hbm>> -> memref<160x1x64xi32, #tpu.memory_space<hbm>>
      %dma_start3A_159 = arith.constant 0 : i32
      %dma_start3A_160 = arith.constant 0 : i32
      %dma_start3A_161 = tpu.memref_slice %dma_start3A_158[%run_scoped3A, %dma_start3A_159, %dma_start3A_160] : memref<160x1x64xi32, #tpu.memory_space<hbm>> -> memref<1x1x64xi32, #tpu.memory_space<hbm>>
      %dma_start3A_162 = tpu.memref_squeeze %dma_start3A_161 : memref<1x1x64xi32, #tpu.memory_space<hbm>> -> memref<1x64xi32, #tpu.memory_space<hbm>>
      tpu.enqueue_dma source(%dma_start3A_162 : memref<1x64xi32, #tpu.memory_space<hbm>>) target(%dma_start3A_153 : memref<1x64xi32, #tpu.memory_space<vmem>>) target_semaphore(%run_scoped3A_136 : memref<!tpu.dma_semaphore, #tpu.memory_space<semaphore_mem>>)
      %dma_wait3A = arith.constant 0 : i32
      %dma_wait3A_163 = arith.constant 0 : i32
      %dma_wait3A_164 = tpu.memref_slice %arg7[%run_scoped3A_18, %dma_wait3A, %dma_wait3A_163] : memref<4x1x64xi32, #tpu.memory_space<vmem>> -> memref<1x1x64xi32, #tpu.memory_space<vmem>>
      %dma_wait3A_165 = tpu.memref_squeeze %dma_wait3A_164 : memref<1x1x64xi32, #tpu.memory_space<vmem>> -> memref<1x64xi32, #tpu.memory_space<vmem>>
      %dma_wait3A_166 = arith.constant 0 : i32
      %dma_wait3A_167 = arith.constant 0 : i32
      %dma_wait3A_168 = arith.constant 0 : i32
      %dma_wait3A_169 = tpu.memref_slice %arg3[%add3A, %dma_wait3A_166, %dma_wait3A_167, %dma_wait3A_168] : memref<32x160x1x64xi32, #tpu.memory_space<hbm>> -> memref<1x160x1x64xi32, #tpu.memory_space<hbm>>
      %dma_wait3A_170 = tpu.memref_squeeze %dma_wait3A_169 : memref<1x160x1x64xi32, #tpu.memory_space<hbm>> -> memref<160x1x64xi32, #tpu.memory_space<hbm>>
      %dma_wait3A_171 = arith.constant 0 : i32
      %dma_wait3A_172 = arith.constant 0 : i32
      %dma_wait3A_173 = tpu.memref_slice %dma_wait3A_170[%run_scoped3A, %dma_wait3A_171, %dma_wait3A_172] : memref<160x1x64xi32, #tpu.memory_space<hbm>> -> memref<1x1x64xi32, #tpu.memory_space<hbm>>
      %dma_wait3A_174 = tpu.memref_squeeze %dma_wait3A_173 : memref<1x1x64xi32, #tpu.memory_space<hbm>> -> memref<1x64xi32, #tpu.memory_space<hbm>>
      %dma_wait3A_175 = arith.constant 0 : i32
      %dma_wait3A_176 = arith.constant 0 : i32
      %dma_wait3A_177 = tpu.memref_slice %arg7[%run_scoped3A_18, %dma_wait3A_175, %dma_wait3A_176] : memref<4x1x64xi32, #tpu.memory_space<vmem>> -> memref<1x1x64xi32, #tpu.memory_space<vmem>>
      %dma_wait3A_178 = tpu.memref_squeeze %dma_wait3A_177 : memref<1x1x64xi32, #tpu.memory_space<vmem>> -> memref<1x64xi32, #tpu.memory_space<vmem>>
      %dma_wait3A_179 = arith.constant 0 : i32
      %dma_wait3A_180 = arith.constant 0 : i32
      %dma_wait3A_181 = arith.constant 0 : i32
      %dma_wait3A_182 = tpu.memref_slice %arg3[%add3A, %dma_wait3A_179, %dma_wait3A_180, %dma_wait3A_181] : memref<32x160x1x64xi32, #tpu.memory_space<hbm>> -> memref<1x160x1x64xi32, #tpu.memory_space<hbm>>
      %dma_wait3A_183 = tpu.memref_squeeze %dma_wait3A_182 : memref<1x160x1x64xi32, #tpu.memory_space<hbm>> -> memref<160x1x64xi32, #tpu.memory_space<hbm>>
      %dma_wait3A_184 = arith.constant 0 : i32
      %dma_wait3A_185 = arith.constant 0 : i32
      %dma_wait3A_186 = tpu.memref_slice %dma_wait3A_183[%run_scoped3A, %dma_wait3A_184, %dma_wait3A_185] : memref<160x1x64xi32, #tpu.memory_space<hbm>> -> memref<1x1x64xi32, #tpu.memory_space<hbm>>
      %dma_wait3A_187 = tpu.memref_squeeze %dma_wait3A_186 : memref<1x1x64xi32, #tpu.memory_space<hbm>> -> memref<1x64xi32, #tpu.memory_space<hbm>>
      tpu.wait_dma2 semaphore(%run_scoped3A_136 : memref<!tpu.dma_semaphore, #tpu.memory_space<semaphore_mem>>) src(%dma_wait3A_187 : memref<1x64xi32, #tpu.memory_space<hbm>>) dst(%dma_wait3A_178 : memref<1x64xi32, #tpu.memory_space<vmem>>)
      tpu.yield
    }) : () -> ()
    %run_scoped3A_19 = arith.constant 0 : i32
    %run_scoped3A_20 = arith.constant 0 : i32
    "tpu.region"() ({
      %run_scoped3A_136 = tpu.sem_alloc : memref<!tpu.dma_semaphore, #tpu.memory_space<semaphore_mem>>
      %dma_start3A_137 = arith.constant 0 : i32
      %dma_start3A_138 = arith.constant 0 : i32
      %dma_start3A_139 = tpu.memref_slice %arg8[%run_scoped3A_20, %dma_start3A_137, %dma_start3A_138] : memref<4x1x64xi32, #tpu.memory_space<vmem>> -> memref<1x1x64xi32, #tpu.memory_space<vmem>>
      %dma_start3A_140 = tpu.memref_squeeze %dma_start3A_139 : memref<1x1x64xi32, #tpu.memory_space<vmem>> -> memref<1x64xi32, #tpu.memory_space<vmem>>
      %dma_start3A_141 = arith.constant 0 : i32
      %dma_start3A_142 = arith.constant 0 : i32
      %dma_start3A_143 = arith.constant 0 : i32
      %dma_start3A_144 = tpu.memref_slice %arg4[%add3A, %dma_start3A_141, %dma_start3A_142, %dma_start3A_143] : memref<32x160x1x64xi32, #tpu.memory_space<hbm>> -> memref<1x160x1x64xi32, #tpu.memory_space<hbm>>
      %dma_start3A_145 = tpu.memref_squeeze %dma_start3A_144 : memref<1x160x1x64xi32, #tpu.memory_space<hbm>> -> memref<160x1x64xi32, #tpu.memory_space<hbm>>
      %dma_start3A_146 = arith.constant 0 : i32
      %dma_start3A_147 = arith.constant 0 : i32
      %dma_start3A_148 = tpu.memref_slice %dma_start3A_145[%run_scoped3A_19, %dma_start3A_146, %dma_start3A_147] : memref<160x1x64xi32, #tpu.memory_space<hbm>> -> memref<1x1x64xi32, #tpu.memory_space<hbm>>
      %dma_start3A_149 = tpu.memref_squeeze %dma_start3A_148 : memref<1x1x64xi32, #tpu.memory_space<hbm>> -> memref<1x64xi32, #tpu.memory_space<hbm>>
      %dma_start3A_150 = arith.constant 0 : i32
      %dma_start3A_151 = arith.constant 0 : i32
      %dma_start3A_152 = tpu.memref_slice %arg8[%run_scoped3A_20, %dma_start3A_150, %dma_start3A_151] : memref<4x1x64xi32, #tpu.memory_space<vmem>> -> memref<1x1x64xi32, #tpu.memory_space<vmem>>
      %dma_start3A_153 = tpu.memref_squeeze %dma_start3A_152 : memref<1x1x64xi32, #tpu.memory_space<vmem>> -> memref<1x64xi32, #tpu.memory_space<vmem>>
      %dma_start3A_154 = arith.constant 0 : i32
      %dma_start3A_155 = arith.constant 0 : i32
      %dma_start3A_156 = arith.constant 0 : i32
      %dma_start3A_157 = tpu.memref_slice %arg4[%add3A, %dma_start3A_154, %dma_start3A_155, %dma_start3A_156] : memref<32x160x1x64xi32, #tpu.memory_space<hbm>> -> memref<1x160x1x64xi32, #tpu.memory_space<hbm>>
      %dma_start3A_158 = tpu.memref_squeeze %dma_start3A_157 : memref<1x160x1x64xi32, #tpu.memory_space<hbm>> -> memref<160x1x64xi32, #tpu.memory_space<hbm>>
      %dma_start3A_159 = arith.constant 0 : i32
      %dma_start3A_160 = arith.constant 0 : i32
      %dma_start3A_161 = tpu.memref_slice %dma_start3A_158[%run_scoped3A_19, %dma_start3A_159, %dma_start3A_160] : memref<160x1x64xi32, #tpu.memory_space<hbm>> -> memref<1x1x64xi32, #tpu.memory_space<hbm>>
      %dma_start3A_162 = tpu.memref_squeeze %dma_start3A_161 : memref<1x1x64xi32, #tpu.memory_space<hbm>> -> memref<1x64xi32, #tpu.memory_space<hbm>>
      tpu.enqueue_dma source(%dma_start3A_162 : memref<1x64xi32, #tpu.memory_space<hbm>>) target(%dma_start3A_153 : memref<1x64xi32, #tpu.memory_space<vmem>>) target_semaphore(%run_scoped3A_136 : memref<!tpu.dma_semaphore, #tpu.memory_space<semaphore_mem>>)
      %dma_wait3A = arith.constant 0 : i32
      %dma_wait3A_163 = arith.constant 0 : i32
      %dma_wait3A_164 = tpu.memref_slice %arg8[%run_scoped3A_20, %dma_wait3A, %dma_wait3A_163] : memref<4x1x64xi32, #tpu.memory_space<vmem>> -> memref<1x1x64xi32, #tpu.memory_space<vmem>>
      %dma_wait3A_165 = tpu.memref_squeeze %dma_wait3A_164 : memref<1x1x64xi32, #tpu.memory_space<vmem>> -> memref<1x64xi32, #tpu.memory_space<vmem>>
      %dma_wait3A_166 = arith.constant 0 : i32
      %dma_wait3A_167 = arith.constant 0 : i32
      %dma_wait3A_168 = arith.constant 0 : i32
      %dma_wait3A_169 = tpu.memref_slice %arg4[%add3A, %dma_wait3A_166, %dma_wait3A_167, %dma_wait3A_168] : memref<32x160x1x64xi32, #tpu.memory_space<hbm>> -> memref<1x160x1x64xi32, #tpu.memory_space<hbm>>
      %dma_wait3A_170 = tpu.memref_squeeze %dma_wait3A_169 : memref<1x160x1x64xi32, #tpu.memory_space<hbm>> -> memref<160x1x64xi32, #tpu.memory_space<hbm>>
      %dma_wait3A_171 = arith.constant 0 : i32
      %dma_wait3A_172 = arith.constant 0 : i32
      %dma_wait3A_173 = tpu.memref_slice %dma_wait3A_170[%run_scoped3A_19, %dma_wait3A_171, %dma_wait3A_172] : memref<160x1x64xi32, #tpu.memory_space<hbm>> -> memref<1x1x64xi32, #tpu.memory_space<hbm>>
      %dma_wait3A_174 = tpu.memref_squeeze %dma_wait3A_173 : memref<1x1x64xi32, #tpu.memory_space<hbm>> -> memref<1x64xi32, #tpu.memory_space<hbm>>
      %dma_wait3A_175 = arith.constant 0 : i32
      %dma_wait3A_176 = arith.constant 0 : i32
      %dma_wait3A_177 = tpu.memref_slice %arg8[%run_scoped3A_20, %dma_wait3A_175, %dma_wait3A_176] : memref<4x1x64xi32, #tpu.memory_space<vmem>> -> memref<1x1x64xi32, #tpu.memory_space<vmem>>
      %dma_wait3A_178 = tpu.memref_squeeze %dma_wait3A_177 : memref<1x1x64xi32, #tpu.memory_space<vmem>> -> memref<1x64xi32, #tpu.memory_space<vmem>>
      %dma_wait3A_179 = arith.constant 0 : i32
      %dma_wait3A_180 = arith.constant 0 : i32
      %dma_wait3A_181 = arith.constant 0 : i32
      %dma_wait3A_182 = tpu.memref_slice %arg4[%add3A, %dma_wait3A_179, %dma_wait3A_180, %dma_wait3A_181] : memref<32x160x1x64xi32, #tpu.memory_space<hbm>> -> memref<1x160x1x64xi32, #tpu.memory_space<hbm>>
      %dma_wait3A_183 = tpu.memref_squeeze %dma_wait3A_182 : memref<1x160x1x64xi32, #tpu.memory_space<hbm>> -> memref<160x1x64xi32, #tpu.memory_space<hbm>>
      %dma_wait3A_184 = arith.constant 0 : i32
      %dma_wait3A_185 = arith.constant 0 : i32
      %dma_wait3A_186 = tpu.memref_slice %dma_wait3A_183[%run_scoped3A_19, %dma_wait3A_184, %dma_wait3A_185] : memref<160x1x64xi32, #tpu.memory_space<hbm>> -> memref<1x1x64xi32, #tpu.memory_space<hbm>>
      %dma_wait3A_187 = tpu.memref_squeeze %dma_wait3A_186 : memref<1x1x64xi32, #tpu.memory_space<hbm>> -> memref<1x64xi32, #tpu.memory_space<hbm>>
      tpu.wait_dma2 semaphore(%run_scoped3A_136 : memref<!tpu.dma_semaphore, #tpu.memory_space<semaphore_mem>>) src(%dma_wait3A_187 : memref<1x64xi32, #tpu.memory_space<hbm>>) dst(%dma_wait3A_178 : memref<1x64xi32, #tpu.memory_space<vmem>>)
      tpu.yield
    }) : () -> ()
    %run_scoped3A_21 = arith.constant 0 : i32
    %run_scoped3A_22 = arith.constant 0 : i32
    "tpu.region"() ({
      %run_scoped3A_136 = tpu.sem_alloc : memref<!tpu.dma_semaphore, #tpu.memory_space<semaphore_mem>>
      %dma_start3A_137 = arith.constant 0 : i32
      %dma_start3A_138 = arith.constant 0 : i32
      %dma_start3A_139 = tpu.memref_slice %arg9[%run_scoped3A_22, %dma_start3A_137, %dma_start3A_138] : memref<3x64x16xf32, #tpu.memory_space<vmem>> -> memref<1x64x16xf32, #tpu.memory_space<vmem>>
      %dma_start3A_140 = tpu.memref_squeeze %dma_start3A_139 : memref<1x64x16xf32, #tpu.memory_space<vmem>> -> memref<64x16xf32, #tpu.memory_space<vmem>>
      %dma_start3A_141 = arith.constant 0 : i32
      %dma_start3A_142 = arith.constant 0 : i32
      %dma_start3A_143 = arith.constant 0 : i32
      %dma_start3A_144 = tpu.memref_slice %arg5[%add3A, %dma_start3A_141, %dma_start3A_142, %dma_start3A_143] : memref<32x160x64x16xf32, #tpu.memory_space<hbm>> -> memref<1x160x64x16xf32, #tpu.memory_space<hbm>>
      %dma_start3A_145 = tpu.memref_squeeze %dma_start3A_144 : memref<1x160x64x16xf32, #tpu.memory_space<hbm>> -> memref<160x64x16xf32, #tpu.memory_space<hbm>>
      %dma_start3A_146 = arith.constant 0 : i32
      %dma_start3A_147 = arith.constant 0 : i32
      %dma_start3A_148 = tpu.memref_slice %dma_start3A_145[%run_scoped3A_21, %dma_start3A_146, %dma_start3A_147] : memref<160x64x16xf32, #tpu.memory_space<hbm>> -> memref<1x64x16xf32, #tpu.memory_space<hbm>>
      %dma_start3A_149 = tpu.memref_squeeze %dma_start3A_148 : memref<1x64x16xf32, #tpu.memory_space<hbm>> -> memref<64x16xf32, #tpu.memory_space<hbm>>
      %dma_start3A_150 = arith.constant 0 : i32
      %dma_start3A_151 = arith.constant 0 : i32
      %dma_start3A_152 = tpu.memref_slice %arg9[%run_scoped3A_22, %dma_start3A_150, %dma_start3A_151] : memref<3x64x16xf32, #tpu.memory_space<vmem>> -> memref<1x64x16xf32, #tpu.memory_space<vmem>>
      %dma_start3A_153 = tpu.memref_squeeze %dma_start3A_152 : memref<1x64x16xf32, #tpu.memory_space<vmem>> -> memref<64x16xf32, #tpu.memory_space<vmem>>
      %dma_start3A_154 = arith.constant 0 : i32
      %dma_start3A_155 = arith.constant 0 : i32
      %dma_start3A_156 = arith.constant 0 : i32
      %dma_start3A_157 = tpu.memref_slice %arg5[%add3A, %dma_start3A_154, %dma_start3A_155, %dma_start3A_156] : memref<32x160x64x16xf32, #tpu.memory_space<hbm>> -> memref<1x160x64x16xf32, #tpu.memory_space<hbm>>
      %dma_start3A_158 = tpu.memref_squeeze %dma_start3A_157 : memref<1x160x64x16xf32, #tpu.memory_space<hbm>> -> memref<160x64x16xf32, #tpu.memory_space<hbm>>
      %dma_start3A_159 = arith.constant 0 : i32
      %dma_start3A_160 = arith.constant 0 : i32
      %dma_start3A_161 = tpu.memref_slice %dma_start3A_158[%run_scoped3A_21, %dma_start3A_159, %dma_start3A_160] : memref<160x64x16xf32, #tpu.memory_space<hbm>> -> memref<1x64x16xf32, #tpu.memory_space<hbm>>
      %dma_start3A_162 = tpu.memref_squeeze %dma_start3A_161 : memref<1x64x16xf32, #tpu.memory_space<hbm>> -> memref<64x16xf32, #tpu.memory_space<hbm>>
      tpu.enqueue_dma source(%dma_start3A_162 : memref<64x16xf32, #tpu.memory_space<hbm>>) target(%dma_start3A_153 : memref<64x16xf32, #tpu.memory_space<vmem>>) target_semaphore(%run_scoped3A_136 : memref<!tpu.dma_semaphore, #tpu.memory_space<semaphore_mem>>)
      %dma_wait3A = arith.constant 0 : i32
      %dma_wait3A_163 = arith.constant 0 : i32
      %dma_wait3A_164 = tpu.memref_slice %arg9[%run_scoped3A_22, %dma_wait3A, %dma_wait3A_163] : memref<3x64x16xf32, #tpu.memory_space<vmem>> -> memref<1x64x16xf32, #tpu.memory_space<vmem>>
      %dma_wait3A_165 = tpu.memref_squeeze %dma_wait3A_164 : memref<1x64x16xf32, #tpu.memory_space<vmem>> -> memref<64x16xf32, #tpu.memory_space<vmem>>
      %dma_wait3A_166 = arith.constant 0 : i32
      %dma_wait3A_167 = arith.constant 0 : i32
      %dma_wait3A_168 = arith.constant 0 : i32
      %dma_wait3A_169 = tpu.memref_slice %arg5[%add3A, %dma_wait3A_166, %dma_wait3A_167, %dma_wait3A_168] : memref<32x160x64x16xf32, #tpu.memory_space<hbm>> -> memref<1x160x64x16xf32, #tpu.memory_space<hbm>>
      %dma_wait3A_170 = tpu.memref_squeeze %dma_wait3A_169 : memref<1x160x64x16xf32, #tpu.memory_space<hbm>> -> memref<160x64x16xf32, #tpu.memory_space<hbm>>
      %dma_wait3A_171 = arith.constant 0 : i32
      %dma_wait3A_172 = arith.constant 0 : i32
      %dma_wait3A_173 = tpu.memref_slice %dma_wait3A_170[%run_scoped3A_21, %dma_wait3A_171, %dma_wait3A_172] : memref<160x64x16xf32, #tpu.memory_space<hbm>> -> memref<1x64x16xf32, #tpu.memory_space<hbm>>
      %dma_wait3A_174 = tpu.memref_squeeze %dma_wait3A_173 : memref<1x64x16xf32, #tpu.memory_space<hbm>> -> memref<64x16xf32, #tpu.memory_space<hbm>>
      %dma_wait3A_175 = arith.constant 0 : i32
      %dma_wait3A_176 = arith.constant 0 : i32
      %dma_wait3A_177 = tpu.memref_slice %arg9[%run_scoped3A_22, %dma_wait3A_175, %dma_wait3A_176] : memref<3x64x16xf32, #tpu.memory_space<vmem>> -> memref<1x64x16xf32, #tpu.memory_space<vmem>>
      %dma_wait3A_178 = tpu.memref_squeeze %dma_wait3A_177 : memref<1x64x16xf32, #tpu.memory_space<vmem>> -> memref<64x16xf32, #tpu.memory_space<vmem>>
      %dma_wait3A_179 = arith.constant 0 : i32
      %dma_wait3A_180 = arith.constant 0 : i32
      %dma_wait3A_181 = arith.constant 0 : i32
      %dma_wait3A_182 = tpu.memref_slice %arg5[%add3A, %dma_wait3A_179, %dma_wait3A_180, %dma_wait3A_181] : memref<32x160x64x16xf32, #tpu.memory_space<hbm>> -> memref<1x160x64x16xf32, #tpu.memory_space<hbm>>
      %dma_wait3A_183 = tpu.memref_squeeze %dma_wait3A_182 : memref<1x160x64x16xf32, #tpu.memory_space<hbm>> -> memref<160x64x16xf32, #tpu.memory_space<hbm>>
      %dma_wait3A_184 = arith.constant 0 : i32
      %dma_wait3A_185 = arith.constant 0 : i32
      %dma_wait3A_186 = tpu.memref_slice %dma_wait3A_183[%run_scoped3A_21, %dma_wait3A_184, %dma_wait3A_185] : memref<160x64x16xf32, #tpu.memory_space<hbm>> -> memref<1x64x16xf32, #tpu.memory_space<hbm>>
      %dma_wait3A_187 = tpu.memref_squeeze %dma_wait3A_186 : memref<1x64x16xf32, #tpu.memory_space<hbm>> -> memref<64x16xf32, #tpu.memory_space<hbm>>
      tpu.wait_dma2 semaphore(%run_scoped3A_136 : memref<!tpu.dma_semaphore, #tpu.memory_space<semaphore_mem>>) src(%dma_wait3A_187 : memref<64x16xf32, #tpu.memory_space<hbm>>) dst(%dma_wait3A_178 : memref<64x16xf32, #tpu.memory_space<vmem>>)
      tpu.yield
    }) : () -> ()
    %dma_start3A = arith.constant 0 : i32
    %dma_start3A_23 = arith.constant 0 : i32
    %dma_start3A_24 = arith.constant 0 : i32
    %dma_start3A_25 = arith.constant 0 : i32
    %dma_start3A_26 = arith.constant 0 : i32
    %dma_start3A_27 = tpu.memref_slice %arg10[%dma_start3A_24, %dma_start3A_25, %dma_start3A_26] : memref<3x64x128xf32, #tpu.memory_space<vmem>> -> memref<1x64x128xf32, #tpu.memory_space<vmem>>
    %dma_start3A_28 = tpu.memref_squeeze %dma_start3A_27 : memref<1x64x128xf32, #tpu.memory_space<vmem>> -> memref<64x128xf32, #tpu.memory_space<vmem>>
    %dma_start3A_29 = arith.constant 0 : i32
    %dma_start3A_30 = tpu.memref_slice %arg7[%dma_start3A, %dma_start3A_23, %dma_start3A_29] : memref<4x1x64xi32, #tpu.memory_space<vmem>> -> memref<1x1x64xi32, #tpu.memory_space<vmem>>
    %dma_start3A_31 = tpu.memref_squeeze %dma_start3A_30 : memref<1x1x64xi32, #tpu.memory_space<vmem>> -> memref<64xi32, #tpu.memory_space<vmem>>
    %dma_start3A_32 = arith.constant 0 : i32
    %dma_start3A_33 = arith.constant 0 : i32
    %dma_start3A_34 = tpu.memref_slice %arg2[%dma_start3A_32, %dma_start3A_33] : memref<10000x128xf32, #tpu.memory_space<hbm>> -> memref<10000x128xf32, #tpu.memory_space<hbm>>
    tpu.enqueue_indirect_dma source(%dma_start3A_34 : memref<10000x128xf32, #tpu.memory_space<hbm>>) target(%dma_start3A_28 : memref<64x128xf32, #tpu.memory_space<vmem>>) offsets(%dma_start3A_31 : memref<64xi32, #tpu.memory_space<vmem>>) semaphore(%arg13 : memref<!tpu.dma_semaphore, #tpu.memory_space<semaphore_mem>>)
    %dma_start3A_35 = arith.constant 1 : i32
    %dma_start3A_36 = arith.constant 1 : i32
    %dma_start3A_37 = arith.constant 0 : i32
    %dma_start3A_38 = arith.constant 0 : i32
    %dma_start3A_39 = tpu.memref_slice %arg7[%dma_start3A_36, %dma_start3A_37, %dma_start3A_38] : memref<4x1x64xi32, #tpu.memory_space<vmem>> -> memref<1x1x64xi32, #tpu.memory_space<vmem>>
    %dma_start3A_40 = tpu.memref_squeeze %dma_start3A_39 : memref<1x1x64xi32, #tpu.memory_space<vmem>> -> memref<1x64xi32, #tpu.memory_space<vmem>>
    %dma_start3A_41 = arith.constant 0 : i32
    %dma_start3A_42 = arith.constant 0 : i32
    %dma_start3A_43 = arith.constant 0 : i32
    %dma_start3A_44 = tpu.memref_slice %arg3[%add3A, %dma_start3A_41, %dma_start3A_42, %dma_start3A_43] : memref<32x160x1x64xi32, #tpu.memory_space<hbm>> -> memref<1x160x1x64xi32, #tpu.memory_space<hbm>>
    %dma_start3A_45 = tpu.memref_squeeze %dma_start3A_44 : memref<1x160x1x64xi32, #tpu.memory_space<hbm>> -> memref<160x1x64xi32, #tpu.memory_space<hbm>>
    %dma_start3A_46 = arith.constant 0 : i32
    %dma_start3A_47 = arith.constant 0 : i32
    %dma_start3A_48 = tpu.memref_slice %dma_start3A_45[%dma_start3A_35, %dma_start3A_46, %dma_start3A_47] : memref<160x1x64xi32, #tpu.memory_space<hbm>> -> memref<1x1x64xi32, #tpu.memory_space<hbm>>
    %dma_start3A_49 = tpu.memref_squeeze %dma_start3A_48 : memref<1x1x64xi32, #tpu.memory_space<hbm>> -> memref<1x64xi32, #tpu.memory_space<hbm>>
    %dma_start3A_50 = arith.constant 0 : i32
    %dma_start3A_51 = arith.constant 0 : i32
    %dma_start3A_52 = tpu.memref_slice %arg7[%dma_start3A_36, %dma_start3A_50, %dma_start3A_51] : memref<4x1x64xi32, #tpu.memory_space<vmem>> -> memref<1x1x64xi32, #tpu.memory_space<vmem>>
    %dma_start3A_53 = tpu.memref_squeeze %dma_start3A_52 : memref<1x1x64xi32, #tpu.memory_space<vmem>> -> memref<1x64xi32, #tpu.memory_space<vmem>>
    %dma_start3A_54 = arith.constant 0 : i32
    %dma_start3A_55 = arith.constant 0 : i32
    %dma_start3A_56 = arith.constant 0 : i32
    %dma_start3A_57 = tpu.memref_slice %arg3[%add3A, %dma_start3A_54, %dma_start3A_55, %dma_start3A_56] : memref<32x160x1x64xi32, #tpu.memory_space<hbm>> -> memref<1x160x1x64xi32, #tpu.memory_space<hbm>>
    %dma_start3A_58 = tpu.memref_squeeze %dma_start3A_57 : memref<1x160x1x64xi32, #tpu.memory_space<hbm>> -> memref<160x1x64xi32, #tpu.memory_space<hbm>>
    %dma_start3A_59 = arith.constant 0 : i32
    %dma_start3A_60 = arith.constant 0 : i32
    %dma_start3A_61 = tpu.memref_slice %dma_start3A_58[%dma_start3A_35, %dma_start3A_59, %dma_start3A_60] : memref<160x1x64xi32, #tpu.memory_space<hbm>> -> memref<1x1x64xi32, #tpu.memory_space<hbm>>
    %dma_start3A_62 = tpu.memref_squeeze %dma_start3A_61 : memref<1x1x64xi32, #tpu.memory_space<hbm>> -> memref<1x64xi32, #tpu.memory_space<hbm>>
    tpu.enqueue_dma source(%dma_start3A_62 : memref<1x64xi32, #tpu.memory_space<hbm>>) target(%dma_start3A_53 : memref<1x64xi32, #tpu.memory_space<vmem>>) target_semaphore(%arg12 : memref<!tpu.dma_semaphore, #tpu.memory_space<semaphore_mem>>)
    %dma_start3A_63 = arith.constant 1 : i32
    %dma_start3A_64 = arith.constant 1 : i32
    %dma_start3A_65 = arith.constant 0 : i32
    %dma_start3A_66 = arith.constant 0 : i32
    %dma_start3A_67 = tpu.memref_slice %arg8[%dma_start3A_64, %dma_start3A_65, %dma_start3A_66] : memref<4x1x64xi32, #tpu.memory_space<vmem>> -> memref<1x1x64xi32, #tpu.memory_space<vmem>>
    %dma_start3A_68 = tpu.memref_squeeze %dma_start3A_67 : memref<1x1x64xi32, #tpu.memory_space<vmem>> -> memref<1x64xi32, #tpu.memory_space<vmem>>
    %dma_start3A_69 = arith.constant 0 : i32
    %dma_start3A_70 = arith.constant 0 : i32
    %dma_start3A_71 = arith.constant 0 : i32
    %dma_start3A_72 = tpu.memref_slice %arg4[%add3A, %dma_start3A_69, %dma_start3A_70, %dma_start3A_71] : memref<32x160x1x64xi32, #tpu.memory_space<hbm>> -> memref<1x160x1x64xi32, #tpu.memory_space<hbm>>
    %dma_start3A_73 = tpu.memref_squeeze %dma_start3A_72 : memref<1x160x1x64xi32, #tpu.memory_space<hbm>> -> memref<160x1x64xi32, #tpu.memory_space<hbm>>
    %dma_start3A_74 = arith.constant 0 : i32
    %dma_start3A_75 = arith.constant 0 : i32
    %dma_start3A_76 = tpu.memref_slice %dma_start3A_73[%dma_start3A_63, %dma_start3A_74, %dma_start3A_75] : memref<160x1x64xi32, #tpu.memory_space<hbm>> -> memref<1x1x64xi32, #tpu.memory_space<hbm>>
    %dma_start3A_77 = tpu.memref_squeeze %dma_start3A_76 : memref<1x1x64xi32, #tpu.memory_space<hbm>> -> memref<1x64xi32, #tpu.memory_space<hbm>>
    %dma_start3A_78 = arith.constant 0 : i32
    %dma_start3A_79 = arith.constant 0 : i32
    %dma_start3A_80 = tpu.memref_slice %arg8[%dma_start3A_64, %dma_start3A_78, %dma_start3A_79] : memref<4x1x64xi32, #tpu.memory_space<vmem>> -> memref<1x1x64xi32, #tpu.memory_space<vmem>>
    %dma_start3A_81 = tpu.memref_squeeze %dma_start3A_80 : memref<1x1x64xi32, #tpu.memory_space<vmem>> -> memref<1x64xi32, #tpu.memory_space<vmem>>
    %dma_start3A_82 = arith.constant 0 : i32
    %dma_start3A_83 = arith.constant 0 : i32
    %dma_start3A_84 = arith.constant 0 : i32
    %dma_start3A_85 = tpu.memref_slice %arg4[%add3A, %dma_start3A_82, %dma_start3A_83, %dma_start3A_84] : memref<32x160x1x64xi32, #tpu.memory_space<hbm>> -> memref<1x160x1x64xi32, #tpu.memory_space<hbm>>
    %dma_start3A_86 = tpu.memref_squeeze %dma_start3A_85 : memref<1x160x1x64xi32, #tpu.memory_space<hbm>> -> memref<160x1x64xi32, #tpu.memory_space<hbm>>
    %dma_start3A_87 = arith.constant 0 : i32
    %dma_start3A_88 = arith.constant 0 : i32
    %dma_start3A_89 = tpu.memref_slice %dma_start3A_86[%dma_start3A_63, %dma_start3A_87, %dma_start3A_88] : memref<160x1x64xi32, #tpu.memory_space<hbm>> -> memref<1x1x64xi32, #tpu.memory_space<hbm>>
    %dma_start3A_90 = tpu.memref_squeeze %dma_start3A_89 : memref<1x1x64xi32, #tpu.memory_space<hbm>> -> memref<1x64xi32, #tpu.memory_space<hbm>>
    tpu.enqueue_dma source(%dma_start3A_90 : memref<1x64xi32, #tpu.memory_space<hbm>>) target(%dma_start3A_81 : memref<1x64xi32, #tpu.memory_space<vmem>>) target_semaphore(%arg12 : memref<!tpu.dma_semaphore, #tpu.memory_space<semaphore_mem>>)
    %dma_start3A_91 = arith.constant 1 : i32
    %dma_start3A_92 = arith.constant 1 : i32
    %dma_start3A_93 = arith.constant 0 : i32
    %dma_start3A_94 = arith.constant 0 : i32
    %dma_start3A_95 = tpu.memref_slice %arg9[%dma_start3A_92, %dma_start3A_93, %dma_start3A_94] : memref<3x64x16xf32, #tpu.memory_space<vmem>> -> memref<1x64x16xf32, #tpu.memory_space<vmem>>
    %dma_start3A_96 = tpu.memref_squeeze %dma_start3A_95 : memref<1x64x16xf32, #tpu.memory_space<vmem>> -> memref<64x16xf32, #tpu.memory_space<vmem>>
    %dma_start3A_97 = arith.constant 0 : i32
    %dma_start3A_98 = arith.constant 0 : i32
    %dma_start3A_99 = arith.constant 0 : i32
    %dma_start3A_100 = tpu.memref_slice %arg5[%add3A, %dma_start3A_97, %dma_start3A_98, %dma_start3A_99] : memref<32x160x64x16xf32, #tpu.memory_space<hbm>> -> memref<1x160x64x16xf32, #tpu.memory_space<hbm>>
    %dma_start3A_101 = tpu.memref_squeeze %dma_start3A_100 : memref<1x160x64x16xf32, #tpu.memory_space<hbm>> -> memref<160x64x16xf32, #tpu.memory_space<hbm>>
    %dma_start3A_102 = arith.constant 0 : i32
    %dma_start3A_103 = arith.constant 0 : i32
    %dma_start3A_104 = tpu.memref_slice %dma_start3A_101[%dma_start3A_91, %dma_start3A_102, %dma_start3A_103] : memref<160x64x16xf32, #tpu.memory_space<hbm>> -> memref<1x64x16xf32, #tpu.memory_space<hbm>>
    %dma_start3A_105 = tpu.memref_squeeze %dma_start3A_104 : memref<1x64x16xf32, #tpu.memory_space<hbm>> -> memref<64x16xf32, #tpu.memory_space<hbm>>
    %dma_start3A_106 = arith.constant 0 : i32
    %dma_start3A_107 = arith.constant 0 : i32
    %dma_start3A_108 = tpu.memref_slice %arg9[%dma_start3A_92, %dma_start3A_106, %dma_start3A_107] : memref<3x64x16xf32, #tpu.memory_space<vmem>> -> memref<1x64x16xf32, #tpu.memory_space<vmem>>
    %dma_start3A_109 = tpu.memref_squeeze %dma_start3A_108 : memref<1x64x16xf32, #tpu.memory_space<vmem>> -> memref<64x16xf32, #tpu.memory_space<vmem>>
    %dma_start3A_110 = arith.constant 0 : i32
    %dma_start3A_111 = arith.constant 0 : i32
    %dma_start3A_112 = arith.constant 0 : i32
    %dma_start3A_113 = tpu.memref_slice %arg5[%add3A, %dma_start3A_110, %dma_start3A_111, %dma_start3A_112] : memref<32x160x64x16xf32, #tpu.memory_space<hbm>> -> memref<1x160x64x16xf32, #tpu.memory_space<hbm>>
    %dma_start3A_114 = tpu.memref_squeeze %dma_start3A_113 : memref<1x160x64x16xf32, #tpu.memory_space<hbm>> -> memref<160x64x16xf32, #tpu.memory_space<hbm>>
    %dma_start3A_115 = arith.constant 0 : i32
    %dma_start3A_116 = arith.constant 0 : i32
    %dma_start3A_117 = tpu.memref_slice %dma_start3A_114[%dma_start3A_91, %dma_start3A_115, %dma_start3A_116] : memref<160x64x16xf32, #tpu.memory_space<hbm>> -> memref<1x64x16xf32, #tpu.memory_space<hbm>>
    %dma_start3A_118 = tpu.memref_squeeze %dma_start3A_117 : memref<1x64x16xf32, #tpu.memory_space<hbm>> -> memref<64x16xf32, #tpu.memory_space<hbm>>
    tpu.enqueue_dma source(%dma_start3A_118 : memref<64x16xf32, #tpu.memory_space<hbm>>) target(%dma_start3A_109 : memref<64x16xf32, #tpu.memory_space<vmem>>) target_semaphore(%arg12 : memref<!tpu.dma_semaphore, #tpu.memory_space<semaphore_mem>>)
    %scan3A_119 = arith.constant 0 : i32
    %scan3A_120 = arith.constant 0 : i32
    %scan3A_121 = arith.constant 160 : i32
    %scan3A_122 = arith.addi %scan3A_120, %scan3A_121 : i32
    %scan3A_123 = arith.constant 1 : i32
    scf.for %scan3A_136 = %scan3A_120 to %scan3A_122 step %scan3A_123  : i32 {
      %jit3A = arith.constant 4 : i32
      %eq3A = arith.constant 0 : i32
      %eq3A_137 = arith.cmpi eq, %jit3A, %eq3A : i32
      %jit3A_138 = arith.constant 1 : i32
      %select_n3A = arith.select %eq3A_137, %jit3A_138, %jit3A : i32
      %rem3A = arith.remsi %scan3A_136, %select_n3A : i32
      %ne3A = arith.constant 0 : i32
      %ne3A_139 = arith.cmpi ne, %rem3A, %ne3A : i32
      %lt3A = arith.constant 0 : i32
      %lt3A_140 = arith.cmpi slt, %rem3A, %lt3A : i32
      %lt3A_141 = arith.constant 0 : i32
      %lt3A_142 = arith.cmpi slt, %select_n3A, %lt3A_141 : i32
      %ne3A_143 = arith.xori %lt3A_140, %lt3A_142 : i1
      %and3A = arith.andi %ne3A_143, %ne3A_139 : i1
      %add3A_144 = arith.addi %rem3A, %select_n3A : i32
      %select_n3A_145 = arith.select %and3A, %add3A_144, %rem3A : i32
      %jit3A_146 = arith.constant 3 : i32
      %eq3A_147 = arith.constant 0 : i32
      %eq3A_148 = arith.cmpi eq, %jit3A_146, %eq3A_147 : i32
      %jit3A_149 = arith.constant 1 : i32
      %select_n3A_150 = arith.select %eq3A_148, %jit3A_149, %jit3A_146 : i32
      %rem3A_151 = arith.remsi %scan3A_136, %select_n3A_150 : i32
      %ne3A_152 = arith.constant 0 : i32
      %ne3A_153 = arith.cmpi ne, %rem3A_151, %ne3A_152 : i32
      %lt3A_154 = arith.constant 0 : i32
      %lt3A_155 = arith.cmpi slt, %rem3A_151, %lt3A_154 : i32
      %lt3A_156 = arith.constant 0 : i32
      %lt3A_157 = arith.cmpi slt, %select_n3A_150, %lt3A_156 : i32
      %ne3A_158 = arith.xori %lt3A_155, %lt3A_157 : i1
      %and3A_159 = arith.andi %ne3A_158, %ne3A_153 : i1
      %add3A_160 = arith.addi %rem3A_151, %select_n3A_150 : i32
      %select_n3A_161 = arith.select %and3A_159, %add3A_160, %rem3A_151 : i32
      %jit3A_162 = arith.constant 3 : i32
      %eq3A_163 = arith.constant 0 : i32
      %eq3A_164 = arith.cmpi eq, %jit3A_162, %eq3A_163 : i32
      %jit3A_165 = arith.constant 1 : i32
      %select_n3A_166 = arith.select %eq3A_164, %jit3A_165, %jit3A_162 : i32
      %rem3A_167 = arith.remsi %scan3A_136, %select_n3A_166 : i32
      %ne3A_168 = arith.constant 0 : i32
      %ne3A_169 = arith.cmpi ne, %rem3A_167, %ne3A_168 : i32
      %lt3A_170 = arith.constant 0 : i32
      %lt3A_171 = arith.cmpi slt, %rem3A_167, %lt3A_170 : i32
      %lt3A_172 = arith.constant 0 : i32
      %lt3A_173 = arith.cmpi slt, %select_n3A_166, %lt3A_172 : i32
      %ne3A_174 = arith.xori %lt3A_171, %lt3A_173 : i1
      %and3A_175 = arith.andi %ne3A_174, %ne3A_169 : i1
      %add3A_176 = arith.addi %rem3A_167, %select_n3A_166 : i32
      %select_n3A_177 = arith.select %and3A_175, %add3A_176, %rem3A_167 : i32
      %add3A_178 = arith.constant 1 : i32
      %add3A_179 = arith.addi %scan3A_136, %add3A_178 : i32
      %lt3A_180 = arith.constant 160 : i32
      %lt3A_181 = arith.cmpi slt, %add3A_179, %lt3A_180 : i32
      %convert_element_type3A = arith.extui %lt3A_181 : i1 to i32
      %cond3A = arith.constant 0 : i32
      %cond3A_182 = arith.cmpi ne, %convert_element_type3A, %cond3A : i32
      scf.if %cond3A_182 {
        %ge3A = arith.constant 2 : i32
        %ge3A_213 = arith.cmpi sge, %scan3A_136, %ge3A : i32
        %convert_element_type3A_214 = arith.extui %ge3A_213 : i1 to i32
        %cond3A_215 = arith.constant 0 : i32
        %cond3A_216 = arith.cmpi ne, %convert_element_type3A_214, %cond3A_215 : i32
        scf.if %cond3A_216 {
          %sub3A = arith.constant 2 : i32
          %sub3A_402 = arith.subi %scan3A_136, %sub3A : i32
          %jit3A_403 = arith.constant 3 : i32
          %eq3A_404 = arith.constant 0 : i32
          %eq3A_405 = arith.cmpi eq, %jit3A_403, %eq3A_404 : i32
          %jit3A_406 = arith.constant 1 : i32
          %select_n3A_407 = arith.select %eq3A_405, %jit3A_406, %jit3A_403 : i32
          %rem3A_408 = arith.remsi %sub3A_402, %select_n3A_407 : i32
          %ne3A_409 = arith.constant 0 : i32
          %ne3A_410 = arith.cmpi ne, %rem3A_408, %ne3A_409 : i32
          %lt3A_411 = arith.constant 0 : i32
          %lt3A_412 = arith.cmpi slt, %rem3A_408, %lt3A_411 : i32
          %lt3A_413 = arith.constant 0 : i32
          %lt3A_414 = arith.cmpi slt, %select_n3A_407, %lt3A_413 : i32
          %ne3A_415 = arith.xori %lt3A_412, %lt3A_414 : i1
          %and3A_416 = arith.andi %ne3A_415, %ne3A_410 : i1
          %add3A_417 = arith.addi %rem3A_408, %select_n3A_407 : i32
          %select_n3A_418 = arith.select %and3A_416, %add3A_417, %rem3A_408 : i32
          %jit3A_419 = arith.constant 4 : i32
          %eq3A_420 = arith.constant 0 : i32
          %eq3A_421 = arith.cmpi eq, %jit3A_419, %eq3A_420 : i32
          %jit3A_422 = arith.constant 1 : i32
          %select_n3A_423 = arith.select %eq3A_421, %jit3A_422, %jit3A_419 : i32
          %rem3A_424 = arith.remsi %sub3A_402, %select_n3A_423 : i32
          %ne3A_425 = arith.constant 0 : i32
          %ne3A_426 = arith.cmpi ne, %rem3A_424, %ne3A_425 : i32
          %lt3A_427 = arith.constant 0 : i32
          %lt3A_428 = arith.cmpi slt, %rem3A_424, %lt3A_427 : i32
          %lt3A_429 = arith.constant 0 : i32
          %lt3A_430 = arith.cmpi slt, %select_n3A_423, %lt3A_429 : i32
          %ne3A_431 = arith.xori %lt3A_428, %lt3A_430 : i1
          %and3A_432 = arith.andi %ne3A_431, %ne3A_426 : i1
          %add3A_433 = arith.addi %rem3A_424, %select_n3A_423 : i32
          %select_n3A_434 = arith.select %and3A_432, %add3A_433, %rem3A_424 : i32
          %dma_wait3A_435 = arith.constant 0 : i32
          %dma_wait3A_436 = arith.constant 0 : i32
          %dma_wait3A_437 = arith.constant 0 : i32
          %dma_wait3A_438 = tpu.memref_slice %arg10[%select_n3A_418, %dma_wait3A_436, %dma_wait3A_437] : memref<3x64x128xf32, #tpu.memory_space<vmem>> -> memref<1x64x128xf32, #tpu.memory_space<vmem>>
          %dma_wait3A_439 = tpu.memref_squeeze %dma_wait3A_438 : memref<1x64x128xf32, #tpu.memory_space<vmem>> -> memref<64x128xf32, #tpu.memory_space<vmem>>
          %dma_wait3A_440 = arith.constant 0 : i32
          %dma_wait3A_441 = tpu.memref_slice %arg8[%select_n3A_434, %dma_wait3A_435, %dma_wait3A_440] : memref<4x1x64xi32, #tpu.memory_space<vmem>> -> memref<1x1x64xi32, #tpu.memory_space<vmem>>
          %dma_wait3A_442 = tpu.memref_squeeze %dma_wait3A_441 : memref<1x1x64xi32, #tpu.memory_space<vmem>> -> memref<64xi32, #tpu.memory_space<vmem>>
          %dma_wait3A_443 = arith.constant 0 : i32
          %dma_wait3A_444 = arith.constant 0 : i32
          %dma_wait3A_445 = tpu.memref_slice %arg11[%dma_wait3A_443, %dma_wait3A_444] : memref<10112x128xf32, #tpu.memory_space<vmem_shared>> -> memref<10112x128xf32, #tpu.memory_space<vmem_shared>>
          tpu.wait_indirect_dma semaphore(%arg14 : memref<!tpu.dma_semaphore, #tpu.memory_space<semaphore_mem>>) src(%dma_wait3A_439 : memref<64x128xf32, #tpu.memory_space<vmem>>) dst(%dma_wait3A_445 : memref<10112x128xf32, #tpu.memory_space<vmem_shared>>)
        } else {
        }
        %add3A_217 = arith.constant 1 : i32
        %add3A_218 = arith.addi %scan3A_136, %add3A_217 : i32
        %add3A_219 = arith.constant 1 : i32
        %add3A_220 = arith.addi %scan3A_136, %add3A_219 : i32
        %jit3A_221 = arith.constant 4 : i32
        %eq3A_222 = arith.constant 0 : i32
        %eq3A_223 = arith.cmpi eq, %jit3A_221, %eq3A_222 : i32
        %jit3A_224 = arith.constant 1 : i32
        %select_n3A_225 = arith.select %eq3A_223, %jit3A_224, %jit3A_221 : i32
        %rem3A_226 = arith.remsi %add3A_220, %select_n3A_225 : i32
        %ne3A_227 = arith.constant 0 : i32
        %ne3A_228 = arith.cmpi ne, %rem3A_226, %ne3A_227 : i32
        %lt3A_229 = arith.constant 0 : i32
        %lt3A_230 = arith.cmpi slt, %rem3A_226, %lt3A_229 : i32
        %lt3A_231 = arith.constant 0 : i32
        %lt3A_232 = arith.cmpi slt, %select_n3A_225, %lt3A_231 : i32
        %ne3A_233 = arith.xori %lt3A_230, %lt3A_232 : i1
        %and3A_234 = arith.andi %ne3A_233, %ne3A_228 : i1
        %add3A_235 = arith.addi %rem3A_226, %select_n3A_225 : i32
        %select_n3A_236 = arith.select %and3A_234, %add3A_235, %rem3A_226 : i32
        %dma_wait3A_237 = arith.constant 0 : i32
        %dma_wait3A_238 = arith.constant 0 : i32
        %dma_wait3A_239 = tpu.memref_slice %arg7[%select_n3A_236, %dma_wait3A_237, %dma_wait3A_238] : memref<4x1x64xi32, #tpu.memory_space<vmem>> -> memref<1x1x64xi32, #tpu.memory_space<vmem>>
        %dma_wait3A_240 = tpu.memref_squeeze %dma_wait3A_239 : memref<1x1x64xi32, #tpu.memory_space<vmem>> -> memref<1x64xi32, #tpu.memory_space<vmem>>
        %dma_wait3A_241 = arith.constant 0 : i32
        %dma_wait3A_242 = arith.constant 0 : i32
        %dma_wait3A_243 = arith.constant 0 : i32
        %dma_wait3A_244 = tpu.memref_slice %arg3[%add3A, %dma_wait3A_241, %dma_wait3A_242, %dma_wait3A_243] : memref<32x160x1x64xi32, #tpu.memory_space<hbm>> -> memref<1x160x1x64xi32, #tpu.memory_space<hbm>>
        %dma_wait3A_245 = tpu.memref_squeeze %dma_wait3A_244 : memref<1x160x1x64xi32, #tpu.memory_space<hbm>> -> memref<160x1x64xi32, #tpu.memory_space<hbm>>
        %dma_wait3A_246 = arith.constant 0 : i32
        %dma_wait3A_247 = arith.constant 0 : i32
        %dma_wait3A_248 = tpu.memref_slice %dma_wait3A_245[%add3A_218, %dma_wait3A_246, %dma_wait3A_247] : memref<160x1x64xi32, #tpu.memory_space<hbm>> -> memref<1x1x64xi32, #tpu.memory_space<hbm>>
        %dma_wait3A_249 = tpu.memref_squeeze %dma_wait3A_248 : memref<1x1x64xi32, #tpu.memory_space<hbm>> -> memref<1x64xi32, #tpu.memory_space<hbm>>
        %dma_wait3A_250 = arith.constant 0 : i32
        %dma_wait3A_251 = arith.constant 0 : i32
        %dma_wait3A_252 = tpu.memref_slice %arg7[%select_n3A_236, %dma_wait3A_250, %dma_wait3A_251] : memref<4x1x64xi32, #tpu.memory_space<vmem>> -> memref<1x1x64xi32, #tpu.memory_space<vmem>>
        %dma_wait3A_253 = tpu.memref_squeeze %dma_wait3A_252 : memref<1x1x64xi32, #tpu.memory_space<vmem>> -> memref<1x64xi32, #tpu.memory_space<vmem>>
        %dma_wait3A_254 = arith.constant 0 : i32
        %dma_wait3A_255 = arith.constant 0 : i32
        %dma_wait3A_256 = arith.constant 0 : i32
        %dma_wait3A_257 = tpu.memref_slice %arg3[%add3A, %dma_wait3A_254, %dma_wait3A_255, %dma_wait3A_256] : memref<32x160x1x64xi32, #tpu.memory_space<hbm>> -> memref<1x160x1x64xi32, #tpu.memory_space<hbm>>
        %dma_wait3A_258 = tpu.memref_squeeze %dma_wait3A_257 : memref<1x160x1x64xi32, #tpu.memory_space<hbm>> -> memref<160x1x64xi32, #tpu.memory_space<hbm>>
        %dma_wait3A_259 = arith.constant 0 : i32
        %dma_wait3A_260 = arith.constant 0 : i32
        %dma_wait3A_261 = tpu.memref_slice %dma_wait3A_258[%add3A_218, %dma_wait3A_259, %dma_wait3A_260] : memref<160x1x64xi32, #tpu.memory_space<hbm>> -> memref<1x1x64xi32, #tpu.memory_space<hbm>>
        %dma_wait3A_262 = tpu.memref_squeeze %dma_wait3A_261 : memref<1x1x64xi32, #tpu.memory_space<hbm>> -> memref<1x64xi32, #tpu.memory_space<hbm>>
        tpu.wait_dma2 semaphore(%arg12 : memref<!tpu.dma_semaphore, #tpu.memory_space<semaphore_mem>>) src(%dma_wait3A_262 : memref<1x64xi32, #tpu.memory_space<hbm>>) dst(%dma_wait3A_253 : memref<1x64xi32, #tpu.memory_space<vmem>>)
        %add3A_263 = arith.constant 1 : i32
        %add3A_264 = arith.addi %scan3A_136, %add3A_263 : i32
        %add3A_265 = arith.constant 1 : i32
        %add3A_266 = arith.addi %scan3A_136, %add3A_265 : i32
        %jit3A_267 = arith.constant 4 : i32
        %eq3A_268 = arith.constant 0 : i32
        %eq3A_269 = arith.cmpi eq, %jit3A_267, %eq3A_268 : i32
        %jit3A_270 = arith.constant 1 : i32
        %select_n3A_271 = arith.select %eq3A_269, %jit3A_270, %jit3A_267 : i32
        %rem3A_272 = arith.remsi %add3A_266, %select_n3A_271 : i32
        %ne3A_273 = arith.constant 0 : i32
        %ne3A_274 = arith.cmpi ne, %rem3A_272, %ne3A_273 : i32
        %lt3A_275 = arith.constant 0 : i32
        %lt3A_276 = arith.cmpi slt, %rem3A_272, %lt3A_275 : i32
        %lt3A_277 = arith.constant 0 : i32
        %lt3A_278 = arith.cmpi slt, %select_n3A_271, %lt3A_277 : i32
        %ne3A_279 = arith.xori %lt3A_276, %lt3A_278 : i1
        %and3A_280 = arith.andi %ne3A_279, %ne3A_274 : i1
        %add3A_281 = arith.addi %rem3A_272, %select_n3A_271 : i32
        %select_n3A_282 = arith.select %and3A_280, %add3A_281, %rem3A_272 : i32
        %dma_wait3A_283 = arith.constant 0 : i32
        %dma_wait3A_284 = arith.constant 0 : i32
        %dma_wait3A_285 = tpu.memref_slice %arg8[%select_n3A_282, %dma_wait3A_283, %dma_wait3A_284] : memref<4x1x64xi32, #tpu.memory_space<vmem>> -> memref<1x1x64xi32, #tpu.memory_space<vmem>>
        %dma_wait3A_286 = tpu.memref_squeeze %dma_wait3A_285 : memref<1x1x64xi32, #tpu.memory_space<vmem>> -> memref<1x64xi32, #tpu.memory_space<vmem>>
        %dma_wait3A_287 = arith.constant 0 : i32
        %dma_wait3A_288 = arith.constant 0 : i32
        %dma_wait3A_289 = arith.constant 0 : i32
        %dma_wait3A_290 = tpu.memref_slice %arg4[%add3A, %dma_wait3A_287, %dma_wait3A_288, %dma_wait3A_289] : memref<32x160x1x64xi32, #tpu.memory_space<hbm>> -> memref<1x160x1x64xi32, #tpu.memory_space<hbm>>
        %dma_wait3A_291 = tpu.memref_squeeze %dma_wait3A_290 : memref<1x160x1x64xi32, #tpu.memory_space<hbm>> -> memref<160x1x64xi32, #tpu.memory_space<hbm>>
        %dma_wait3A_292 = arith.constant 0 : i32
        %dma_wait3A_293 = arith.constant 0 : i32
        %dma_wait3A_294 = tpu.memref_slice %dma_wait3A_291[%add3A_264, %dma_wait3A_292, %dma_wait3A_293] : memref<160x1x64xi32, #tpu.memory_space<hbm>> -> memref<1x1x64xi32, #tpu.memory_space<hbm>>
        %dma_wait3A_295 = tpu.memref_squeeze %dma_wait3A_294 : memref<1x1x64xi32, #tpu.memory_space<hbm>> -> memref<1x64xi32, #tpu.memory_space<hbm>>
        %dma_wait3A_296 = arith.constant 0 : i32
        %dma_wait3A_297 = arith.constant 0 : i32
        %dma_wait3A_298 = tpu.memref_slice %arg8[%select_n3A_282, %dma_wait3A_296, %dma_wait3A_297] : memref<4x1x64xi32, #tpu.memory_space<vmem>> -> memref<1x1x64xi32, #tpu.memory_space<vmem>>
        %dma_wait3A_299 = tpu.memref_squeeze %dma_wait3A_298 : memref<1x1x64xi32, #tpu.memory_space<vmem>> -> memref<1x64xi32, #tpu.memory_space<vmem>>
        %dma_wait3A_300 = arith.constant 0 : i32
        %dma_wait3A_301 = arith.constant 0 : i32
        %dma_wait3A_302 = arith.constant 0 : i32
        %dma_wait3A_303 = tpu.memref_slice %arg4[%add3A, %dma_wait3A_300, %dma_wait3A_301, %dma_wait3A_302] : memref<32x160x1x64xi32, #tpu.memory_space<hbm>> -> memref<1x160x1x64xi32, #tpu.memory_space<hbm>>
        %dma_wait3A_304 = tpu.memref_squeeze %dma_wait3A_303 : memref<1x160x1x64xi32, #tpu.memory_space<hbm>> -> memref<160x1x64xi32, #tpu.memory_space<hbm>>
        %dma_wait3A_305 = arith.constant 0 : i32
        %dma_wait3A_306 = arith.constant 0 : i32
        %dma_wait3A_307 = tpu.memref_slice %dma_wait3A_304[%add3A_264, %dma_wait3A_305, %dma_wait3A_306] : memref<160x1x64xi32, #tpu.memory_space<hbm>> -> memref<1x1x64xi32, #tpu.memory_space<hbm>>
        %dma_wait3A_308 = tpu.memref_squeeze %dma_wait3A_307 : memref<1x1x64xi32, #tpu.memory_space<hbm>> -> memref<1x64xi32, #tpu.memory_space<hbm>>
        tpu.wait_dma2 semaphore(%arg12 : memref<!tpu.dma_semaphore, #tpu.memory_space<semaphore_mem>>) src(%dma_wait3A_308 : memref<1x64xi32, #tpu.memory_space<hbm>>) dst(%dma_wait3A_299 : memref<1x64xi32, #tpu.memory_space<vmem>>)
        %add3A_309 = arith.constant 1 : i32
        %add3A_310 = arith.addi %scan3A_136, %add3A_309 : i32
        %add3A_311 = arith.constant 1 : i32
        %add3A_312 = arith.addi %scan3A_136, %add3A_311 : i32
        %jit3A_313 = arith.constant 3 : i32
        %eq3A_314 = arith.constant 0 : i32
        %eq3A_315 = arith.cmpi eq, %jit3A_313, %eq3A_314 : i32
        %jit3A_316 = arith.constant 1 : i32
        %select_n3A_317 = arith.select %eq3A_315, %jit3A_316, %jit3A_313 : i32
        %rem3A_318 = arith.remsi %add3A_312, %select_n3A_317 : i32
        %ne3A_319 = arith.constant 0 : i32
        %ne3A_320 = arith.cmpi ne, %rem3A_318, %ne3A_319 : i32
        %lt3A_321 = arith.constant 0 : i32
        %lt3A_322 = arith.cmpi slt, %rem3A_318, %lt3A_321 : i32
        %lt3A_323 = arith.constant 0 : i32
        %lt3A_324 = arith.cmpi slt, %select_n3A_317, %lt3A_323 : i32
        %ne3A_325 = arith.xori %lt3A_322, %lt3A_324 : i1
        %and3A_326 = arith.andi %ne3A_325, %ne3A_320 : i1
        %add3A_327 = arith.addi %rem3A_318, %select_n3A_317 : i32
        %select_n3A_328 = arith.select %and3A_326, %add3A_327, %rem3A_318 : i32
        %dma_wait3A_329 = arith.constant 0 : i32
        %dma_wait3A_330 = arith.constant 0 : i32
        %dma_wait3A_331 = tpu.memref_slice %arg9[%select_n3A_328, %dma_wait3A_329, %dma_wait3A_330] : memref<3x64x16xf32, #tpu.memory_space<vmem>> -> memref<1x64x16xf32, #tpu.memory_space<vmem>>
        %dma_wait3A_332 = tpu.memref_squeeze %dma_wait3A_331 : memref<1x64x16xf32, #tpu.memory_space<vmem>> -> memref<64x16xf32, #tpu.memory_space<vmem>>
        %dma_wait3A_333 = arith.constant 0 : i32
        %dma_wait3A_334 = arith.constant 0 : i32
        %dma_wait3A_335 = arith.constant 0 : i32
        %dma_wait3A_336 = tpu.memref_slice %arg5[%add3A, %dma_wait3A_333, %dma_wait3A_334, %dma_wait3A_335] : memref<32x160x64x16xf32, #tpu.memory_space<hbm>> -> memref<1x160x64x16xf32, #tpu.memory_space<hbm>>
        %dma_wait3A_337 = tpu.memref_squeeze %dma_wait3A_336 : memref<1x160x64x16xf32, #tpu.memory_space<hbm>> -> memref<160x64x16xf32, #tpu.memory_space<hbm>>
        %dma_wait3A_338 = arith.constant 0 : i32
        %dma_wait3A_339 = arith.constant 0 : i32
        %dma_wait3A_340 = tpu.memref_slice %dma_wait3A_337[%add3A_310, %dma_wait3A_338, %dma_wait3A_339] : memref<160x64x16xf32, #tpu.memory_space<hbm>> -> memref<1x64x16xf32, #tpu.memory_space<hbm>>
        %dma_wait3A_341 = tpu.memref_squeeze %dma_wait3A_340 : memref<1x64x16xf32, #tpu.memory_space<hbm>> -> memref<64x16xf32, #tpu.memory_space<hbm>>
        %dma_wait3A_342 = arith.constant 0 : i32
        %dma_wait3A_343 = arith.constant 0 : i32
        %dma_wait3A_344 = tpu.memref_slice %arg9[%select_n3A_328, %dma_wait3A_342, %dma_wait3A_343] : memref<3x64x16xf32, #tpu.memory_space<vmem>> -> memref<1x64x16xf32, #tpu.memory_space<vmem>>
        %dma_wait3A_345 = tpu.memref_squeeze %dma_wait3A_344 : memref<1x64x16xf32, #tpu.memory_space<vmem>> -> memref<64x16xf32, #tpu.memory_space<vmem>>
        %dma_wait3A_346 = arith.constant 0 : i32
        %dma_wait3A_347 = arith.constant 0 : i32
        %dma_wait3A_348 = arith.constant 0 : i32
        %dma_wait3A_349 = tpu.memref_slice %arg5[%add3A, %dma_wait3A_346, %dma_wait3A_347, %dma_wait3A_348] : memref<32x160x64x16xf32, #tpu.memory_space<hbm>> -> memref<1x160x64x16xf32, #tpu.memory_space<hbm>>
        %dma_wait3A_350 = tpu.memref_squeeze %dma_wait3A_349 : memref<1x160x64x16xf32, #tpu.memory_space<hbm>> -> memref<160x64x16xf32, #tpu.memory_space<hbm>>
        %dma_wait3A_351 = arith.constant 0 : i32
        %dma_wait3A_352 = arith.constant 0 : i32
        %dma_wait3A_353 = tpu.memref_slice %dma_wait3A_350[%add3A_310, %dma_wait3A_351, %dma_wait3A_352] : memref<160x64x16xf32, #tpu.memory_space<hbm>> -> memref<1x64x16xf32, #tpu.memory_space<hbm>>
        %dma_wait3A_354 = tpu.memref_squeeze %dma_wait3A_353 : memref<1x64x16xf32, #tpu.memory_space<hbm>> -> memref<64x16xf32, #tpu.memory_space<hbm>>
        tpu.wait_dma2 semaphore(%arg12 : memref<!tpu.dma_semaphore, #tpu.memory_space<semaphore_mem>>) src(%dma_wait3A_354 : memref<64x16xf32, #tpu.memory_space<hbm>>) dst(%dma_wait3A_345 : memref<64x16xf32, #tpu.memory_space<vmem>>)
        %add3A_355 = arith.constant 1 : i32
        %add3A_356 = arith.addi %scan3A_136, %add3A_355 : i32
        %jit3A_357 = arith.constant 4 : i32
        %eq3A_358 = arith.constant 0 : i32
        %eq3A_359 = arith.cmpi eq, %jit3A_357, %eq3A_358 : i32
        %jit3A_360 = arith.constant 1 : i32
        %select_n3A_361 = arith.select %eq3A_359, %jit3A_360, %jit3A_357 : i32
        %rem3A_362 = arith.remsi %add3A_356, %select_n3A_361 : i32
        %ne3A_363 = arith.constant 0 : i32
        %ne3A_364 = arith.cmpi ne, %rem3A_362, %ne3A_363 : i32
        %lt3A_365 = arith.constant 0 : i32
        %lt3A_366 = arith.cmpi slt, %rem3A_362, %lt3A_365 : i32
        %lt3A_367 = arith.constant 0 : i32
        %lt3A_368 = arith.cmpi slt, %select_n3A_361, %lt3A_367 : i32
        %ne3A_369 = arith.xori %lt3A_366, %lt3A_368 : i1
        %and3A_370 = arith.andi %ne3A_369, %ne3A_364 : i1
        %add3A_371 = arith.addi %rem3A_362, %select_n3A_361 : i32
        %select_n3A_372 = arith.select %and3A_370, %add3A_371, %rem3A_362 : i32
        %add3A_373 = arith.constant 1 : i32
        %add3A_374 = arith.addi %scan3A_136, %add3A_373 : i32
        %jit3A_375 = arith.constant 3 : i32
        %eq3A_376 = arith.constant 0 : i32
        %eq3A_377 = arith.cmpi eq, %jit3A_375, %eq3A_376 : i32
        %jit3A_378 = arith.constant 1 : i32
        %select_n3A_379 = arith.select %eq3A_377, %jit3A_378, %jit3A_375 : i32
        %rem3A_380 = arith.remsi %add3A_374, %select_n3A_379 : i32
        %ne3A_381 = arith.constant 0 : i32
        %ne3A_382 = arith.cmpi ne, %rem3A_380, %ne3A_381 : i32
        %lt3A_383 = arith.constant 0 : i32
        %lt3A_384 = arith.cmpi slt, %rem3A_380, %lt3A_383 : i32
        %lt3A_385 = arith.constant 0 : i32
        %lt3A_386 = arith.cmpi slt, %select_n3A_379, %lt3A_385 : i32
        %ne3A_387 = arith.xori %lt3A_384, %lt3A_386 : i1
        %and3A_388 = arith.andi %ne3A_387, %ne3A_382 : i1
        %add3A_389 = arith.addi %rem3A_380, %select_n3A_379 : i32
        %select_n3A_390 = arith.select %and3A_388, %add3A_389, %rem3A_380 : i32
        %dma_start3A_391 = arith.constant 0 : i32
        %dma_start3A_392 = arith.constant 0 : i32
        %dma_start3A_393 = arith.constant 0 : i32
        %dma_start3A_394 = tpu.memref_slice %arg10[%select_n3A_390, %dma_start3A_392, %dma_start3A_393] : memref<3x64x128xf32, #tpu.memory_space<vmem>> -> memref<1x64x128xf32, #tpu.memory_space<vmem>>
        %dma_start3A_395 = tpu.memref_squeeze %dma_start3A_394 : memref<1x64x128xf32, #tpu.memory_space<vmem>> -> memref<64x128xf32, #tpu.memory_space<vmem>>
        %dma_start3A_396 = arith.constant 0 : i32
        %dma_start3A_397 = tpu.memref_slice %arg7[%select_n3A_372, %dma_start3A_391, %dma_start3A_396] : memref<4x1x64xi32, #tpu.memory_space<vmem>> -> memref<1x1x64xi32, #tpu.memory_space<vmem>>
        %dma_start3A_398 = tpu.memref_squeeze %dma_start3A_397 : memref<1x1x64xi32, #tpu.memory_space<vmem>> -> memref<64xi32, #tpu.memory_space<vmem>>
        %dma_start3A_399 = arith.constant 0 : i32
        %dma_start3A_400 = arith.constant 0 : i32
        %dma_start3A_401 = tpu.memref_slice %arg2[%dma_start3A_399, %dma_start3A_400] : memref<10000x128xf32, #tpu.memory_space<hbm>> -> memref<10000x128xf32, #tpu.memory_space<hbm>>
        tpu.enqueue_indirect_dma source(%dma_start3A_401 : memref<10000x128xf32, #tpu.memory_space<hbm>>) target(%dma_start3A_395 : memref<64x128xf32, #tpu.memory_space<vmem>>) offsets(%dma_start3A_398 : memref<64xi32, #tpu.memory_space<vmem>>) semaphore(%arg13 : memref<!tpu.dma_semaphore, #tpu.memory_space<semaphore_mem>>)
      } else {
      }
      %add3A_183 = arith.constant 2 : i32
      %add3A_184 = arith.addi %scan3A_136, %add3A_183 : i32
      %lt3A_185 = arith.constant 160 : i32
      %lt3A_186 = arith.cmpi slt, %add3A_184, %lt3A_185 : i32
      %convert_element_type3A_187 = arith.extui %lt3A_186 : i1 to i32
      %cond3A_188 = arith.constant 0 : i32
      %cond3A_189 = arith.cmpi ne, %convert_element_type3A_187, %cond3A_188 : i32
      scf.if %cond3A_189 {
        %add3A_213 = arith.constant 2 : i32
        %add3A_214 = arith.addi %scan3A_136, %add3A_213 : i32
        %add3A_215 = arith.constant 2 : i32
        %add3A_216 = arith.addi %scan3A_136, %add3A_215 : i32
        %jit3A_217 = arith.constant 4 : i32
        %eq3A_218 = arith.constant 0 : i32
        %eq3A_219 = arith.cmpi eq, %jit3A_217, %eq3A_218 : i32
        %jit3A_220 = arith.constant 1 : i32
        %select_n3A_221 = arith.select %eq3A_219, %jit3A_220, %jit3A_217 : i32
        %rem3A_222 = arith.remsi %add3A_216, %select_n3A_221 : i32
        %ne3A_223 = arith.constant 0 : i32
        %ne3A_224 = arith.cmpi ne, %rem3A_222, %ne3A_223 : i32
        %lt3A_225 = arith.constant 0 : i32
        %lt3A_226 = arith.cmpi slt, %rem3A_222, %lt3A_225 : i32
        %lt3A_227 = arith.constant 0 : i32
        %lt3A_228 = arith.cmpi slt, %select_n3A_221, %lt3A_227 : i32
        %ne3A_229 = arith.xori %lt3A_226, %lt3A_228 : i1
        %and3A_230 = arith.andi %ne3A_229, %ne3A_224 : i1
        %add3A_231 = arith.addi %rem3A_222, %select_n3A_221 : i32
        %select_n3A_232 = arith.select %and3A_230, %add3A_231, %rem3A_222 : i32
        %dma_start3A_233 = arith.constant 0 : i32
        %dma_start3A_234 = arith.constant 0 : i32
        %dma_start3A_235 = tpu.memref_slice %arg7[%select_n3A_232, %dma_start3A_233, %dma_start3A_234] : memref<4x1x64xi32, #tpu.memory_space<vmem>> -> memref<1x1x64xi32, #tpu.memory_space<vmem>>
        %dma_start3A_236 = tpu.memref_squeeze %dma_start3A_235 : memref<1x1x64xi32, #tpu.memory_space<vmem>> -> memref<1x64xi32, #tpu.memory_space<vmem>>
        %dma_start3A_237 = arith.constant 0 : i32
        %dma_start3A_238 = arith.constant 0 : i32
        %dma_start3A_239 = arith.constant 0 : i32
        %dma_start3A_240 = tpu.memref_slice %arg3[%add3A, %dma_start3A_237, %dma_start3A_238, %dma_start3A_239] : memref<32x160x1x64xi32, #tpu.memory_space<hbm>> -> memref<1x160x1x64xi32, #tpu.memory_space<hbm>>
        %dma_start3A_241 = tpu.memref_squeeze %dma_start3A_240 : memref<1x160x1x64xi32, #tpu.memory_space<hbm>> -> memref<160x1x64xi32, #tpu.memory_space<hbm>>
        %dma_start3A_242 = arith.constant 0 : i32
        %dma_start3A_243 = arith.constant 0 : i32
        %dma_start3A_244 = tpu.memref_slice %dma_start3A_241[%add3A_214, %dma_start3A_242, %dma_start3A_243] : memref<160x1x64xi32, #tpu.memory_space<hbm>> -> memref<1x1x64xi32, #tpu.memory_space<hbm>>
        %dma_start3A_245 = tpu.memref_squeeze %dma_start3A_244 : memref<1x1x64xi32, #tpu.memory_space<hbm>> -> memref<1x64xi32, #tpu.memory_space<hbm>>
        %dma_start3A_246 = arith.constant 0 : i32
        %dma_start3A_247 = arith.constant 0 : i32
        %dma_start3A_248 = tpu.memref_slice %arg7[%select_n3A_232, %dma_start3A_246, %dma_start3A_247] : memref<4x1x64xi32, #tpu.memory_space<vmem>> -> memref<1x1x64xi32, #tpu.memory_space<vmem>>
        %dma_start3A_249 = tpu.memref_squeeze %dma_start3A_248 : memref<1x1x64xi32, #tpu.memory_space<vmem>> -> memref<1x64xi32, #tpu.memory_space<vmem>>
        %dma_start3A_250 = arith.constant 0 : i32
        %dma_start3A_251 = arith.constant 0 : i32
        %dma_start3A_252 = arith.constant 0 : i32
        %dma_start3A_253 = tpu.memref_slice %arg3[%add3A, %dma_start3A_250, %dma_start3A_251, %dma_start3A_252] : memref<32x160x1x64xi32, #tpu.memory_space<hbm>> -> memref<1x160x1x64xi32, #tpu.memory_space<hbm>>
        %dma_start3A_254 = tpu.memref_squeeze %dma_start3A_253 : memref<1x160x1x64xi32, #tpu.memory_space<hbm>> -> memref<160x1x64xi32, #tpu.memory_space<hbm>>
        %dma_start3A_255 = arith.constant 0 : i32
        %dma_start3A_256 = arith.constant 0 : i32
        %dma_start3A_257 = tpu.memref_slice %dma_start3A_254[%add3A_214, %dma_start3A_255, %dma_start3A_256] : memref<160x1x64xi32, #tpu.memory_space<hbm>> -> memref<1x1x64xi32, #tpu.memory_space<hbm>>
        %dma_start3A_258 = tpu.memref_squeeze %dma_start3A_257 : memref<1x1x64xi32, #tpu.memory_space<hbm>> -> memref<1x64xi32, #tpu.memory_space<hbm>>
        tpu.enqueue_dma source(%dma_start3A_258 : memref<1x64xi32, #tpu.memory_space<hbm>>) target(%dma_start3A_249 : memref<1x64xi32, #tpu.memory_space<vmem>>) target_semaphore(%arg12 : memref<!tpu.dma_semaphore, #tpu.memory_space<semaphore_mem>>)
        %add3A_259 = arith.constant 2 : i32
        %add3A_260 = arith.addi %scan3A_136, %add3A_259 : i32
        %add3A_261 = arith.constant 2 : i32
        %add3A_262 = arith.addi %scan3A_136, %add3A_261 : i32
        %jit3A_263 = arith.constant 4 : i32
        %eq3A_264 = arith.constant 0 : i32
        %eq3A_265 = arith.cmpi eq, %jit3A_263, %eq3A_264 : i32
        %jit3A_266 = arith.constant 1 : i32
        %select_n3A_267 = arith.select %eq3A_265, %jit3A_266, %jit3A_263 : i32
        %rem3A_268 = arith.remsi %add3A_262, %select_n3A_267 : i32
        %ne3A_269 = arith.constant 0 : i32
        %ne3A_270 = arith.cmpi ne, %rem3A_268, %ne3A_269 : i32
        %lt3A_271 = arith.constant 0 : i32
        %lt3A_272 = arith.cmpi slt, %rem3A_268, %lt3A_271 : i32
        %lt3A_273 = arith.constant 0 : i32
        %lt3A_274 = arith.cmpi slt, %select_n3A_267, %lt3A_273 : i32
        %ne3A_275 = arith.xori %lt3A_272, %lt3A_274 : i1
        %and3A_276 = arith.andi %ne3A_275, %ne3A_270 : i1
        %add3A_277 = arith.addi %rem3A_268, %select_n3A_267 : i32
        %select_n3A_278 = arith.select %and3A_276, %add3A_277, %rem3A_268 : i32
        %dma_start3A_279 = arith.constant 0 : i32
        %dma_start3A_280 = arith.constant 0 : i32
        %dma_start3A_281 = tpu.memref_slice %arg8[%select_n3A_278, %dma_start3A_279, %dma_start3A_280] : memref<4x1x64xi32, #tpu.memory_space<vmem>> -> memref<1x1x64xi32, #tpu.memory_space<vmem>>
        %dma_start3A_282 = tpu.memref_squeeze %dma_start3A_281 : memref<1x1x64xi32, #tpu.memory_space<vmem>> -> memref<1x64xi32, #tpu.memory_space<vmem>>
        %dma_start3A_283 = arith.constant 0 : i32
        %dma_start3A_284 = arith.constant 0 : i32
        %dma_start3A_285 = arith.constant 0 : i32
        %dma_start3A_286 = tpu.memref_slice %arg4[%add3A, %dma_start3A_283, %dma_start3A_284, %dma_start3A_285] : memref<32x160x1x64xi32, #tpu.memory_space<hbm>> -> memref<1x160x1x64xi32, #tpu.memory_space<hbm>>
        %dma_start3A_287 = tpu.memref_squeeze %dma_start3A_286 : memref<1x160x1x64xi32, #tpu.memory_space<hbm>> -> memref<160x1x64xi32, #tpu.memory_space<hbm>>
        %dma_start3A_288 = arith.constant 0 : i32
        %dma_start3A_289 = arith.constant 0 : i32
        %dma_start3A_290 = tpu.memref_slice %dma_start3A_287[%add3A_260, %dma_start3A_288, %dma_start3A_289] : memref<160x1x64xi32, #tpu.memory_space<hbm>> -> memref<1x1x64xi32, #tpu.memory_space<hbm>>
        %dma_start3A_291 = tpu.memref_squeeze %dma_start3A_290 : memref<1x1x64xi32, #tpu.memory_space<hbm>> -> memref<1x64xi32, #tpu.memory_space<hbm>>
        %dma_start3A_292 = arith.constant 0 : i32
        %dma_start3A_293 = arith.constant 0 : i32
        %dma_start3A_294 = tpu.memref_slice %arg8[%select_n3A_278, %dma_start3A_292, %dma_start3A_293] : memref<4x1x64xi32, #tpu.memory_space<vmem>> -> memref<1x1x64xi32, #tpu.memory_space<vmem>>
        %dma_start3A_295 = tpu.memref_squeeze %dma_start3A_294 : memref<1x1x64xi32, #tpu.memory_space<vmem>> -> memref<1x64xi32, #tpu.memory_space<vmem>>
        %dma_start3A_296 = arith.constant 0 : i32
        %dma_start3A_297 = arith.constant 0 : i32
        %dma_start3A_298 = arith.constant 0 : i32
        %dma_start3A_299 = tpu.memref_slice %arg4[%add3A, %dma_start3A_296, %dma_start3A_297, %dma_start3A_298] : memref<32x160x1x64xi32, #tpu.memory_space<hbm>> -> memref<1x160x1x64xi32, #tpu.memory_space<hbm>>
        %dma_start3A_300 = tpu.memref_squeeze %dma_start3A_299 : memref<1x160x1x64xi32, #tpu.memory_space<hbm>> -> memref<160x1x64xi32, #tpu.memory_space<hbm>>
        %dma_start3A_301 = arith.constant 0 : i32
        %dma_start3A_302 = arith.constant 0 : i32
        %dma_start3A_303 = tpu.memref_slice %dma_start3A_300[%add3A_260, %dma_start3A_301, %dma_start3A_302] : memref<160x1x64xi32, #tpu.memory_space<hbm>> -> memref<1x1x64xi32, #tpu.memory_space<hbm>>
        %dma_start3A_304 = tpu.memref_squeeze %dma_start3A_303 : memref<1x1x64xi32, #tpu.memory_space<hbm>> -> memref<1x64xi32, #tpu.memory_space<hbm>>
        tpu.enqueue_dma source(%dma_start3A_304 : memref<1x64xi32, #tpu.memory_space<hbm>>) target(%dma_start3A_295 : memref<1x64xi32, #tpu.memory_space<vmem>>) target_semaphore(%arg12 : memref<!tpu.dma_semaphore, #tpu.memory_space<semaphore_mem>>)
        %add3A_305 = arith.constant 2 : i32
        %add3A_306 = arith.addi %scan3A_136, %add3A_305 : i32
        %add3A_307 = arith.constant 2 : i32
        %add3A_308 = arith.addi %scan3A_136, %add3A_307 : i32
        %jit3A_309 = arith.constant 3 : i32
        %eq3A_310 = arith.constant 0 : i32
        %eq3A_311 = arith.cmpi eq, %jit3A_309, %eq3A_310 : i32
        %jit3A_312 = arith.constant 1 : i32
        %select_n3A_313 = arith.select %eq3A_311, %jit3A_312, %jit3A_309 : i32
        %rem3A_314 = arith.remsi %add3A_308, %select_n3A_313 : i32
        %ne3A_315 = arith.constant 0 : i32
        %ne3A_316 = arith.cmpi ne, %rem3A_314, %ne3A_315 : i32
        %lt3A_317 = arith.constant 0 : i32
        %lt3A_318 = arith.cmpi slt, %rem3A_314, %lt3A_317 : i32
        %lt3A_319 = arith.constant 0 : i32
        %lt3A_320 = arith.cmpi slt, %select_n3A_313, %lt3A_319 : i32
        %ne3A_321 = arith.xori %lt3A_318, %lt3A_320 : i1
        %and3A_322 = arith.andi %ne3A_321, %ne3A_316 : i1
        %add3A_323 = arith.addi %rem3A_314, %select_n3A_313 : i32
        %select_n3A_324 = arith.select %and3A_322, %add3A_323, %rem3A_314 : i32
        %dma_start3A_325 = arith.constant 0 : i32
        %dma_start3A_326 = arith.constant 0 : i32
        %dma_start3A_327 = tpu.memref_slice %arg9[%select_n3A_324, %dma_start3A_325, %dma_start3A_326] : memref<3x64x16xf32, #tpu.memory_space<vmem>> -> memref<1x64x16xf32, #tpu.memory_space<vmem>>
        %dma_start3A_328 = tpu.memref_squeeze %dma_start3A_327 : memref<1x64x16xf32, #tpu.memory_space<vmem>> -> memref<64x16xf32, #tpu.memory_space<vmem>>
        %dma_start3A_329 = arith.constant 0 : i32
        %dma_start3A_330 = arith.constant 0 : i32
        %dma_start3A_331 = arith.constant 0 : i32
        %dma_start3A_332 = tpu.memref_slice %arg5[%add3A, %dma_start3A_329, %dma_start3A_330, %dma_start3A_331] : memref<32x160x64x16xf32, #tpu.memory_space<hbm>> -> memref<1x160x64x16xf32, #tpu.memory_space<hbm>>
        %dma_start3A_333 = tpu.memref_squeeze %dma_start3A_332 : memref<1x160x64x16xf32, #tpu.memory_space<hbm>> -> memref<160x64x16xf32, #tpu.memory_space<hbm>>
        %dma_start3A_334 = arith.constant 0 : i32
        %dma_start3A_335 = arith.constant 0 : i32
        %dma_start3A_336 = tpu.memref_slice %dma_start3A_333[%add3A_306, %dma_start3A_334, %dma_start3A_335] : memref<160x64x16xf32, #tpu.memory_space<hbm>> -> memref<1x64x16xf32, #tpu.memory_space<hbm>>
        %dma_start3A_337 = tpu.memref_squeeze %dma_start3A_336 : memref<1x64x16xf32, #tpu.memory_space<hbm>> -> memref<64x16xf32, #tpu.memory_space<hbm>>
        %dma_start3A_338 = arith.constant 0 : i32
        %dma_start3A_339 = arith.constant 0 : i32
        %dma_start3A_340 = tpu.memref_slice %arg9[%select_n3A_324, %dma_start3A_338, %dma_start3A_339] : memref<3x64x16xf32, #tpu.memory_space<vmem>> -> memref<1x64x16xf32, #tpu.memory_space<vmem>>
        %dma_start3A_341 = tpu.memref_squeeze %dma_start3A_340 : memref<1x64x16xf32, #tpu.memory_space<vmem>> -> memref<64x16xf32, #tpu.memory_space<vmem>>
        %dma_start3A_342 = arith.constant 0 : i32
        %dma_start3A_343 = arith.constant 0 : i32
        %dma_start3A_344 = arith.constant 0 : i32
        %dma_start3A_345 = tpu.memref_slice %arg5[%add3A, %dma_start3A_342, %dma_start3A_343, %dma_start3A_344] : memref<32x160x64x16xf32, #tpu.memory_space<hbm>> -> memref<1x160x64x16xf32, #tpu.memory_space<hbm>>
        %dma_start3A_346 = tpu.memref_squeeze %dma_start3A_345 : memref<1x160x64x16xf32, #tpu.memory_space<hbm>> -> memref<160x64x16xf32, #tpu.memory_space<hbm>>
        %dma_start3A_347 = arith.constant 0 : i32
        %dma_start3A_348 = arith.constant 0 : i32
        %dma_start3A_349 = tpu.memref_slice %dma_start3A_346[%add3A_306, %dma_start3A_347, %dma_start3A_348] : memref<160x64x16xf32, #tpu.memory_space<hbm>> -> memref<1x64x16xf32, #tpu.memory_space<hbm>>
        %dma_start3A_350 = tpu.memref_squeeze %dma_start3A_349 : memref<1x64x16xf32, #tpu.memory_space<hbm>> -> memref<64x16xf32, #tpu.memory_space<hbm>>
        tpu.enqueue_dma source(%dma_start3A_350 : memref<64x16xf32, #tpu.memory_space<hbm>>) target(%dma_start3A_341 : memref<64x16xf32, #tpu.memory_space<vmem>>) target_semaphore(%arg12 : memref<!tpu.dma_semaphore, #tpu.memory_space<semaphore_mem>>)
      } else {
      }
      %dma_wait3A = arith.constant 0 : i32
      %dma_wait3A_190 = arith.constant 0 : i32
      %dma_wait3A_191 = arith.constant 0 : i32
      %dma_wait3A_192 = tpu.memref_slice %arg10[%select_n3A_177, %dma_wait3A_190, %dma_wait3A_191] : memref<3x64x128xf32, #tpu.memory_space<vmem>> -> memref<1x64x128xf32, #tpu.memory_space<vmem>>
      %dma_wait3A_193 = tpu.memref_squeeze %dma_wait3A_192 : memref<1x64x128xf32, #tpu.memory_space<vmem>> -> memref<64x128xf32, #tpu.memory_space<vmem>>
      %dma_wait3A_194 = arith.constant 0 : i32
      %dma_wait3A_195 = tpu.memref_slice %arg7[%select_n3A_145, %dma_wait3A, %dma_wait3A_194] : memref<4x1x64xi32, #tpu.memory_space<vmem>> -> memref<1x1x64xi32, #tpu.memory_space<vmem>>
      %dma_wait3A_196 = tpu.memref_squeeze %dma_wait3A_195 : memref<1x1x64xi32, #tpu.memory_space<vmem>> -> memref<64xi32, #tpu.memory_space<vmem>>
      %dma_wait3A_197 = arith.constant 0 : i32
      %dma_wait3A_198 = arith.constant 0 : i32
      %dma_wait3A_199 = tpu.memref_slice %arg2[%dma_wait3A_197, %dma_wait3A_198] : memref<10000x128xf32, #tpu.memory_space<hbm>> -> memref<10000x128xf32, #tpu.memory_space<hbm>>
      tpu.wait_indirect_dma semaphore(%arg13 : memref<!tpu.dma_semaphore, #tpu.memory_space<semaphore_mem>>) src(%dma_wait3A_199 : memref<10000x128xf32, #tpu.memory_space<hbm>>) dst(%dma_wait3A_193 : memref<64x128xf32, #tpu.memory_space<vmem>>)
      %parallel_loop3A = arith.constant 0 : i32
      %parallel_loop3A_200 = arith.constant 64 : i32
      %parallel_loop3A_201 = arith.constant 1 : i32
      scf.for %parallel_loop3A_213 = %parallel_loop3A to %parallel_loop3A_200 step %parallel_loop3A_201  : i32 {
        %parallel_loop3A_214 = arith.index_cast %select_n3A_161 : i32 to index
        %parallel_loop3A_215 = arith.index_cast %parallel_loop3A_213 : i32 to index
        %parallel_loop3A_216 = arith.constant 0 : index
        %parallel_loop3A_217 = tpu.vector_load %arg9[%parallel_loop3A_214, %parallel_loop3A_215, %parallel_loop3A_216] {strides = array<i32>} : memref<3x64x16xf32, #tpu.memory_space<vmem>>, vector<1x1x16xf32>,
        %parallel_loop3A_218 = vector.shape_cast %parallel_loop3A_217 : vector<1x1x16xf32> to vector<16xf32>
        %parallel_loop3A_219 = arith.index_cast %select_n3A_177 : i32 to index
        %parallel_loop3A_220 = arith.index_cast %parallel_loop3A_213 : i32 to index
        %parallel_loop3A_221 = arith.constant 0 : index
        %parallel_loop3A_222 = tpu.vector_load %arg10[%parallel_loop3A_219, %parallel_loop3A_220, %parallel_loop3A_221] {strides = array<i32>} : memref<3x64x128xf32, #tpu.memory_space<vmem>>, vector<1x1x16xf32>,
        %parallel_loop3A_223 = vector.shape_cast %parallel_loop3A_222 : vector<1x1x16xf32> to vector<16xf32>
        %parallel_loop3A_224 = arith.mulf %parallel_loop3A_223, %parallel_loop3A_218 : vector<16xf32>
        %parallel_loop3A_225 = arith.index_cast %select_n3A_177 : i32 to index
        %parallel_loop3A_226 = arith.index_cast %parallel_loop3A_213 : i32 to index
        %parallel_loop3A_227 = arith.constant 0 : index
        %parallel_loop3A_228 = tpu.vector_load %arg10[%parallel_loop3A_225, %parallel_loop3A_226, %parallel_loop3A_227] {strides = array<i32>} : memref<3x64x128xf32, #tpu.memory_space<vmem>>, vector<1x1x16xf32>,
        %parallel_loop3A_229 = vector.shape_cast %parallel_loop3A_228 : vector<1x1x16xf32> to vector<16xf32>
        %parallel_loop3A_230 = vector.shape_cast %parallel_loop3A_224 : vector<16xf32> to vector<1x1x16xf32>
        tpu.vector_store %arg10[%parallel_loop3A_225, %parallel_loop3A_226, %parallel_loop3A_227], %parallel_loop3A_230 {strides = array<i32>} : memref<3x64x128xf32, #tpu.memory_space<vmem>>, vector<1x1x16xf32>,
        %parallel_loop3A_231 = arith.index_cast %select_n3A_177 : i32 to index
        %parallel_loop3A_232 = arith.index_cast %parallel_loop3A_213 : i32 to index
        %parallel_loop3A_233 = arith.constant 16 : index
        %parallel_loop3A_234 = tpu.vector_load %arg10[%parallel_loop3A_231, %parallel_loop3A_232, %parallel_loop3A_233] {strides = array<i32>} : memref<3x64x128xf32, #tpu.memory_space<vmem>>, vector<1x1x16xf32>,
        %parallel_loop3A_235 = vector.shape_cast %parallel_loop3A_234 : vector<1x1x16xf32> to vector<16xf32>
        %parallel_loop3A_236 = arith.mulf %parallel_loop3A_235, %parallel_loop3A_218 : vector<16xf32>
        %parallel_loop3A_237 = arith.index_cast %select_n3A_177 : i32 to index
        %parallel_loop3A_238 = arith.index_cast %parallel_loop3A_213 : i32 to index
        %parallel_loop3A_239 = arith.constant 16 : index
        %parallel_loop3A_240 = tpu.vector_load %arg10[%parallel_loop3A_237, %parallel_loop3A_238, %parallel_loop3A_239] {strides = array<i32>} : memref<3x64x128xf32, #tpu.memory_space<vmem>>, vector<1x1x16xf32>,
        %parallel_loop3A_241 = vector.shape_cast %parallel_loop3A_240 : vector<1x1x16xf32> to vector<16xf32>
        %parallel_loop3A_242 = vector.shape_cast %parallel_loop3A_236 : vector<16xf32> to vector<1x1x16xf32>
        tpu.vector_store %arg10[%parallel_loop3A_237, %parallel_loop3A_238, %parallel_loop3A_239], %parallel_loop3A_242 {strides = array<i32>} : memref<3x64x128xf32, #tpu.memory_space<vmem>>, vector<1x1x16xf32>,
        %parallel_loop3A_243 = arith.index_cast %select_n3A_177 : i32 to index
        %parallel_loop3A_244 = arith.index_cast %parallel_loop3A_213 : i32 to index
        %parallel_loop3A_245 = arith.constant 32 : index
        %parallel_loop3A_246 = tpu.vector_load %arg10[%parallel_loop3A_243, %parallel_loop3A_244, %parallel_loop3A_245] {strides = array<i32>} : memref<3x64x128xf32, #tpu.memory_space<vmem>>, vector<1x1x16xf32>,
        %parallel_loop3A_247 = vector.shape_cast %parallel_loop3A_246 : vector<1x1x16xf32> to vector<16xf32>
        %parallel_loop3A_248 = arith.mulf %parallel_loop3A_247, %parallel_loop3A_218 : vector<16xf32>
        %parallel_loop3A_249 = arith.index_cast %select_n3A_177 : i32 to index
        %parallel_loop3A_250 = arith.index_cast %parallel_loop3A_213 : i32 to index
        %parallel_loop3A_251 = arith.constant 32 : index
        %parallel_loop3A_252 = tpu.vector_load %arg10[%parallel_loop3A_249, %parallel_loop3A_250, %parallel_loop3A_251] {strides = array<i32>} : memref<3x64x128xf32, #tpu.memory_space<vmem>>, vector<1x1x16xf32>,
        %parallel_loop3A_253 = vector.shape_cast %parallel_loop3A_252 : vector<1x1x16xf32> to vector<16xf32>
        %parallel_loop3A_254 = vector.shape_cast %parallel_loop3A_248 : vector<16xf32> to vector<1x1x16xf32>
        tpu.vector_store %arg10[%parallel_loop3A_249, %parallel_loop3A_250, %parallel_loop3A_251], %parallel_loop3A_254 {strides = array<i32>} : memref<3x64x128xf32, #tpu.memory_space<vmem>>, vector<1x1x16xf32>,
        %parallel_loop3A_255 = arith.index_cast %select_n3A_177 : i32 to index
        %parallel_loop3A_256 = arith.index_cast %parallel_loop3A_213 : i32 to index
        %parallel_loop3A_257 = arith.constant 48 : index
        %parallel_loop3A_258 = tpu.vector_load %arg10[%parallel_loop3A_255, %parallel_loop3A_256, %parallel_loop3A_257] {strides = array<i32>} : memref<3x64x128xf32, #tpu.memory_space<vmem>>, vector<1x1x16xf32>,
        %parallel_loop3A_259 = vector.shape_cast %parallel_loop3A_258 : vector<1x1x16xf32> to vector<16xf32>
        %parallel_loop3A_260 = arith.mulf %parallel_loop3A_259, %parallel_loop3A_218 : vector<16xf32>
        %parallel_loop3A_261 = arith.index_cast %select_n3A_177 : i32 to index
        %parallel_loop3A_262 = arith.index_cast %parallel_loop3A_213 : i32 to index
        %parallel_loop3A_263 = arith.constant 48 : index
        %parallel_loop3A_264 = tpu.vector_load %arg10[%parallel_loop3A_261, %parallel_loop3A_262, %parallel_loop3A_263] {strides = array<i32>} : memref<3x64x128xf32, #tpu.memory_space<vmem>>, vector<1x1x16xf32>,
        %parallel_loop3A_265 = vector.shape_cast %parallel_loop3A_264 : vector<1x1x16xf32> to vector<16xf32>
        %parallel_loop3A_266 = vector.shape_cast %parallel_loop3A_260 : vector<16xf32> to vector<1x1x16xf32>
        tpu.vector_store %arg10[%parallel_loop3A_261, %parallel_loop3A_262, %parallel_loop3A_263], %parallel_loop3A_266 {strides = array<i32>} : memref<3x64x128xf32, #tpu.memory_space<vmem>>, vector<1x1x16xf32>,
        %parallel_loop3A_267 = arith.index_cast %select_n3A_177 : i32 to index
        %parallel_loop3A_268 = arith.index_cast %parallel_loop3A_213 : i32 to index
        %parallel_loop3A_269 = arith.constant 64 : index
        %parallel_loop3A_270 = tpu.vector_load %arg10[%parallel_loop3A_267, %parallel_loop3A_268, %parallel_loop3A_269] {strides = array<i32>} : memref<3x64x128xf32, #tpu.memory_space<vmem>>, vector<1x1x16xf32>,
        %parallel_loop3A_271 = vector.shape_cast %parallel_loop3A_270 : vector<1x1x16xf32> to vector<16xf32>
        %parallel_loop3A_272 = arith.mulf %parallel_loop3A_271, %parallel_loop3A_218 : vector<16xf32>
        %parallel_loop3A_273 = arith.index_cast %select_n3A_177 : i32 to index
        %parallel_loop3A_274 = arith.index_cast %parallel_loop3A_213 : i32 to index
        %parallel_loop3A_275 = arith.constant 64 : index
        %parallel_loop3A_276 = tpu.vector_load %arg10[%parallel_loop3A_273, %parallel_loop3A_274, %parallel_loop3A_275] {strides = array<i32>} : memref<3x64x128xf32, #tpu.memory_space<vmem>>, vector<1x1x16xf32>,
        %parallel_loop3A_277 = vector.shape_cast %parallel_loop3A_276 : vector<1x1x16xf32> to vector<16xf32>
        %parallel_loop3A_278 = vector.shape_cast %parallel_loop3A_272 : vector<16xf32> to vector<1x1x16xf32>
        tpu.vector_store %arg10[%parallel_loop3A_273, %parallel_loop3A_274, %parallel_loop3A_275], %parallel_loop3A_278 {strides = array<i32>} : memref<3x64x128xf32, #tpu.memory_space<vmem>>, vector<1x1x16xf32>,
        %parallel_loop3A_279 = arith.index_cast %select_n3A_177 : i32 to index
        %parallel_loop3A_280 = arith.index_cast %parallel_loop3A_213 : i32 to index
        %parallel_loop3A_281 = arith.constant 80 : index
        %parallel_loop3A_282 = tpu.vector_load %arg10[%parallel_loop3A_279, %parallel_loop3A_280, %parallel_loop3A_281] {strides = array<i32>} : memref<3x64x128xf32, #tpu.memory_space<vmem>>, vector<1x1x16xf32>,
        %parallel_loop3A_283 = vector.shape_cast %parallel_loop3A_282 : vector<1x1x16xf32> to vector<16xf32>
        %parallel_loop3A_284 = arith.mulf %parallel_loop3A_283, %parallel_loop3A_218 : vector<16xf32>
        %parallel_loop3A_285 = arith.index_cast %select_n3A_177 : i32 to index
        %parallel_loop3A_286 = arith.index_cast %parallel_loop3A_213 : i32 to index
        %parallel_loop3A_287 = arith.constant 80 : index
        %parallel_loop3A_288 = tpu.vector_load %arg10[%parallel_loop3A_285, %parallel_loop3A_286, %parallel_loop3A_287] {strides = array<i32>} : memref<3x64x128xf32, #tpu.memory_space<vmem>>, vector<1x1x16xf32>,
        %parallel_loop3A_289 = vector.shape_cast %parallel_loop3A_288 : vector<1x1x16xf32> to vector<16xf32>
        %parallel_loop3A_290 = vector.shape_cast %parallel_loop3A_284 : vector<16xf32> to vector<1x1x16xf32>
        tpu.vector_store %arg10[%parallel_loop3A_285, %parallel_loop3A_286, %parallel_loop3A_287], %parallel_loop3A_290 {strides = array<i32>} : memref<3x64x128xf32, #tpu.memory_space<vmem>>, vector<1x1x16xf32>,
        %parallel_loop3A_291 = arith.index_cast %select_n3A_177 : i32 to index
        %parallel_loop3A_292 = arith.index_cast %parallel_loop3A_213 : i32 to index
        %parallel_loop3A_293 = arith.constant 96 : index
        %parallel_loop3A_294 = tpu.vector_load %arg10[%parallel_loop3A_291, %parallel_loop3A_292, %parallel_loop3A_293] {strides = array<i32>} : memref<3x64x128xf32, #tpu.memory_space<vmem>>, vector<1x1x16xf32>,
        %parallel_loop3A_295 = vector.shape_cast %parallel_loop3A_294 : vector<1x1x16xf32> to vector<16xf32>
        %parallel_loop3A_296 = arith.mulf %parallel_loop3A_295, %parallel_loop3A_218 : vector<16xf32>
        %parallel_loop3A_297 = arith.index_cast %select_n3A_177 : i32 to index
        %parallel_loop3A_298 = arith.index_cast %parallel_loop3A_213 : i32 to index
        %parallel_loop3A_299 = arith.constant 96 : index
        %parallel_loop3A_300 = tpu.vector_load %arg10[%parallel_loop3A_297, %parallel_loop3A_298, %parallel_loop3A_299] {strides = array<i32>} : memref<3x64x128xf32, #tpu.memory_space<vmem>>, vector<1x1x16xf32>,
        %parallel_loop3A_301 = vector.shape_cast %parallel_loop3A_300 : vector<1x1x16xf32> to vector<16xf32>
        %parallel_loop3A_302 = vector.shape_cast %parallel_loop3A_296 : vector<16xf32> to vector<1x1x16xf32>
        tpu.vector_store %arg10[%parallel_loop3A_297, %parallel_loop3A_298, %parallel_loop3A_299], %parallel_loop3A_302 {strides = array<i32>} : memref<3x64x128xf32, #tpu.memory_space<vmem>>, vector<1x1x16xf32>,
        %parallel_loop3A_303 = arith.index_cast %select_n3A_177 : i32 to index
        %parallel_loop3A_304 = arith.index_cast %parallel_loop3A_213 : i32 to index
        %parallel_loop3A_305 = arith.constant 112 : index
        %parallel_loop3A_306 = tpu.vector_load %arg10[%parallel_loop3A_303, %parallel_loop3A_304, %parallel_loop3A_305] {strides = array<i32>} : memref<3x64x128xf32, #tpu.memory_space<vmem>>, vector<1x1x16xf32>,
        %parallel_loop3A_307 = vector.shape_cast %parallel_loop3A_306 : vector<1x1x16xf32> to vector<16xf32>
        %parallel_loop3A_308 = arith.mulf %parallel_loop3A_307, %parallel_loop3A_218 : vector<16xf32>
        %parallel_loop3A_309 = arith.index_cast %select_n3A_177 : i32 to index
        %parallel_loop3A_310 = arith.index_cast %parallel_loop3A_213 : i32 to index
        %parallel_loop3A_311 = arith.constant 112 : index
        %parallel_loop3A_312 = tpu.vector_load %arg10[%parallel_loop3A_309, %parallel_loop3A_310, %parallel_loop3A_311] {strides = array<i32>} : memref<3x64x128xf32, #tpu.memory_space<vmem>>, vector<1x1x16xf32>,
        %parallel_loop3A_313 = vector.shape_cast %parallel_loop3A_312 : vector<1x1x16xf32> to vector<16xf32>
        %parallel_loop3A_314 = vector.shape_cast %parallel_loop3A_308 : vector<16xf32> to vector<1x1x16xf32>
        tpu.vector_store %arg10[%parallel_loop3A_309, %parallel_loop3A_310, %parallel_loop3A_311], %parallel_loop3A_314 {strides = array<i32>} : memref<3x64x128xf32, #tpu.memory_space<vmem>>, vector<1x1x16xf32>,
      } {sc.loop_unroll_factor = 16 : i64, sc.parallel_access}
      %dma_start3A_202 = arith.constant 0 : i32
      %dma_start3A_203 = arith.constant 0 : i32
      %dma_start3A_204 = arith.constant 0 : i32
      %dma_start3A_205 = tpu.memref_slice %arg10[%select_n3A_177, %dma_start3A_203, %dma_start3A_204] : memref<3x64x128xf32, #tpu.memory_space<vmem>> -> memref<1x64x128xf32, #tpu.memory_space<vmem>>
      %dma_start3A_206 = tpu.memref_squeeze %dma_start3A_205 : memref<1x64x128xf32, #tpu.memory_space<vmem>> -> memref<64x128xf32, #tpu.memory_space<vmem>>
      %dma_start3A_207 = arith.constant 0 : i32
      %dma_start3A_208 = tpu.memref_slice %arg8[%select_n3A_145, %dma_start3A_202, %dma_start3A_207] : memref<4x1x64xi32, #tpu.memory_space<vmem>> -> memref<1x1x64xi32, #tpu.memory_space<vmem>>
      %dma_start3A_209 = tpu.memref_squeeze %dma_start3A_208 : memref<1x1x64xi32, #tpu.memory_space<vmem>> -> memref<64xi32, #tpu.memory_space<vmem>>
      %dma_start3A_210 = arith.constant 0 : i32
      %dma_start3A_211 = arith.constant 0 : i32
      %dma_start3A_212 = tpu.memref_slice %arg11[%dma_start3A_210, %dma_start3A_211] : memref<10112x128xf32, #tpu.memory_space<vmem_shared>> -> memref<10112x128xf32, #tpu.memory_space<vmem_shared>>
      tpu.enqueue_indirect_dma source(%dma_start3A_206 : memref<64x128xf32, #tpu.memory_space<vmem>>) target(%dma_start3A_212 : memref<10112x128xf32, #tpu.memory_space<vmem_shared>>) offsets(%dma_start3A_209 : memref<64xi32, #tpu.memory_space<vmem>>) semaphore(%arg14 : memref<!tpu.dma_semaphore, #tpu.memory_space<semaphore_mem>>) {add = true}
    }
    %scan3A_124 = arith.constant 160 : i32
    %scan3A_125 = arith.constant 0 : i32
    %scan3A_126 = arith.constant 157 : i32
    %scan3A_127 = arith.constant 3 : i32
    %scan3A_128 = arith.addi %scan3A_126, %scan3A_127 : i32
    %scan3A_129 = arith.constant 1 : i32
    scf.for %scan3A_136 = %scan3A_126 to %scan3A_128 step %scan3A_129  : i32 {
      %jit3A = arith.constant 3 : i32
      %eq3A = arith.constant 0 : i32
      %eq3A_137 = arith.cmpi eq, %jit3A, %eq3A : i32
      %jit3A_138 = arith.constant 1 : i32
      %select_n3A = arith.select %eq3A_137, %jit3A_138, %jit3A : i32
      %rem3A = arith.remsi %scan3A_136, %select_n3A : i32
      %ne3A = arith.constant 0 : i32
      %ne3A_139 = arith.cmpi ne, %rem3A, %ne3A : i32
      %lt3A = arith.constant 0 : i32
      %lt3A_140 = arith.cmpi slt, %rem3A, %lt3A : i32
      %lt3A_141 = arith.constant 0 : i32
      %lt3A_142 = arith.cmpi slt, %select_n3A, %lt3A_141 : i32
      %ne3A_143 = arith.xori %lt3A_140, %lt3A_142 : i1
      %and3A = arith.andi %ne3A_143, %ne3A_139 : i1
      %add3A_144 = arith.addi %rem3A, %select_n3A : i32
      %select_n3A_145 = arith.select %and3A, %add3A_144, %rem3A : i32
      %jit3A_146 = arith.constant 4 : i32
      %eq3A_147 = arith.constant 0 : i32
      %eq3A_148 = arith.cmpi eq, %jit3A_146, %eq3A_147 : i32
      %jit3A_149 = arith.constant 1 : i32
      %select_n3A_150 = arith.select %eq3A_148, %jit3A_149, %jit3A_146 : i32
      %rem3A_151 = arith.remsi %scan3A_136, %select_n3A_150 : i32
      %ne3A_152 = arith.constant 0 : i32
      %ne3A_153 = arith.cmpi ne, %rem3A_151, %ne3A_152 : i32
      %lt3A_154 = arith.constant 0 : i32
      %lt3A_155 = arith.cmpi slt, %rem3A_151, %lt3A_154 : i32
      %lt3A_156 = arith.constant 0 : i32
      %lt3A_157 = arith.cmpi slt, %select_n3A_150, %lt3A_156 : i32
      %ne3A_158 = arith.xori %lt3A_155, %lt3A_157 : i1
      %and3A_159 = arith.andi %ne3A_158, %ne3A_153 : i1
      %add3A_160 = arith.addi %rem3A_151, %select_n3A_150 : i32
      %select_n3A_161 = arith.select %and3A_159, %add3A_160, %rem3A_151 : i32
      %dma_wait3A = arith.constant 0 : i32
      %dma_wait3A_162 = arith.constant 0 : i32
      %dma_wait3A_163 = arith.constant 0 : i32
      %dma_wait3A_164 = tpu.memref_slice %arg10[%select_n3A_145, %dma_wait3A_162, %dma_wait3A_163] : memref<3x64x128xf32, #tpu.memory_space<vmem>> -> memref<1x64x128xf32, #tpu.memory_space<vmem>>
      %dma_wait3A_165 = tpu.memref_squeeze %dma_wait3A_164 : memref<1x64x128xf32, #tpu.memory_space<vmem>> -> memref<64x128xf32, #tpu.memory_space<vmem>>
      %dma_wait3A_166 = arith.constant 0 : i32
      %dma_wait3A_167 = tpu.memref_slice %arg8[%select_n3A_161, %dma_wait3A, %dma_wait3A_166] : memref<4x1x64xi32, #tpu.memory_space<vmem>> -> memref<1x1x64xi32, #tpu.memory_space<vmem>>
      %dma_wait3A_168 = tpu.memref_squeeze %dma_wait3A_167 : memref<1x1x64xi32, #tpu.memory_space<vmem>> -> memref<64xi32, #tpu.memory_space<vmem>>
      %dma_wait3A_169 = arith.constant 0 : i32
      %dma_wait3A_170 = arith.constant 0 : i32
      %dma_wait3A_171 = tpu.memref_slice %arg11[%dma_wait3A_169, %dma_wait3A_170] : memref<10112x128xf32, #tpu.memory_space<vmem_shared>> -> memref<10112x128xf32, #tpu.memory_space<vmem_shared>>
      tpu.wait_indirect_dma semaphore(%arg14 : memref<!tpu.dma_semaphore, #tpu.memory_space<semaphore_mem>>) src(%dma_wait3A_165 : memref<64x128xf32, #tpu.memory_space<vmem>>) dst(%dma_wait3A_171 : memref<10112x128xf32, #tpu.memory_space<vmem_shared>>)
    }
    %scan3A_130 = arith.constant 3 : i32
    %barrier3A_131 = arith.constant 0 : index
    tpu.barrier barrier_id(%barrier3A_131)
    %mul3A_132 = arith.constant 632 : i32
    %mul3A_133 = arith.muli %arg1, %mul3A_132 : i32
    %mul3A_134 = arith.constant 632 : i32
    %mul3A_135 = arith.muli %arg1, %mul3A_134 : i32
    "tpu.region"() ({
      %run_scoped3A_136 = tpu.sem_alloc : memref<!tpu.dma_semaphore, #tpu.memory_space<semaphore_mem>>
      %dma_start3A_137 = arith.constant 0 : i32
      %dma_start3A_138 = tpu.memref_slice %arg6[%arg0, %mul3A_135, %dma_start3A_137] : memref<2x10112x128xf32, #tpu.memory_space<hbm>> -> memref<1x632x128xf32, #tpu.memory_space<hbm>>
      %dma_start3A_139 = tpu.memref_squeeze %dma_start3A_138 : memref<1x632x128xf32, #tpu.memory_space<hbm>> -> memref<632x128xf32, #tpu.memory_space<hbm>>
      %dma_start3A_140 = arith.constant 0 : i32
      %dma_start3A_141 = tpu.memref_slice %arg11[%mul3A_133, %dma_start3A_140] : memref<10112x128xf32, #tpu.memory_space<vmem_shared>> -> memref<632x128xf32, #tpu.memory_space<vmem_shared>>
      tpu.enqueue_dma source(%dma_start3A_141 : memref<632x128xf32, #tpu.memory_space<vmem_shared>>) target(%dma_start3A_139 : memref<632x128xf32, #tpu.memory_space<hbm>>) target_semaphore(%run_scoped3A_136 : memref<!tpu.dma_semaphore, #tpu.memory_space<semaphore_mem>>)
      %dma_wait3A = arith.constant 0 : i32
      %dma_wait3A_142 = tpu.memref_slice %arg6[%arg0, %mul3A_135, %dma_wait3A] : memref<2x10112x128xf32, #tpu.memory_space<hbm>> -> memref<1x632x128xf32, #tpu.memory_space<hbm>>
      %dma_wait3A_143 = tpu.memref_squeeze %dma_wait3A_142 : memref<1x632x128xf32, #tpu.memory_space<hbm>> -> memref<632x128xf32, #tpu.memory_space<hbm>>
      %dma_wait3A_144 = arith.constant 0 : i32
      %dma_wait3A_145 = tpu.memref_slice %arg11[%mul3A_133, %dma_wait3A_144] : memref<10112x128xf32, #tpu.memory_space<vmem_shared>> -> memref<632x128xf32, #tpu.memory_space<vmem_shared>>
      tpu.wait_dma2 semaphore(%run_scoped3A_136 : memref<!tpu.dma_semaphore, #tpu.memory_space<semaphore_mem>>) src(%dma_wait3A_145 : memref<632x128xf32, #tpu.memory_space<vmem_shared>>) dst(%dma_wait3A_143 : memref<632x128xf32, #tpu.memory_space<hbm>>)
      tpu.yield
    }) : () -> ()
    return
  }
}

module attributes {stable_mosaic.version = 14 : i64} {
  func.func @_t1_body(%arg0: i32, %arg1: memref<1000x1xf32, #tpu.memory_space<vmem>>, %arg2: memref<1000x1xf32, #tpu.memory_space<vmem>>, %arg3: memref<1000x128xf32, #tpu.memory_space<vmem>>, %arg4: memref<1000x1xf32, #tpu.memory_space<vmem>>, %arg5: memref<1000x128xf32, #tpu.memory_space<vmem>>) attributes {dimension_semantics = [#tpu.dimension_semantics<arbitrary>], iteration_bounds = array<i64: 10>, scalar_prefetch = 0 : i64, scratch_operands = 0 : i64, tpu.core_type = #tpu.core_type<tc>, window_params = [{transform_indices = @transform_0, window_bounds = array<i64: 1000, 1>}, {transform_indices = @transform_1, window_bounds = array<i64: 1000, 1>}, {transform_indices = @transform_2, window_bounds = array<i64: 1000, 128>}, {transform_indices = @transform_3, window_bounds = array<i64: 1000, 1>}, {transform_indices = @transform_4, window_bounds = array<i64: 1000, 128>}]} {
    %get3A = arith.constant 0 : index
    %get3A_0 = arith.constant 0 : index
    %get3A_1 = vector.load %arg1[%get3A, %get3A_0] : memref<1000x1xf32, #tpu.memory_space<vmem>>, vector<1000x1xf32>
    %get3A_2 = arith.constant 0 : index
    %get3A_3 = arith.constant 0 : index
    %get3A_4 = vector.load %arg2[%get3A_2, %get3A_3] : memref<1000x1xf32, #tpu.memory_space<vmem>>, vector<1000x1xf32>
    %add3A = arith.addf %get3A_1, %get3A_4 : vector<1000x1xf32>
    %add3A_5 = arith.constant 1.000000e+00 : f32
    %add3A_6 = vector.broadcast %add3A_5 : f32 to vector<1000x1xf32>
    %add3A_7 = arith.addf %add3A, %add3A_6 : vector<1000x1xf32>
    %rsqrt3A = math.rsqrt %add3A_7 : vector<1000x1xf32>
    %swap3A = arith.constant 0 : index
    %swap3A_8 = arith.constant 0 : index
    %swap3A_9 = vector.load %arg4[%swap3A, %swap3A_8] : memref<1000x1xf32, #tpu.memory_space<vmem>>, vector<1000x1xf32>
    tpu.vector_store %arg4[%swap3A, %swap3A_8], %rsqrt3A {strides = array<i32>} : memref<1000x1xf32, #tpu.memory_space<vmem>>, vector<1000x1xf32>,
    %get3A_10 = arith.constant 0 : index
    %get3A_11 = arith.constant 0 : index
    %get3A_12 = vector.load %arg3[%get3A_10, %get3A_11] : memref<1000x128xf32, #tpu.memory_space<vmem>>, vector<1000x128xf32>
    %mul3A = vector.broadcast %rsqrt3A : vector<1000x1xf32> to vector<1000x128xf32>
    %mul3A_13 = arith.mulf %get3A_12, %mul3A : vector<1000x128xf32>
    %swap3A_14 = arith.constant 0 : index
    %swap3A_15 = arith.constant 0 : index
    %swap3A_16 = vector.load %arg5[%swap3A_14, %swap3A_15] : memref<1000x128xf32, #tpu.memory_space<vmem>>, vector<1000x128xf32>
    tpu.vector_store %arg5[%swap3A_14, %swap3A_15], %mul3A_13 {strides = array<i32>} : memref<1000x128xf32, #tpu.memory_space<vmem>>, vector<1000x128xf32>,
    return
  }
  func.func @transform_0(%arg0: i32) -> (i32, i32) {
    %c0_i32 = arith.constant 0 : i32
    %c0_i32_0 = arith.constant 0 : i32
    return %arg0, %c0_i32 : i32, i32
  }
  func.func @transform_1(%arg0: i32) -> (i32, i32) {
    %c0_i32 = arith.constant 0 : i32
    %c0_i32_0 = arith.constant 0 : i32
    return %arg0, %c0_i32 : i32, i32
  }
  func.func @transform_2(%arg0: i32) -> (i32, i32) {
    %c0_i32 = arith.constant 0 : i32
    %c0_i32_0 = arith.constant 0 : i32
    return %arg0, %c0_i32 : i32, i32
  }
  func.func @transform_3(%arg0: i32) -> (i32, i32) {
    %c0_i32 = arith.constant 0 : i32
    %c0_i32_0 = arith.constant 0 : i32
    return %arg0, %c0_i32 : i32, i32
  }
  func.func @transform_4(%arg0: i32) -> (i32, i32) {
    %c0_i32 = arith.constant 0 : i32
    %c0_i32_0 = arith.constant 0 : i32
    return %arg0, %c0_i32 : i32, i32
  }
}

module attributes {stable_mosaic.version = 14 : i64} {
  func.func @_t2_body(%arg0: i32, %arg1: memref<1000x128xf32, #tpu.memory_space<vmem>>, %arg2: memref<1000x128xf32, #tpu.memory_space<vmem>>, %arg3: memref<1000x128xf32, #tpu.memory_space<vmem>>, %arg4: memref<1000x1xf32, #tpu.memory_space<vmem>>, %arg5: memref<128x256xf32, #tpu.memory_space<vmem>>, %arg6: memref<1x256xf32, #tpu.memory_space<vmem>>, %arg7: memref<256x128xf32, #tpu.memory_space<vmem>>, %arg8: memref<1000x128xf32, #tpu.memory_space<vmem>>) attributes {dimension_semantics = [#tpu.dimension_semantics<arbitrary>], iteration_bounds = array<i64: 10>, scalar_prefetch = 0 : i64, scratch_operands = 0 : i64, tpu.core_type = #tpu.core_type<tc>, window_params = [{transform_indices = @transform_0, window_bounds = array<i64: 1000, 128>}, {transform_indices = @transform_1, window_bounds = array<i64: 1000, 128>}, {transform_indices = @transform_2, window_bounds = array<i64: 1000, 128>}, {transform_indices = @transform_3, window_bounds = array<i64: 1000, 1>}, {pipeline_mode = #tpu.pipeline_mode<synchronous>, transform_indices = @transform_4, window_bounds = array<i64: 128, 256>}, {pipeline_mode = #tpu.pipeline_mode<synchronous>, transform_indices = @transform_5, window_bounds = array<i64: 1, 256>}, {pipeline_mode = #tpu.pipeline_mode<synchronous>, transform_indices = @transform_6, window_bounds = array<i64: 256, 128>}, {transform_indices = @transform_7, window_bounds = array<i64: 1000, 128>}]} {
    %get3A = arith.constant 0 : index
    %get3A_0 = arith.constant 0 : index
    %get3A_1 = vector.load %arg4[%get3A, %get3A_0] : memref<1000x1xf32, #tpu.memory_space<vmem>>, vector<1000x1xf32>
    %get3A_2 = arith.constant 0 : index
    %get3A_3 = arith.constant 0 : index
    %get3A_4 = vector.load %arg1[%get3A_2, %get3A_3] : memref<1000x128xf32, #tpu.memory_space<vmem>>, vector<1000x128xf32>
    %get3A_5 = arith.constant 0 : index
    %get3A_6 = arith.constant 0 : index
    %get3A_7 = vector.load %arg2[%get3A_5, %get3A_6] : memref<1000x128xf32, #tpu.memory_space<vmem>>, vector<1000x128xf32>
    %add3A = arith.addf %get3A_4, %get3A_7 : vector<1000x128xf32>
    %get3A_8 = arith.constant 0 : index
    %get3A_9 = arith.constant 0 : index
    %get3A_10 = vector.load %arg3[%get3A_8, %get3A_9] : memref<1000x128xf32, #tpu.memory_space<vmem>>, vector<1000x128xf32>
    %add3A_11 = arith.addf %add3A, %get3A_10 : vector<1000x128xf32>
    %mul3A = vector.broadcast %get3A_1 : vector<1000x1xf32> to vector<1000x128xf32>
    %mul3A_12 = arith.mulf %mul3A, %add3A_11 : vector<1000x128xf32>
    %get3A_13 = arith.constant 0 : index
    %get3A_14 = arith.constant 0 : index
    %get3A_15 = vector.load %arg5[%get3A_13, %get3A_14] : memref<128x256xf32, #tpu.memory_space<vmem>>, vector<128x256xf32>
    %dot_general3A = arith.constant dense<0.000000e+00> : vector<1000x256xf32>
    %dot_general3A_16 = tpu.matmul %mul3A_12, %get3A_15, %dot_general3A {dimension_numbers = #tpu.dot_dimension_numbers<[1], [0], [0], [1], [0, 0, 1, 1], [], []>, transpose_lhs_hint = false} : vector<1000x128xf32>, vector<128x256xf32>, vector<1000x256xf32> -> vector<1000x256xf32>
    %get3A_17 = arith.constant 0 : index
    %get3A_18 = arith.constant 0 : index
    %get3A_19 = vector.load %arg6[%get3A_17, %get3A_18] : memref<1x256xf32, #tpu.memory_space<vmem>>, vector<1x256xf32>
    %add3A_20 = vector.broadcast %get3A_19 : vector<1x256xf32> to vector<1000x256xf32>
    %add3A_21 = arith.addf %dot_general3A_16, %add3A_20 : vector<1000x256xf32>
    %max3A = arith.constant 0.000000e+00 : f32
    %max3A_22 = vector.broadcast %max3A : f32 to vector<1000x256xf32>
    %max3A_23 = arith.maximumf %add3A_21, %max3A_22 : vector<1000x256xf32>
    %get3A_24 = arith.constant 0 : index
    %get3A_25 = arith.constant 0 : index
    %get3A_26 = vector.load %arg7[%get3A_24, %get3A_25] : memref<256x128xf32, #tpu.memory_space<vmem>>, vector<256x128xf32>
    %dot_general3A_27 = arith.constant dense<0.000000e+00> : vector<1000x128xf32>
    %dot_general3A_28 = tpu.matmul %max3A_23, %get3A_26, %dot_general3A_27 {dimension_numbers = #tpu.dot_dimension_numbers<[1], [0], [0], [1], [0, 0, 1, 1], [], []>, transpose_lhs_hint = false} : vector<1000x256xf32>, vector<256x128xf32>, vector<1000x128xf32> -> vector<1000x128xf32>
    %mul3A_29 = vector.broadcast %get3A_1 : vector<1000x1xf32> to vector<1000x128xf32>
    %mul3A_30 = arith.mulf %dot_general3A_28, %mul3A_29 : vector<1000x128xf32>
    %swap3A = arith.constant 0 : index
    %swap3A_31 = arith.constant 0 : index
    %swap3A_32 = vector.load %arg8[%swap3A, %swap3A_31] : memref<1000x128xf32, #tpu.memory_space<vmem>>, vector<1000x128xf32>
    tpu.vector_store %arg8[%swap3A, %swap3A_31], %mul3A_30 {strides = array<i32>} : memref<1000x128xf32, #tpu.memory_space<vmem>>, vector<1000x128xf32>,
    return
  }
  func.func @transform_0(%arg0: i32) -> (i32, i32) {
    %c0_i32 = arith.constant 0 : i32
    %c0_i32_0 = arith.constant 0 : i32
    return %arg0, %c0_i32 : i32, i32
  }
  func.func @transform_1(%arg0: i32) -> (i32, i32) {
    %c0_i32 = arith.constant 0 : i32
    %c0_i32_0 = arith.constant 0 : i32
    return %arg0, %c0_i32 : i32, i32
  }
  func.func @transform_2(%arg0: i32) -> (i32, i32) {
    %c0_i32 = arith.constant 0 : i32
    %c0_i32_0 = arith.constant 0 : i32
    return %arg0, %c0_i32 : i32, i32
  }
  func.func @transform_3(%arg0: i32) -> (i32, i32) {
    %c0_i32 = arith.constant 0 : i32
    %c0_i32_0 = arith.constant 0 : i32
    return %arg0, %c0_i32 : i32, i32
  }
  func.func @transform_4(%arg0: i32) -> (i32, i32) {
    %c0_i32 = arith.constant 0 : i32
    %c0_i32_0 = arith.constant 0 : i32
    %c0_i32_1 = arith.constant 0 : i32
    return %c0_i32, %c0_i32_0 : i32, i32
  }
  func.func @transform_5(%arg0: i32) -> (i32, i32) {
    %c0_i32 = arith.constant 0 : i32
    %c0_i32_0 = arith.constant 0 : i32
    %c0_i32_1 = arith.constant 0 : i32
    return %c0_i32, %c0_i32_0 : i32, i32
  }
  func.func @transform_6(%arg0: i32) -> (i32, i32) {
    %c0_i32 = arith.constant 0 : i32
    %c0_i32_0 = arith.constant 0 : i32
    %c0_i32_1 = arith.constant 0 : i32
    return %c0_i32, %c0_i32_0 : i32, i32
  }
  func.func @transform_7(%arg0: i32) -> (i32, i32) {
    %c0_i32 = arith.constant 0 : i32
    %c0_i32_0 = arith.constant 0 : i32
    return %arg0, %c0_i32 : i32, i32
  }
}

module attributes {stable_mosaic.version = 14 : i64} {
  func.func @_t3_body(%arg0: i32, %arg1: memref<1000x128xf32, #tpu.memory_space<vmem>>, %arg2: memref<1000x128xf32, #tpu.memory_space<vmem>>, %arg3: memref<1000x128xf32, #tpu.memory_space<vmem>>, %arg4: memref<1000x1xf32, #tpu.memory_space<vmem>>, %arg5: memref<1x128xf32, #tpu.memory_space<vmem>>, %arg6: memref<1000x64xf32, #tpu.memory_space<vmem>>, %arg7: memref<1000x64xf32, #tpu.memory_space<vmem>>, %arg8: memref<1000x64xf32, #tpu.memory_space<vmem>>, %arg9: memref<1000x64xf32, #tpu.memory_space<vmem>>) attributes {dimension_semantics = [#tpu.dimension_semantics<arbitrary>], iteration_bounds = array<i64: 10>, scalar_prefetch = 0 : i64, scratch_operands = 0 : i64, tpu.core_type = #tpu.core_type<tc>, window_params = [{transform_indices = @transform_0, window_bounds = array<i64: 1000, 128>}, {transform_indices = @transform_1, window_bounds = array<i64: 1000, 128>}, {transform_indices = @transform_2, window_bounds = array<i64: 1000, 128>}, {transform_indices = @transform_3, window_bounds = array<i64: 1000, 1>}, {pipeline_mode = #tpu.pipeline_mode<synchronous>, transform_indices = @transform_4, window_bounds = array<i64: 1, 128>}, {transform_indices = @transform_5, window_bounds = array<i64: 1000, 64>}, {transform_indices = @transform_6, window_bounds = array<i64: 1000, 64>}, {transform_indices = @transform_7, window_bounds = array<i64: 1000, 64>}, {transform_indices = @transform_8, window_bounds = array<i64: 1000, 64>}]} {
    %get3A = arith.constant 0 : index
    %get3A_0 = arith.constant 0 : index
    %get3A_1 = vector.load %arg4[%get3A, %get3A_0] : memref<1000x1xf32, #tpu.memory_space<vmem>>, vector<1000x1xf32>
    %get3A_2 = arith.constant 0 : index
    %get3A_3 = arith.constant 0 : index
    %get3A_4 = vector.load %arg1[%get3A_2, %get3A_3] : memref<1000x128xf32, #tpu.memory_space<vmem>>, vector<1000x128xf32>
    %get3A_5 = arith.constant 0 : index
    %get3A_6 = arith.constant 0 : index
    %get3A_7 = vector.load %arg2[%get3A_5, %get3A_6] : memref<1000x128xf32, #tpu.memory_space<vmem>>, vector<1000x128xf32>
    %add3A = arith.addf %get3A_4, %get3A_7 : vector<1000x128xf32>
    %get3A_8 = arith.constant 0 : index
    %get3A_9 = arith.constant 0 : index
    %get3A_10 = vector.load %arg3[%get3A_8, %get3A_9] : memref<1000x128xf32, #tpu.memory_space<vmem>>, vector<1000x128xf32>
    %add3A_11 = arith.addf %add3A, %get3A_10 : vector<1000x128xf32>
    %mul3A = vector.broadcast %get3A_1 : vector<1000x1xf32> to vector<1000x128xf32>
    %mul3A_12 = arith.mulf %mul3A, %add3A_11 : vector<1000x128xf32>
    %get3A_13 = arith.constant 0 : index
    %get3A_14 = arith.constant 0 : index
    %get3A_15 = vector.load %arg5[%get3A_13, %get3A_14] : memref<1x128xf32, #tpu.memory_space<vmem>>, vector<1x128xf32>
    %add3A_16 = vector.broadcast %get3A_15 : vector<1x128xf32> to vector<1000x128xf32>
    %add3A_17 = arith.addf %mul3A_12, %add3A_16 : vector<1000x128xf32>
    %slice3A = vector.extract_strided_slice %add3A_17 {offsets = [0, 0], sizes = [1000, 64], strides = [1, 1]} : vector<1000x128xf32> to vector<1000x64xf32>
    %slice3A_18 = vector.extract_strided_slice %add3A_17 {offsets = [0, 64], sizes = [1000, 64], strides = [1, 1]} : vector<1000x128xf32> to vector<1000x64xf32>
    %swap3A = arith.constant 0 : index
    %swap3A_19 = arith.constant 0 : index
    %swap3A_20 = vector.load %arg8[%swap3A, %swap3A_19] : memref<1000x64xf32, #tpu.memory_space<vmem>>, vector<1000x64xf32>
    tpu.vector_store %arg8[%swap3A, %swap3A_19], %slice3A {strides = array<i32>} : memref<1000x64xf32, #tpu.memory_space<vmem>>, vector<1000x64xf32>,
    %swap3A_21 = arith.constant 0 : index
    %swap3A_22 = arith.constant 0 : index
    %swap3A_23 = vector.load %arg9[%swap3A_21, %swap3A_22] : memref<1000x64xf32, #tpu.memory_space<vmem>>, vector<1000x64xf32>
    tpu.vector_store %arg9[%swap3A_21, %swap3A_22], %slice3A_18 {strides = array<i32>} : memref<1000x64xf32, #tpu.memory_space<vmem>>, vector<1000x64xf32>,
    %get3A_24 = arith.constant 0 : index
    %get3A_25 = arith.constant 0 : index
    %get3A_26 = vector.load %arg6[%get3A_24, %get3A_25] : memref<1000x64xf32, #tpu.memory_space<vmem>>, vector<1000x64xf32>
    %exp3A = math.exp %slice3A_18 : vector<1000x64xf32>
    %mul3A_27 = arith.mulf %get3A_26, %exp3A : vector<1000x64xf32>
    %add3A_28 = arith.addf %slice3A, %mul3A_27 : vector<1000x64xf32>
    %swap3A_29 = arith.constant 0 : index
    %swap3A_30 = arith.constant 0 : index
    %swap3A_31 = vector.load %arg7[%swap3A_29, %swap3A_30] : memref<1000x64xf32, #tpu.memory_space<vmem>>, vector<1000x64xf32>
    tpu.vector_store %arg7[%swap3A_29, %swap3A_30], %add3A_28 {strides = array<i32>} : memref<1000x64xf32, #tpu.memory_space<vmem>>, vector<1000x64xf32>,
    return
  }
  func.func @transform_0(%arg0: i32) -> (i32, i32) {
    %c0_i32 = arith.constant 0 : i32
    %c0_i32_0 = arith.constant 0 : i32
    return %arg0, %c0_i32 : i32, i32
  }
  func.func @transform_1(%arg0: i32) -> (i32, i32) {
    %c0_i32 = arith.constant 0 : i32
    %c0_i32_0 = arith.constant 0 : i32
    return %arg0, %c0_i32 : i32, i32
  }
  func.func @transform_2(%arg0: i32) -> (i32, i32) {
    %c0_i32 = arith.constant 0 : i32
    %c0_i32_0 = arith.constant 0 : i32
    return %arg0, %c0_i32 : i32, i32
  }
  func.func @transform_3(%arg0: i32) -> (i32, i32) {
    %c0_i32 = arith.constant 0 : i32
    %c0_i32_0 = arith.constant 0 : i32
    return %arg0, %c0_i32 : i32, i32
  }
  func.func @transform_4(%arg0: i32) -> (i32, i32) {
    %c0_i32 = arith.constant 0 : i32
    %c0_i32_0 = arith.constant 0 : i32
    %c0_i32_1 = arith.constant 0 : i32
    return %c0_i32, %c0_i32_0 : i32, i32
  }
  func.func @transform_5(%arg0: i32) -> (i32, i32) {
    %c0_i32 = arith.constant 0 : i32
    %c0_i32_0 = arith.constant 0 : i32
    return %arg0, %c0_i32 : i32, i32
  }
  func.func @transform_6(%arg0: i32) -> (i32, i32) {
    %c0_i32 = arith.constant 0 : i32
    %c0_i32_0 = arith.constant 0 : i32
    return %arg0, %c0_i32 : i32, i32
  }
  func.func @transform_7(%arg0: i32) -> (i32, i32) {
    %c0_i32 = arith.constant 0 : i32
    %c0_i32_0 = arith.constant 0 : i32
    return %arg0, %c0_i32 : i32, i32
  }
  func.func @transform_8(%arg0: i32) -> (i32, i32) {
    %c0_i32 = arith.constant 0 : i32
    %c0_i32_0 = arith.constant 0 : i32
    return %arg0, %c0_i32 : i32, i32
  }
}

</mosaic_0001>

<sc_bundles>
// kernel: kernel.11.cloned.1.call-start
scs
__scs_entry_jumppad:
0x0: {  	(pc) =	sbr.rel $0x88, $3  }
0x1: {  	(tag) =	ssettag $0x0;
	lr =	simm.s32 $0x1  }
0x2: {  	[smem:$0x3F97] =	sst lr;
	_ =	strace $0xD0000000  }
0x3: {  	_ = 	snop  }
0x4: {  	_ = 	snop  }
0x5: {  	_ = 	snop  }
0x6: {  	_ = 	snop  }
0x7: {  	_ = 	snop  }
__scs_overlays_trampoline_lowered:
0x8: {  	[smem:$0x3FA6] =	sst s0  }
0x9: {  	[smem:$0x3FA7] =	sst s1  }
0xa: {  	[smem:$0x3FA8] =	sst s2  }
0xb: {  	[smem:$0x3FA9] =	sst s3  }
0xc: {  	[smem:$0x3FAA] =	sst s4  }
0xd: {  	[smem:$0x3FAB] =	sst s5  }
0xe: {  	[smem:$0x3FAC] =	sst s6  }
0xf: {  	[smem:$0x3FAD] =	sst s7  }
0x10: {  	[smem:$0x3FAE] =	sst s8  }
0x11: {  	[smem:$0x3FAF] =	sst s9;
	s0 =	simm.s32 @!p0 $0x0  }
0x12: {  	s1 =	sld [smem:$0x3F95];
	s0 =	simm.s32 @p0 $0x1  }
0x13: {  	[smem:$0x3FB0] =	sst s0;
	s0 =	simm.s32 @!p1 $0x0  }
0x14: {  	s2 =	sld [smem:$0x3F94];
	s0 =	simm.s32 @p1 $0x1  }
0x15: {  	[smem:$0x3FB1] =	sst s0;
	s0 =	simm.s32 @!p2 $0x0  }
0x16: {  	s3 =	sld [smem:$0x3FDB];
	s0 =	simm.s32 @p2 $0x1  }
0x17: {  	s4 =	simm.s32 $0x1BF5;
	[smem:$0x3FB3] =	sst s0  }
0x18: {  	s0 =	sld [smem:$0x3F96];
	_ =	swait.ge [sflag:s4], $0x0  }
0x19: {  	s7 =	sld [smem:$0x3F97]  }
0x1a: {  	s8 =	sadd.s32 $0xFFFFE003, lr  }
0x1b: {  	s9 =	sadd.s32 $0xFFFFFEF7, lr;
	s5 =	simm.s32 $0xFFFFFFFF;
	p2 =	slt.u32 s8, $0xFFFFF086  }
0x1c: {  	p1 =	slt.u32 s9, $0xF7A;
	s5 =	simm.s32 @!p2 $0x0  }
0x1d: {  	s5 =	simm.s32 @p1 $0x1;
	p0 =	seq.s32 s7, s2  }
0x1e: {  	s7 =	smul.u32 @!p0 $0xF7A, s2;
	p2 =	seq.s32 @!p0 s5, $0x0  }
0x1f: {  	s9 =	smul.u32 $0xF7A, s1;
	s8 =	simm.s32 @!p0 $0x1BF5;
	p2 =	por !p2, p0  }
0x20: {  	[sflag:s8] =	ssyncset.s32 @!p0 $0xFFFFF086;
	s6 =	sadd.s32 @!p0 s3, s7;
	s7 =	simm.s32 @!p0 $0x108  }
0x21: {  	s3 =	sadd.s32 s3, s9;
	s6 =	sadd.s32 @!p0 $0x88, s6;
	s7 =	simm.s32 @p2 $0x1082  }
0x22: {  	[simem:s7], [sflag:s8] =	dma.local @!p0 [hbm:s6], $0xF7A  }
0x23: {  	s9 =	sor.u32 $0xD0000000, s2;
	s6 =	simm.s32 $0x108;
	_ =	swait.ge @!p0 [sflag:s8], $0x0  }
0x24: {  	s3 =	sadd.s32 $0x88, s3;
	s6 =	simm.s32 @!p1 $0x1082;
	[sflag:s4] =	ssyncset.s32 $0xFFFFF086  }
0x25: {  	[simem:s6], [sflag:s4] =	dma.local [hbm:s3], $0xF7A  }
0x26: {  	[smem:$0x3F97] =	sst s1;
	(tag) =	ssettag s2;
	_ =	strace s9  }
0x27: {  	s1 =	sld [smem:$0x3FA7]  }
0x28: {  	s2 =	sld [smem:$0x3FA8]  }
0x29: {  	s4 =	sld [smem:$0x3FAA]  }
0x2a: {  	p0 =	seq.s32 s5, $0x0;
	s5 =	sld [smem:$0x3FAB]  }
0x2b: {  	s6 =	sld [smem:$0x3FAC]  }
0x2c: {  	s7 =	sld [smem:$0x3FAD]  }
0x2d: {  	s3 =	simm.s32 $0x108;
	s8 =	sld [smem:$0x3FAE]  }
0x2e: {  	s3 =	simm.s32 @!p0 $0x1082;
	s9 =	sld [smem:$0x3FAF]  }
0x2f: {  	lr =	sadd.s32 s0, s3;
	s0 =	sld [smem:$0x3FA6]  }
0x30: {  	s3 =	sld [smem:$0x3FA9]  }
0x31: {  	[smem:$0x3FB2] =	sst s10  }
0x32: {  	s10 =	sld [smem:$0x3FB0];
	_ =	sdelay $0x3  }
0x33: {  	p0 =	seq.s32 s10, $0x1;
	s10 =	sld [smem:$0x3FB2];
	_ =	sdelay $0x3  }
0x34: {  	[smem:$0x3FB2] =	sst s10  }
0x35: {  	s10 =	sld [smem:$0x3FB1];
	_ =	sdelay $0x3  }
0x36: {  	p1 =	seq.s32 s10, $0x1;
	s10 =	sld [smem:$0x3FB2];
	_ =	sdelay $0x3  }
0x37: {  	[smem:$0x3FB2] =	sst s10  }
0x38: {  	s10 =	sld [smem:$0x3FB3]  }
0x39: {  	_ = 	snop;
	(pc) =	sbr.ind lr, $3  }
0x3a: {  	_ = 	snop  }
0x3b: {  	_ = 	snop  }
0x3c: {  	p2 =	seq.s32 s10, $0x1;
	s10 =	sld [smem:$0x3FB2]  }
0x3d: {  	_ =	shalt  }
0x3e: {  	_ =	shalt  }
0x3f: {  	_ =	shalt  }
0x40: {  	_ =	shalt  }
0x41: {  	_ =	shalt  }
0x42: {  	_ =	shalt  }
0x43: {  	_ =	shalt  }
0x44: {  	_ =	shalt  }
0x45: {  	_ =	shalt  }
0x46: {  	_ =	shalt  }
0x47: {  	_ =	shalt  }
0x48: {  	_ =	shalt  }
0x49: {  	_ =	shalt  }
0x4a: {  	_ =	shalt  }
0x4b: {  	_ =	shalt  }
0x4c: {  	_ =	shalt  }
0x4d: {  	_ =	shalt  }
0x4e: {  	_ =	shalt  }
0x4f: {  	_ =	shalt  }
0x50: {  	_ =	shalt  }
0x51: {  	_ =	shalt  }
0x52: {  	_ =	shalt  }
0x53: {  	_ =	shalt  }
0x54: {  	_ =	shalt  }
0x55: {  	_ =	shalt  }
0x56: {  	_ =	shalt  }
0x57: {  	_ =	shalt  }
0x58: {  	_ =	shalt  }
0x59: {  	_ =	shalt  }
0x5a: {  	_ =	shalt  }
0x5b: {  	_ =	shalt  }
0x5c: {  	_ =	shalt  }
0x5d: {  	_ =	shalt  }
0x5e: {  	_ =	shalt  }
0x5f: {  	_ =	shalt  }
0x60: {  	_ =	shalt  }
0x61: {  	_ =	shalt  }
0x62: {  	_ =	shalt  }
0x63: {  	_ =	shalt  }
0x64: {  	_ =	shalt  }
0x65: {  	_ =	shalt  }
0x66: {  	_ =	shalt  }
0x67: {  	_ =	shalt  }
0x68: {  	_ =	shalt  }
0x69: {  	_ =	shalt  }
0x6a: {  	_ =	shalt  }
0x6b: {  	_ =	shalt  }
0x6c: {  	_ =	shalt  }
0x6d: {  	_ =	shalt  }
0x6e: {  	_ =	shalt  }
0x6f: {  	_ =	shalt  }
0x70: {  	_ =	shalt  }
0x71: {  	_ =	shalt  }
0x72: {  	_ =	shalt  }
0x73: {  	_ =	shalt  }
0x74: {  	_ =	shalt  }
0x75: {  	_ =	shalt  }
0x76: {  	_ =	shalt  }
0x77: {  	_ =	shalt  }
0x78: {  	_ =	shalt  }
0x79: {  	_ =	shalt  }
0x7a: {  	_ =	shalt  }
0x7b: {  	_ =	shalt  }
0x7c: {  	_ =	shalt  }
0x7d: {  	_ =	shalt  }
0x7e: {  	_ =	shalt  }
0x7f: {  	_ =	shalt  }
0x80: {  	_ =	shalt  }
0x81: {  	_ =	shalt  }
0x82: {  	_ =	shalt  }
0x83: {  	_ =	shalt  }
0x84: {  	_ =	shalt  }
0x85: {  	_ =	shalt  }
0x86: {  	_ =	shalt  }
0x87: {  	_ =	shalt  }
.Lfunc_end0:
.L_simem_size_0:
called_computation.1_lowered:
.L_overlay_start_0:
0x88: {  	s2 =	sld [smem:$0x3FD9]  }
0x89: {  	s3 =	sld [smem:$0x3FFE];
	_ =	sdelay $0x1  }
0x8a: {  	s1 =	srdreg.scid  }
0x8b: {  	s0 =	sand.u32 $0x1, s1  }
0x8c: {  	s16 =	sshll.u32 s0, $0xA;
	s2 =	sadd.s32 s3, s2  }
0x8d: {  	s2 =	sadd.s32 s2, s16  }
0x8e: {  	[smem:$0x3FBE] =	sst s2  }
0x8f: {  	_ = 	snop  }
0x90: {  	(tm) =	ssettm $0x1  }
0x91: {  	s17 =	sld [smem:$0x3FFB];
	_ =	sdelay $0x3  }
0x92: {  	_ =	strace s17  }
0x93: {  	s2 =	sld [smem:$0x3FFC];
	_ =	sdelay $0x3  }
0x94: {  	_ =	strace s2  }
0x95: {  	s2 =	sld [smem:$0x3FFD];
	_ =	sdelay $0x3  }
0x96: {  	_ =	strace s2  }
0x97: {  	_ =	strace $0x8FFFFFFF  }
0x98: {  	s18 =	sld [smem:$0x3FDB];
	_ =	sdelay $0x1  }
0x99: {  	s19 =	simm.s32 $_scs_section_size  }
0x9a: {  	s4 =	simm.s32 $_size__tile_overlayer_lowered;
	s5 =	simm.s32 $_tile_overlayer_lowered  }
0x9b: {  	s22 =	simm.s32 $0x1BFF;
	s21 =	sshll.u32 s5, $0x1;
	s2 =	sadd.s32 s19, s18  }
0x9c: {  	s6 =	simm.s32 $0x0;
	s20 =	sshll.u32 s4, $0x1;
	s4 =	sadd.s32 s21, s2  }
0x9d: {  	[timem:s6], [sflag:s22] =	dma.local [hbm:s4], s20  }
0x9e: {  	_ =	swait.ge [sflag:s22], s20  }
0x9f: {  	s3 =	ssub.s32 $0x0, s20;
	[sflag:s22] =	ssyncset.done $0x0  }
0xa0: {  	[sflag:s22] =	ssyncadd.s32 s3;
	_ =	sdelay $0x1  }
0xa1: {  	s23 =	simm.s32 $0x1B8B  }
0xa2: {  	_ =	swait.ge [sflag:s23], $0x1  }
0xa3: {  	[sflag:s23] =	ssyncset.done $0x0  }
0xa4: {  	s25 =	simm.s32 $0x1B8E;
	s24 =	sld [smem:$0x3FFE];
	[sflag:s23] =	ssyncadd.s32 $0xFFFFFFFF  }
0xa5: {  	s26 =	simm.s32 $execute0_lowered;
	[smem:$0x3FD2] =	sst s25  }
0xa6: {  	s4 =	sshll.u32 s26, $0x1;
	_ =	strace $0x80000049;
	[dreg:$0x1] =	wrdreg $0xFFFFFFFF  }
0xa7: {  	s28 =	simm.s32 $_size_execute0_lowered;
	s2 =	sadd.s32 s2, s4;
	[dreg:$0x0] =	wrdreg $0x0  }
0xa8: {  	s4 =	sshll.u32 s28, $0x1;
	[dreg:$0x2] =	wrdreg s2  }
0xa9: {  	[dreg:$0x3] =	wrdreg s4  }
0xaa: {  	[dreg:$0x4] =	wrdreg $0xC0  }
0xab: {  	_ =	task [dreg:s6], $0x5FFFF  }
0xac: {  	[dreg:$0x1] =	wrdreg $0xFFFFFFFF  }
0xad: {  	[dreg:$0x0] =	wrdreg $0x60  }
0xae: {  	[dreg:$0x2] =	wrdreg s24  }
0xaf: {  	[dreg:$0x3] =	wrdreg $0xC4000  }
0xb0: {  	[dreg:$0x4] =	wrdreg $0x9  }
0xb1: {  	_ =	task.clear_ibuf [dreg:s6], $0x5FFFF;
	_ =	strace $0x90000049  }
0xb2: {  	s29 =	simm.s32 $0x9;
	_ =	strace $0x8000004B  }
0xb3: {  	_ =	swait.ge [sflag:s29], $0x1  }
0xb4: {  	[sflag:s29] =	ssyncadd.s32 $0xFFFFFFFF  }
0xb5: {  	_ =	strace $0x9000004B  }
0xb6: {  	_ =	sfence  }
0xb7: {  	s30 =	sld [smem:$0x0];
	_ =	sdelay $0x2  }
0xb8: {  	s31 =	sshll.u32 s1, $0xD;
	s1 =	sshrl.u32 s1, $0x2  }
0xb9: {  	s3 =	sand.u32 $0x4000, s31;
	s1 =	sadd.s32 s1, s30  }
0xba: {  	s0 =	sor.u32 s3, s0;
	s1 =	sshll.u32 s1, $0x11  }
0xbb: {  	s0 =	sor.u32 s1, s0  }
0xbc: {  	s0 =	sadd.s32 $0x8F2B, s0  }
0xbd: {  	[sflag:s0] =	ssyncadd.remote.s32 $0x1  }
0xbe: {  	_ =	sfence.sel $0xFFFF  }
0xbf: {  	[dreg:$0x0] =	wrdreg $0xFFFFFFFF;
	(pc) =	sbr.abs _section_cstart, $3  }
0xc0: {  	[dreg:$0x1] =	wrdreg $0xFFFFFFFF  }
0xc1: {  	_ =	task.clear_ibuf [dreg:s6], $0x2FFFF;
	_ =	strace $0x9FFFFFFF  }
0xc2: {  	(tm) =	ssettm $0x7FFFFFFF  }
0xc3: {  	_ =	shalt  }
tec
execute0_lowered:
.L_overlay_start_1:
0x0: {  	(tag) =	ssettag $0x1  }
0x1: {  	s0 =	srdreg.scid  }
0x2: {  	s10 =	stileid.u32;
	s5 =	rddreg [dreg:$0x0]  }
0x3: {  	s2 =	rddreg [dreg:$0x1];
	s3 =	simm.s32 $0x0;
	s28 =	simm.s32 $0x4  }
0x4: {  	s31 =	simm.s32 $0x40;
	s29 =	simm.s32 $0x3;
	s8 =	smul.u32 $0x13C00, s10  }
0x5: {  	s0 =	sand.u32 $0x1, s0;
	s1 =	sshll.u32 s10, $0x1;
	s20 =	smul.u32 $0x4F000, s10  }
0x6: {  	[smem:$0x7FF] =	sst s3;
	s1 =	sor.u32 s0, s1;
	s7 =	smul.u32 $0x13C000, s0  }
0x7: {  	s4 =	sadd.s32 $0x2CC00, s5;
	s0 =	ssub.s32 $0x2, s0;
	s6 =	smul.u32 $0xA00, s1  }
0x8: {  	_ =	strace $0x8000004A;
	s1 =	smul.u32 $0x28000, s1;
	s21 =	sshrl.u32 s0, $0x1  }
0x9: {  	s7 =	sadd.s32 s8, s7;
	s0 =	ssub.s32 s0, s21;
	s9 =	sadd.s32 s6, s5  }
0xa: {  	s1 =	sadd.s32 s1, s5;
	s7 =	sshrl.u32 s7, $0x3;
	s6 =	sshrl.u32 s20, $0x2  }
0xb: {  	s0 =	smax.u32 s0, $0x1;
	s22 =	sadd.s32 s7, s5;
	s5 =	sadd.s32 s6, s2  }
0xc: {  	s6 =	sadd.s32 $0x18C00, s9;
	s7 =	sadd.s32 $0x4C00, s9;
	s8 =	sadd.s32 $0x7B000, s1  }
0xd: {  	[dreg:$0x4] =	wrdreg s0;
	s1 =	simm.s32 $0x2;
	s23 =	sadd.s32 $0x57B000, s22  }
0xe: {  	s24 =	sadd.s32 $0x2000, s5;
	s25 =	sadd.s32 $0x4000, s5;
	s26 =	sadd.s32 $0x6000, s5  }
0xf: {  	s30 =	sadd.s32 $0x8000, s5;
	s15 =	sadd.s32 $0xA000, s5;
	[dreg:$0x3] =	wrdreg s23  }
0x10: {  	s16 =	sadd.s32 $0xC000, s5;
	s17 =	sadd.s32 $0xE000, s5;
	[dreg:$0x5] =	wrdreg s24  }
0x11: {  	s18 =	sadd.s32 $0x10000, s5;
	s19 =	sadd.s32 $0x12000, s5;
	[dreg:$0x6] =	wrdreg s25  }
0x12: {  	s20 =	sadd.s32 $0x12400, s5;
	s21 =	sadd.s32 $0x12800, s5;
	[dreg:$0x7] =	wrdreg s26  }
0x13: {  	s22 =	sadd.s32 $0x12C00, s5;
	[dreg:$0x8] =	wrdreg s30;
	s23 =	sadd.s32 $0x13000, s5  }
0x14: {  	v0 =	vimm.f32 $0.0e+00;
	s24 =	sadd.s32 $0x13400, s5;
	s25 =	sadd.s32 $0x13800, s5;
	s26 =	simm.s32 $0x6400  }
.LBB2_1:
0x15: {  	s0 =	simm.s32 $0x0;
	s9 =	simm.s32 $0x200  }
.LBB2_2:
0x16: {  	p0 =	sne.s32 s9, $0x7E00;
	[tilespmem:s0+$0x6470] =	vst v0  }
0x17: {  	[tilespmem:s0+$0x6400] =	vst v0  }
0x18: {  	[tilespmem:s0+$0x6410] =	vst v0  }
.Ltmp0:
0x19: {  	[tilespmem:s0+$0x6420] =	vst v0;
	(pc) =	sbr.rel @p0 .LBB2_2-.Ltmp0, $4  }
0x1a: {  	[tilespmem:s0+$0x6430] =	vst v0  }
0x1b: {  	[tilespmem:s0+$0x6440] =	vst v0  }
0x1c: {  	[tilespmem:s0+$0x6450] =	vst v0  }
0x1d: {  	[tilespmem:s0+$0x6460] =	vst v0;
	s0 =	sshra.s32 s9, $0x2;
	s9 =	sadd.s32 $0x200, s9  }
0x1e: {  	[tilespmem:s0+$0x6470] =	vst v0  }
0x1f: {  	[tilespmem:s0+$0x6400] =	vst v0  }
0x20: {  	[tilespmem:s0+$0x6410] =	vst v0  }
0x21: {  	[tilespmem:s0+$0x6420] =	vst v0  }
0x22: {  	[tilespmem:s0+$0x6430] =	vst v0  }
0x23: {  	[tilespmem:s0+$0x6440] =	vst v0  }
0x24: {  	[tilespmem:s0+$0x6450] =	vst v0  }
0x25: {  	[tilespmem:s0+$0x6460] =	vst v0  }
0x26: {  	[spmem:s5] =	stream.linear.scatter [tilespmem:s26], [sflag:$0x4], $0x2000, $0x38;
	v63 =	vld [tilespmem:$0x0]  }
0x27: {  	_ =	swait.ge [sflag:s28], $0x2000  }
0x28: {  	[sflag:s28] =	ssyncset.done $0x0  }
0x29: {  	s10 =	rddreg [dreg:$0x5];
	[sflag:s28] =	ssyncadd.s32 $0xFFFFE000  }
0x2a: {  	[spmem:s10] =	stream.linear.scatter [tilespmem:s26], [sflag:$0x4], $0x2000, $0x38;
	v63 =	vld [tilespmem:$0x0]  }
0x2b: {  	_ =	swait.ge [sflag:s28], $0x2000  }
0x2c: {  	[sflag:s28] =	ssyncset.done $0x0  }
0x2d: {  	s11 =	rddreg [dreg:$0x6];
	[sflag:s28] =	ssyncadd.s32 $0xFFFFE000  }
0x2e: {  	[spmem:s11] =	stream.linear.scatter [tilespmem:s26], [sflag:$0x4], $0x2000, $0x38;
	v63 =	vld [tilespmem:$0x0]  }
0x2f: {  	_ =	swait.ge [sflag:s28], $0x2000  }
0x30: {  	[sflag:s28] =	ssyncset.done $0x0  }
0x31: {  	s12 =	rddreg [dreg:$0x7];
	[sflag:s28] =	ssyncadd.s32 $0xFFFFE000  }
0x32: {  	[spmem:s12] =	stream.linear.scatter [tilespmem:s26], [sflag:$0x4], $0x2000, $0x38;
	v63 =	vld [tilespmem:$0x0]  }
0x33: {  	_ =	swait.ge [sflag:s28], $0x2000  }
0x34: {  	[sflag:s28] =	ssyncset.done $0x0  }
0x35: {  	s13 =	rddreg [dreg:$0x8];
	[sflag:s28] =	ssyncadd.s32 $0xFFFFE000  }
0x36: {  	[spmem:s13] =	stream.linear.scatter [tilespmem:s26], [sflag:$0x4], $0x2000, $0x38;
	v63 =	vld [tilespmem:$0x0]  }
0x37: {  	_ =	swait.ge [sflag:s28], $0x2000  }
0x38: {  	[sflag:s28] =	ssyncset.done $0x0  }
0x39: {  	[sflag:s28] =	ssyncadd.s32 $0xFFFFE000  }
0x3a: {  	[spmem:s15] =	stream.linear.scatter [tilespmem:s26], [sflag:$0x4], $0x2000, $0x38;
	v63 =	vld [tilespmem:$0x0]  }
0x3b: {  	_ =	swait.ge [sflag:s28], $0x2000  }
0x3c: {  	[sflag:s28] =	ssyncset.done $0x0  }
0x3d: {  	[sflag:s28] =	ssyncadd.s32 $0xFFFFE000  }
0x3e: {  	[spmem:s16] =	stream.linear.scatter [tilespmem:s26], [sflag:$0x4], $0x2000, $0x38;
	v63 =	vld [tilespmem:$0x0]  }
0x3f: {  	_ =	swait.ge [sflag:s28], $0x2000  }
0x40: {  	[sflag:s28] =	ssyncset.done $0x0  }
0x41: {  	[sflag:s28] =	ssyncadd.s32 $0xFFFFE000  }
0x42: {  	[spmem:s17] =	stream.linear.scatter [tilespmem:s26], [sflag:$0x4], $0x2000, $0x38;
	v63 =	vld [tilespmem:$0x0]  }
0x43: {  	_ =	swait.ge [sflag:s28], $0x2000  }
0x44: {  	[sflag:s28] =	ssyncset.done $0x0  }
0x45: {  	[sflag:s28] =	ssyncadd.s32 $0xFFFFE000  }
0x46: {  	[spmem:s18] =	stream.linear.scatter [tilespmem:s26], [sflag:$0x4], $0x2000, $0x38;
	v63 =	vld [tilespmem:$0x0]  }
0x47: {  	_ =	swait.ge [sflag:s28], $0x2000  }
0x48: {  	[sflag:s28] =	ssyncset.done $0x0  }
0x49: {  	[sflag:s28] =	ssyncadd.s32 $0xFFFFE000  }
0x4a: {  	[spmem:s19] =	stream.linear.scatter [tilespmem:s26], [sflag:$0x4], $0x400, $0x38;
	v63 =	vld [tilespmem:$0x0]  }
0x4b: {  	_ =	swait.ge [sflag:s28], $0x400  }
0x4c: {  	[sflag:s28] =	ssyncset.done $0x0  }
0x4d: {  	[sflag:s28] =	ssyncadd.s32 $0xFFFFFC00  }
0x4e: {  	[spmem:s20] =	stream.linear.scatter [tilespmem:s26], [sflag:$0x4], $0x400, $0x38;
	v63 =	vld [tilespmem:$0x0]  }
0x4f: {  	_ =	swait.ge [sflag:s28], $0x400  }
0x50: {  	[sflag:s28] =	ssyncset.done $0x0  }
0x51: {  	[sflag:s28] =	ssyncadd.s32 $0xFFFFFC00  }
0x52: {  	[spmem:s21] =	stream.linear.scatter [tilespmem:s26], [sflag:$0x4], $0x400, $0x38;
	v63 =	vld [tilespmem:$0x0]  }
0x53: {  	_ =	swait.ge [sflag:s28], $0x400  }
0x54: {  	[sflag:s28] =	ssyncset.done $0x0  }
0x55: {  	[sflag:s28] =	ssyncadd.s32 $0xFFFFFC00  }
0x56: {  	[spmem:s22] =	stream.linear.scatter [tilespmem:s26], [sflag:$0x4], $0x400, $0x38;
	v63 =	vld [tilespmem:$0x0]  }
0x57: {  	_ =	swait.ge [sflag:s28], $0x400  }
0x58: {  	[sflag:s28] =	ssyncset.done $0x0  }
0x59: {  	[sflag:s28] =	ssyncadd.s32 $0xFFFFFC00  }
0x5a: {  	[spmem:s23] =	stream.linear.scatter [tilespmem:s26], [sflag:$0x4], $0x400, $0x38;
	v63 =	vld [tilespmem:$0x0]  }
0x5b: {  	_ =	swait.ge [sflag:s28], $0x400  }
0x5c: {  	[sflag:s28] =	ssyncset.done $0x0  }
0x5d: {  	[sflag:s28] =	ssyncadd.s32 $0xFFFFFC00  }
0x5e: {  	[spmem:s24] =	stream.linear.scatter [tilespmem:s26], [sflag:$0x4], $0x400, $0x38;
	v63 =	vld [tilespmem:$0x0]  }
0x5f: {  	_ =	swait.ge [sflag:s28], $0x400  }
0x60: {  	[sflag:s28] =	ssyncset.done $0x0  }
0x61: {  	[sflag:s28] =	ssyncadd.s32 $0xFFFFFC00  }
0x62: {  	[spmem:s25] =	stream.linear.scatter [tilespmem:s26], [sflag:$0x4], $0x400, $0x38;
	v63 =	vld [tilespmem:$0x0]  }
0x63: {  	_ =	swait.ge [sflag:s28], $0x400  }
0x64: {  	[sflag:s28] =	ssyncset.done $0x0  }
0x65: {  	[sflag:s28] =	ssyncadd.s32 $0xFFFFFC00  }
0x66: {  	s30 =	simm.s32 $0x0;
	[bflag:$0x0] =	sbarrier.arrive $0xFFFF  }
0x67: {  	[tilespmem:s30], [sflag:$0x4] =	stream.linear.gather [hbm4b:s6+s30], $0x80, $0x38;
	v63 =	vld [tilespmem:$0x0]  }
0x68: {  	_ =	swait.ge [sflag:s28], $0x80  }
0x69: {  	[sflag:s28] =	ssyncset.done $0x0  }
0x6a: {  	s14 =	simm.s32 $0x200;
	[sflag:s28] =	ssyncadd.s32 $0xFFFFFF80  }
0x6b: {  	[tilespmem:s14], [sflag:$0x4] =	stream.linear.gather [hbm4b:s7+s30], $0x80, $0x38;
	v63 =	vld [tilespmem:$0x0]  }
0x6c: {  	_ =	swait.ge [sflag:s28], $0x80  }
0x6d: {  	[sflag:s28] =	ssyncset.done $0x0  }
0x6e: {  	s9 =	simm.s32 $0x400;
	[sflag:s28] =	ssyncadd.s32 $0xFFFFFF80  }
0x6f: {  	[tilespmem:s9], [sflag:$0x4] =	stream.linear.gather [hbm4b:s8+s30], $0x2000, $0x38;
	v63 =	vld [tilespmem:$0x0]  }
0x70: {  	_ =	swait.ge [sflag:s28], $0x2000  }
0x71: {  	[sflag:s28] =	ssyncset.done $0x0  }
0x72: {  	[sflag:s28] =	ssyncadd.s32 $0xFFFFE000  }
0x73: {  	[tilespmem:s26], [sflag:$0x2] =	stream.indirect.gather [hbm4b:s4+s31], $0x80, s30, s31, $0xb8;
	v63 =	vld [tilespmem:$0x0]  }
0x74: {  	s10 =	sadd.s32 $0x10, s6;
	s9 =	simm.s32 $0x80  }
0x75: {  	[tilespmem:s9], [sflag:$0x1] =	stream.linear.gather [hbm4b:s10+s30], $0x80, $0x38;
	v63 =	vld [tilespmem:$0x0]  }
0x76: {  	s11 =	sadd.s32 $0x10, s7;
	s12 =	simm.s32 $0x280  }
0x77: {  	[tilespmem:s12], [sflag:$0x1] =	stream.linear.gather [hbm4b:s11+s30], $0x80, $0x38;
	v63 =	vld [tilespmem:$0x0]  }
0x78: {  	s13 =	sadd.s32 $0x400, s8;
	s14 =	simm.s32 $0x2400  }
0x79: {  	[tilespmem:s14], [sflag:$0x1] =	stream.linear.gather [hbm4b:s13+s30], $0x2000, $0x38;
	v63 =	vld [tilespmem:$0x0]  }
.LBB2_4:
0x7a: {  	p0 =	seq.s32 s30, $0x9F  }
0x7b: {  	p1 =	slt.u32 @!p0 s30, $0x2  }
0x7c: {  	p1 =	por p1, p0  }
0x7d: {  	s9 =	simm.s32 @!p1 $0x3  }
0x7e: {  	_ =	swait.ge @!p1 [sflag:s9], $0x2000  }
0x7f: {  	s0 =	sadd.s32 $0x1, s30;
	[sflag:s9] =	ssyncset.done @!p1 $0x0  }
0x80: {  	s10 =	sand.u32 @!p0 $0xFF, s0;
	[sflag:s9] =	ssyncadd.s32 @!p1 $0xFFFFE000;
	s9 =	simm.s32 @!p0 $0x1  }
0x81: {  	s10 =	smul.u32 @!p0 $0xAB, s10;
	_ =	swait.ge @!p0 [sflag:s9], $0x80  }
0x82: {  	[sflag:s9] =	ssyncset.done @!p0 $0x0  }
0x83: {  	s10 =	sshrl.u32 @!p0 s10, $0x9;
	[sflag:s9] =	ssyncadd.s32 @!p0 $0xFFFFFF80  }
0x84: {  	s10 =	smul.u32 @!p0 $0x3, s10;
	_ =	swait.ge @!p0 [sflag:s9], $0x80  }
0x85: {  	[sflag:s9] =	ssyncset.done @!p0 $0x0  }
0x86: {  	s11 =	sshll.u32 @!p0 s0, $0x7;
	s10 =	ssub.s32 @!p0 s0, s10;
	[sflag:s9] =	ssyncadd.s32 @!p0 $0xFFFFFF80  }
0x87: {  	s11 =	sand.u32 @!p0 $0x180, s11;
	s10 =	sand.u32 @!p0 $0xFF, s10;
	_ =	swait.ge @!p0 [sflag:s9], $0x2000  }
0x88: {  	p1 =	sgt.u32 @!p0 s30, $0x9D;
	s10 =	sshll.u32 @!p0 s10, $0xD;
	[sflag:s9] =	ssyncset.done @!p0 $0x0  }
0x89: {  	[sflag:s9] =	ssyncadd.s32 @!p0 $0xFFFFE000;
	s9 =	sadd.s32 @!p0 $0x6400, s10;
	s10 =	simm.s32 @!p0 $0x40  }
0x8a: {  	[tilespmem:s9], [sflag:$0x2] =	stream.indirect.gather @!p0 [hbm4b:s4+s10], $0x80, s11, s10, $0xb8;
	v63 =	vld [tilespmem:$0x0]  }
0x8b: {  	p0 =	por p1, p0  }
0x8c: {  	s9 =	sadd.s32 @!p0 $0x2, s30  }
0x8d: {  	s13 =	simm.s32 @!p0 $0x0;
	s10 =	sshll.u32 @!p0 s9, $0x7;
	s11 =	sshll.u32 @!p0 s9, $0x4  }
0x8e: {  	s14 =	smul.u32 @!p0 $0xAB, s9;
	s10 =	sand.u32 @!p0 $0x180, s10;
	s12 =	sadd.s32 @!p0 s6, s11  }
0x8f: {  	[tilespmem:s10], [sflag:$0x1] =	stream.linear.gather @!p0 [hbm4b:s12+s13], $0x80, $0x38;
	v63 =	vld [tilespmem:$0x0]  }
0x90: {  	s12 =	sshrl.u32 @!p0 s14, $0x9  }
0x91: {  	s14 =	smul.u32 $0xAB, s30;
	s12 =	sand.u32 @!p0 $0x7F, s12  }
0x92: {  	s11 =	sadd.s32 @!p0 s7, s11;
	s10 =	sor.u32 @!p0 $0x200, s10;
	s12 =	smul.u32 @!p0 $0x3, s12  }
0x93: {  	[tilespmem:s10], [sflag:$0x1] =	stream.linear.gather @!p0 [hbm4b:s11+s13], $0x80, $0x38;
	v63 =	vld [tilespmem:$0x0]  }
0x94: {  	s10 =	ssub.s32 @!p0 s9, s12  }
0x95: {  	s12 =	sshrl.u32 s14, $0x9;
	s10 =	sand.u32 @!p0 $0xFF, s10  }
0x96: {  	s9 =	sshll.u32 @!p0 s9, $0xA;
	s11 =	sand.u32 $0x7F, s12;
	s10 =	sshll.u32 @!p0 s10, $0xD  }
0x97: {  	s9 =	sadd.s32 @!p0 s8, s9;
	s11 =	smul.u32 $0x3, s11;
	s10 =	sor.u32 @!p0 $0x400, s10  }
0x98: {  	[tilespmem:s10], [sflag:$0x1] =	stream.linear.gather @!p0 [hbm4b:s9+s13], $0x2000, $0x38;
	v63 =	vld [tilespmem:$0x0]  }
0x99: {  	s14 =	ssub.s32 s30, s11;
	_ =	swait.ge [sflag:s1], $0x2000  }
0x9a: {  	s9 =	sand.u32 $0xFF, s14;
	[sflag:s1] =	ssyncset.done $0x0  }
0x9b: {  	s10 =	simm.s32 $0x0;
	s9 =	sshll.u32 s9, $0xD;
	[sflag:s1] =	ssyncadd.s32 $0xFFFFE000  }
.LBB2_5:
0x9c: {  	s11 =	sshll.u32 s10, $0x7  }
0x9d: {  	s11 =	sor.u32 s9, s11  }
0x9e: {  	v1 =	vld [tilespmem:s11+$0x400]  }
0x9f: {  	v2 =	vld [tilespmem:s11+$0x6400]  }
0xa0: {  	v3 =	vld [tilespmem:s11+$0x6410]  }
0xa1: {  	v4 =	vld [tilespmem:s11+$0x6420]  }
0xa2: {  	v5 =	vld [tilespmem:s11+$0x6430]  }
0xa3: {  	v6 =	vld [tilespmem:s11+$0x6440]  }
0xa4: {  	v7 =	vld [tilespmem:s11+$0x6450]  }
0xa5: {  	v8 =	vld [tilespmem:s11+$0x6460]  }
0xa6: {  	v9 =	vld [tilespmem:s11+$0x6470]  }
0xa7: {  	v10 =	vld [tilespmem:s11+$0x480]  }
0xa8: {  	v11 =	vld [tilespmem:s11+$0x6480]  }
0xa9: {  	v12 =	vld [tilespmem:s11+$0x6490]  }
0xaa: {  	v13 =	vld [tilespmem:s11+$0x64A0]  }
0xab: {  	v14 =	vld [tilespmem:s11+$0x64B0]  }
0xac: {  	v15 =	vld [tilespmem:s11+$0x64C0]  }
0xad: {  	v16 =	vld [tilespmem:s11+$0x64D0]  }
0xae: {  	v17 =	vld [tilespmem:s11+$0x64E0]  }
0xaf: {  	v18 =	vld [tilespmem:s11+$0x64F0]  }
0xb0: {  	v19 =	vld [tilespmem:s11+$0x500]  }
0xb1: {  	v20 =	vld [tilespmem:s11+$0x6500]  }
0xb2: {  	v21 =	vld [tilespmem:s11+$0x6510]  }
0xb3: {  	v22 =	vld [tilespmem:s11+$0x6520];
	v2 =	vmul.f32 v2, v1  }
0xb4: {  	v23 =	vld [tilespmem:s11+$0x6530];
	v3 =	vmul.f32 v3, v1  }
0xb5: {  	v39 =	vld [tilespmem:s11+$0x6540];
	[tilespmem:s11+$0x6400] =	vst v2;
	v2 =	vmul.f32 v4, v1  }
0xb6: {  	v40 =	vld [tilespmem:s11+$0x6550];
	[tilespmem:s11+$0x6410] =	vst v3;
	v3 =	vmul.f32 v5, v1  }
0xb7: {  	v41 =	vld [tilespmem:s11+$0x6560];
	[tilespmem:s11+$0x6420] =	vst v2;
	v2 =	vmul.f32 v6, v1  }
0xb8: {  	v42 =	vld [tilespmem:s11+$0x6570];
	[tilespmem:s11+$0x6430] =	vst v3;
	v3 =	vmul.f32 v7, v1  }
0xb9: {  	v43 =	vld [tilespmem:s11+$0x580];
	[tilespmem:s11+$0x6440] =	vst v2;
	v2 =	vmul.f32 v8, v1  }
0xba: {  	v44 =	vld [tilespmem:s11+$0x6590];
	[tilespmem:s11+$0x6450] =	vst v3;
	v1 =	vmul.f32 v9, v1  }
0xbb: {  	v45 =	vld [tilespmem:s11+$0x65A0];
	[tilespmem:s11+$0x6460] =	vst v2;
	v2 =	vmul.f32 v11, v10  }
0xbc: {  	v46 =	vld [tilespmem:s11+$0x65B0];
	[tilespmem:s11+$0x6470] =	vst v1;
	v1 =	vmul.f32 v12, v10  }
0xbd: {  	v47 =	vld [tilespmem:s11+$0x65C0];
	[tilespmem:s11+$0x6480] =	vst v2;
	v2 =	vmul.f32 v13, v10  }
0xbe: {  	v48 =	vld [tilespmem:s11+$0x65D0];
	[tilespmem:s11+$0x6490] =	vst v1;
	v1 =	vmul.f32 v14, v10  }
0xbf: {  	v49 =	vld [tilespmem:s11+$0x65E0];
	[tilespmem:s11+$0x64A0] =	vst v2;
	v2 =	vmul.f32 v15, v10  }
0xc0: {  	v50 =	vld [tilespmem:s11+$0x65F0];
	[tilespmem:s11+$0x64B0] =	vst v1;
	v1 =	vmul.f32 v16, v10  }
0xc1: {  	v51 =	vld [tilespmem:s11+$0x600];
	[tilespmem:s11+$0x64C0] =	vst v2;
	v2 =	vmul.f32 v17, v10  }
0xc2: {  	v52 =	vld [tilespmem:s11+$0x6600];
	[tilespmem:s11+$0x64D0] =	vst v1;
	v1 =	vmul.f32 v18, v10  }
0xc3: {  	v53 =	vld [tilespmem:s11+$0x6610];
	[tilespmem:s11+$0x64E0] =	vst v2;
	v2 =	vmul.f32 v20, v19  }
0xc4: {  	v54 =	vld [tilespmem:s11+$0x6620];
	[tilespmem:s11+$0x64F0] =	vst v1;
	v1 =	vmul.f32 v21, v19  }
0xc5: {  	v55 =	vld [tilespmem:s11+$0x6630];
	[tilespmem:s11+$0x6500] =	vst v2;
	v2 =	vmul.f32 v22, v19  }
0xc6: {  	v3 =	vld [tilespmem:s11+$0x6580];
	[tilespmem:s11+$0x6510] =	vst v1;
	v1 =	vmul.f32 v23, v19  }
0xc7: {  	v56 =	vld [tilespmem:s11+$0x6640];
	[tilespmem:s11+$0x6520] =	vst v2;
	v2 =	vmul.f32 v39, v19  }
0xc8: {  	v57 =	vld [tilespmem:s11+$0x6650];
	[tilespmem:s11+$0x6530] =	vst v1;
	v1 =	vmul.f32 v40, v19  }
0xc9: {  	v58 =	vld [tilespmem:s11+$0x6660];
	[tilespmem:s11+$0x6540] =	vst v2;
	v2 =	vmul.f32 v41, v19  }
0xca: {  	v59 =	vld [tilespmem:s11+$0x6670];
	[tilespmem:s11+$0x6550] =	vst v1;
	v1 =	vmul.f32 v42, v19  }
0xcb: {  	v60 =	vld [tilespmem:s11+$0x6680];
	[tilespmem:s11+$0x6560] =	vst v2;
	v2 =	vmul.f32 v3, v43  }
0xcc: {  	v61 =	vld [tilespmem:s11+$0x6690];
	[tilespmem:s11+$0x6570] =	vst v1;
	v1 =	vmul.f32 v44, v43  }
0xcd: {  	v62 =	vld [tilespmem:s11+$0x66A0];
	[tilespmem:s11+$0x6580] =	vst v2;
	v2 =	vmul.f32 v45, v43  }
0xce: {  	v24 =	vld [tilespmem:s11+$0x66D0];
	[tilespmem:s11+$0x6590] =	vst v1;
	v1 =	vmul.f32 v46, v43  }
0xcf: {  	v25 =	vld [tilespmem:s11+$0x66E0];
	[tilespmem:s11+$0x65A0] =	vst v2;
	v2 =	vmul.f32 v47, v43  }
0xd0: {  	v26 =	vld [tilespmem:s11+$0x66F0];
	[tilespmem:s11+$0x65B0] =	vst v1;
	v1 =	vmul.f32 v48, v43  }
0xd1: {  	v27 =	vld [tilespmem:s11+$0x700];
	[tilespmem:s11+$0x65C0] =	vst v2;
	v2 =	vmul.f32 v49, v43  }
0xd2: {  	v28 =	vld [tilespmem:s11+$0x6700];
	[tilespmem:s11+$0x65D0] =	vst v1;
	v1 =	vmul.f32 v50, v43  }
0xd3: {  	v29 =	vld [tilespmem:s11+$0x6710];
	[tilespmem:s11+$0x65E0] =	vst v2;
	v2 =	vmul.f32 v52, v51  }
0xd4: {  	v30 =	vld [tilespmem:s11+$0x6720];
	[tilespmem:s11+$0x65F0] =	vst v1;
	v1 =	vmul.f32 v53, v51  }
0xd5: {  	v31 =	vld [tilespmem:s11+$0x6730];
	[tilespmem:s11+$0x6600] =	vst v2;
	v2 =	vmul.f32 v54, v51  }
0xd6: {  	v3 =	vld [tilespmem:s11+$0x680];
	[tilespmem:s11+$0x6610] =	vst v1;
	v1 =	vmul.f32 v55, v51  }
0xd7: {  	v32 =	vld [tilespmem:s11+$0x6740];
	[tilespmem:s11+$0x6620] =	vst v2;
	v2 =	vmul.f32 v56, v51  }
0xd8: {  	v33 =	vld [tilespmem:s11+$0x6750];
	[tilespmem:s11+$0x6630] =	vst v1;
	v1 =	vmul.f32 v57, v51  }
0xd9: {  	v22 =	vld [tilespmem:s11+$0x66B0];
	[tilespmem:s11+$0x6640] =	vst v2;
	v2 =	vmul.f32 v58, v51  }
0xda: {  	v23 =	vld [tilespmem:s11+$0x66C0];
	[tilespmem:s11+$0x6650] =	vst v1;
	v1 =	vmul.f32 v59, v51  }
0xdb: {  	v34 =	vld [tilespmem:s11+$0x6760];
	[tilespmem:s11+$0x6660] =	vst v2;
	v2 =	vmul.f32 v60, v3  }
0xdc: {  	v35 =	vld [tilespmem:s11+$0x6770];
	[tilespmem:s11+$0x6670] =	vst v1;
	v1 =	vmul.f32 v61, v3  }
0xdd: {  	v36 =	vld [tilespmem:s11+$0x780];
	[tilespmem:s11+$0x6680] =	vst v2;
	v2 =	vmul.f32 v62, v3  }
0xde: {  	v37 =	vld [tilespmem:s11+$0x6780];
	[tilespmem:s11+$0x6690] =	vst v1;
	v1 =	vmul.f32 v22, v3  }
0xdf: {  	v38 =	vld [tilespmem:s11+$0x6790];
	[tilespmem:s11+$0x66A0] =	vst v2;
	v2 =	vmul.f32 v23, v3  }
0xe0: {  	v17 =	vld [tilespmem:s11+$0x6910];
	[tilespmem:s11+$0x66B0] =	vst v1;
	v1 =	vmul.f32 v24, v3  }
0xe1: {  	v18 =	vld [tilespmem:s11+$0x6920];
	[tilespmem:s11+$0x66C0] =	vst v2;
	v2 =	vmul.f32 v25, v3  }
0xe2: {  	v20 =	vld [tilespmem:s11+$0x6940];
	[tilespmem:s11+$0x66D0] =	vst v1;
	v1 =	vmul.f32 v26, v3  }
0xe3: {  	v21 =	vld [tilespmem:s11+$0x6950];
	[tilespmem:s11+$0x66E0] =	vst v2;
	v2 =	vmul.f32 v28, v27  }
0xe4: {  	v39 =	vld [tilespmem:s11+$0x67A0];
	[tilespmem:s11+$0x66F0] =	vst v1;
	v1 =	vmul.f32 v29, v27  }
0xe5: {  	v40 =	vld [tilespmem:s11+$0x67B0];
	[tilespmem:s11+$0x6700] =	vst v2;
	v2 =	vmul.f32 v30, v27  }
0xe6: {  	v41 =	vld [tilespmem:s11+$0x67D0];
	[tilespmem:s11+$0x6710] =	vst v1;
	v1 =	vmul.f32 v31, v27  }
0xe7: {  	v42 =	vld [tilespmem:s11+$0x67E0];
	[tilespmem:s11+$0x6720] =	vst v2;
	v2 =	vmul.f32 v32, v27  }
0xe8: {  	v19 =	vld [tilespmem:s11+$0x6930];
	[tilespmem:s11+$0x6730] =	vst v1;
	v1 =	vmul.f32 v33, v27  }
0xe9: {  	v44 =	vld [tilespmem:s11+$0x800];
	[tilespmem:s11+$0x6740] =	vst v2;
	v2 =	vmul.f32 v34, v27  }
0xea: {  	v3 =	vld [tilespmem:s11+$0x67C0];
	[tilespmem:s11+$0x6750] =	vst v1;
	v1 =	vmul.f32 v35, v27  }
0xeb: {  	v45 =	vld [tilespmem:s11+$0x6800];
	[tilespmem:s11+$0x6760] =	vst v2;
	v2 =	vmul.f32 v37, v36  }
0xec: {  	v46 =	vld [tilespmem:s11+$0x6810];
	[tilespmem:s11+$0x6770] =	vst v1;
	v1 =	vmul.f32 v38, v36  }
0xed: {  	v43 =	vld [tilespmem:s11+$0x67F0];
	[tilespmem:s11+$0x6780] =	vst v2;
	v2 =	vmul.f32 v39, v36  }
0xee: {  	v47 =	vld [tilespmem:s11+$0x6820];
	[tilespmem:s11+$0x6790] =	vst v1;
	v1 =	vmul.f32 v40, v36  }
0xef: {  	v48 =	vld [tilespmem:s11+$0x6830];
	[tilespmem:s11+$0x67A0] =	vst v2;
	v2 =	vmul.f32 v3, v36  }
0xf0: {  	v49 =	vld [tilespmem:s11+$0x6840];
	[tilespmem:s11+$0x67B0] =	vst v1;
	v1 =	vmul.f32 v41, v36  }
0xf1: {  	v50 =	vld [tilespmem:s11+$0x6850];
	[tilespmem:s11+$0x67C0] =	vst v2;
	v2 =	vmul.f32 v42, v36  }
0xf2: {  	v52 =	vld [tilespmem:s11+$0x6870];
	[tilespmem:s11+$0x67D0] =	vst v1;
	v1 =	vmul.f32 v43, v36  }
0xf3: {  	v53 =	vld [tilespmem:s11+$0x6880];
	[tilespmem:s11+$0x67E0] =	vst v2;
	v2 =	vmul.f32 v45, v44  }
0xf4: {  	v51 =	vld [tilespmem:s11+$0x6860];
	[tilespmem:s11+$0x67F0] =	vst v1;
	v1 =	vmul.f32 v46, v44  }
0xf5: {  	v54 =	vld [tilespmem:s11+$0x6890];
	[tilespmem:s11+$0x6800] =	vst v2;
	v2 =	vmul.f32 v47, v44  }
0xf6: {  	v3 =	vld [tilespmem:s11+$0x880];
	[tilespmem:s11+$0x6810] =	vst v1;
	v1 =	vmul.f32 v48, v44  }
0xf7: {  	v55 =	vld [tilespmem:s11+$0x68A0];
	[tilespmem:s11+$0x6820] =	vst v2;
	v2 =	vmul.f32 v49, v44  }
0xf8: {  	v56 =	vld [tilespmem:s11+$0x68B0];
	[tilespmem:s11+$0x6830] =	vst v1;
	v1 =	vmul.f32 v50, v44  }
0xf9: {  	v57 =	vld [tilespmem:s11+$0x68C0];
	[tilespmem:s11+$0x6840] =	vst v2;
	v2 =	vmul.f32 v51, v44  }
0xfa: {  	v58 =	vld [tilespmem:s11+$0x68D0];
	[tilespmem:s11+$0x6850] =	vst v1;
	v1 =	vmul.f32 v52, v44  }
0xfb: {  	v59 =	vld [tilespmem:s11+$0x68E0];
	[tilespmem:s11+$0x6860] =	vst v2;
	v2 =	vmul.f32 v53, v3  }
0xfc: {  	v60 =	vld [tilespmem:s11+$0x68F0];
	[tilespmem:s11+$0x6870] =	vst v1;
	v1 =	vmul.f32 v54, v3  }
0xfd: {  	v61 =	vld [tilespmem:s11+$0x900];
	[tilespmem:s11+$0x6880] =	vst v2;
	v2 =	vmul.f32 v55, v3  }
0xfe: {  	v62 =	vld [tilespmem:s11+$0x6900];
	[tilespmem:s11+$0x6890] =	vst v1;
	v1 =	vmul.f32 v56, v3  }
0xff: {  	v22 =	vld [tilespmem:s11+$0x6960];
	[tilespmem:s11+$0x68A0] =	vst v2;
	v2 =	vmul.f32 v57, v3  }
0x100: {  	v23 =	vld [tilespmem:s11+$0x6970];
	[tilespmem:s11+$0x68B0] =	vst v1;
	v1 =	vmul.f32 v58, v3  }
0x101: {  	v24 =	vld [tilespmem:s11+$0x980];
	[tilespmem:s11+$0x68C0] =	vst v2;
	v2 =	vmul.f32 v59, v3  }
0x102: {  	v25 =	vld [tilespmem:s11+$0x6990];
	[tilespmem:s11+$0x68D0] =	vst v1;
	v1 =	vmul.f32 v60, v3  }
0x103: {  	v26 =	vld [tilespmem:s11+$0x69A0];
	[tilespmem:s11+$0x68E0] =	vst v2;
	v2 =	vmul.f32 v62, v61  }
0x104: {  	v28 =	vld [tilespmem:s11+$0x69C0];
	[tilespmem:s11+$0x68F0] =	vst v1;
	v1 =	vmul.f32 v17, v61  }
0x105: {  	v29 =	vld [tilespmem:s11+$0x69D0];
	[tilespmem:s11+$0x6900] =	vst v2;
	v2 =	vmul.f32 v18, v61  }
0x106: {  	v3 =	vld [tilespmem:s11+$0x6980];
	[tilespmem:s11+$0x6910] =	vst v1;
	v1 =	vmul.f32 v19, v61  }
0x107: {  	v30 =	vld [tilespmem:s11+$0x69E0];
	[tilespmem:s11+$0x6920] =	vst v2;
	v2 =	vmul.f32 v20, v61  }
0x108: {  	v31 =	vld [tilespmem:s11+$0x69F0];
	[tilespmem:s11+$0x6930] =	vst v1;
	v1 =	vmul.f32 v21, v61  }
0x109: {  	v27 =	vld [tilespmem:s11+$0x69B0];
	[tilespmem:s11+$0x6940] =	vst v2;
	v2 =	vmul.f32 v22, v61  }
0x10a: {  	v32 =	vld [tilespmem:s11+$0xA00];
	[tilespmem:s11+$0x6950] =	vst v1;
	v1 =	vmul.f32 v23, v61  }
0x10b: {  	v33 =	vld [tilespmem:s11+$0x6A10];
	[tilespmem:s11+$0x6960] =	vst v2;
	v2 =	vmul.f32 v3, v24  }
0x10c: {  	v34 =	vld [tilespmem:s11+$0x6A20];
	[tilespmem:s11+$0x6970] =	vst v1;
	v1 =	vmul.f32 v25, v24  }
0x10d: {  	v35 =	vld [tilespmem:s11+$0x6A30];
	[tilespmem:s11+$0x6980] =	vst v2;
	v2 =	vmul.f32 v26, v24  }
0x10e: {  	v3 =	vld [tilespmem:s11+$0x6A00];
	[tilespmem:s11+$0x6990] =	vst v1;
	v1 =	vmul.f32 v27, v24  }
0x10f: {  	v37 =	vld [tilespmem:s11+$0x6A50];
	[tilespmem:s11+$0x69A0] =	vst v2;
	v2 =	vmul.f32 v28, v24  }
0x110: {  	v38 =	vld [tilespmem:s11+$0x6A60];
	[tilespmem:s11+$0x69B0] =	vst v1;
	v1 =	vmul.f32 v29, v24  }
0x111: {  	v39 =	vld [tilespmem:s11+$0x6A70];
	[tilespmem:s11+$0x69C0] =	vst v2;
	v2 =	vmul.f32 v30, v24  }
0x112: {  	v36 =	vld [tilespmem:s11+$0x6A40];
	[tilespmem:s11+$0x69D0] =	vst v1;
	v1 =	vmul.f32 v31, v24  }
0x113: {  	v40 =	vld [tilespmem:s11+$0x6A80];
	[tilespmem:s11+$0x69E0] =	vst v2;
	v2 =	vmul.f32 v3, v32  }
0x114: {  	v41 =	vld [tilespmem:s11+$0x6A90];
	[tilespmem:s11+$0x69F0] =	vst v1;
	v1 =	vmul.f32 v33, v32  }
0x115: {  	v42 =	vld [tilespmem:s11+$0x6AA0];
	[tilespmem:s11+$0x6A00] =	vst v2;
	v2 =	vmul.f32 v34, v32  }
0x116: {  	v3 =	vld [tilespmem:s11+$0xA80];
	[tilespmem:s11+$0x6A10] =	vst v1;
	v1 =	vmul.f32 v35, v32  }
0x117: {  	v43 =	vld [tilespmem:s11+$0x6AB0];
	[tilespmem:s11+$0x6A20] =	vst v2;
	v2 =	vmul.f32 v36, v32  }
0x118: {  	v45 =	vld [tilespmem:s11+$0x6AD0];
	[tilespmem:s11+$0x6A30] =	vst v1;
	v1 =	vmul.f32 v37, v32  }
0x119: {  	v46 =	vld [tilespmem:s11+$0x6AE0];
	[tilespmem:s11+$0x6A40] =	vst v2;
	v2 =	vmul.f32 v38, v32  }
0x11a: {  	v44 =	vld [tilespmem:s11+$0x6AC0];
	[tilespmem:s11+$0x6A50] =	vst v1;
	v1 =	vmul.f32 v39, v32  }
0x11b: {  	v47 =	vld [tilespmem:s11+$0x6AF0];
	[tilespmem:s11+$0x6A60] =	vst v2;
	v2 =	vmul.f32 v40, v3  }
0x11c: {  	v48 =	vld [tilespmem:s11+$0xB00];
	[tilespmem:s11+$0x6A70] =	vst v1;
	v1 =	vmul.f32 v41, v3  }
0x11d: {  	v49 =	vld [tilespmem:s11+$0x6B00];
	[tilespmem:s11+$0x6A80] =	vst v2;
	v2 =	vmul.f32 v42, v3  }
0x11e: {  	v50 =	vld [tilespmem:s11+$0x6B10];
	[tilespmem:s11+$0x6A90] =	vst v1;
	v1 =	vmul.f32 v43, v3  }
0x11f: {  	v51 =	vld [tilespmem:s11+$0x6B20];
	[tilespmem:s11+$0x6AA0] =	vst v2;
	v2 =	vmul.f32 v44, v3  }
0x120: {  	v52 =	vld [tilespmem:s11+$0x6B30];
	[tilespmem:s11+$0x6AB0] =	vst v1;
	v1 =	vmul.f32 v45, v3  }
0x121: {  	v53 =	vld [tilespmem:s11+$0x6B40];
	[tilespmem:s11+$0x6AC0] =	vst v2;
	v2 =	vmul.f32 v46, v3  }
0x122: {  	v54 =	vld [tilespmem:s11+$0x6B60];
	[tilespmem:s11+$0x6AD0] =	vst v1;
	v1 =	vmul.f32 v47, v3  }
0x123: {  	v3 =	vld [tilespmem:s11+$0x6B50];
	[tilespmem:s11+$0x6AE0] =	vst v2;
	v2 =	vmul.f32 v49, v48  }
0x124: {  	v55 =	vld [tilespmem:s11+$0x6B70];
	[tilespmem:s11+$0x6AF0] =	vst v1;
	v1 =	vmul.f32 v50, v48  }
0x125: {  	v56 =	vld [tilespmem:s11+$0xB80];
	[tilespmem:s11+$0x6B00] =	vst v2;
	v2 =	vmul.f32 v51, v48  }
0x126: {  	v57 =	vld [tilespmem:s11+$0x6B80];
	[tilespmem:s11+$0x6B10] =	vst v1;
	v1 =	vmul.f32 v52, v48  }
0x127: {  	v58 =	vld [tilespmem:s11+$0x6B90];
	[tilespmem:s11+$0x6B20] =	vst v2;
	v2 =	vmul.f32 v53, v48  }
0x128: {  	[tilespmem:s11+$0x6B30] =	vst v1;
	v1 =	vmul.f32 v3, v48;
	v3 =	vld [tilespmem:s11+$0x6BA0]  }
0x129: {  	v59 =	vld [tilespmem:s11+$0x6BB0];
	[tilespmem:s11+$0x6B40] =	vst v2;
	v2 =	vmul.f32 v54, v48  }
0x12a: {  	v60 =	vld [tilespmem:s11+$0x6BC0];
	[tilespmem:s11+$0x6B50] =	vst v1;
	v1 =	vmul.f32 v55, v48  }
0x12b: {  	v61 =	vld [tilespmem:s11+$0x6BD0];
	[tilespmem:s11+$0x6B60] =	vst v2;
	v2 =	vmul.f32 v57, v56  }
0x12c: {  	v62 =	vld [tilespmem:s11+$0x6BE0];
	[tilespmem:s11+$0x6B70] =	vst v1;
	v1 =	vmul.f32 v58, v56  }
0x12d: {  	[tilespmem:s11+$0x6B80] =	vst v2;
	v2 =	vmul.f32 v3, v56;
	v3 =	vld [tilespmem:s11+$0x6BF0]  }
0x12e: {  	[tilespmem:s11+$0x6B90] =	vst v1;
	v1 =	vmul.f32 v59, v56  }
0x12f: {  	p0 =	slt.u32 s10, $0x30;
	[tilespmem:s11+$0x6BA0] =	vst v2;
	v2 =	vmul.f32 v60, v56  }
.Ltmp1:
0x130: {  	[tilespmem:s11+$0x6BB0] =	vst v1;
	v1 =	vmul.f32 v61, v56;
	(pc) =	sbr.rel @p0 .LBB2_5-.Ltmp1, $4  }
0x131: {  	[tilespmem:s11+$0x6BC0] =	vst v2;
	v2 =	vmul.f32 v62, v56  }
0x132: {  	[tilespmem:s11+$0x6BD0] =	vst v1;
	v1 =	vmul.f32 v3, v56  }
0x133: {  	[tilespmem:s11+$0x6BE0] =	vst v2  }
0x134: {  	s10 =	sadd.s32 $0x10, s10;
	[tilespmem:s11+$0x6BF0] =	vst v1  }
0x135: {  	p0 =	sne.s32 s0, $0xA0  }
.Ltmp2:
0x136: {  	_ = 	snop;
	(pc) =	sbr.rel @p0 .LBB2_4-.Ltmp2, $4  }
0x137: {  	s10 =	sshll.u32 s30, $0x7  }
0x138: {  	s10 =	sand.u32 $0x180, s10  }
0x139: {  	s9 =	sadd.s32 $0x6400, s9;
	s30 =	smov.u32 s0;
	s10 =	sor.u32 $0x200, s10  }
0x13a: {  	[spmem:s2] =	stream.indirect.scatter.add.f32 [tilespmem:s9], [sflag:$0x3], $0x80, s10, s31, $0xb8;
	v63 =	vld [tilespmem:$0x0]  }
0x13b: {  	_ =	swait.ge [sflag:s29], $0x2000  }
0x13c: {  	[sflag:s29] =	ssyncset.done $0x0  }
0x13d: {  	[sflag:s29] =	ssyncadd.s32 $0xFFFFE000  }
0x13e: {  	_ =	swait.ge [sflag:s29], $0x2000  }
0x13f: {  	[sflag:s29] =	ssyncset.done $0x0  }
0x140: {  	[sflag:s29] =	ssyncadd.s32 $0xFFFFE000  }
0x141: {  	_ =	swait.ge [sflag:s29], $0x2000  }
0x142: {  	[sflag:s29] =	ssyncset.done $0x0  }
0x143: {  	s0 =	stileid.u32;
	[sflag:s29] =	ssyncadd.s32 $0xFFFFE000  }
0x144: {  	s0 =	sshll.u32 s0, $0x6;
	[bflag:$0x0] =	sbarrier.arrive $0xFFFF  }
0x145: {  	s9 =	sshrl.u32 s5, $0x3;
	s0 =	sor.u32 $0x1C04, s0;
	s10 =	rddreg [dreg:$0x3]  }
0x146: {  	[hbm:s10], [sflag:s0] =	dma.local [spmem:s9], $0x2780  }
0x147: {  	_ =	swait.ge [sflag:s28], $0x2780  }
0x148: {  	s3 =	sadd.s32 $0x1, s3;
	s30 =	rddreg [dreg:$0x4]  }
0x149: {  	p0 =	sne.s32 s3, s30  }
.Ltmp3:
0x14a: {  	_ = 	snop;
	(pc) =	sbr.rel @p0 .LBB2_1-.Ltmp3, $3  }
0x14b: {  	_ =	sdelay $0x1  }
0x14c: {  	[sflag:s28] =	ssyncset.done $0x0  }
0x14d: {  	[sflag:s28] =	ssyncadd.s32 $0xFFFFD880  }
0x14e: {  	_ =	sfence.sel $0x180000  }
0x14f: {  	[bflag:$0x0] =	sbarrier.arrive $0xFFFF  }
0x150: {  	_ =	strace $0x9000004A  }
0x151: {  	s0 =	stileid.u32;
	[bflag:$0x2] =	sbarrier.arrive $0xFFFF  }
0x152: {  	p0 =	sne.s32 s0, $0x0;
	s0 =	rddreg [dreg:$0x2]  }
0x153: {  	s0 =	sadd.s32 @!p0 $0x100000, s0  }
0x154: {  	[sflag:s0] =	ssyncadd.tile.s32 @!p0 $0x1;
	_ =	shalt  }
.Lfunc_end2:
_tile_overlayer_lowered:
.L_overlay_start_2:
0x155: {  	(tag) =	ssettag $0x2  }
0x156: {  	s0 =	rddreg [dreg:$0x0];
	s2 =	stileid.u32  }
0x157: {  	s1 =	rddreg [dreg:$0x1];
	p0 =	sne.s32 s2, $0x0  }
0x158: {  	s3 =	rddreg [dreg:$0x2];
	[bflag:$0x3] =	sbarrier.arrive $0xFFFF;
	s2 =	simm.s32 @!p0 $0x1C04  }
0x159: {  	[timem:s3], [sflag:s2] =	dma.local @!p0 [hbm:s0], s1  }
0x15a: {  	s0 =	simm.s32 @!p0 $0x4  }
0x15b: {  	_ =	swait.ge @!p0 [sflag:s0], s1  }
0x15c: {  	s1 =	ssub.s32 @!p0 $0x0, s1;
	[sflag:s0] =	ssyncset.done @!p0 $0x0  }
0x15d: {  	[sflag:s0] =	ssyncadd.s32 @!p0 s1  }
0x15e: {  	[bflag:$0x3] =	sbarrier.arrive $0xFFFF  }
0x15f: {  	_ =	shalt  }

// kernel: kernel.14.cloned.1.call-start
scs
__scs_entry_jumppad:
0x0: {  	(pc) =	sbr.rel $0x88, $3  }
0x1: {  	(tag) =	ssettag $0x0;
	lr =	simm.s32 $0x1  }
0x2: {  	[smem:$0x3F97] =	sst lr;
	_ =	strace $0xD0000000  }
0x3: {  	_ = 	snop  }
0x4: {  	_ = 	snop  }
0x5: {  	_ = 	snop  }
0x6: {  	_ = 	snop  }
0x7: {  	_ = 	snop  }
__scs_overlays_trampoline_lowered:
0x8: {  	[smem:$0x3FA6] =	sst s0  }
0x9: {  	[smem:$0x3FA7] =	sst s1  }
0xa: {  	[smem:$0x3FA8] =	sst s2  }
0xb: {  	[smem:$0x3FA9] =	sst s3  }
0xc: {  	[smem:$0x3FAA] =	sst s4  }
0xd: {  	[smem:$0x3FAB] =	sst s5  }
0xe: {  	[smem:$0x3FAC] =	sst s6  }
0xf: {  	[smem:$0x3FAD] =	sst s7  }
0x10: {  	[smem:$0x3FAE] =	sst s8  }
0x11: {  	[smem:$0x3FAF] =	sst s9;
	s0 =	simm.s32 @!p0 $0x0  }
0x12: {  	s1 =	sld [smem:$0x3F95];
	s0 =	simm.s32 @p0 $0x1  }
0x13: {  	[smem:$0x3FB0] =	sst s0;
	s0 =	simm.s32 @!p1 $0x0  }
0x14: {  	s2 =	sld [smem:$0x3F94];
	s0 =	simm.s32 @p1 $0x1  }
0x15: {  	[smem:$0x3FB1] =	sst s0;
	s0 =	simm.s32 @!p2 $0x0  }
0x16: {  	s3 =	sld [smem:$0x3FDB];
	s0 =	simm.s32 @p2 $0x1  }
0x17: {  	s4 =	simm.s32 $0x1BF5;
	[smem:$0x3FB3] =	sst s0  }
0x18: {  	s0 =	sld [smem:$0x3F96];
	_ =	swait.ge [sflag:s4], $0x0  }
0x19: {  	s7 =	sld [smem:$0x3F97]  }
0x1a: {  	s8 =	sadd.s32 $0xFFFFE003, lr  }
0x1b: {  	s9 =	sadd.s32 $0xFFFFFEF7, lr;
	s5 =	simm.s32 $0xFFFFFFFF;
	p2 =	slt.u32 s8, $0xFFFFF086  }
0x1c: {  	p1 =	slt.u32 s9, $0xF7A;
	s5 =	simm.s32 @!p2 $0x0  }
0x1d: {  	s5 =	simm.s32 @p1 $0x1;
	p0 =	seq.s32 s7, s2  }
0x1e: {  	s7 =	smul.u32 @!p0 $0xF7A, s2;
	p2 =	seq.s32 @!p0 s5, $0x0  }
0x1f: {  	s9 =	smul.u32 $0xF7A, s1;
	s8 =	simm.s32 @!p0 $0x1BF5;
	p2 =	por !p2, p0  }
0x20: {  	[sflag:s8] =	ssyncset.s32 @!p0 $0xFFFFF086;
	s6 =	sadd.s32 @!p0 s3, s7;
	s7 =	simm.s32 @!p0 $0x108  }
0x21: {  	s3 =	sadd.s32 s3, s9;
	s6 =	sadd.s32 @!p0 $0x88, s6;
	s7 =	simm.s32 @p2 $0x1082  }
0x22: {  	[simem:s7], [sflag:s8] =	dma.local @!p0 [hbm:s6], $0xF7A  }
0x23: {  	s9 =	sor.u32 $0xD0000000, s2;
	s6 =	simm.s32 $0x108;
	_ =	swait.ge @!p0 [sflag:s8], $0x0  }
0x24: {  	s3 =	sadd.s32 $0x88, s3;
	s6 =	simm.s32 @!p1 $0x1082;
	[sflag:s4] =	ssyncset.s32 $0xFFFFF086  }
0x25: {  	[simem:s6], [sflag:s4] =	dma.local [hbm:s3], $0xF7A  }
0x26: {  	[smem:$0x3F97] =	sst s1;
	(tag) =	ssettag s2;
	_ =	strace s9  }
0x27: {  	s1 =	sld [smem:$0x3FA7]  }
0x28: {  	s2 =	sld [smem:$0x3FA8]  }
0x29: {  	s4 =	sld [smem:$0x3FAA]  }
0x2a: {  	p0 =	seq.s32 s5, $0x0;
	s5 =	sld [smem:$0x3FAB]  }
0x2b: {  	s6 =	sld [smem:$0x3FAC]  }
0x2c: {  	s7 =	sld [smem:$0x3FAD]  }
0x2d: {  	s3 =	simm.s32 $0x108;
	s8 =	sld [smem:$0x3FAE]  }
0x2e: {  	s3 =	simm.s32 @!p0 $0x1082;
	s9 =	sld [smem:$0x3FAF]  }
0x2f: {  	lr =	sadd.s32 s0, s3;
	s0 =	sld [smem:$0x3FA6]  }
0x30: {  	s3 =	sld [smem:$0x3FA9]  }
0x31: {  	[smem:$0x3FB2] =	sst s10  }
0x32: {  	s10 =	sld [smem:$0x3FB0];
	_ =	sdelay $0x3  }
0x33: {  	p0 =	seq.s32 s10, $0x1;
	s10 =	sld [smem:$0x3FB2];
	_ =	sdelay $0x3  }
0x34: {  	[smem:$0x3FB2] =	sst s10  }
0x35: {  	s10 =	sld [smem:$0x3FB1];
	_ =	sdelay $0x3  }
0x36: {  	p1 =	seq.s32 s10, $0x1;
	s10 =	sld [smem:$0x3FB2];
	_ =	sdelay $0x3  }
0x37: {  	[smem:$0x3FB2] =	sst s10  }
0x38: {  	s10 =	sld [smem:$0x3FB3]  }
0x39: {  	_ = 	snop;
	(pc) =	sbr.ind lr, $3  }
0x3a: {  	_ = 	snop  }
0x3b: {  	_ = 	snop  }
0x3c: {  	p2 =	seq.s32 s10, $0x1;
	s10 =	sld [smem:$0x3FB2]  }
0x3d: {  	_ =	shalt  }
0x3e: {  	_ =	shalt  }
0x3f: {  	_ =	shalt  }
0x40: {  	_ =	shalt  }
0x41: {  	_ =	shalt  }
0x42: {  	_ =	shalt  }
0x43: {  	_ =	shalt  }
0x44: {  	_ =	shalt  }
0x45: {  	_ =	shalt  }
0x46: {  	_ =	shalt  }
0x47: {  	_ =	shalt  }
0x48: {  	_ =	shalt  }
0x49: {  	_ =	shalt  }
0x4a: {  	_ =	shalt  }
0x4b: {  	_ =	shalt  }
0x4c: {  	_ =	shalt  }
0x4d: {  	_ =	shalt  }
0x4e: {  	_ =	shalt  }
0x4f: {  	_ =	shalt  }
0x50: {  	_ =	shalt  }
0x51: {  	_ =	shalt  }
0x52: {  	_ =	shalt  }
0x53: {  	_ =	shalt  }
0x54: {  	_ =	shalt  }
0x55: {  	_ =	shalt  }
0x56: {  	_ =	shalt  }
0x57: {  	_ =	shalt  }
0x58: {  	_ =	shalt  }
0x59: {  	_ =	shalt  }
0x5a: {  	_ =	shalt  }
0x5b: {  	_ =	shalt  }
0x5c: {  	_ =	shalt  }
0x5d: {  	_ =	shalt  }
0x5e: {  	_ =	shalt  }
0x5f: {  	_ =	shalt  }
0x60: {  	_ =	shalt  }
0x61: {  	_ =	shalt  }
0x62: {  	_ =	shalt  }
0x63: {  	_ =	shalt  }
0x64: {  	_ =	shalt  }
0x65: {  	_ =	shalt  }
0x66: {  	_ =	shalt  }
0x67: {  	_ =	shalt  }
0x68: {  	_ =	shalt  }
0x69: {  	_ =	shalt  }
0x6a: {  	_ =	shalt  }
0x6b: {  	_ =	shalt  }
0x6c: {  	_ =	shalt  }
0x6d: {  	_ =	shalt  }
0x6e: {  	_ =	shalt  }
0x6f: {  	_ =	shalt  }
0x70: {  	_ =	shalt  }
0x71: {  	_ =	shalt  }
0x72: {  	_ =	shalt  }
0x73: {  	_ =	shalt  }
0x74: {  	_ =	shalt  }
0x75: {  	_ =	shalt  }
0x76: {  	_ =	shalt  }
0x77: {  	_ =	shalt  }
0x78: {  	_ =	shalt  }
0x79: {  	_ =	shalt  }
0x7a: {  	_ =	shalt  }
0x7b: {  	_ =	shalt  }
0x7c: {  	_ =	shalt  }
0x7d: {  	_ =	shalt  }
0x7e: {  	_ =	shalt  }
0x7f: {  	_ =	shalt  }
0x80: {  	_ =	shalt  }
0x81: {  	_ =	shalt  }
0x82: {  	_ =	shalt  }
0x83: {  	_ =	shalt  }
0x84: {  	_ =	shalt  }
0x85: {  	_ =	shalt  }
0x86: {  	_ =	shalt  }
0x87: {  	_ =	shalt  }
.Lfunc_end0:
.L_simem_size_0:
called_computation.2_lowered:
.L_overlay_start_0:
0x88: {  	s2 =	sld [smem:$0x3FD9]  }
0x89: {  	s3 =	sld [smem:$0x3FFE];
	_ =	sdelay $0x1  }
0x8a: {  	s1 =	srdreg.scid  }
0x8b: {  	s0 =	sand.u32 $0x1, s1  }
0x8c: {  	s16 =	sshll.u32 s0, $0xA;
	s2 =	sadd.s32 s3, s2  }
0x8d: {  	s2 =	sadd.s32 s2, s16  }
0x8e: {  	[smem:$0x3FBE] =	sst s2  }
0x8f: {  	_ = 	snop  }
0x90: {  	(tm) =	ssettm $0x1  }
0x91: {  	s17 =	sld [smem:$0x3FFB];
	_ =	sdelay $0x3  }
0x92: {  	_ =	strace s17  }
0x93: {  	s2 =	sld [smem:$0x3FFC];
	_ =	sdelay $0x3  }
0x94: {  	_ =	strace s2  }
0x95: {  	s2 =	sld [smem:$0x3FFD];
	_ =	sdelay $0x3  }
0x96: {  	_ =	strace s2  }
0x97: {  	_ =	strace $0x8FFFFFFF  }
0x98: {  	s18 =	sld [smem:$0x3FDB];
	_ =	sdelay $0x1  }
0x99: {  	s19 =	simm.s32 $_scs_section_size  }
0x9a: {  	s4 =	simm.s32 $_size__tile_overlayer_lowered;
	s5 =	simm.s32 $_tile_overlayer_lowered  }
0x9b: {  	s22 =	simm.s32 $0x1BFF;
	s21 =	sshll.u32 s5, $0x1;
	s2 =	sadd.s32 s19, s18  }
0x9c: {  	s6 =	simm.s32 $0x0;
	s20 =	sshll.u32 s4, $0x1;
	s4 =	sadd.s32 s21, s2  }
0x9d: {  	[timem:s6], [sflag:s22] =	dma.local [hbm:s4], s20  }
0x9e: {  	_ =	swait.ge [sflag:s22], s20  }
0x9f: {  	s3 =	ssub.s32 $0x0, s20;
	[sflag:s22] =	ssyncset.done $0x0  }
0xa0: {  	[sflag:s22] =	ssyncadd.s32 s3;
	_ =	sdelay $0x1  }
0xa1: {  	s23 =	simm.s32 $0x1B8B  }
0xa2: {  	_ =	swait.ge [sflag:s23], $0x1  }
0xa3: {  	[sflag:s23] =	ssyncset.done $0x0  }
0xa4: {  	s25 =	simm.s32 $0x1B8E;
	s24 =	sld [smem:$0x3FFE];
	[sflag:s23] =	ssyncadd.s32 $0xFFFFFFFF  }
0xa5: {  	s26 =	simm.s32 $execute0_lowered;
	[smem:$0x3FD2] =	sst s25  }
0xa6: {  	s4 =	sshll.u32 s26, $0x1;
	_ =	strace $0x8000004C;
	[dreg:$0x1] =	wrdreg $0xFFFFFFFF  }
0xa7: {  	s28 =	simm.s32 $_size_execute0_lowered;
	s2 =	sadd.s32 s2, s4;
	[dreg:$0x0] =	wrdreg $0x0  }
0xa8: {  	s4 =	sshll.u32 s28, $0x1;
	[dreg:$0x2] =	wrdreg s2  }
0xa9: {  	[dreg:$0x3] =	wrdreg s4  }
0xaa: {  	[dreg:$0x4] =	wrdreg $0xC0  }
0xab: {  	_ =	task [dreg:s6], $0x5FFFF  }
0xac: {  	[dreg:$0x1] =	wrdreg $0xFFFFFFFF  }
0xad: {  	[dreg:$0x0] =	wrdreg $0x60  }
0xae: {  	[dreg:$0x2] =	wrdreg s24  }
0xaf: {  	[dreg:$0x3] =	wrdreg $0xC4000  }
0xb0: {  	[dreg:$0x4] =	wrdreg $0x9  }
0xb1: {  	_ =	task.clear_ibuf [dreg:s6], $0x5FFFF;
	_ =	strace $0x9000004C  }
0xb2: {  	s29 =	simm.s32 $0x9;
	_ =	strace $0x8000004E  }
0xb3: {  	_ =	swait.ge [sflag:s29], $0x1  }
0xb4: {  	[sflag:s29] =	ssyncadd.s32 $0xFFFFFFFF  }
0xb5: {  	_ =	strace $0x9000004E  }
0xb6: {  	_ =	sfence  }
0xb7: {  	s30 =	sld [smem:$0x0];
	_ =	sdelay $0x2  }
0xb8: {  	s31 =	sshll.u32 s1, $0xD;
	s1 =	sshrl.u32 s1, $0x2  }
0xb9: {  	s3 =	sand.u32 $0x4000, s31;
	s1 =	sadd.s32 s1, s30  }
0xba: {  	s0 =	sor.u32 s3, s0;
	s1 =	sshll.u32 s1, $0x11  }
0xbb: {  	s0 =	sor.u32 s1, s0  }
0xbc: {  	s0 =	sadd.s32 $0x8F2B, s0  }
0xbd: {  	[sflag:s0] =	ssyncadd.remote.s32 $0x1  }
0xbe: {  	_ =	sfence.sel $0xFFFF  }
0xbf: {  	[dreg:$0x0] =	wrdreg $0xFFFFFFFF;
	(pc) =	sbr.abs _section_cstart, $3  }
0xc0: {  	[dreg:$0x1] =	wrdreg $0xFFFFFFFF  }
0xc1: {  	_ =	task.clear_ibuf [dreg:s6], $0x2FFFF;
	_ =	strace $0x9FFFFFFF  }
0xc2: {  	(tm) =	ssettm $0x7FFFFFFF  }
0xc3: {  	_ =	shalt  }
tec
execute0_lowered:
.L_overlay_start_1:
0x0: {  	(tag) =	ssettag $0x1  }
0x1: {  	s0 =	srdreg.scid  }
0x2: {  	s10 =	stileid.u32;
	s5 =	rddreg [dreg:$0x0]  }
0x3: {  	s2 =	rddreg [dreg:$0x1];
	s3 =	simm.s32 $0x0;
	s28 =	simm.s32 $0x4  }
0x4: {  	s31 =	simm.s32 $0x40;
	s29 =	simm.s32 $0x3;
	s8 =	smul.u32 $0x13C00, s10  }
0x5: {  	s0 =	sand.u32 $0x1, s0;
	s1 =	sshll.u32 s10, $0x1;
	s20 =	smul.u32 $0x4F000, s10  }
0x6: {  	[smem:$0x7FF] =	sst s3;
	s1 =	sor.u32 s0, s1;
	s7 =	smul.u32 $0x13C000, s0  }
0x7: {  	s4 =	sadd.s32 $0x2CC00, s5;
	s0 =	ssub.s32 $0x2, s0;
	s6 =	smul.u32 $0xA00, s1  }
0x8: {  	_ =	strace $0x8000004D;
	s1 =	smul.u32 $0x28000, s1;
	s21 =	sshrl.u32 s0, $0x1  }
0x9: {  	s7 =	sadd.s32 s8, s7;
	s0 =	ssub.s32 s0, s21;
	s9 =	sadd.s32 s6, s5  }
0xa: {  	s1 =	sadd.s32 s1, s5;
	s7 =	sshrl.u32 s7, $0x3;
	s6 =	sshrl.u32 s20, $0x2  }
0xb: {  	s0 =	smax.u32 s0, $0x1;
	s22 =	sadd.s32 s7, s5;
	s5 =	sadd.s32 s6, s2  }
0xc: {  	s6 =	sadd.s32 $0x18C00, s9;
	s7 =	sadd.s32 $0x4C00, s9;
	s8 =	sadd.s32 $0x7B000, s1  }
0xd: {  	[dreg:$0x4] =	wrdreg s0;
	s1 =	simm.s32 $0x2;
	s23 =	sadd.s32 $0x57B000, s22  }
0xe: {  	s24 =	sadd.s32 $0x2000, s5;
	s25 =	sadd.s32 $0x4000, s5;
	s26 =	sadd.s32 $0x6000, s5  }
0xf: {  	s30 =	sadd.s32 $0x8000, s5;
	s15 =	sadd.s32 $0xA000, s5;
	[dreg:$0x3] =	wrdreg s23  }
0x10: {  	s16 =	sadd.s32 $0xC000, s5;
	s17 =	sadd.s32 $0xE000, s5;
	[dreg:$0x5] =	wrdreg s24  }
0x11: {  	s18 =	sadd.s32 $0x10000, s5;
	s19 =	sadd.s32 $0x12000, s5;
	[dreg:$0x6] =	wrdreg s25  }
0x12: {  	s20 =	sadd.s32 $0x12400, s5;
	s21 =	sadd.s32 $0x12800, s5;
	[dreg:$0x7] =	wrdreg s26  }
0x13: {  	s22 =	sadd.s32 $0x12C00, s5;
	[dreg:$0x8] =	wrdreg s30;
	s23 =	sadd.s32 $0x13000, s5  }
0x14: {  	v0 =	vimm.f32 $0.0e+00;
	s24 =	sadd.s32 $0x13400, s5;
	s25 =	sadd.s32 $0x13800, s5;
	s26 =	simm.s32 $0x6400  }
.LBB2_1:
0x15: {  	s0 =	simm.s32 $0x0;
	s9 =	simm.s32 $0x200  }
.LBB2_2:
0x16: {  	p0 =	sne.s32 s9, $0x7E00;
	[tilespmem:s0+$0x6470] =	vst v0  }
0x17: {  	[tilespmem:s0+$0x6400] =	vst v0  }
0x18: {  	[tilespmem:s0+$0x6410] =	vst v0  }
.Ltmp0:
0x19: {  	[tilespmem:s0+$0x6420] =	vst v0;
	(pc) =	sbr.rel @p0 .LBB2_2-.Ltmp0, $4  }
0x1a: {  	[tilespmem:s0+$0x6430] =	vst v0  }
0x1b: {  	[tilespmem:s0+$0x6440] =	vst v0  }
0x1c: {  	[tilespmem:s0+$0x6450] =	vst v0  }
0x1d: {  	[tilespmem:s0+$0x6460] =	vst v0;
	s0 =	sshra.s32 s9, $0x2;
	s9 =	sadd.s32 $0x200, s9  }
0x1e: {  	[tilespmem:s0+$0x6470] =	vst v0  }
0x1f: {  	[tilespmem:s0+$0x6400] =	vst v0  }
0x20: {  	[tilespmem:s0+$0x6410] =	vst v0  }
0x21: {  	[tilespmem:s0+$0x6420] =	vst v0  }
0x22: {  	[tilespmem:s0+$0x6430] =	vst v0  }
0x23: {  	[tilespmem:s0+$0x6440] =	vst v0  }
0x24: {  	[tilespmem:s0+$0x6450] =	vst v0  }
0x25: {  	[tilespmem:s0+$0x6460] =	vst v0  }
0x26: {  	[spmem:s5] =	stream.linear.scatter [tilespmem:s26], [sflag:$0x4], $0x2000, $0x38;
	v63 =	vld [tilespmem:$0x0]  }
0x27: {  	_ =	swait.ge [sflag:s28], $0x2000  }
0x28: {  	[sflag:s28] =	ssyncset.done $0x0  }
0x29: {  	s10 =	rddreg [dreg:$0x5];
	[sflag:s28] =	ssyncadd.s32 $0xFFFFE000  }
0x2a: {  	[spmem:s10] =	stream.linear.scatter [tilespmem:s26], [sflag:$0x4], $0x2000, $0x38;
	v63 =	vld [tilespmem:$0x0]  }
0x2b: {  	_ =	swait.ge [sflag:s28], $0x2000  }
0x2c: {  	[sflag:s28] =	ssyncset.done $0x0  }
0x2d: {  	s11 =	rddreg [dreg:$0x6];
	[sflag:s28] =	ssyncadd.s32 $0xFFFFE000  }
0x2e: {  	[spmem:s11] =	stream.linear.scatter [tilespmem:s26], [sflag:$0x4], $0x2000, $0x38;
	v63 =	vld [tilespmem:$0x0]  }
0x2f: {  	_ =	swait.ge [sflag:s28], $0x2000  }
0x30: {  	[sflag:s28] =	ssyncset.done $0x0  }
0x31: {  	s12 =	rddreg [dreg:$0x7];
	[sflag:s28] =	ssyncadd.s32 $0xFFFFE000  }
0x32: {  	[spmem:s12] =	stream.linear.scatter [tilespmem:s26], [sflag:$0x4], $0x2000, $0x38;
	v63 =	vld [tilespmem:$0x0]  }
0x33: {  	_ =	swait.ge [sflag:s28], $0x2000  }
0x34: {  	[sflag:s28] =	ssyncset.done $0x0  }
0x35: {  	s13 =	rddreg [dreg:$0x8];
	[sflag:s28] =	ssyncadd.s32 $0xFFFFE000  }
0x36: {  	[spmem:s13] =	stream.linear.scatter [tilespmem:s26], [sflag:$0x4], $0x2000, $0x38;
	v63 =	vld [tilespmem:$0x0]  }
0x37: {  	_ =	swait.ge [sflag:s28], $0x2000  }
0x38: {  	[sflag:s28] =	ssyncset.done $0x0  }
0x39: {  	[sflag:s28] =	ssyncadd.s32 $0xFFFFE000  }
0x3a: {  	[spmem:s15] =	stream.linear.scatter [tilespmem:s26], [sflag:$0x4], $0x2000, $0x38;
	v63 =	vld [tilespmem:$0x0]  }
0x3b: {  	_ =	swait.ge [sflag:s28], $0x2000  }
0x3c: {  	[sflag:s28] =	ssyncset.done $0x0  }
0x3d: {  	[sflag:s28] =	ssyncadd.s32 $0xFFFFE000  }
0x3e: {  	[spmem:s16] =	stream.linear.scatter [tilespmem:s26], [sflag:$0x4], $0x2000, $0x38;
	v63 =	vld [tilespmem:$0x0]  }
0x3f: {  	_ =	swait.ge [sflag:s28], $0x2000  }
0x40: {  	[sflag:s28] =	ssyncset.done $0x0  }
0x41: {  	[sflag:s28] =	ssyncadd.s32 $0xFFFFE000  }
0x42: {  	[spmem:s17] =	stream.linear.scatter [tilespmem:s26], [sflag:$0x4], $0x2000, $0x38;
	v63 =	vld [tilespmem:$0x0]  }
0x43: {  	_ =	swait.ge [sflag:s28], $0x2000  }
0x44: {  	[sflag:s28] =	ssyncset.done $0x0  }
0x45: {  	[sflag:s28] =	ssyncadd.s32 $0xFFFFE000  }
0x46: {  	[spmem:s18] =	stream.linear.scatter [tilespmem:s26], [sflag:$0x4], $0x2000, $0x38;
	v63 =	vld [tilespmem:$0x0]  }
0x47: {  	_ =	swait.ge [sflag:s28], $0x2000  }
0x48: {  	[sflag:s28] =	ssyncset.done $0x0  }
0x49: {  	[sflag:s28] =	ssyncadd.s32 $0xFFFFE000  }
0x4a: {  	[spmem:s19] =	stream.linear.scatter [tilespmem:s26], [sflag:$0x4], $0x400, $0x38;
	v63 =	vld [tilespmem:$0x0]  }
0x4b: {  	_ =	swait.ge [sflag:s28], $0x400  }
0x4c: {  	[sflag:s28] =	ssyncset.done $0x0  }
0x4d: {  	[sflag:s28] =	ssyncadd.s32 $0xFFFFFC00  }
0x4e: {  	[spmem:s20] =	stream.linear.scatter [tilespmem:s26], [sflag:$0x4], $0x400, $0x38;
	v63 =	vld [tilespmem:$0x0]  }
0x4f: {  	_ =	swait.ge [sflag:s28], $0x400  }
0x50: {  	[sflag:s28] =	ssyncset.done $0x0  }
0x51: {  	[sflag:s28] =	ssyncadd.s32 $0xFFFFFC00  }
0x52: {  	[spmem:s21] =	stream.linear.scatter [tilespmem:s26], [sflag:$0x4], $0x400, $0x38;
	v63 =	vld [tilespmem:$0x0]  }
0x53: {  	_ =	swait.ge [sflag:s28], $0x400  }
0x54: {  	[sflag:s28] =	ssyncset.done $0x0  }
0x55: {  	[sflag:s28] =	ssyncadd.s32 $0xFFFFFC00  }
0x56: {  	[spmem:s22] =	stream.linear.scatter [tilespmem:s26], [sflag:$0x4], $0x400, $0x38;
	v63 =	vld [tilespmem:$0x0]  }
0x57: {  	_ =	swait.ge [sflag:s28], $0x400  }
0x58: {  	[sflag:s28] =	ssyncset.done $0x0  }
0x59: {  	[sflag:s28] =	ssyncadd.s32 $0xFFFFFC00  }
0x5a: {  	[spmem:s23] =	stream.linear.scatter [tilespmem:s26], [sflag:$0x4], $0x400, $0x38;
	v63 =	vld [tilespmem:$0x0]  }
0x5b: {  	_ =	swait.ge [sflag:s28], $0x400  }
0x5c: {  	[sflag:s28] =	ssyncset.done $0x0  }
0x5d: {  	[sflag:s28] =	ssyncadd.s32 $0xFFFFFC00  }
0x5e: {  	[spmem:s24] =	stream.linear.scatter [tilespmem:s26], [sflag:$0x4], $0x400, $0x38;
	v63 =	vld [tilespmem:$0x0]  }
0x5f: {  	_ =	swait.ge [sflag:s28], $0x400  }
0x60: {  	[sflag:s28] =	ssyncset.done $0x0  }
0x61: {  	[sflag:s28] =	ssyncadd.s32 $0xFFFFFC00  }
0x62: {  	[spmem:s25] =	stream.linear.scatter [tilespmem:s26], [sflag:$0x4], $0x400, $0x38;
	v63 =	vld [tilespmem:$0x0]  }
0x63: {  	_ =	swait.ge [sflag:s28], $0x400  }
0x64: {  	[sflag:s28] =	ssyncset.done $0x0  }
0x65: {  	[sflag:s28] =	ssyncadd.s32 $0xFFFFFC00  }
0x66: {  	s30 =	simm.s32 $0x0;
	[bflag:$0x0] =	sbarrier.arrive $0xFFFF  }
0x67: {  	[tilespmem:s30], [sflag:$0x4] =	stream.linear.gather [hbm4b:s6+s30], $0x80, $0x38;
	v63 =	vld [tilespmem:$0x0]  }
0x68: {  	_ =	swait.ge [sflag:s28], $0x80  }
0x69: {  	[sflag:s28] =	ssyncset.done $0x0  }
0x6a: {  	s14 =	simm.s32 $0x200;
	[sflag:s28] =	ssyncadd.s32 $0xFFFFFF80  }
0x6b: {  	[tilespmem:s14], [sflag:$0x4] =	stream.linear.gather [hbm4b:s7+s30], $0x80, $0x38;
	v63 =	vld [tilespmem:$0x0]  }
0x6c: {  	_ =	swait.ge [sflag:s28], $0x80  }
0x6d: {  	[sflag:s28] =	ssyncset.done $0x0  }
0x6e: {  	s9 =	simm.s32 $0x400;
	[sflag:s28] =	ssyncadd.s32 $0xFFFFFF80  }
0x6f: {  	[tilespmem:s9], [sflag:$0x4] =	stream.linear.gather [hbm4b:s8+s30], $0x2000, $0x38;
	v63 =	vld [tilespmem:$0x0]  }
0x70: {  	_ =	swait.ge [sflag:s28], $0x2000  }
0x71: {  	[sflag:s28] =	ssyncset.done $0x0  }
0x72: {  	[sflag:s28] =	ssyncadd.s32 $0xFFFFE000  }
0x73: {  	[tilespmem:s26], [sflag:$0x2] =	stream.indirect.gather [hbm4b:s4+s31], $0x80, s30, s31, $0xb8;
	v63 =	vld [tilespmem:$0x0]  }
0x74: {  	s10 =	sadd.s32 $0x10, s6;
	s9 =	simm.s32 $0x80  }
0x75: {  	[tilespmem:s9], [sflag:$0x1] =	stream.linear.gather [hbm4b:s10+s30], $0x80, $0x38;
	v63 =	vld [tilespmem:$0x0]  }
0x76: {  	s11 =	sadd.s32 $0x10, s7;
	s12 =	simm.s32 $0x280  }
0x77: {  	[tilespmem:s12], [sflag:$0x1] =	stream.linear.gather [hbm4b:s11+s30], $0x80, $0x38;
	v63 =	vld [tilespmem:$0x0]  }
0x78: {  	s13 =	sadd.s32 $0x400, s8;
	s14 =	simm.s32 $0x2400  }
0x79: {  	[tilespmem:s14], [sflag:$0x1] =	stream.linear.gather [hbm4b:s13+s30], $0x2000, $0x38;
	v63 =	vld [tilespmem:$0x0]  }
.LBB2_4:
0x7a: {  	p0 =	seq.s32 s30, $0x9F  }
0x7b: {  	p1 =	slt.u32 @!p0 s30, $0x2  }
0x7c: {  	p1 =	por p1, p0  }
0x7d: {  	s9 =	simm.s32 @!p1 $0x3  }
0x7e: {  	_ =	swait.ge @!p1 [sflag:s9], $0x2000  }
0x7f: {  	s0 =	sadd.s32 $0x1, s30;
	[sflag:s9] =	ssyncset.done @!p1 $0x0  }
0x80: {  	s10 =	sand.u32 @!p0 $0xFF, s0;
	[sflag:s9] =	ssyncadd.s32 @!p1 $0xFFFFE000;
	s9 =	simm.s32 @!p0 $0x1  }
0x81: {  	s10 =	smul.u32 @!p0 $0xAB, s10;
	_ =	swait.ge @!p0 [sflag:s9], $0x80  }
0x82: {  	[sflag:s9] =	ssyncset.done @!p0 $0x0  }
0x83: {  	s10 =	sshrl.u32 @!p0 s10, $0x9;
	[sflag:s9] =	ssyncadd.s32 @!p0 $0xFFFFFF80  }
0x84: {  	s10 =	smul.u32 @!p0 $0x3, s10;
	_ =	swait.ge @!p0 [sflag:s9], $0x80  }
0x85: {  	[sflag:s9] =	ssyncset.done @!p0 $0x0  }
0x86: {  	s11 =	sshll.u32 @!p0 s0, $0x7;
	s10 =	ssub.s32 @!p0 s0, s10;
	[sflag:s9] =	ssyncadd.s32 @!p0 $0xFFFFFF80  }
0x87: {  	s11 =	sand.u32 @!p0 $0x180, s11;
	s10 =	sand.u32 @!p0 $0xFF, s10;
	_ =	swait.ge @!p0 [sflag:s9], $0x2000  }
0x88: {  	p1 =	sgt.u32 @!p0 s30, $0x9D;
	s10 =	sshll.u32 @!p0 s10, $0xD;
	[sflag:s9] =	ssyncset.done @!p0 $0x0  }
0x89: {  	[sflag:s9] =	ssyncadd.s32 @!p0 $0xFFFFE000;
	s9 =	sadd.s32 @!p0 $0x6400, s10;
	s10 =	simm.s32 @!p0 $0x40  }
0x8a: {  	[tilespmem:s9], [sflag:$0x2] =	stream.indirect.gather @!p0 [hbm4b:s4+s10], $0x80, s11, s10, $0xb8;
	v63 =	vld [tilespmem:$0x0]  }
0x8b: {  	p0 =	por p1, p0  }
0x8c: {  	s9 =	sadd.s32 @!p0 $0x2, s30  }
0x8d: {  	s13 =	simm.s32 @!p0 $0x0;
	s10 =	sshll.u32 @!p0 s9, $0x7;
	s11 =	sshll.u32 @!p0 s9, $0x4  }
0x8e: {  	s14 =	smul.u32 @!p0 $0xAB, s9;
	s10 =	sand.u32 @!p0 $0x180, s10;
	s12 =	sadd.s32 @!p0 s6, s11  }
0x8f: {  	[tilespmem:s10], [sflag:$0x1] =	stream.linear.gather @!p0 [hbm4b:s12+s13], $0x80, $0x38;
	v63 =	vld [tilespmem:$0x0]  }
0x90: {  	s12 =	sshrl.u32 @!p0 s14, $0x9  }
0x91: {  	s14 =	smul.u32 $0xAB, s30;
	s12 =	sand.u32 @!p0 $0x7F, s12  }
0x92: {  	s11 =	sadd.s32 @!p0 s7, s11;
	s10 =	sor.u32 @!p0 $0x200, s10;
	s12 =	smul.u32 @!p0 $0x3, s12  }
0x93: {  	[tilespmem:s10], [sflag:$0x1] =	stream.linear.gather @!p0 [hbm4b:s11+s13], $0x80, $0x38;
	v63 =	vld [tilespmem:$0x0]  }
0x94: {  	s10 =	ssub.s32 @!p0 s9, s12  }
0x95: {  	s12 =	sshrl.u32 s14, $0x9;
	s10 =	sand.u32 @!p0 $0xFF, s10  }
0x96: {  	s9 =	sshll.u32 @!p0 s9, $0xA;
	s11 =	sand.u32 $0x7F, s12;
	s10 =	sshll.u32 @!p0 s10, $0xD  }
0x97: {  	s9 =	sadd.s32 @!p0 s8, s9;
	s11 =	smul.u32 $0x3, s11;
	s10 =	sor.u32 @!p0 $0x400, s10  }
0x98: {  	[tilespmem:s10], [sflag:$0x1] =	stream.linear.gather @!p0 [hbm4b:s9+s13], $0x2000, $0x38;
	v63 =	vld [tilespmem:$0x0]  }
0x99: {  	s14 =	ssub.s32 s30, s11;
	_ =	swait.ge [sflag:s1], $0x2000  }
0x9a: {  	s9 =	sand.u32 $0xFF, s14;
	[sflag:s1] =	ssyncset.done $0x0  }
0x9b: {  	s10 =	simm.s32 $0x0;
	s9 =	sshll.u32 s9, $0xD;
	[sflag:s1] =	ssyncadd.s32 $0xFFFFE000  }
.LBB2_5:
0x9c: {  	s11 =	sshll.u32 s10, $0x7  }
0x9d: {  	s11 =	sor.u32 s9, s11  }
0x9e: {  	v1 =	vld [tilespmem:s11+$0x400]  }
0x9f: {  	v2 =	vld [tilespmem:s11+$0x6400]  }
0xa0: {  	v3 =	vld [tilespmem:s11+$0x6410]  }
0xa1: {  	v4 =	vld [tilespmem:s11+$0x6420]  }
0xa2: {  	v5 =	vld [tilespmem:s11+$0x6430]  }
0xa3: {  	v6 =	vld [tilespmem:s11+$0x6440]  }
0xa4: {  	v7 =	vld [tilespmem:s11+$0x6450]  }
0xa5: {  	v8 =	vld [tilespmem:s11+$0x6460]  }
0xa6: {  	v9 =	vld [tilespmem:s11+$0x6470]  }
0xa7: {  	v10 =	vld [tilespmem:s11+$0x480]  }
0xa8: {  	v11 =	vld [tilespmem:s11+$0x6480]  }
0xa9: {  	v12 =	vld [tilespmem:s11+$0x6490]  }
0xaa: {  	v13 =	vld [tilespmem:s11+$0x64A0]  }
0xab: {  	v14 =	vld [tilespmem:s11+$0x64B0]  }
0xac: {  	v15 =	vld [tilespmem:s11+$0x64C0]  }
0xad: {  	v16 =	vld [tilespmem:s11+$0x64D0]  }
0xae: {  	v17 =	vld [tilespmem:s11+$0x64E0]  }
0xaf: {  	v18 =	vld [tilespmem:s11+$0x64F0]  }
0xb0: {  	v19 =	vld [tilespmem:s11+$0x500]  }
0xb1: {  	v20 =	vld [tilespmem:s11+$0x6500]  }
0xb2: {  	v21 =	vld [tilespmem:s11+$0x6510]  }
0xb3: {  	v22 =	vld [tilespmem:s11+$0x6520];
	v2 =	vmul.f32 v2, v1  }
0xb4: {  	v23 =	vld [tilespmem:s11+$0x6530];
	v3 =	vmul.f32 v3, v1  }
0xb5: {  	v39 =	vld [tilespmem:s11+$0x6540];
	[tilespmem:s11+$0x6400] =	vst v2;
	v2 =	vmul.f32 v4, v1  }
0xb6: {  	v40 =	vld [tilespmem:s11+$0x6550];
	[tilespmem:s11+$0x6410] =	vst v3;
	v3 =	vmul.f32 v5, v1  }
0xb7: {  	v41 =	vld [tilespmem:s11+$0x6560];
	[tilespmem:s11+$0x6420] =	vst v2;
	v2 =	vmul.f32 v6, v1  }
0xb8: {  	v42 =	vld [tilespmem:s11+$0x6570];
	[tilespmem:s11+$0x6430] =	vst v3;
	v3 =	vmul.f32 v7, v1  }
0xb9: {  	v43 =	vld [tilespmem:s11+$0x580];
	[tilespmem:s11+$0x6440] =	vst v2;
	v2 =	vmul.f32 v8, v1  }
0xba: {  	v44 =	vld [tilespmem:s11+$0x6590];
	[tilespmem:s11+$0x6450] =	vst v3;
	v1 =	vmul.f32 v9, v1  }
0xbb: {  	v45 =	vld [tilespmem:s11+$0x65A0];
	[tilespmem:s11+$0x6460] =	vst v2;
	v2 =	vmul.f32 v11, v10  }
0xbc: {  	v46 =	vld [tilespmem:s11+$0x65B0];
	[tilespmem:s11+$0x6470] =	vst v1;
	v1 =	vmul.f32 v12, v10  }
0xbd: {  	v47 =	vld [tilespmem:s11+$0x65C0];
	[tilespmem:s11+$0x6480] =	vst v2;
	v2 =	vmul.f32 v13, v10  }
0xbe: {  	v48 =	vld [tilespmem:s11+$0x65D0];
	[tilespmem:s11+$0x6490] =	vst v1;
	v1 =	vmul.f32 v14, v10  }
0xbf: {  	v49 =	vld [tilespmem:s11+$0x65E0];
	[tilespmem:s11+$0x64A0] =	vst v2;
	v2 =	vmul.f32 v15, v10  }
0xc0: {  	v50 =	vld [tilespmem:s11+$0x65F0];
	[tilespmem:s11+$0x64B0] =	vst v1;
	v1 =	vmul.f32 v16, v10  }
0xc1: {  	v51 =	vld [tilespmem:s11+$0x600];
	[tilespmem:s11+$0x64C0] =	vst v2;
	v2 =	vmul.f32 v17, v10  }
0xc2: {  	v52 =	vld [tilespmem:s11+$0x6600];
	[tilespmem:s11+$0x64D0] =	vst v1;
	v1 =	vmul.f32 v18, v10  }
0xc3: {  	v53 =	vld [tilespmem:s11+$0x6610];
	[tilespmem:s11+$0x64E0] =	vst v2;
	v2 =	vmul.f32 v20, v19  }
0xc4: {  	v54 =	vld [tilespmem:s11+$0x6620];
	[tilespmem:s11+$0x64F0] =	vst v1;
	v1 =	vmul.f32 v21, v19  }
0xc5: {  	v55 =	vld [tilespmem:s11+$0x6630];
	[tilespmem:s11+$0x6500] =	vst v2;
	v2 =	vmul.f32 v22, v19  }
0xc6: {  	v3 =	vld [tilespmem:s11+$0x6580];
	[tilespmem:s11+$0x6510] =	vst v1;
	v1 =	vmul.f32 v23, v19  }
0xc7: {  	v56 =	vld [tilespmem:s11+$0x6640];
	[tilespmem:s11+$0x6520] =	vst v2;
	v2 =	vmul.f32 v39, v19  }
0xc8: {  	v57 =	vld [tilespmem:s11+$0x6650];
	[tilespmem:s11+$0x6530] =	vst v1;
	v1 =	vmul.f32 v40, v19  }
0xc9: {  	v58 =	vld [tilespmem:s11+$0x6660];
	[tilespmem:s11+$0x6540] =	vst v2;
	v2 =	vmul.f32 v41, v19  }
0xca: {  	v59 =	vld [tilespmem:s11+$0x6670];
	[tilespmem:s11+$0x6550] =	vst v1;
	v1 =	vmul.f32 v42, v19  }
0xcb: {  	v60 =	vld [tilespmem:s11+$0x6680];
	[tilespmem:s11+$0x6560] =	vst v2;
	v2 =	vmul.f32 v3, v43  }
0xcc: {  	v61 =	vld [tilespmem:s11+$0x6690];
	[tilespmem:s11+$0x6570] =	vst v1;
	v1 =	vmul.f32 v44, v43  }
0xcd: {  	v62 =	vld [tilespmem:s11+$0x66A0];
	[tilespmem:s11+$0x6580] =	vst v2;
	v2 =	vmul.f32 v45, v43  }
0xce: {  	v24 =	vld [tilespmem:s11+$0x66D0];
	[tilespmem:s11+$0x6590] =	vst v1;
	v1 =	vmul.f32 v46, v43  }
0xcf: {  	v25 =	vld [tilespmem:s11+$0x66E0];
	[tilespmem:s11+$0x65A0] =	vst v2;
	v2 =	vmul.f32 v47, v43  }
0xd0: {  	v26 =	vld [tilespmem:s11+$0x66F0];
	[tilespmem:s11+$0x65B0] =	vst v1;
	v1 =	vmul.f32 v48, v43  }
0xd1: {  	v27 =	vld [tilespmem:s11+$0x700];
	[tilespmem:s11+$0x65C0] =	vst v2;
	v2 =	vmul.f32 v49, v43  }
0xd2: {  	v28 =	vld [tilespmem:s11+$0x6700];
	[tilespmem:s11+$0x65D0] =	vst v1;
	v1 =	vmul.f32 v50, v43  }
0xd3: {  	v29 =	vld [tilespmem:s11+$0x6710];
	[tilespmem:s11+$0x65E0] =	vst v2;
	v2 =	vmul.f32 v52, v51  }
0xd4: {  	v30 =	vld [tilespmem:s11+$0x6720];
	[tilespmem:s11+$0x65F0] =	vst v1;
	v1 =	vmul.f32 v53, v51  }
0xd5: {  	v31 =	vld [tilespmem:s11+$0x6730];
	[tilespmem:s11+$0x6600] =	vst v2;
	v2 =	vmul.f32 v54, v51  }
0xd6: {  	v3 =	vld [tilespmem:s11+$0x680];
	[tilespmem:s11+$0x6610] =	vst v1;
	v1 =	vmul.f32 v55, v51  }
0xd7: {  	v32 =	vld [tilespmem:s11+$0x6740];
	[tilespmem:s11+$0x6620] =	vst v2;
	v2 =	vmul.f32 v56, v51  }
0xd8: {  	v33 =	vld [tilespmem:s11+$0x6750];
	[tilespmem:s11+$0x6630] =	vst v1;
	v1 =	vmul.f32 v57, v51  }
0xd9: {  	v22 =	vld [tilespmem:s11+$0x66B0];
	[tilespmem:s11+$0x6640] =	vst v2;
	v2 =	vmul.f32 v58, v51  }
0xda: {  	v23 =	vld [tilespmem:s11+$0x66C0];
	[tilespmem:s11+$0x6650] =	vst v1;
	v1 =	vmul.f32 v59, v51  }
0xdb: {  	v34 =	vld [tilespmem:s11+$0x6760];
	[tilespmem:s11+$0x6660] =	vst v2;
	v2 =	vmul.f32 v60, v3  }
0xdc: {  	v35 =	vld [tilespmem:s11+$0x6770];
	[tilespmem:s11+$0x6670] =	vst v1;
	v1 =	vmul.f32 v61, v3  }
0xdd: {  	v36 =	vld [tilespmem:s11+$0x780];
	[tilespmem:s11+$0x6680] =	vst v2;
	v2 =	vmul.f32 v62, v3  }
0xde: {  	v37 =	vld [tilespmem:s11+$0x6780];
	[tilespmem:s11+$0x6690] =	vst v1;
	v1 =	vmul.f32 v22, v3  }
0xdf: {  	v38 =	vld [tilespmem:s11+$0x6790];
	[tilespmem:s11+$0x66A0] =	vst v2;
	v2 =	vmul.f32 v23, v3  }
0xe0: {  	v17 =	vld [tilespmem:s11+$0x6910];
	[tilespmem:s11+$0x66B0] =	vst v1;
	v1 =	vmul.f32 v24, v3  }
0xe1: {  	v18 =	vld [tilespmem:s11+$0x6920];
	[tilespmem:s11+$0x66C0] =	vst v2;
	v2 =	vmul.f32 v25, v3  }
0xe2: {  	v20 =	vld [tilespmem:s11+$0x6940];
	[tilespmem:s11+$0x66D0] =	vst v1;
	v1 =	vmul.f32 v26, v3  }
0xe3: {  	v21 =	vld [tilespmem:s11+$0x6950];
	[tilespmem:s11+$0x66E0] =	vst v2;
	v2 =	vmul.f32 v28, v27  }
0xe4: {  	v39 =	vld [tilespmem:s11+$0x67A0];
	[tilespmem:s11+$0x66F0] =	vst v1;
	v1 =	vmul.f32 v29, v27  }
0xe5: {  	v40 =	vld [tilespmem:s11+$0x67B0];
	[tilespmem:s11+$0x6700] =	vst v2;
	v2 =	vmul.f32 v30, v27  }
0xe6: {  	v41 =	vld [tilespmem:s11+$0x67D0];
	[tilespmem:s11+$0x6710] =	vst v1;
	v1 =	vmul.f32 v31, v27  }
0xe7: {  	v42 =	vld [tilespmem:s11+$0x67E0];
	[tilespmem:s11+$0x6720] =	vst v2;
	v2 =	vmul.f32 v32, v27  }
0xe8: {  	v19 =	vld [tilespmem:s11+$0x6930];
	[tilespmem:s11+$0x6730] =	vst v1;
	v1 =	vmul.f32 v33, v27  }
0xe9: {  	v44 =	vld [tilespmem:s11+$0x800];
	[tilespmem:s11+$0x6740] =	vst v2;
	v2 =	vmul.f32 v34, v27  }
0xea: {  	v3 =	vld [tilespmem:s11+$0x67C0];
	[tilespmem:s11+$0x6750] =	vst v1;
	v1 =	vmul.f32 v35, v27  }
0xeb: {  	v45 =	vld [tilespmem:s11+$0x6800];
	[tilespmem:s11+$0x6760] =	vst v2;
	v2 =	vmul.f32 v37, v36  }
0xec: {  	v46 =	vld [tilespmem:s11+$0x6810];
	[tilespmem:s11+$0x6770] =	vst v1;
	v1 =	vmul.f32 v38, v36  }
0xed: {  	v43 =	vld [tilespmem:s11+$0x67F0];
	[tilespmem:s11+$0x6780] =	vst v2;
	v2 =	vmul.f32 v39, v36  }
0xee: {  	v47 =	vld [tilespmem:s11+$0x6820];
	[tilespmem:s11+$0x6790] =	vst v1;
	v1 =	vmul.f32 v40, v36  }
0xef: {  	v48 =	vld [tilespmem:s11+$0x6830];
	[tilespmem:s11+$0x67A0] =	vst v2;
	v2 =	vmul.f32 v3, v36  }
0xf0: {  	v49 =	vld [tilespmem:s11+$0x6840];
	[tilespmem:s11+$0x67B0] =	vst v1;
	v1 =	vmul.f32 v41, v36  }
0xf1: {  	v50 =	vld [tilespmem:s11+$0x6850];
	[tilespmem:s11+$0x67C0] =	vst v2;
	v2 =	vmul.f32 v42, v36  }
0xf2: {  	v52 =	vld [tilespmem:s11+$0x6870];
	[tilespmem:s11+$0x67D0] =	vst v1;
	v1 =	vmul.f32 v43, v36  }
0xf3: {  	v53 =	vld [tilespmem:s11+$0x6880];
	[tilespmem:s11+$0x67E0] =	vst v2;
	v2 =	vmul.f32 v45, v44  }
0xf4: {  	v51 =	vld [tilespmem:s11+$0x6860];
	[tilespmem:s11+$0x67F0] =	vst v1;
	v1 =	vmul.f32 v46, v44  }
0xf5: {  	v54 =	vld [tilespmem:s11+$0x6890];
	[tilespmem:s11+$0x6800] =	vst v2;
	v2 =	vmul.f32 v47, v44  }
0xf6: {  	v3 =	vld [tilespmem:s11+$0x880];
	[tilespmem:s11+$0x6810] =	vst v1;
	v1 =	vmul.f32 v48, v44  }
0xf7: {  	v55 =	vld [tilespmem:s11+$0x68A0];
	[tilespmem:s11+$0x6820] =	vst v2;
	v2 =	vmul.f32 v49, v44  }
0xf8: {  	v56 =	vld [tilespmem:s11+$0x68B0];
	[tilespmem:s11+$0x6830] =	vst v1;
	v1 =	vmul.f32 v50, v44  }
0xf9: {  	v57 =	vld [tilespmem:s11+$0x68C0];
	[tilespmem:s11+$0x6840] =	vst v2;
	v2 =	vmul.f32 v51, v44  }
0xfa: {  	v58 =	vld [tilespmem:s11+$0x68D0];
	[tilespmem:s11+$0x6850] =	vst v1;
	v1 =	vmul.f32 v52, v44  }
0xfb: {  	v59 =	vld [tilespmem:s11+$0x68E0];
	[tilespmem:s11+$0x6860] =	vst v2;
	v2 =	vmul.f32 v53, v3  }
0xfc: {  	v60 =	vld [tilespmem:s11+$0x68F0];
	[tilespmem:s11+$0x6870] =	vst v1;
	v1 =	vmul.f32 v54, v3  }
0xfd: {  	v61 =	vld [tilespmem:s11+$0x900];
	[tilespmem:s11+$0x6880] =	vst v2;
	v2 =	vmul.f32 v55, v3  }
0xfe: {  	v62 =	vld [tilespmem:s11+$0x6900];
	[tilespmem:s11+$0x6890] =	vst v1;
	v1 =	vmul.f32 v56, v3  }
0xff: {  	v22 =	vld [tilespmem:s11+$0x6960];
	[tilespmem:s11+$0x68A0] =	vst v2;
	v2 =	vmul.f32 v57, v3  }
0x100: {  	v23 =	vld [tilespmem:s11+$0x6970];
	[tilespmem:s11+$0x68B0] =	vst v1;
	v1 =	vmul.f32 v58, v3  }
0x101: {  	v24 =	vld [tilespmem:s11+$0x980];
	[tilespmem:s11+$0x68C0] =	vst v2;
	v2 =	vmul.f32 v59, v3  }
0x102: {  	v25 =	vld [tilespmem:s11+$0x6990];
	[tilespmem:s11+$0x68D0] =	vst v1;
	v1 =	vmul.f32 v60, v3  }
0x103: {  	v26 =	vld [tilespmem:s11+$0x69A0];
	[tilespmem:s11+$0x68E0] =	vst v2;
	v2 =	vmul.f32 v62, v61  }
0x104: {  	v28 =	vld [tilespmem:s11+$0x69C0];
	[tilespmem:s11+$0x68F0] =	vst v1;
	v1 =	vmul.f32 v17, v61  }
0x105: {  	v29 =	vld [tilespmem:s11+$0x69D0];
	[tilespmem:s11+$0x6900] =	vst v2;
	v2 =	vmul.f32 v18, v61  }
0x106: {  	v3 =	vld [tilespmem:s11+$0x6980];
	[tilespmem:s11+$0x6910] =	vst v1;
	v1 =	vmul.f32 v19, v61  }
0x107: {  	v30 =	vld [tilespmem:s11+$0x69E0];
	[tilespmem:s11+$0x6920] =	vst v2;
	v2 =	vmul.f32 v20, v61  }
0x108: {  	v31 =	vld [tilespmem:s11+$0x69F0];
	[tilespmem:s11+$0x6930] =	vst v1;
	v1 =	vmul.f32 v21, v61  }
0x109: {  	v27 =	vld [tilespmem:s11+$0x69B0];
	[tilespmem:s11+$0x6940] =	vst v2;
	v2 =	vmul.f32 v22, v61  }
0x10a: {  	v32 =	vld [tilespmem:s11+$0xA00];
	[tilespmem:s11+$0x6950] =	vst v1;
	v1 =	vmul.f32 v23, v61  }
0x10b: {  	v33 =	vld [tilespmem:s11+$0x6A10];
	[tilespmem:s11+$0x6960] =	vst v2;
	v2 =	vmul.f32 v3, v24  }
0x10c: {  	v34 =	vld [tilespmem:s11+$0x6A20];
	[tilespmem:s11+$0x6970] =	vst v1;
	v1 =	vmul.f32 v25, v24  }
0x10d: {  	v35 =	vld [tilespmem:s11+$0x6A30];
	[tilespmem:s11+$0x6980] =	vst v2;
	v2 =	vmul.f32 v26, v24  }
0x10e: {  	v3 =	vld [tilespmem:s11+$0x6A00];
	[tilespmem:s11+$0x6990] =	vst v1;
	v1 =	vmul.f32 v27, v24  }
0x10f: {  	v37 =	vld [tilespmem:s11+$0x6A50];
	[tilespmem:s11+$0x69A0] =	vst v2;
	v2 =	vmul.f32 v28, v24  }
0x110: {  	v38 =	vld [tilespmem:s11+$0x6A60];
	[tilespmem:s11+$0x69B0] =	vst v1;
	v1 =	vmul.f32 v29, v24  }
0x111: {  	v39 =	vld [tilespmem:s11+$0x6A70];
	[tilespmem:s11+$0x69C0] =	vst v2;
	v2 =	vmul.f32 v30, v24  }
0x112: {  	v36 =	vld [tilespmem:s11+$0x6A40];
	[tilespmem:s11+$0x69D0] =	vst v1;
	v1 =	vmul.f32 v31, v24  }
0x113: {  	v40 =	vld [tilespmem:s11+$0x6A80];
	[tilespmem:s11+$0x69E0] =	vst v2;
	v2 =	vmul.f32 v3, v32  }
0x114: {  	v41 =	vld [tilespmem:s11+$0x6A90];
	[tilespmem:s11+$0x69F0] =	vst v1;
	v1 =	vmul.f32 v33, v32  }
0x115: {  	v42 =	vld [tilespmem:s11+$0x6AA0];
	[tilespmem:s11+$0x6A00] =	vst v2;
	v2 =	vmul.f32 v34, v32  }
0x116: {  	v3 =	vld [tilespmem:s11+$0xA80];
	[tilespmem:s11+$0x6A10] =	vst v1;
	v1 =	vmul.f32 v35, v32  }
0x117: {  	v43 =	vld [tilespmem:s11+$0x6AB0];
	[tilespmem:s11+$0x6A20] =	vst v2;
	v2 =	vmul.f32 v36, v32  }
0x118: {  	v45 =	vld [tilespmem:s11+$0x6AD0];
	[tilespmem:s11+$0x6A30] =	vst v1;
	v1 =	vmul.f32 v37, v32  }
0x119: {  	v46 =	vld [tilespmem:s11+$0x6AE0];
	[tilespmem:s11+$0x6A40] =	vst v2;
	v2 =	vmul.f32 v38, v32  }
0x11a: {  	v44 =	vld [tilespmem:s11+$0x6AC0];
	[tilespmem:s11+$0x6A50] =	vst v1;
	v1 =	vmul.f32 v39, v32  }
0x11b: {  	v47 =	vld [tilespmem:s11+$0x6AF0];
	[tilespmem:s11+$0x6A60] =	vst v2;
	v2 =	vmul.f32 v40, v3  }
0x11c: {  	v48 =	vld [tilespmem:s11+$0xB00];
	[tilespmem:s11+$0x6A70] =	vst v1;
	v1 =	vmul.f32 v41, v3  }
0x11d: {  	v49 =	vld [tilespmem:s11+$0x6B00];
	[tilespmem:s11+$0x6A80] =	vst v2;
	v2 =	vmul.f32 v42, v3  }
0x11e: {  	v50 =	vld [tilespmem:s11+$0x6B10];
	[tilespmem:s11+$0x6A90] =	vst v1;
	v1 =	vmul.f32 v43, v3  }
0x11f: {  	v51 =	vld [tilespmem:s11+$0x6B20];
	[tilespmem:s11+$0x6AA0] =	vst v2;
	v2 =	vmul.f32 v44, v3  }
0x120: {  	v52 =	vld [tilespmem:s11+$0x6B30];
	[tilespmem:s11+$0x6AB0] =	vst v1;
	v1 =	vmul.f32 v45, v3  }
0x121: {  	v53 =	vld [tilespmem:s11+$0x6B40];
	[tilespmem:s11+$0x6AC0] =	vst v2;
	v2 =	vmul.f32 v46, v3  }
0x122: {  	v54 =	vld [tilespmem:s11+$0x6B60];
	[tilespmem:s11+$0x6AD0] =	vst v1;
	v1 =	vmul.f32 v47, v3  }
0x123: {  	v3 =	vld [tilespmem:s11+$0x6B50];
	[tilespmem:s11+$0x6AE0] =	vst v2;
	v2 =	vmul.f32 v49, v48  }
0x124: {  	v55 =	vld [tilespmem:s11+$0x6B70];
	[tilespmem:s11+$0x6AF0] =	vst v1;
	v1 =	vmul.f32 v50, v48  }
0x125: {  	v56 =	vld [tilespmem:s11+$0xB80];
	[tilespmem:s11+$0x6B00] =	vst v2;
	v2 =	vmul.f32 v51, v48  }
0x126: {  	v57 =	vld [tilespmem:s11+$0x6B80];
	[tilespmem:s11+$0x6B10] =	vst v1;
	v1 =	vmul.f32 v52, v48  }
0x127: {  	v58 =	vld [tilespmem:s11+$0x6B90];
	[tilespmem:s11+$0x6B20] =	vst v2;
	v2 =	vmul.f32 v53, v48  }
0x128: {  	[tilespmem:s11+$0x6B30] =	vst v1;
	v1 =	vmul.f32 v3, v48;
	v3 =	vld [tilespmem:s11+$0x6BA0]  }
0x129: {  	v59 =	vld [tilespmem:s11+$0x6BB0];
	[tilespmem:s11+$0x6B40] =	vst v2;
	v2 =	vmul.f32 v54, v48  }
0x12a: {  	v60 =	vld [tilespmem:s11+$0x6BC0];
	[tilespmem:s11+$0x6B50] =	vst v1;
	v1 =	vmul.f32 v55, v48  }
0x12b: {  	v61 =	vld [tilespmem:s11+$0x6BD0];
	[tilespmem:s11+$0x6B60] =	vst v2;
	v2 =	vmul.f32 v57, v56  }
0x12c: {  	v62 =	vld [tilespmem:s11+$0x6BE0];
	[tilespmem:s11+$0x6B70] =	vst v1;
	v1 =	vmul.f32 v58, v56  }
0x12d: {  	[tilespmem:s11+$0x6B80] =	vst v2;
	v2 =	vmul.f32 v3, v56;
	v3 =	vld [tilespmem:s11+$0x6BF0]  }
0x12e: {  	[tilespmem:s11+$0x6B90] =	vst v1;
	v1 =	vmul.f32 v59, v56  }
0x12f: {  	p0 =	slt.u32 s10, $0x30;
	[tilespmem:s11+$0x6BA0] =	vst v2;
	v2 =	vmul.f32 v60, v56  }
.Ltmp1:
0x130: {  	[tilespmem:s11+$0x6BB0] =	vst v1;
	v1 =	vmul.f32 v61, v56;
	(pc) =	sbr.rel @p0 .LBB2_5-.Ltmp1, $4  }
0x131: {  	[tilespmem:s11+$0x6BC0] =	vst v2;
	v2 =	vmul.f32 v62, v56  }
0x132: {  	[tilespmem:s11+$0x6BD0] =	vst v1;
	v1 =	vmul.f32 v3, v56  }
0x133: {  	[tilespmem:s11+$0x6BE0] =	vst v2  }
0x134: {  	s10 =	sadd.s32 $0x10, s10;
	[tilespmem:s11+$0x6BF0] =	vst v1  }
0x135: {  	p0 =	sne.s32 s0, $0xA0  }
.Ltmp2:
0x136: {  	_ = 	snop;
	(pc) =	sbr.rel @p0 .LBB2_4-.Ltmp2, $4  }
0x137: {  	s10 =	sshll.u32 s30, $0x7  }
0x138: {  	s10 =	sand.u32 $0x180, s10  }
0x139: {  	s9 =	sadd.s32 $0x6400, s9;
	s30 =	smov.u32 s0;
	s10 =	sor.u32 $0x200, s10  }
0x13a: {  	[spmem:s2] =	stream.indirect.scatter.add.f32 [tilespmem:s9], [sflag:$0x3], $0x80, s10, s31, $0xb8;
	v63 =	vld [tilespmem:$0x0]  }
0x13b: {  	_ =	swait.ge [sflag:s29], $0x2000  }
0x13c: {  	[sflag:s29] =	ssyncset.done $0x0  }
0x13d: {  	[sflag:s29] =	ssyncadd.s32 $0xFFFFE000  }
0x13e: {  	_ =	swait.ge [sflag:s29], $0x2000  }
0x13f: {  	[sflag:s29] =	ssyncset.done $0x0  }
0x140: {  	[sflag:s29] =	ssyncadd.s32 $0xFFFFE000  }
0x141: {  	_ =	swait.ge [sflag:s29], $0x2000  }
0x142: {  	[sflag:s29] =	ssyncset.done $0x0  }
0x143: {  	s0 =	stileid.u32;
	[sflag:s29] =	ssyncadd.s32 $0xFFFFE000  }
0x144: {  	s0 =	sshll.u32 s0, $0x6;
	[bflag:$0x0] =	sbarrier.arrive $0xFFFF  }
0x145: {  	s9 =	sshrl.u32 s5, $0x3;
	s0 =	sor.u32 $0x1C04, s0;
	s10 =	rddreg [dreg:$0x3]  }
0x146: {  	[hbm:s10], [sflag:s0] =	dma.local [spmem:s9], $0x2780  }
0x147: {  	_ =	swait.ge [sflag:s28], $0x2780  }
0x148: {  	s3 =	sadd.s32 $0x1, s3;
	s30 =	rddreg [dreg:$0x4]  }
0x149: {  	p0 =	sne.s32 s3, s30  }
.Ltmp3:
0x14a: {  	_ = 	snop;
	(pc) =	sbr.rel @p0 .LBB2_1-.Ltmp3, $3  }
0x14b: {  	_ =	sdelay $0x1  }
0x14c: {  	[sflag:s28] =	ssyncset.done $0x0  }
0x14d: {  	[sflag:s28] =	ssyncadd.s32 $0xFFFFD880  }
0x14e: {  	_ =	sfence.sel $0x180000  }
0x14f: {  	[bflag:$0x0] =	sbarrier.arrive $0xFFFF  }
0x150: {  	_ =	strace $0x9000004D  }
0x151: {  	s0 =	stileid.u32;
	[bflag:$0x2] =	sbarrier.arrive $0xFFFF  }
0x152: {  	p0 =	sne.s32 s0, $0x0;
	s0 =	rddreg [dreg:$0x2]  }
0x153: {  	s0 =	sadd.s32 @!p0 $0x100000, s0  }
0x154: {  	[sflag:s0] =	ssyncadd.tile.s32 @!p0 $0x1;
	_ =	shalt  }
.Lfunc_end2:
_tile_overlayer_lowered:
.L_overlay_start_2:
0x155: {  	(tag) =	ssettag $0x2  }
0x156: {  	s0 =	rddreg [dreg:$0x0];
	s2 =	stileid.u32  }
0x157: {  	s1 =	rddreg [dreg:$0x1];
	p0 =	sne.s32 s2, $0x0  }
0x158: {  	s3 =	rddreg [dreg:$0x2];
	[bflag:$0x3] =	sbarrier.arrive $0xFFFF;
	s2 =	simm.s32 @!p0 $0x1C04  }
0x159: {  	[timem:s3], [sflag:s2] =	dma.local @!p0 [hbm:s0], s1  }
0x15a: {  	s0 =	simm.s32 @!p0 $0x4  }
0x15b: {  	_ =	swait.ge @!p0 [sflag:s0], s1  }
0x15c: {  	s1 =	ssub.s32 @!p0 $0x0, s1;
	[sflag:s0] =	ssyncset.done @!p0 $0x0  }
0x15d: {  	[sflag:s0] =	ssyncadd.s32 @!p0 s1  }
0x15e: {  	[bflag:$0x3] =	sbarrier.arrive $0xFFFF  }
0x15f: {  	_ =	shalt  }

// kernel: kernel.8.cloned.1.call-start
scs
__scs_entry_jumppad:
0x0: {  	(pc) =	sbr.rel $0x88, $3  }
0x1: {  	(tag) =	ssettag $0x0;
	lr =	simm.s32 $0x1  }
0x2: {  	[smem:$0x3F97] =	sst lr;
	_ =	strace $0xD0000000  }
0x3: {  	_ = 	snop  }
0x4: {  	_ = 	snop  }
0x5: {  	_ = 	snop  }
0x6: {  	_ = 	snop  }
0x7: {  	_ = 	snop  }
__scs_overlays_trampoline_lowered:
0x8: {  	[smem:$0x3FA6] =	sst s0  }
0x9: {  	[smem:$0x3FA7] =	sst s1  }
0xa: {  	[smem:$0x3FA8] =	sst s2  }
0xb: {  	[smem:$0x3FA9] =	sst s3  }
0xc: {  	[smem:$0x3FAA] =	sst s4  }
0xd: {  	[smem:$0x3FAB] =	sst s5  }
0xe: {  	[smem:$0x3FAC] =	sst s6  }
0xf: {  	[smem:$0x3FAD] =	sst s7  }
0x10: {  	[smem:$0x3FAE] =	sst s8  }
0x11: {  	[smem:$0x3FAF] =	sst s9;
	s0 =	simm.s32 @!p0 $0x0  }
0x12: {  	s1 =	sld [smem:$0x3F95];
	s0 =	simm.s32 @p0 $0x1  }
0x13: {  	[smem:$0x3FB0] =	sst s0;
	s0 =	simm.s32 @!p1 $0x0  }
0x14: {  	s2 =	sld [smem:$0x3F94];
	s0 =	simm.s32 @p1 $0x1  }
0x15: {  	[smem:$0x3FB1] =	sst s0;
	s0 =	simm.s32 @!p2 $0x0  }
0x16: {  	s3 =	sld [smem:$0x3FDB];
	s0 =	simm.s32 @p2 $0x1  }
0x17: {  	s4 =	simm.s32 $0x1BF5;
	[smem:$0x3FB3] =	sst s0  }
0x18: {  	s0 =	sld [smem:$0x3F96];
	_ =	swait.ge [sflag:s4], $0x0  }
0x19: {  	s7 =	sld [smem:$0x3F97]  }
0x1a: {  	s8 =	sadd.s32 $0xFFFFE003, lr  }
0x1b: {  	s9 =	sadd.s32 $0xFFFFFEF7, lr;
	s5 =	simm.s32 $0xFFFFFFFF;
	p2 =	slt.u32 s8, $0xFFFFF086  }
0x1c: {  	p1 =	slt.u32 s9, $0xF7A;
	s5 =	simm.s32 @!p2 $0x0  }
0x1d: {  	s5 =	simm.s32 @p1 $0x1;
	p0 =	seq.s32 s7, s2  }
0x1e: {  	s7 =	smul.u32 @!p0 $0xF7A, s2;
	p2 =	seq.s32 @!p0 s5, $0x0  }
0x1f: {  	s9 =	smul.u32 $0xF7A, s1;
	s8 =	simm.s32 @!p0 $0x1BF5;
	p2 =	por !p2, p0  }
0x20: {  	[sflag:s8] =	ssyncset.s32 @!p0 $0xFFFFF086;
	s6 =	sadd.s32 @!p0 s3, s7;
	s7 =	simm.s32 @!p0 $0x108  }
0x21: {  	s3 =	sadd.s32 s3, s9;
	s6 =	sadd.s32 @!p0 $0x88, s6;
	s7 =	simm.s32 @p2 $0x1082  }
0x22: {  	[simem:s7], [sflag:s8] =	dma.local @!p0 [hbm:s6], $0xF7A  }
0x23: {  	s9 =	sor.u32 $0xD0000000, s2;
	s6 =	simm.s32 $0x108;
	_ =	swait.ge @!p0 [sflag:s8], $0x0  }
0x24: {  	s3 =	sadd.s32 $0x88, s3;
	s6 =	simm.s32 @!p1 $0x1082;
	[sflag:s4] =	ssyncset.s32 $0xFFFFF086  }
0x25: {  	[simem:s6], [sflag:s4] =	dma.local [hbm:s3], $0xF7A  }
0x26: {  	[smem:$0x3F97] =	sst s1;
	(tag) =	ssettag s2;
	_ =	strace s9  }
0x27: {  	s1 =	sld [smem:$0x3FA7]  }
0x28: {  	s2 =	sld [smem:$0x3FA8]  }
0x29: {  	s4 =	sld [smem:$0x3FAA]  }
0x2a: {  	p0 =	seq.s32 s5, $0x0;
	s5 =	sld [smem:$0x3FAB]  }
0x2b: {  	s6 =	sld [smem:$0x3FAC]  }
0x2c: {  	s7 =	sld [smem:$0x3FAD]  }
0x2d: {  	s3 =	simm.s32 $0x108;
	s8 =	sld [smem:$0x3FAE]  }
0x2e: {  	s3 =	simm.s32 @!p0 $0x1082;
	s9 =	sld [smem:$0x3FAF]  }
0x2f: {  	lr =	sadd.s32 s0, s3;
	s0 =	sld [smem:$0x3FA6]  }
0x30: {  	s3 =	sld [smem:$0x3FA9]  }
0x31: {  	[smem:$0x3FB2] =	sst s10  }
0x32: {  	s10 =	sld [smem:$0x3FB0];
	_ =	sdelay $0x3  }
0x33: {  	p0 =	seq.s32 s10, $0x1;
	s10 =	sld [smem:$0x3FB2];
	_ =	sdelay $0x3  }
0x34: {  	[smem:$0x3FB2] =	sst s10  }
0x35: {  	s10 =	sld [smem:$0x3FB1];
	_ =	sdelay $0x3  }
0x36: {  	p1 =	seq.s32 s10, $0x1;
	s10 =	sld [smem:$0x3FB2];
	_ =	sdelay $0x3  }
0x37: {  	[smem:$0x3FB2] =	sst s10  }
0x38: {  	s10 =	sld [smem:$0x3FB3]  }
0x39: {  	_ = 	snop;
	(pc) =	sbr.ind lr, $3  }
0x3a: {  	_ = 	snop  }
0x3b: {  	_ = 	snop  }
0x3c: {  	p2 =	seq.s32 s10, $0x1;
	s10 =	sld [smem:$0x3FB2]  }
0x3d: {  	_ =	shalt  }
0x3e: {  	_ =	shalt  }
0x3f: {  	_ =	shalt  }
0x40: {  	_ =	shalt  }
0x41: {  	_ =	shalt  }
0x42: {  	_ =	shalt  }
0x43: {  	_ =	shalt  }
0x44: {  	_ =	shalt  }
0x45: {  	_ =	shalt  }
0x46: {  	_ =	shalt  }
0x47: {  	_ =	shalt  }
0x48: {  	_ =	shalt  }
0x49: {  	_ =	shalt  }
0x4a: {  	_ =	shalt  }
0x4b: {  	_ =	shalt  }
0x4c: {  	_ =	shalt  }
0x4d: {  	_ =	shalt  }
0x4e: {  	_ =	shalt  }
0x4f: {  	_ =	shalt  }
0x50: {  	_ =	shalt  }
0x51: {  	_ =	shalt  }
0x52: {  	_ =	shalt  }
0x53: {  	_ =	shalt  }
0x54: {  	_ =	shalt  }
0x55: {  	_ =	shalt  }
0x56: {  	_ =	shalt  }
0x57: {  	_ =	shalt  }
0x58: {  	_ =	shalt  }
0x59: {  	_ =	shalt  }
0x5a: {  	_ =	shalt  }
0x5b: {  	_ =	shalt  }
0x5c: {  	_ =	shalt  }
0x5d: {  	_ =	shalt  }
0x5e: {  	_ =	shalt  }
0x5f: {  	_ =	shalt  }
0x60: {  	_ =	shalt  }
0x61: {  	_ =	shalt  }
0x62: {  	_ =	shalt  }
0x63: {  	_ =	shalt  }
0x64: {  	_ =	shalt  }
0x65: {  	_ =	shalt  }
0x66: {  	_ =	shalt  }
0x67: {  	_ =	shalt  }
0x68: {  	_ =	shalt  }
0x69: {  	_ =	shalt  }
0x6a: {  	_ =	shalt  }
0x6b: {  	_ =	shalt  }
0x6c: {  	_ =	shalt  }
0x6d: {  	_ =	shalt  }
0x6e: {  	_ =	shalt  }
0x6f: {  	_ =	shalt  }
0x70: {  	_ =	shalt  }
0x71: {  	_ =	shalt  }
0x72: {  	_ =	shalt  }
0x73: {  	_ =	shalt  }
0x74: {  	_ =	shalt  }
0x75: {  	_ =	shalt  }
0x76: {  	_ =	shalt  }
0x77: {  	_ =	shalt  }
0x78: {  	_ =	shalt  }
0x79: {  	_ =	shalt  }
0x7a: {  	_ =	shalt  }
0x7b: {  	_ =	shalt  }
0x7c: {  	_ =	shalt  }
0x7d: {  	_ =	shalt  }
0x7e: {  	_ =	shalt  }
0x7f: {  	_ =	shalt  }
0x80: {  	_ =	shalt  }
0x81: {  	_ =	shalt  }
0x82: {  	_ =	shalt  }
0x83: {  	_ =	shalt  }
0x84: {  	_ =	shalt  }
0x85: {  	_ =	shalt  }
0x86: {  	_ =	shalt  }
0x87: {  	_ =	shalt  }
.Lfunc_end0:
.L_simem_size_0:
called_computation_lowered:
.L_overlay_start_0:
0x88: {  	s2 =	sld [smem:$0x3FD9]  }
0x89: {  	s3 =	sld [smem:$0x3FFE];
	_ =	sdelay $0x1  }
0x8a: {  	s1 =	srdreg.scid  }
0x8b: {  	s0 =	sand.u32 $0x1, s1  }
0x8c: {  	s15 =	sshll.u32 s0, $0xA;
	s2 =	sadd.s32 s3, s2  }
0x8d: {  	s2 =	sadd.s32 s2, s15  }
0x8e: {  	[smem:$0x3FBE] =	sst s2  }
0x8f: {  	_ = 	snop  }
0x90: {  	s2 =	sld [smem:$0x3FD0];
	_ =	sdelay $0x2  }
0x91: {  	s16 =	simm.s32 $0xA;
	s4 =	simm.s32 $0x10  }
0x92: {  	[smem:s4], [sflag:s16] =	dma.local [hbm:s2], $0x1  }
0x93: {  	_ =	swait.eq [sflag:s16], $0x1  }
0x94: {  	s17 =	sld [smem:$0x10];
	[sflag:s16] =	ssyncset.done $0x0  }
0x95: {  	s18 =	sld [smem:$0x11];
	[sflag:s16] =	ssyncadd.s32 $0xFFFFFFFF  }
0x96: {  	s19 =	sld [smem:$0x12];
	(tm) =	ssettm $0x1  }
0x97: {  	s5 =	sld [smem:$0x3FFB];
	_ =	sdelay $0x3  }
0x98: {  	_ =	strace s5  }
0x99: {  	s5 =	sld [smem:$0x3FFC];
	_ =	sdelay $0x3  }
0x9a: {  	_ =	strace s5  }
0x9b: {  	s5 =	sld [smem:$0x3FFD];
	_ =	sdelay $0x3  }
0x9c: {  	_ =	strace s5  }
0x9d: {  	_ =	strace $0x8FFFFFFF  }
0x9e: {  	s20 =	sld [smem:$0x3FDB];
	_ =	sdelay $0x1  }
0x9f: {  	s6 =	simm.s32 $_scs_section_size  }
0xa0: {  	s7 =	simm.s32 $_size__tile_overlayer_lowered;
	s8 =	simm.s32 $_tile_overlayer_lowered  }
0xa1: {  	s23 =	simm.s32 $0x1BFF;
	s22 =	sshll.u32 s8, $0x1;
	s5 =	sadd.s32 s6, s20  }
0xa2: {  	s9 =	simm.s32 $0x0;
	s21 =	sshll.u32 s7, $0x1;
	s7 =	sadd.s32 s22, s5  }
0xa3: {  	[timem:s9], [sflag:s23] =	dma.local [hbm:s7], s21  }
0xa4: {  	_ =	swait.ge [sflag:s23], s21  }
0xa5: {  	s6 =	ssub.s32 $0x0, s21;
	[sflag:s23] =	ssyncset.done $0x0  }
0xa6: {  	[sflag:s23] =	ssyncadd.s32 s6;
	_ =	sdelay $0x1  }
0xa7: {  	s24 =	simm.s32 $0x1B8B  }
0xa8: {  	_ =	swait.ge [sflag:s24], $0x1  }
0xa9: {  	[sflag:s24] =	ssyncset.done $0x0  }
0xaa: {  	s25 =	simm.s32 $0x1B8E;
	[sflag:s24] =	ssyncadd.s32 $0xFFFFFFFF  }
0xab: {  	s26 =	simm.s32 $execute0_lowered;
	[smem:$0x3FD2] =	sst s25  }
0xac: {  	s6 =	sshll.u32 s26, $0x1;
	_ =	strace $0x80000046;
	[dreg:$0x1] =	wrdreg $0xFFFFFFFF  }
0xad: {  	s28 =	simm.s32 $_size_execute0_lowered;
	s5 =	sadd.s32 s5, s6;
	[dreg:$0x0] =	wrdreg $0x0  }
0xae: {  	s6 =	sshll.u32 s28, $0x1;
	[dreg:$0x2] =	wrdreg s5  }
0xaf: {  	[dreg:$0x3] =	wrdreg s6  }
0xb0: {  	[dreg:$0x4] =	wrdreg $0xC0  }
0xb1: {  	_ =	task [dreg:s9], $0x5FFFF  }
0xb2: {  	[dreg:$0x1] =	wrdreg $0xFFFFFFFF  }
0xb3: {  	[dreg:$0x0] =	wrdreg $0x60  }
0xb4: {  	[dreg:$0x2] =	wrdreg s19  }
0xb5: {  	[dreg:$0x3] =	wrdreg s18  }
0xb6: {  	[dreg:$0x4] =	wrdreg s17  }
0xb7: {  	[dreg:$0x5] =	wrdreg $0x4800  }
0xb8: {  	[dreg:$0x6] =	wrdreg $0x9  }
0xb9: {  	_ =	task.clear_ibuf [dreg:s9], $0x7FFFF;
	_ =	strace $0x90000046  }
0xba: {  	s29 =	simm.s32 $0x9;
	_ =	strace $0x80000048  }
0xbb: {  	_ =	swait.ge [sflag:s29], $0x1  }
0xbc: {  	[sflag:s29] =	ssyncadd.s32 $0xFFFFFFFF  }
0xbd: {  	_ =	strace $0x90000048  }
0xbe: {  	_ =	sfence  }
0xbf: {  	s30 =	sld [smem:$0x0];
	_ =	sdelay $0x2  }
0xc0: {  	s31 =	sshll.u32 s1, $0xD;
	s1 =	sshrl.u32 s1, $0x2  }
0xc1: {  	s3 =	sand.u32 $0x4000, s31;
	s1 =	sadd.s32 s1, s30  }
0xc2: {  	s0 =	sor.u32 s3, s0;
	s1 =	sshll.u32 s1, $0x11  }
0xc3: {  	s0 =	sor.u32 s1, s0  }
0xc4: {  	s0 =	sadd.s32 $0x8F2B, s0  }
0xc5: {  	[sflag:s0] =	ssyncadd.remote.s32 $0x1  }
0xc6: {  	_ =	sfence.sel $0xFFFF  }
0xc7: {  	[dreg:$0x0] =	wrdreg $0xFFFFFFFF;
	(pc) =	sbr.abs _section_cstart, $3  }
0xc8: {  	[dreg:$0x1] =	wrdreg $0xFFFFFFFF  }
0xc9: {  	_ =	task.clear_ibuf [dreg:s9], $0x2FFFF;
	_ =	strace $0x9FFFFFFF  }
0xca: {  	(tm) =	ssettm $0x7FFFFFFF  }
0xcb: {  	_ =	shalt  }
tec
execute0_lowered:
.L_overlay_start_1:
0x0: {  	(tag) =	ssettag $0x1  }
0x1: {  	s10 =	rddreg [dreg:$0x0]  }
0x2: {  	s9 =	rddreg [dreg:$0x1]  }
0x3: {  	s1 =	srdreg.scid;
	s7 =	rddreg [dreg:$0x2]  }
0x4: {  	s0 =	stileid.u32;
	s2 =	rddreg [dreg:$0x3]  }
0x5: {  	s14 =	simm.s32 $0x1;
	s15 =	simm.s32 $0x80;
	s16 =	simm.s32 $0x180  }
0x6: {  	s18 =	simm.s32 $0x0;
	s4 =	sand.u32 $0x1, s1;
	s5 =	smul.u32 $0x280, s0  }
0x7: {  	s29 =	sshll.u32 s0, $0x1;
	s1 =	rddreg [dreg:$0x4];
	s12 =	smul.u32 $0x5000, s0  }
0x8: {  	s17 =	sshll.u32 s0, $0x6;
	s3 =	sor.u32 s4, s29;
	s11 =	smul.u32 $0x2800, s4  }
0x9: {  	s8 =	ssub.s32 $0x2, s4;
	s17 =	sor.u32 $0x1C02, s17;
	s6 =	smul.u32 $0x2800, s3  }
0xa: {  	s3 =	simm.s32 $0x0;
	s30 =	sshrl.u32 s8, $0x1;
	s4 =	sadd.s32 s5, s2  }
0xb: {  	[smem:$0x7FF] =	sst s3;
	s8 =	ssub.s32 s8, s30;
	s13 =	sadd.s32 s5, s11  }
0xc: {  	s11 =	sadd.s32 s11, s12;
	s12 =	simm.s32 $0x2;
	_ =	strace $0x80000047  }
0xd: {  	s6 =	sshrl.u32 s6, $0x3;
	s31 =	sshrl.u32 s13, $0x3;
	s11 =	sor.u32 $0x80, s11  }
0xe: {  	s8 =	smax.u32 s8, $0x1;
	s13 =	simm.s32 $0x100;
	s5 =	sadd.s32 s10, s6  }
0xf: {  	s6 =	sadd.s32 s9, s6;
	s7 =	sadd.s32 s7, s31;
	s11 =	sshrl.u32 s11, $0x3  }
0x10: {  	v0 =	vimm.f32 $0.0e+00;
	s9 =	sadd.s32 s11, s9;
	s10 =	sadd.s32 s11, s10;
	s11 =	simm.s32 $0x200  }
.LBB2_1:
0x11: {  	[tilespmem:$0x200] =	vst v0  }
0x12: {  	[tilespmem:$0x210] =	vst v0  }
0x13: {  	[tilespmem:$0x220] =	vst v0  }
0x14: {  	[tilespmem:$0x230] =	vst v0  }
0x15: {  	[tilespmem:$0x240] =	vst v0  }
0x16: {  	[tilespmem:$0x250] =	vst v0  }
0x17: {  	[tilespmem:$0x260] =	vst v0  }
0x18: {  	[tilespmem:$0x270] =	vst v0  }
0x19: {  	[tilespmem:$0x280] =	vst v0  }
0x1a: {  	[tilespmem:$0x290] =	vst v0  }
0x1b: {  	[tilespmem:$0x2A0] =	vst v0  }
0x1c: {  	[tilespmem:$0x2B0] =	vst v0  }
0x1d: {  	[tilespmem:$0x2C0] =	vst v0  }
0x1e: {  	[tilespmem:$0x2D0] =	vst v0  }
0x1f: {  	[tilespmem:$0x2E0] =	vst v0  }
0x20: {  	[tilespmem:$0x2F0] =	vst v0  }
0x21: {  	[tilespmem:$0x300] =	vst v0  }
0x22: {  	[tilespmem:$0x310] =	vst v0  }
0x23: {  	[tilespmem:$0x320] =	vst v0  }
0x24: {  	[tilespmem:$0x330] =	vst v0  }
0x25: {  	[tilespmem:$0x340] =	vst v0  }
0x26: {  	[tilespmem:$0x350] =	vst v0  }
0x27: {  	[tilespmem:$0x360] =	vst v0  }
0x28: {  	[tilespmem:$0x370] =	vst v0  }
0x29: {  	[tilespmem:$0x380] =	vst v0  }
0x2a: {  	[tilespmem:$0x390] =	vst v0  }
0x2b: {  	[tilespmem:$0x3A0] =	vst v0  }
0x2c: {  	[tilespmem:$0x3B0] =	vst v0  }
0x2d: {  	[tilespmem:$0x3C0] =	vst v0  }
0x2e: {  	[tilespmem:$0x3D0] =	vst v0  }
0x2f: {  	[tilespmem:$0x3E0] =	vst v0  }
0x30: {  	[tilespmem:$0x3F0] =	vst v0  }
0x31: {  	[tilespmem:$0x400] =	vst v0  }
0x32: {  	[tilespmem:$0x410] =	vst v0  }
0x33: {  	[tilespmem:$0x420] =	vst v0  }
0x34: {  	[tilespmem:$0x430] =	vst v0  }
0x35: {  	[tilespmem:$0x440] =	vst v0  }
0x36: {  	[tilespmem:$0x450] =	vst v0  }
0x37: {  	[tilespmem:$0x460] =	vst v0  }
0x38: {  	[tilespmem:$0x470] =	vst v0  }
0x39: {  	[spmem:s4] =	stream.linear.scatter [tilespmem:s11], [sflag:$0x2], $0x280, $0x38;
	[tilespmem:$0x700] =	vst v63  }
0x3a: {  	_ =	swait.ge [sflag:s12], $0x280  }
0x3b: {  	[sflag:s12] =	ssyncset.done $0x0  }
0x3c: {  	[sflag:s12] =	ssyncadd.s32 $0xFFFFFD80  }
0x3d: {  	[tilespmem:s3], [sflag:$0x1] =	stream.linear.gather [hbm4b:s5+s3], $0x80, $0x38;
	[tilespmem:$0x700] =	vst v63  }
0x3e: {  	_ = 	snop  }
0x3f: {  	[tilespmem:s13], [sflag:$0x1] =	stream.linear.gather [hbm4b:s6+s3], $0x80, $0x38;
	[tilespmem:$0x700] =	vst v63  }
0x40: {  	[bflag:$0x0] =	sbarrier.arrive $0xFFFF  }
0x41: {  	_ =	swait.ge [sflag:s14], $0x80  }
0x42: {  	[sflag:s14] =	ssyncset.done $0x0  }
0x43: {  	[sflag:s14] =	ssyncadd.s32 $0xFFFFFF80  }
0x44: {  	_ =	swait.ge [sflag:s14], $0x80  }
0x45: {  	[sflag:s14] =	ssyncset.done $0x0  }
0x46: {  	s19 =	sand.u32 $0x80, s15;
	s20 =	simm.s32 $0x0;
	[sflag:s14] =	ssyncadd.s32 $0xFFFFFF80  }
0x47: {  	[tilespmem:s19], [sflag:$0x1] =	stream.linear.gather [hbm4b:s10+s3], $0x80, $0x38;
	[tilespmem:$0x700] =	vst v63  }
0x48: {  	s31 =	sand.u32 $0x80, s20;
	s19 =	sor.u32 $0x100, s19  }
0x49: {  	[tilespmem:s19], [sflag:$0x1] =	stream.linear.gather [hbm4b:s9+s3], $0x80, $0x38;
	[tilespmem:$0x700] =	vst v63  }
0x4a: {  	s21 =	smov.u32 s10;
	s20 =	sor.u32 $0x100, s31  }
0x4b: {  	[spmem:s2] =	stream.indirect.scatter.add.f32 [tilespmem:s20], [sflag:$0x2], $0x1, s31, s15, $0xb8;
	[tilespmem:$0x700] =	vst v63  }
0x4c: {  	s19 =	simm.s32 $0x100;
	s20 =	smov.u32 s9;
	_ =	swait.ge [sflag:s12], $0x80  }
.LBB2_2:
0x4d: {  	[sflag:s12] =	ssyncset.done $0x0  }
0x4e: {  	s20 =	sadd.s32 $0x10, s20;
	s21 =	sadd.s32 $0x10, s21;
	s22 =	smov.u32 s19  }
0x4f: {  	p0 =	sne.s32 s19, $0x2780;
	s19 =	sadd.s32 $0x80, s19;
	[sflag:s12] =	ssyncadd.s32 $0xFFFFFF80  }
0x50: {  	_ =	swait.ge [sflag:s14], $0x80  }
0x51: {  	[sflag:s14] =	ssyncset.done $0x0  }
0x52: {  	[sflag:s14] =	ssyncadd.s32 $0xFFFFFF80  }
0x53: {  	_ =	swait.ge [sflag:s14], $0x80  }
0x54: {  	[sflag:s14] =	ssyncset.done $0x0  }
0x55: {  	s23 =	sand.u32 $0x80, s22;
	[sflag:s14] =	ssyncadd.s32 $0xFFFFFF80  }
0x56: {  	[tilespmem:s23], [sflag:$0x1] =	stream.linear.gather [hbm4b:s21+s3], $0x80, $0x38;
	[tilespmem:$0x700] =	vst v63  }
0x57: {  	s22 =	sadd.s32 $0xFFFFFF80, s22;
	s23 =	sor.u32 $0x100, s23  }
0x58: {  	[tilespmem:s23], [sflag:$0x1] =	stream.linear.gather [hbm4b:s20+s3], $0x80, $0x38;
	[tilespmem:$0x700] =	vst v63  }
.Ltmp0:
0x59: {  	_ = 	snop;
	(pc) =	sbr.rel @p0 .LBB2_2-.Ltmp0, $4  }
0x5a: {  	s22 =	sand.u32 $0x80, s22  }
0x5b: {  	s23 =	sor.u32 $0x100, s22  }
0x5c: {  	[spmem:s2] =	stream.indirect.scatter.add.f32 [tilespmem:s23], [sflag:$0x2], $0x1, s22, s15, $0xb8;
	[tilespmem:$0x700] =	vst v63  }
0x5d: {  	_ =	swait.ge [sflag:s12], $0x80  }
0x5e: {  	[sflag:s12] =	ssyncset.done $0x0  }
0x5f: {  	[sflag:s12] =	ssyncadd.s32 $0xFFFFFF80  }
0x60: {  	_ =	swait.ge [sflag:s14], $0x80  }
0x61: {  	[sflag:s14] =	ssyncset.done $0x0  }
0x62: {  	[sflag:s14] =	ssyncadd.s32 $0xFFFFFF80  }
0x63: {  	_ =	swait.ge [sflag:s14], $0x80  }
0x64: {  	[sflag:s14] =	ssyncset.done $0x0  }
0x65: {  	[sflag:s14] =	ssyncadd.s32 $0xFFFFFF80  }
0x66: {  	[spmem:s2] =	stream.indirect.scatter.add.f32 [tilespmem:s16], [sflag:$0x2], $0x1, s15, s15, $0xb8;
	[tilespmem:$0x700] =	vst v63  }
0x67: {  	_ =	swait.ge [sflag:s12], $0x80  }
0x68: {  	s18 =	sadd.s32 $0x1, s18;
	[sflag:s12] =	ssyncset.done $0x0  }
0x69: {  	p0 =	sne.s32 s18, s8;
	[sflag:s12] =	ssyncadd.s32 $0xFFFFFF80  }
.Ltmp1:
0x6a: {  	s19 =	sshrl.u32 s4, $0x3;
	[bflag:$0x0] =	sbarrier.arrive $0xFFFF;
	(pc) =	sbr.rel @p0 .LBB2_1-.Ltmp1, $4  }
0x6b: {  	[hbm:s7], [sflag:s17] =	dma.local [spmem:s19], $0x50  }
0x6c: {  	_ =	swait.ge [sflag:s12], $0x50  }
0x6d: {  	[sflag:s12] =	ssyncset.done $0x0  }
0x6e: {  	[sflag:s12] =	ssyncadd.s32 $0xFFFFFFB0  }
0x6f: {  	_ =	sfence.sel $0x180000  }
0x70: {  	[bflag:$0x0] =	sbarrier.arrive $0xFFFF  }
0x71: {  	p0 =	sne.s32 s0, $0x0;
	_ =	strace $0x90000047  }
0x72: {  	s0 =	sadd.s32 @!p0 $0x100000, s1;
	[bflag:$0x2] =	sbarrier.arrive $0xFFFF  }
0x73: {  	[sflag:s0] =	ssyncadd.tile.s32 @!p0 $0x1;
	_ =	shalt  }
.Lfunc_end2:
_tile_overlayer_lowered:
.L_overlay_start_2:
0x74: {  	(tag) =	ssettag $0x2  }
0x75: {  	s0 =	rddreg [dreg:$0x0];
	s2 =	stileid.u32  }
0x76: {  	s1 =	rddreg [dreg:$0x1];
	p0 =	sne.s32 s2, $0x0  }
0x77: {  	s3 =	rddreg [dreg:$0x2];
	[bflag:$0x3] =	sbarrier.arrive $0xFFFF;
	s2 =	simm.s32 @!p0 $0x1C02  }
0x78: {  	[timem:s3], [sflag:s2] =	dma.local @!p0 [hbm:s0], s1  }
0x79: {  	s0 =	simm.s32 @!p0 $0x2  }
0x7a: {  	_ =	swait.ge @!p0 [sflag:s0], s1  }
0x7b: {  	s1 =	ssub.s32 @!p0 $0x0, s1;
	[sflag:s0] =	ssyncset.done @!p0 $0x0  }
0x7c: {  	[sflag:s0] =	ssyncadd.s32 @!p0 s1  }
0x7d: {  	[bflag:$0x3] =	sbarrier.arrive $0xFFFF  }
0x7e: {  	_ =	shalt  }

</sc_bundles>
